<compile_context>
chip_gen: v7x
topology: tpu7x:2x2x1
jax: 0.10.2.dev20260603
libtpu: 0.0.44.dev20260713+nightly
codegen_flags: <defaults>
</compile_context>

<pallas_src>
import functools

import jax
import jax.numpy as jnp
from jax import lax
from jax.experimental import pallas as pl
from jax.experimental.pallas import tpu as pltpu
from jax.experimental.pallas import tpu_sc as plsc

_L = 512
_N = 64
_BETA = 1.0
_ACTION_SHIFT = 2.0 * _BETA * _L * _L

_N_SC = 12
_N_TC = _N - _N_SC
_ROWS_PER_BLOCK = 4

_NC, _NS = 2, 16
_NW = _NC * _NS
_STRIPE = _L // _NW
_NGRP = _L // 16

_INV_2PI = 0.15915494309189535
_TWO_PI = 6.283185307179586
_MAGIC_F32 = 12582912.0
_MAGIC_BF16 = 384.0
_C0 = 0.99997109435
_C1 = -0.49983759983
_C2 = 0.041522306845
_C3 = -0.0013441073178
_C4 = 1.9065243264e-05


def _cos_fast(d, magic):
    t = d * _INV_2PI
    k = (t + magic) - magic
    r = d - k * _TWO_PI
    u = r * r
    p = _C4
    p = p * u + _C3
    p = p * u + _C2
    p = p * u + _C1
    p = p * u + _C0
    return p



def _tc_body(x_ref, out_ref):
    i = pl.program_id(0)
    x = x_ref[...].astype(jnp.bfloat16)
    up = jnp.roll(x, -1, axis=1)
    right = jnp.roll(x, -1, axis=2)
    t = (_cos_fast(up - x, _MAGIC_BF16)
         + _cos_fast(right - x, _MAGIC_BF16)).astype(jnp.float32)
    row_sums = jnp.sum(t, axis=(1, 2))[:, None]
    out_ref[pl.ds(i * _ROWS_PER_BLOCK, _ROWS_PER_BLOCK), :] = (
        (-_BETA) * row_sums + _ACTION_SHIFT)


def _tc_action(x3):
    grid = (_N_TC // _ROWS_PER_BLOCK,)
    return pl.pallas_call(
        _tc_body,
        grid=grid,
        in_specs=[pl.BlockSpec((_ROWS_PER_BLOCK, _L, _L), lambda i: (i, 0, 0))],
        out_specs=pl.BlockSpec((_N_TC, 1), lambda i: (0, 0)),
        out_shape=jax.ShapeDtypeStruct((_N_TC, 1), jnp.float32),
    )(x3)



_GATHER_DNUMS = lax.GatherDimensionNumbers(
    offset_dims=(), collapsed_slice_dims=(0,), start_index_map=(0,))


def _gather16(v, idx):
    return lax.gather(v, idx[:, None], _GATHER_DNUMS, (1,),
                      mode=lax.GatherScatterMode.PROMISE_IN_BOUNDS)


def _sc_body(x_hbm, out_hbm, buf_ref, outv_ref):
    wid = lax.axis_index("s") * _NC + lax.axis_index("c")
    lane = lax.iota(jnp.int32, 16)
    roll_idx = lax.bitwise_and(lane + 1, 15)
    zero_idx = lane - lane
    is_last_lane = lane == 15
    stripe = wid * _STRIPE
    nxt = jnp.where(stripe + _STRIPE == _L, 0, stripe + _STRIPE)

    def row_body(r, carry):
        row = r
        pltpu.sync_copy(x_hbm.at[row, pl.ds(stripe, _STRIPE)],
                        buf_ref.at[pl.ds(0, _STRIPE)])
        pltpu.sync_copy(x_hbm.at[row, pl.ds(nxt, 8)],
                        buf_ref.at[pl.ds(_STRIPE, 8)])

        def i_body(i, acc):
            for g in range(_NGRP - 1):
                off = g * 16
                a = buf_ref[i, pl.ds(off, 16)]
                bh = buf_ref[i, pl.ds(off + 1, 16)]
                bv = buf_ref[i + 1, pl.ds(off, 16)]
                acc = (acc + _cos_fast(bh - a, _MAGIC_F32)
                       + _cos_fast(bv - a, _MAGIC_F32))
            a = buf_ref[i, pl.ds(_L - 16, 16)]
            bv = buf_ref[i + 1, pl.ds(_L - 16, 16)]
            w = buf_ref[i, pl.ds(0, 16)]
            rolled = _gather16(a, roll_idx)
            w0 = _gather16(w, zero_idx)
            bh = jnp.where(is_last_lane, w0, rolled)
            return (acc + _cos_fast(bh - a, _MAGIC_F32)
                    + _cos_fast(bv - a, _MAGIC_F32))

        acc = lax.fori_loop(0, _STRIPE, i_body,
                            jnp.zeros((16,), jnp.float32))
        for bit in (1, 2, 4, 8):
            acc = acc + _gather16(acc, lax.bitwise_xor(lane, bit))
        outv_ref[r, :] = (-_BETA) * acc
        return carry

    lax.fori_loop(0, _N_SC, row_body, jnp.int32(0))
    pltpu.sync_copy(outv_ref, out_hbm.at[wid])


_sc_action = functools.partial(
    pl.kernel,
    out_type=jax.ShapeDtypeStruct((_NW, _N_SC, 16), jnp.float32),
    mesh=plsc.VectorSubcoreMesh(core_axis_name="c", subcore_axis_name="s",
                                num_cores=_NC, num_subcores=_NS),
    scratch_types=[
        pltpu.VMEM((_STRIPE + 8, _L), jnp.float32),
        pltpu.VMEM((_N_SC, 16), jnp.float32),
    ],
)(_sc_body)


def kernel(state, shift):
    del shift
    x3 = state.reshape(_N, _L, _L)
    tc_out = _tc_action(x3)
    sc_partials = _sc_action(x3[_N_TC:])
    sc_out = _ACTION_SHIFT + jnp.sum(sc_partials[:, :, 0], axis=0)[:, None]
    return jnp.concatenate([tc_out, sc_out], axis=0)

# --- scband reference (transcript-rebuilt; emitter-appended) ---
"""Pipeline reference for scband-nvector-action-41437844472221 (READ-ONLY COPY).

The authoritative reference and input builder live on the scoring server;
editing this copy changes nothing except your own understanding.
"""

import jax, jax.numpy as jnp
import numpy as np

L = 512
VOLUME = L * L
BETA = 1.0
N_STATES = 64
ACTION_SHIFT = 2.0 * BETA * VOLUME  # shift_action=True


def make_shift():
    # geometry.get_shift(): for each site, flat index of the nearest neighbor
    # shifted by one lattice site in each of the 2 positive directions (periodic torus).
    idx = np.arange(VOLUME, dtype=np.int32).reshape(L, L)
    s0 = np.roll(idx, -1, axis=0).reshape(-1)  # neighbor in direction 0
    s1 = np.roll(idx, -1, axis=1).reshape(-1)  # neighbor in direction 1
    return np.stack([s0, s1], axis=0)  # (2, VOLUME)


def setup_inputs(seed: int = 0) -> dict:
    key = jax.random.key(seed)
    state = jax.random.normal(key, (N_STATES, VOLUME), dtype=jnp.float32)
    shift = jnp.asarray(make_shift(), dtype=jnp.int32)
    return {"state": state, "shift": shift}


def reference(state, shift):
    # xy_action (n_coords == 1):
    # action = -beta * sum_{mu,site} cos(state[:, shift[mu, site]] - state[:, site]) + action_shift
    gathered = state[:, shift]                     # (N, 2, VOLUME) gather
    diff = gathered - state[:, None, :]            # broadcast against (N, 1, VOLUME)
    action = -1.0 * BETA * jnp.cos(diff).sum(axis=1).sum(axis=1, keepdims=True) + ACTION_SHIFT
    return action  # (N_STATES, 1)

if __name__ == "__main__":
    import jax
    _d = setup_inputs()
    print(jax.jit(kernel)(*tuple(_d.values())))

</pallas_src>

<mosaic_0001>
#map = affine_map<(d0, d1) -> (0, 0, 0)>
module attributes {stable_mosaic.version = 14 : i64} {
  func.func @_sc_body(%arg0: i32, %arg1: i32, %arg2: memref<12x512x512xf32, #tpu.memory_space<hbm>>, %arg3: memref<32x12x16xf32, #tpu.memory_space<hbm>>, %arg4: memref<24x512xf32, #tpu.memory_space<vmem>>, %arg5: memref<12x16xf32, #tpu.memory_space<vmem>>) attributes {dimension_semantics = [#tpu.dimension_semantics<core_parallel>, #tpu.dimension_semantics<subcore_parallel>], iteration_bounds = array<i64: 2, 16>, scalar_prefetch = 0 : i64, scratch_operands = 2 : i64, tpu.core_type = #tpu.core_type<sc_vector_subcore>, window_params = [{transform_indices = #map}, {transform_indices = #map}]} {
    %mul3A = arith.constant 2 : i32
    %mul3A_0 = arith.muli %arg1, %mul3A : i32
    %add3A = arith.addi %mul3A_0, %arg0 : i32
    %iota3A = tpu.iota {dimensions = array<i32: 0>} : vector<16xi32>
    %add3A_1 = arith.constant 1 : i32
    %add3A_2 = vector.broadcast %add3A_1 : i32 to vector<16xi32>
    %add3A_3 = arith.addi %iota3A, %add3A_2 : vector<16xi32>
    %and3A = arith.constant 15 : i32
    %and3A_4 = vector.broadcast %and3A : i32 to vector<16xi32>
    %and3A_5 = arith.andi %add3A_3, %and3A_4 : vector<16xi32>
    %sub3A = arith.subi %iota3A, %iota3A : vector<16xi32>
    %eq3A = arith.constant 15 : i32
    %eq3A_6 = vector.broadcast %eq3A : i32 to vector<16xi32>
    %eq3A_7 = arith.cmpi eq, %iota3A, %eq3A_6 : vector<16xi32>
    %mul3A_8 = arith.constant 16 : i32
    %mul3A_9 = arith.muli %add3A, %mul3A_8 : i32
    %add3A_10 = arith.constant 16 : i32
    %add3A_11 = arith.addi %mul3A_9, %add3A_10 : i32
    %eq3A_12 = arith.constant 512 : i32
    %eq3A_13 = arith.cmpi eq, %add3A_11, %eq3A_12 : i32
    %add3A_14 = arith.constant 16 : i32
    %add3A_15 = arith.addi %mul3A_9, %add3A_14 : i32
    %jit3A = arith.constant 0 : i32
    %select_n3A = arith.select %eq3A_13, %jit3A, %add3A_15 : i32
    %scan3A = arith.constant 0 : i32
    %scan3A_16 = arith.constant 0 : i32
    %scan3A_17 = arith.constant 12 : i32
    %scan3A_18 = arith.addi %scan3A_16, %scan3A_17 : i32
    %scan3A_19 = arith.constant 1 : i32
    scf.for %scan3A_21 = %scan3A_16 to %scan3A_18 step %scan3A_19  : i32 {
      "tpu.region"() ({
        %run_scoped3A = tpu.sem_alloc : memref<!tpu.dma_semaphore, #tpu.memory_space<semaphore_mem>>
        %dma_start3A = arith.constant 0 : i32
        %dma_start3A_62 = arith.constant 0 : i32
        %dma_start3A_63 = tpu.memref_slice %arg4[%dma_start3A, %dma_start3A_62] : memref<24x512xf32, #tpu.memory_space<vmem>> -> memref<16x512xf32, #tpu.memory_space<vmem>>
        %dma_start3A_64 = arith.constant 0 : i32
        %dma_start3A_65 = tpu.memref_slice %arg2[%scan3A_21, %mul3A_9, %dma_start3A_64] : memref<12x512x512xf32, #tpu.memory_space<hbm>> -> memref<1x16x512xf32, #tpu.memory_space<hbm>>
        %dma_start3A_66 = tpu.memref_squeeze %dma_start3A_65 : memref<1x16x512xf32, #tpu.memory_space<hbm>> -> memref<16x512xf32, #tpu.memory_space<hbm>>
        %dma_start3A_67 = arith.constant 0 : i32
        %dma_start3A_68 = arith.constant 0 : i32
        %dma_start3A_69 = tpu.memref_slice %arg4[%dma_start3A_67, %dma_start3A_68] : memref<24x512xf32, #tpu.memory_space<vmem>> -> memref<16x512xf32, #tpu.memory_space<vmem>>
        %dma_start3A_70 = arith.constant 0 : i32
        %dma_start3A_71 = tpu.memref_slice %arg2[%scan3A_21, %mul3A_9, %dma_start3A_70] : memref<12x512x512xf32, #tpu.memory_space<hbm>> -> memref<1x16x512xf32, #tpu.memory_space<hbm>>
        %dma_start3A_72 = tpu.memref_squeeze %dma_start3A_71 : memref<1x16x512xf32, #tpu.memory_space<hbm>> -> memref<16x512xf32, #tpu.memory_space<hbm>>
        tpu.enqueue_dma source(%dma_start3A_72 : memref<16x512xf32, #tpu.memory_space<hbm>>) target(%dma_start3A_69 : memref<16x512xf32, #tpu.memory_space<vmem>>) target_semaphore(%run_scoped3A : memref<!tpu.dma_semaphore, #tpu.memory_space<semaphore_mem>>)
        %dma_wait3A = arith.constant 0 : i32
        %dma_wait3A_73 = arith.constant 0 : i32
        %dma_wait3A_74 = tpu.memref_slice %arg4[%dma_wait3A, %dma_wait3A_73] : memref<24x512xf32, #tpu.memory_space<vmem>> -> memref<16x512xf32, #tpu.memory_space<vmem>>
        %dma_wait3A_75 = arith.constant 0 : i32
        %dma_wait3A_76 = tpu.memref_slice %arg2[%scan3A_21, %mul3A_9, %dma_wait3A_75] : memref<12x512x512xf32, #tpu.memory_space<hbm>> -> memref<1x16x512xf32, #tpu.memory_space<hbm>>
        %dma_wait3A_77 = tpu.memref_squeeze %dma_wait3A_76 : memref<1x16x512xf32, #tpu.memory_space<hbm>> -> memref<16x512xf32, #tpu.memory_space<hbm>>
        %dma_wait3A_78 = arith.constant 0 : i32
        %dma_wait3A_79 = arith.constant 0 : i32
        %dma_wait3A_80 = tpu.memref_slice %arg4[%dma_wait3A_78, %dma_wait3A_79] : memref<24x512xf32, #tpu.memory_space<vmem>> -> memref<16x512xf32, #tpu.memory_space<vmem>>
        %dma_wait3A_81 = arith.constant 0 : i32
        %dma_wait3A_82 = tpu.memref_slice %arg2[%scan3A_21, %mul3A_9, %dma_wait3A_81] : memref<12x512x512xf32, #tpu.memory_space<hbm>> -> memref<1x16x512xf32, #tpu.memory_space<hbm>>
        %dma_wait3A_83 = tpu.memref_squeeze %dma_wait3A_82 : memref<1x16x512xf32, #tpu.memory_space<hbm>> -> memref<16x512xf32, #tpu.memory_space<hbm>>
        tpu.wait_dma2 semaphore(%run_scoped3A : memref<!tpu.dma_semaphore, #tpu.memory_space<semaphore_mem>>) src(%dma_wait3A_83 : memref<16x512xf32, #tpu.memory_space<hbm>>) dst(%dma_wait3A_80 : memref<16x512xf32, #tpu.memory_space<vmem>>)
        tpu.yield
      }) : () -> ()
      "tpu.region"() ({
        %run_scoped3A = tpu.sem_alloc : memref<!tpu.dma_semaphore, #tpu.memory_space<semaphore_mem>>
        %dma_start3A = arith.constant 16 : i32
        %dma_start3A_62 = arith.constant 0 : i32
        %dma_start3A_63 = tpu.memref_slice %arg4[%dma_start3A, %dma_start3A_62] : memref<24x512xf32, #tpu.memory_space<vmem>> -> memref<8x512xf32, #tpu.memory_space<vmem>>
        %dma_start3A_64 = arith.constant 0 : i32
        %dma_start3A_65 = tpu.memref_slice %arg2[%scan3A_21, %select_n3A, %dma_start3A_64] : memref<12x512x512xf32, #tpu.memory_space<hbm>> -> memref<1x8x512xf32, #tpu.memory_space<hbm>>
        %dma_start3A_66 = tpu.memref_squeeze %dma_start3A_65 : memref<1x8x512xf32, #tpu.memory_space<hbm>> -> memref<8x512xf32, #tpu.memory_space<hbm>>
        %dma_start3A_67 = arith.constant 16 : i32
        %dma_start3A_68 = arith.constant 0 : i32
        %dma_start3A_69 = tpu.memref_slice %arg4[%dma_start3A_67, %dma_start3A_68] : memref<24x512xf32, #tpu.memory_space<vmem>> -> memref<8x512xf32, #tpu.memory_space<vmem>>
        %dma_start3A_70 = arith.constant 0 : i32
        %dma_start3A_71 = tpu.memref_slice %arg2[%scan3A_21, %select_n3A, %dma_start3A_70] : memref<12x512x512xf32, #tpu.memory_space<hbm>> -> memref<1x8x512xf32, #tpu.memory_space<hbm>>
        %dma_start3A_72 = tpu.memref_squeeze %dma_start3A_71 : memref<1x8x512xf32, #tpu.memory_space<hbm>> -> memref<8x512xf32, #tpu.memory_space<hbm>>
        tpu.enqueue_dma source(%dma_start3A_72 : memref<8x512xf32, #tpu.memory_space<hbm>>) target(%dma_start3A_69 : memref<8x512xf32, #tpu.memory_space<vmem>>) target_semaphore(%run_scoped3A : memref<!tpu.dma_semaphore, #tpu.memory_space<semaphore_mem>>)
        %dma_wait3A = arith.constant 16 : i32
        %dma_wait3A_73 = arith.constant 0 : i32
        %dma_wait3A_74 = tpu.memref_slice %arg4[%dma_wait3A, %dma_wait3A_73] : memref<24x512xf32, #tpu.memory_space<vmem>> -> memref<8x512xf32, #tpu.memory_space<vmem>>
        %dma_wait3A_75 = arith.constant 0 : i32
        %dma_wait3A_76 = tpu.memref_slice %arg2[%scan3A_21, %select_n3A, %dma_wait3A_75] : memref<12x512x512xf32, #tpu.memory_space<hbm>> -> memref<1x8x512xf32, #tpu.memory_space<hbm>>
        %dma_wait3A_77 = tpu.memref_squeeze %dma_wait3A_76 : memref<1x8x512xf32, #tpu.memory_space<hbm>> -> memref<8x512xf32, #tpu.memory_space<hbm>>
        %dma_wait3A_78 = arith.constant 16 : i32
        %dma_wait3A_79 = arith.constant 0 : i32
        %dma_wait3A_80 = tpu.memref_slice %arg4[%dma_wait3A_78, %dma_wait3A_79] : memref<24x512xf32, #tpu.memory_space<vmem>> -> memref<8x512xf32, #tpu.memory_space<vmem>>
        %dma_wait3A_81 = arith.constant 0 : i32
        %dma_wait3A_82 = tpu.memref_slice %arg2[%scan3A_21, %select_n3A, %dma_wait3A_81] : memref<12x512x512xf32, #tpu.memory_space<hbm>> -> memref<1x8x512xf32, #tpu.memory_space<hbm>>
        %dma_wait3A_83 = tpu.memref_squeeze %dma_wait3A_82 : memref<1x8x512xf32, #tpu.memory_space<hbm>> -> memref<8x512xf32, #tpu.memory_space<hbm>>
        tpu.wait_dma2 semaphore(%run_scoped3A : memref<!tpu.dma_semaphore, #tpu.memory_space<semaphore_mem>>) src(%dma_wait3A_83 : memref<8x512xf32, #tpu.memory_space<hbm>>) dst(%dma_wait3A_80 : memref<8x512xf32, #tpu.memory_space<vmem>>)
        tpu.yield
      }) : () -> ()
      %broadcast_in_dim3A = arith.constant 0.000000e+00 : f32
      %broadcast_in_dim3A_22 = vector.broadcast %broadcast_in_dim3A : f32 to vector<16xf32>
      %scan3A_23 = arith.constant 0 : i32
      %scan3A_24 = arith.constant 16 : i32
      %scan3A_25 = arith.addi %scan3A_23, %scan3A_24 : i32
      %scan3A_26 = arith.constant 1 : i32
      %scan3A_27 = scf.for %scan3A_62 = %scan3A_23 to %scan3A_25 step %scan3A_26 iter_args(%scan3A_63 = %broadcast_in_dim3A_22) -> (vector<16xf32>)  : i32 {
        %get3A = arith.index_cast %scan3A_62 : i32 to index
        %get3A_64 = arith.constant 0 : index
        %get3A_65 = tpu.vector_load %arg4[%get3A, %get3A_64] {strides = array<i32>} : memref<24x512xf32, #tpu.memory_space<vmem>>, vector<1x16xf32>,
        %get3A_66 = vector.shape_cast %get3A_65 : vector<1x16xf32> to vector<16xf32>
        %get3A_67 = arith.index_cast %scan3A_62 : i32 to index
        %get3A_68 = arith.constant 1 : index
        %get3A_69 = tpu.vector_load %arg4[%get3A_67, %get3A_68] {strides = array<i32>} : memref<24x512xf32, #tpu.memory_space<vmem>>, vector<1x16xf32>,
        %get3A_70 = vector.shape_cast %get3A_69 : vector<1x16xf32> to vector<16xf32>
        %add3A_71 = arith.constant 1 : i32
        %add3A_72 = arith.addi %scan3A_62, %add3A_71 : i32
        %get3A_73 = arith.index_cast %add3A_72 : i32 to index
        %get3A_74 = arith.constant 0 : index
        %get3A_75 = tpu.vector_load %arg4[%get3A_73, %get3A_74] {strides = array<i32>} : memref<24x512xf32, #tpu.memory_space<vmem>>, vector<1x16xf32>,
        %get3A_76 = vector.shape_cast %get3A_75 : vector<1x16xf32> to vector<16xf32>
        %sub3A_77 = arith.subf %get3A_70, %get3A_66 : vector<16xf32>
        %mul3A_78 = arith.constant 0.159154937 : f32
        %mul3A_79 = vector.broadcast %mul3A_78 : f32 to vector<16xf32>
        %mul3A_80 = arith.mulf %sub3A_77, %mul3A_79 : vector<16xf32>
        %add3A_81 = arith.constant 0x4B400000 : f32
        %add3A_82 = vector.broadcast %add3A_81 : f32 to vector<16xf32>
        %add3A_83 = arith.addf %mul3A_80, %add3A_82 : vector<16xf32>
        %sub3A_84 = arith.constant 0x4B400000 : f32
        %sub3A_85 = vector.broadcast %sub3A_84 : f32 to vector<16xf32>
        %sub3A_86 = arith.subf %add3A_83, %sub3A_85 : vector<16xf32>
        %mul3A_87 = arith.constant 6.28318548 : f32
        %mul3A_88 = vector.broadcast %mul3A_87 : f32 to vector<16xf32>
        %mul3A_89 = arith.mulf %sub3A_86, %mul3A_88 : vector<16xf32>
        %sub3A_90 = arith.subf %sub3A_77, %mul3A_89 : vector<16xf32>
        %mul3A_91 = arith.mulf %sub3A_90, %sub3A_90 : vector<16xf32>
        %mul3A_92 = arith.constant 1.90652427E-5 : f32
        %mul3A_93 = vector.broadcast %mul3A_92 : f32 to vector<16xf32>
        %mul3A_94 = arith.mulf %mul3A_93, %mul3A_91 : vector<16xf32>
        %add3A_95 = arith.constant -0.00134410732 : f32
        %add3A_96 = vector.broadcast %add3A_95 : f32 to vector<16xf32>
        %add3A_97 = arith.addf %mul3A_94, %add3A_96 : vector<16xf32>
        %mul3A_98 = arith.mulf %add3A_97, %mul3A_91 : vector<16xf32>
        %add3A_99 = arith.constant 0.0415223055 : f32
        %add3A_100 = vector.broadcast %add3A_99 : f32 to vector<16xf32>
        %add3A_101 = arith.addf %mul3A_98, %add3A_100 : vector<16xf32>
        %mul3A_102 = arith.mulf %add3A_101, %mul3A_91 : vector<16xf32>
        %add3A_103 = arith.constant -0.499837607 : f32
        %add3A_104 = vector.broadcast %add3A_103 : f32 to vector<16xf32>
        %add3A_105 = arith.addf %mul3A_102, %add3A_104 : vector<16xf32>
        %mul3A_106 = arith.mulf %add3A_105, %mul3A_91 : vector<16xf32>
        %add3A_107 = arith.constant 0.999971091 : f32
        %add3A_108 = vector.broadcast %add3A_107 : f32 to vector<16xf32>
        %add3A_109 = arith.addf %mul3A_106, %add3A_108 : vector<16xf32>
        %add3A_110 = arith.addf %scan3A_63, %add3A_109 : vector<16xf32>
        %sub3A_111 = arith.subf %get3A_76, %get3A_66 : vector<16xf32>
        %mul3A_112 = arith.constant 0.159154937 : f32
        %mul3A_113 = vector.broadcast %mul3A_112 : f32 to vector<16xf32>
        %mul3A_114 = arith.mulf %sub3A_111, %mul3A_113 : vector<16xf32>
        %add3A_115 = arith.constant 0x4B400000 : f32
        %add3A_116 = vector.broadcast %add3A_115 : f32 to vector<16xf32>
        %add3A_117 = arith.addf %mul3A_114, %add3A_116 : vector<16xf32>
        %sub3A_118 = arith.constant 0x4B400000 : f32
        %sub3A_119 = vector.broadcast %sub3A_118 : f32 to vector<16xf32>
        %sub3A_120 = arith.subf %add3A_117, %sub3A_119 : vector<16xf32>
        %mul3A_121 = arith.constant 6.28318548 : f32
        %mul3A_122 = vector.broadcast %mul3A_121 : f32 to vector<16xf32>
        %mul3A_123 = arith.mulf %sub3A_120, %mul3A_122 : vector<16xf32>
        %sub3A_124 = arith.subf %sub3A_111, %mul3A_123 : vector<16xf32>
        %mul3A_125 = arith.mulf %sub3A_124, %sub3A_124 : vector<16xf32>
        %mul3A_126 = arith.constant 1.90652427E-5 : f32
        %mul3A_127 = vector.broadcast %mul3A_126 : f32 to vector<16xf32>
        %mul3A_128 = arith.mulf %mul3A_127, %mul3A_125 : vector<16xf32>
        %add3A_129 = arith.constant -0.00134410732 : f32
        %add3A_130 = vector.broadcast %add3A_129 : f32 to vector<16xf32>
        %add3A_131 = arith.addf %mul3A_128, %add3A_130 : vector<16xf32>
        %mul3A_132 = arith.mulf %add3A_131, %mul3A_125 : vector<16xf32>
        %add3A_133 = arith.constant 0.0415223055 : f32
        %add3A_134 = vector.broadcast %add3A_133 : f32 to vector<16xf32>
        %add3A_135 = arith.addf %mul3A_132, %add3A_134 : vector<16xf32>
        %mul3A_136 = arith.mulf %add3A_135, %mul3A_125 : vector<16xf32>
        %add3A_137 = arith.constant -0.499837607 : f32
        %add3A_138 = vector.broadcast %add3A_137 : f32 to vector<16xf32>
        %add3A_139 = arith.addf %mul3A_136, %add3A_138 : vector<16xf32>
        %mul3A_140 = arith.mulf %add3A_139, %mul3A_125 : vector<16xf32>
        %add3A_141 = arith.constant 0.999971091 : f32
        %add3A_142 = vector.broadcast %add3A_141 : f32 to vector<16xf32>
        %add3A_143 = arith.addf %mul3A_140, %add3A_142 : vector<16xf32>
        %add3A_144 = arith.addf %add3A_110, %add3A_143 : vector<16xf32>
        %get3A_145 = arith.index_cast %scan3A_62 : i32 to index
        %get3A_146 = arith.constant 16 : index
        %get3A_147 = tpu.vector_load %arg4[%get3A_145, %get3A_146] {strides = array<i32>} : memref<24x512xf32, #tpu.memory_space<vmem>>, vector<1x16xf32>,
        %get3A_148 = vector.shape_cast %get3A_147 : vector<1x16xf32> to vector<16xf32>
        %get3A_149 = arith.index_cast %scan3A_62 : i32 to index
        %get3A_150 = arith.constant 17 : index
        %get3A_151 = tpu.vector_load %arg4[%get3A_149, %get3A_150] {strides = array<i32>} : memref<24x512xf32, #tpu.memory_space<vmem>>, vector<1x16xf32>,
        %get3A_152 = vector.shape_cast %get3A_151 : vector<1x16xf32> to vector<16xf32>
        %add3A_153 = arith.constant 1 : i32
        %add3A_154 = arith.addi %scan3A_62, %add3A_153 : i32
        %get3A_155 = arith.index_cast %add3A_154 : i32 to index
        %get3A_156 = arith.constant 16 : index
        %get3A_157 = tpu.vector_load %arg4[%get3A_155, %get3A_156] {strides = array<i32>} : memref<24x512xf32, #tpu.memory_space<vmem>>, vector<1x16xf32>,
        %get3A_158 = vector.shape_cast %get3A_157 : vector<1x16xf32> to vector<16xf32>
        %sub3A_159 = arith.subf %get3A_152, %get3A_148 : vector<16xf32>
        %mul3A_160 = arith.constant 0.159154937 : f32
        %mul3A_161 = vector.broadcast %mul3A_160 : f32 to vector<16xf32>
        %mul3A_162 = arith.mulf %sub3A_159, %mul3A_161 : vector<16xf32>
        %add3A_163 = arith.constant 0x4B400000 : f32
        %add3A_164 = vector.broadcast %add3A_163 : f32 to vector<16xf32>
        %add3A_165 = arith.addf %mul3A_162, %add3A_164 : vector<16xf32>
        %sub3A_166 = arith.constant 0x4B400000 : f32
        %sub3A_167 = vector.broadcast %sub3A_166 : f32 to vector<16xf32>
        %sub3A_168 = arith.subf %add3A_165, %sub3A_167 : vector<16xf32>
        %mul3A_169 = arith.constant 6.28318548 : f32
        %mul3A_170 = vector.broadcast %mul3A_169 : f32 to vector<16xf32>
        %mul3A_171 = arith.mulf %sub3A_168, %mul3A_170 : vector<16xf32>
        %sub3A_172 = arith.subf %sub3A_159, %mul3A_171 : vector<16xf32>
        %mul3A_173 = arith.mulf %sub3A_172, %sub3A_172 : vector<16xf32>
        %mul3A_174 = arith.constant 1.90652427E-5 : f32
        %mul3A_175 = vector.broadcast %mul3A_174 : f32 to vector<16xf32>
        %mul3A_176 = arith.mulf %mul3A_175, %mul3A_173 : vector<16xf32>
        %add3A_177 = arith.constant -0.00134410732 : f32
        %add3A_178 = vector.broadcast %add3A_177 : f32 to vector<16xf32>
        %add3A_179 = arith.addf %mul3A_176, %add3A_178 : vector<16xf32>
        %mul3A_180 = arith.mulf %add3A_179, %mul3A_173 : vector<16xf32>
        %add3A_181 = arith.constant 0.0415223055 : f32
        %add3A_182 = vector.broadcast %add3A_181 : f32 to vector<16xf32>
        %add3A_183 = arith.addf %mul3A_180, %add3A_182 : vector<16xf32>
        %mul3A_184 = arith.mulf %add3A_183, %mul3A_173 : vector<16xf32>
        %add3A_185 = arith.constant -0.499837607 : f32
        %add3A_186 = vector.broadcast %add3A_185 : f32 to vector<16xf32>
        %add3A_187 = arith.addf %mul3A_184, %add3A_186 : vector<16xf32>
        %mul3A_188 = arith.mulf %add3A_187, %mul3A_173 : vector<16xf32>
        %add3A_189 = arith.constant 0.999971091 : f32
        %add3A_190 = vector.broadcast %add3A_189 : f32 to vector<16xf32>
        %add3A_191 = arith.addf %mul3A_188, %add3A_190 : vector<16xf32>
        %add3A_192 = arith.addf %add3A_144, %add3A_191 : vector<16xf32>
        %sub3A_193 = arith.subf %get3A_158, %get3A_148 : vector<16xf32>
        %mul3A_194 = arith.constant 0.159154937 : f32
        %mul3A_195 = vector.broadcast %mul3A_194 : f32 to vector<16xf32>
        %mul3A_196 = arith.mulf %sub3A_193, %mul3A_195 : vector<16xf32>
        %add3A_197 = arith.constant 0x4B400000 : f32
        %add3A_198 = vector.broadcast %add3A_197 : f32 to vector<16xf32>
        %add3A_199 = arith.addf %mul3A_196, %add3A_198 : vector<16xf32>
        %sub3A_200 = arith.constant 0x4B400000 : f32
        %sub3A_201 = vector.broadcast %sub3A_200 : f32 to vector<16xf32>
        %sub3A_202 = arith.subf %add3A_199, %sub3A_201 : vector<16xf32>
        %mul3A_203 = arith.constant 6.28318548 : f32
        %mul3A_204 = vector.broadcast %mul3A_203 : f32 to vector<16xf32>
        %mul3A_205 = arith.mulf %sub3A_202, %mul3A_204 : vector<16xf32>
        %sub3A_206 = arith.subf %sub3A_193, %mul3A_205 : vector<16xf32>
        %mul3A_207 = arith.mulf %sub3A_206, %sub3A_206 : vector<16xf32>
        %mul3A_208 = arith.constant 1.90652427E-5 : f32
        %mul3A_209 = vector.broadcast %mul3A_208 : f32 to vector<16xf32>
        %mul3A_210 = arith.mulf %mul3A_209, %mul3A_207 : vector<16xf32>
        %add3A_211 = arith.constant -0.00134410732 : f32
        %add3A_212 = vector.broadcast %add3A_211 : f32 to vector<16xf32>
        %add3A_213 = arith.addf %mul3A_210, %add3A_212 : vector<16xf32>
        %mul3A_214 = arith.mulf %add3A_213, %mul3A_207 : vector<16xf32>
        %add3A_215 = arith.constant 0.0415223055 : f32
        %add3A_216 = vector.broadcast %add3A_215 : f32 to vector<16xf32>
        %add3A_217 = arith.addf %mul3A_214, %add3A_216 : vector<16xf32>
        %mul3A_218 = arith.mulf %add3A_217, %mul3A_207 : vector<16xf32>
        %add3A_219 = arith.constant -0.499837607 : f32
        %add3A_220 = vector.broadcast %add3A_219 : f32 to vector<16xf32>
        %add3A_221 = arith.addf %mul3A_218, %add3A_220 : vector<16xf32>
        %mul3A_222 = arith.mulf %add3A_221, %mul3A_207 : vector<16xf32>
        %add3A_223 = arith.constant 0.999971091 : f32
        %add3A_224 = vector.broadcast %add3A_223 : f32 to vector<16xf32>
        %add3A_225 = arith.addf %mul3A_222, %add3A_224 : vector<16xf32>
        %add3A_226 = arith.addf %add3A_192, %add3A_225 : vector<16xf32>
        %get3A_227 = arith.index_cast %scan3A_62 : i32 to index
        %get3A_228 = arith.constant 32 : index
        %get3A_229 = tpu.vector_load %arg4[%get3A_227, %get3A_228] {strides = array<i32>} : memref<24x512xf32, #tpu.memory_space<vmem>>, vector<1x16xf32>,
        %get3A_230 = vector.shape_cast %get3A_229 : vector<1x16xf32> to vector<16xf32>
        %get3A_231 = arith.index_cast %scan3A_62 : i32 to index
        %get3A_232 = arith.constant 33 : index
        %get3A_233 = tpu.vector_load %arg4[%get3A_231, %get3A_232] {strides = array<i32>} : memref<24x512xf32, #tpu.memory_space<vmem>>, vector<1x16xf32>,
        %get3A_234 = vector.shape_cast %get3A_233 : vector<1x16xf32> to vector<16xf32>
        %add3A_235 = arith.constant 1 : i32
        %add3A_236 = arith.addi %scan3A_62, %add3A_235 : i32
        %get3A_237 = arith.index_cast %add3A_236 : i32 to index
        %get3A_238 = arith.constant 32 : index
        %get3A_239 = tpu.vector_load %arg4[%get3A_237, %get3A_238] {strides = array<i32>} : memref<24x512xf32, #tpu.memory_space<vmem>>, vector<1x16xf32>,
        %get3A_240 = vector.shape_cast %get3A_239 : vector<1x16xf32> to vector<16xf32>
        %sub3A_241 = arith.subf %get3A_234, %get3A_230 : vector<16xf32>
        %mul3A_242 = arith.constant 0.159154937 : f32
        %mul3A_243 = vector.broadcast %mul3A_242 : f32 to vector<16xf32>
        %mul3A_244 = arith.mulf %sub3A_241, %mul3A_243 : vector<16xf32>
        %add3A_245 = arith.constant 0x4B400000 : f32
        %add3A_246 = vector.broadcast %add3A_245 : f32 to vector<16xf32>
        %add3A_247 = arith.addf %mul3A_244, %add3A_246 : vector<16xf32>
        %sub3A_248 = arith.constant 0x4B400000 : f32
        %sub3A_249 = vector.broadcast %sub3A_248 : f32 to vector<16xf32>
        %sub3A_250 = arith.subf %add3A_247, %sub3A_249 : vector<16xf32>
        %mul3A_251 = arith.constant 6.28318548 : f32
        %mul3A_252 = vector.broadcast %mul3A_251 : f32 to vector<16xf32>
        %mul3A_253 = arith.mulf %sub3A_250, %mul3A_252 : vector<16xf32>
        %sub3A_254 = arith.subf %sub3A_241, %mul3A_253 : vector<16xf32>
        %mul3A_255 = arith.mulf %sub3A_254, %sub3A_254 : vector<16xf32>
        %mul3A_256 = arith.constant 1.90652427E-5 : f32
        %mul3A_257 = vector.broadcast %mul3A_256 : f32 to vector<16xf32>
        %mul3A_258 = arith.mulf %mul3A_257, %mul3A_255 : vector<16xf32>
        %add3A_259 = arith.constant -0.00134410732 : f32
        %add3A_260 = vector.broadcast %add3A_259 : f32 to vector<16xf32>
        %add3A_261 = arith.addf %mul3A_258, %add3A_260 : vector<16xf32>
        %mul3A_262 = arith.mulf %add3A_261, %mul3A_255 : vector<16xf32>
        %add3A_263 = arith.constant 0.0415223055 : f32
        %add3A_264 = vector.broadcast %add3A_263 : f32 to vector<16xf32>
        %add3A_265 = arith.addf %mul3A_262, %add3A_264 : vector<16xf32>
        %mul3A_266 = arith.mulf %add3A_265, %mul3A_255 : vector<16xf32>
        %add3A_267 = arith.constant -0.499837607 : f32
        %add3A_268 = vector.broadcast %add3A_267 : f32 to vector<16xf32>
        %add3A_269 = arith.addf %mul3A_266, %add3A_268 : vector<16xf32>
        %mul3A_270 = arith.mulf %add3A_269, %mul3A_255 : vector<16xf32>
        %add3A_271 = arith.constant 0.999971091 : f32
        %add3A_272 = vector.broadcast %add3A_271 : f32 to vector<16xf32>
        %add3A_273 = arith.addf %mul3A_270, %add3A_272 : vector<16xf32>
        %add3A_274 = arith.addf %add3A_226, %add3A_273 : vector<16xf32>
        %sub3A_275 = arith.subf %get3A_240, %get3A_230 : vector<16xf32>
        %mul3A_276 = arith.constant 0.159154937 : f32
        %mul3A_277 = vector.broadcast %mul3A_276 : f32 to vector<16xf32>
        %mul3A_278 = arith.mulf %sub3A_275, %mul3A_277 : vector<16xf32>
        %add3A_279 = arith.constant 0x4B400000 : f32
        %add3A_280 = vector.broadcast %add3A_279 : f32 to vector<16xf32>
        %add3A_281 = arith.addf %mul3A_278, %add3A_280 : vector<16xf32>
        %sub3A_282 = arith.constant 0x4B400000 : f32
        %sub3A_283 = vector.broadcast %sub3A_282 : f32 to vector<16xf32>
        %sub3A_284 = arith.subf %add3A_281, %sub3A_283 : vector<16xf32>
        %mul3A_285 = arith.constant 6.28318548 : f32
        %mul3A_286 = vector.broadcast %mul3A_285 : f32 to vector<16xf32>
        %mul3A_287 = arith.mulf %sub3A_284, %mul3A_286 : vector<16xf32>
        %sub3A_288 = arith.subf %sub3A_275, %mul3A_287 : vector<16xf32>
        %mul3A_289 = arith.mulf %sub3A_288, %sub3A_288 : vector<16xf32>
        %mul3A_290 = arith.constant 1.90652427E-5 : f32
        %mul3A_291 = vector.broadcast %mul3A_290 : f32 to vector<16xf32>
        %mul3A_292 = arith.mulf %mul3A_291, %mul3A_289 : vector<16xf32>
        %add3A_293 = arith.constant -0.00134410732 : f32
        %add3A_294 = vector.broadcast %add3A_293 : f32 to vector<16xf32>
        %add3A_295 = arith.addf %mul3A_292, %add3A_294 : vector<16xf32>
        %mul3A_296 = arith.mulf %add3A_295, %mul3A_289 : vector<16xf32>
        %add3A_297 = arith.constant 0.0415223055 : f32
        %add3A_298 = vector.broadcast %add3A_297 : f32 to vector<16xf32>
        %add3A_299 = arith.addf %mul3A_296, %add3A_298 : vector<16xf32>
        %mul3A_300 = arith.mulf %add3A_299, %mul3A_289 : vector<16xf32>
        %add3A_301 = arith.constant -0.499837607 : f32
        %add3A_302 = vector.broadcast %add3A_301 : f32 to vector<16xf32>
        %add3A_303 = arith.addf %mul3A_300, %add3A_302 : vector<16xf32>
        %mul3A_304 = arith.mulf %add3A_303, %mul3A_289 : vector<16xf32>
        %add3A_305 = arith.constant 0.999971091 : f32
        %add3A_306 = vector.broadcast %add3A_305 : f32 to vector<16xf32>
        %add3A_307 = arith.addf %mul3A_304, %add3A_306 : vector<16xf32>
        %add3A_308 = arith.addf %add3A_274, %add3A_307 : vector<16xf32>
        %get3A_309 = arith.index_cast %scan3A_62 : i32 to index
        %get3A_310 = arith.constant 48 : index
        %get3A_311 = tpu.vector_load %arg4[%get3A_309, %get3A_310] {strides = array<i32>} : memref<24x512xf32, #tpu.memory_space<vmem>>, vector<1x16xf32>,
        %get3A_312 = vector.shape_cast %get3A_311 : vector<1x16xf32> to vector<16xf32>
        %get3A_313 = arith.index_cast %scan3A_62 : i32 to index
        %get3A_314 = arith.constant 49 : index
        %get3A_315 = tpu.vector_load %arg4[%get3A_313, %get3A_314] {strides = array<i32>} : memref<24x512xf32, #tpu.memory_space<vmem>>, vector<1x16xf32>,
        %get3A_316 = vector.shape_cast %get3A_315 : vector<1x16xf32> to vector<16xf32>
        %add3A_317 = arith.constant 1 : i32
        %add3A_318 = arith.addi %scan3A_62, %add3A_317 : i32
        %get3A_319 = arith.index_cast %add3A_318 : i32 to index
        %get3A_320 = arith.constant 48 : index
        %get3A_321 = tpu.vector_load %arg4[%get3A_319, %get3A_320] {strides = array<i32>} : memref<24x512xf32, #tpu.memory_space<vmem>>, vector<1x16xf32>,
        %get3A_322 = vector.shape_cast %get3A_321 : vector<1x16xf32> to vector<16xf32>
        %sub3A_323 = arith.subf %get3A_316, %get3A_312 : vector<16xf32>
        %mul3A_324 = arith.constant 0.159154937 : f32
        %mul3A_325 = vector.broadcast %mul3A_324 : f32 to vector<16xf32>
        %mul3A_326 = arith.mulf %sub3A_323, %mul3A_325 : vector<16xf32>
        %add3A_327 = arith.constant 0x4B400000 : f32
        %add3A_328 = vector.broadcast %add3A_327 : f32 to vector<16xf32>
        %add3A_329 = arith.addf %mul3A_326, %add3A_328 : vector<16xf32>
        %sub3A_330 = arith.constant 0x4B400000 : f32
        %sub3A_331 = vector.broadcast %sub3A_330 : f32 to vector<16xf32>
        %sub3A_332 = arith.subf %add3A_329, %sub3A_331 : vector<16xf32>
        %mul3A_333 = arith.constant 6.28318548 : f32
        %mul3A_334 = vector.broadcast %mul3A_333 : f32 to vector<16xf32>
        %mul3A_335 = arith.mulf %sub3A_332, %mul3A_334 : vector<16xf32>
        %sub3A_336 = arith.subf %sub3A_323, %mul3A_335 : vector<16xf32>
        %mul3A_337 = arith.mulf %sub3A_336, %sub3A_336 : vector<16xf32>
        %mul3A_338 = arith.constant 1.90652427E-5 : f32
        %mul3A_339 = vector.broadcast %mul3A_338 : f32 to vector<16xf32>
        %mul3A_340 = arith.mulf %mul3A_339, %mul3A_337 : vector<16xf32>
        %add3A_341 = arith.constant -0.00134410732 : f32
        %add3A_342 = vector.broadcast %add3A_341 : f32 to vector<16xf32>
        %add3A_343 = arith.addf %mul3A_340, %add3A_342 : vector<16xf32>
        %mul3A_344 = arith.mulf %add3A_343, %mul3A_337 : vector<16xf32>
        %add3A_345 = arith.constant 0.0415223055 : f32
        %add3A_346 = vector.broadcast %add3A_345 : f32 to vector<16xf32>
        %add3A_347 = arith.addf %mul3A_344, %add3A_346 : vector<16xf32>
        %mul3A_348 = arith.mulf %add3A_347, %mul3A_337 : vector<16xf32>
        %add3A_349 = arith.constant -0.499837607 : f32
        %add3A_350 = vector.broadcast %add3A_349 : f32 to vector<16xf32>
        %add3A_351 = arith.addf %mul3A_348, %add3A_350 : vector<16xf32>
        %mul3A_352 = arith.mulf %add3A_351, %mul3A_337 : vector<16xf32>
        %add3A_353 = arith.constant 0.999971091 : f32
        %add3A_354 = vector.broadcast %add3A_353 : f32 to vector<16xf32>
        %add3A_355 = arith.addf %mul3A_352, %add3A_354 : vector<16xf32>
        %add3A_356 = arith.addf %add3A_308, %add3A_355 : vector<16xf32>
        %sub3A_357 = arith.subf %get3A_322, %get3A_312 : vector<16xf32>
        %mul3A_358 = arith.constant 0.159154937 : f32
        %mul3A_359 = vector.broadcast %mul3A_358 : f32 to vector<16xf32>
        %mul3A_360 = arith.mulf %sub3A_357, %mul3A_359 : vector<16xf32>
        %add3A_361 = arith.constant 0x4B400000 : f32
        %add3A_362 = vector.broadcast %add3A_361 : f32 to vector<16xf32>
        %add3A_363 = arith.addf %mul3A_360, %add3A_362 : vector<16xf32>
        %sub3A_364 = arith.constant 0x4B400000 : f32
        %sub3A_365 = vector.broadcast %sub3A_364 : f32 to vector<16xf32>
        %sub3A_366 = arith.subf %add3A_363, %sub3A_365 : vector<16xf32>
        %mul3A_367 = arith.constant 6.28318548 : f32
        %mul3A_368 = vector.broadcast %mul3A_367 : f32 to vector<16xf32>
        %mul3A_369 = arith.mulf %sub3A_366, %mul3A_368 : vector<16xf32>
        %sub3A_370 = arith.subf %sub3A_357, %mul3A_369 : vector<16xf32>
        %mul3A_371 = arith.mulf %sub3A_370, %sub3A_370 : vector<16xf32>
        %mul3A_372 = arith.constant 1.90652427E-5 : f32
        %mul3A_373 = vector.broadcast %mul3A_372 : f32 to vector<16xf32>
        %mul3A_374 = arith.mulf %mul3A_373, %mul3A_371 : vector<16xf32>
        %add3A_375 = arith.constant -0.00134410732 : f32
        %add3A_376 = vector.broadcast %add3A_375 : f32 to vector<16xf32>
        %add3A_377 = arith.addf %mul3A_374, %add3A_376 : vector<16xf32>
        %mul3A_378 = arith.mulf %add3A_377, %mul3A_371 : vector<16xf32>
        %add3A_379 = arith.constant 0.0415223055 : f32
        %add3A_380 = vector.broadcast %add3A_379 : f32 to vector<16xf32>
        %add3A_381 = arith.addf %mul3A_378, %add3A_380 : vector<16xf32>
        %mul3A_382 = arith.mulf %add3A_381, %mul3A_371 : vector<16xf32>
        %add3A_383 = arith.constant -0.499837607 : f32
        %add3A_384 = vector.broadcast %add3A_383 : f32 to vector<16xf32>
        %add3A_385 = arith.addf %mul3A_382, %add3A_384 : vector<16xf32>
        %mul3A_386 = arith.mulf %add3A_385, %mul3A_371 : vector<16xf32>
        %add3A_387 = arith.constant 0.999971091 : f32
        %add3A_388 = vector.broadcast %add3A_387 : f32 to vector<16xf32>
        %add3A_389 = arith.addf %mul3A_386, %add3A_388 : vector<16xf32>
        %add3A_390 = arith.addf %add3A_356, %add3A_389 : vector<16xf32>
        %get3A_391 = arith.index_cast %scan3A_62 : i32 to index
        %get3A_392 = arith.constant 64 : index
        %get3A_393 = tpu.vector_load %arg4[%get3A_391, %get3A_392] {strides = array<i32>} : memref<24x512xf32, #tpu.memory_space<vmem>>, vector<1x16xf32>,
        %get3A_394 = vector.shape_cast %get3A_393 : vector<1x16xf32> to vector<16xf32>
        %get3A_395 = arith.index_cast %scan3A_62 : i32 to index
        %get3A_396 = arith.constant 65 : index
        %get3A_397 = tpu.vector_load %arg4[%get3A_395, %get3A_396] {strides = array<i32>} : memref<24x512xf32, #tpu.memory_space<vmem>>, vector<1x16xf32>,
        %get3A_398 = vector.shape_cast %get3A_397 : vector<1x16xf32> to vector<16xf32>
        %add3A_399 = arith.constant 1 : i32
        %add3A_400 = arith.addi %scan3A_62, %add3A_399 : i32
        %get3A_401 = arith.index_cast %add3A_400 : i32 to index
        %get3A_402 = arith.constant 64 : index
        %get3A_403 = tpu.vector_load %arg4[%get3A_401, %get3A_402] {strides = array<i32>} : memref<24x512xf32, #tpu.memory_space<vmem>>, vector<1x16xf32>,
        %get3A_404 = vector.shape_cast %get3A_403 : vector<1x16xf32> to vector<16xf32>
        %sub3A_405 = arith.subf %get3A_398, %get3A_394 : vector<16xf32>
        %mul3A_406 = arith.constant 0.159154937 : f32
        %mul3A_407 = vector.broadcast %mul3A_406 : f32 to vector<16xf32>
        %mul3A_408 = arith.mulf %sub3A_405, %mul3A_407 : vector<16xf32>
        %add3A_409 = arith.constant 0x4B400000 : f32
        %add3A_410 = vector.broadcast %add3A_409 : f32 to vector<16xf32>
        %add3A_411 = arith.addf %mul3A_408, %add3A_410 : vector<16xf32>
        %sub3A_412 = arith.constant 0x4B400000 : f32
        %sub3A_413 = vector.broadcast %sub3A_412 : f32 to vector<16xf32>
        %sub3A_414 = arith.subf %add3A_411, %sub3A_413 : vector<16xf32>
        %mul3A_415 = arith.constant 6.28318548 : f32
        %mul3A_416 = vector.broadcast %mul3A_415 : f32 to vector<16xf32>
        %mul3A_417 = arith.mulf %sub3A_414, %mul3A_416 : vector<16xf32>
        %sub3A_418 = arith.subf %sub3A_405, %mul3A_417 : vector<16xf32>
        %mul3A_419 = arith.mulf %sub3A_418, %sub3A_418 : vector<16xf32>
        %mul3A_420 = arith.constant 1.90652427E-5 : f32
        %mul3A_421 = vector.broadcast %mul3A_420 : f32 to vector<16xf32>
        %mul3A_422 = arith.mulf %mul3A_421, %mul3A_419 : vector<16xf32>
        %add3A_423 = arith.constant -0.00134410732 : f32
        %add3A_424 = vector.broadcast %add3A_423 : f32 to vector<16xf32>
        %add3A_425 = arith.addf %mul3A_422, %add3A_424 : vector<16xf32>
        %mul3A_426 = arith.mulf %add3A_425, %mul3A_419 : vector<16xf32>
        %add3A_427 = arith.constant 0.0415223055 : f32
        %add3A_428 = vector.broadcast %add3A_427 : f32 to vector<16xf32>
        %add3A_429 = arith.addf %mul3A_426, %add3A_428 : vector<16xf32>
        %mul3A_430 = arith.mulf %add3A_429, %mul3A_419 : vector<16xf32>
        %add3A_431 = arith.constant -0.499837607 : f32
        %add3A_432 = vector.broadcast %add3A_431 : f32 to vector<16xf32>
        %add3A_433 = arith.addf %mul3A_430, %add3A_432 : vector<16xf32>
        %mul3A_434 = arith.mulf %add3A_433, %mul3A_419 : vector<16xf32>
        %add3A_435 = arith.constant 0.999971091 : f32
        %add3A_436 = vector.broadcast %add3A_435 : f32 to vector<16xf32>
        %add3A_437 = arith.addf %mul3A_434, %add3A_436 : vector<16xf32>
        %add3A_438 = arith.addf %add3A_390, %add3A_437 : vector<16xf32>
        %sub3A_439 = arith.subf %get3A_404, %get3A_394 : vector<16xf32>
        %mul3A_440 = arith.constant 0.159154937 : f32
        %mul3A_441 = vector.broadcast %mul3A_440 : f32 to vector<16xf32>
        %mul3A_442 = arith.mulf %sub3A_439, %mul3A_441 : vector<16xf32>
        %add3A_443 = arith.constant 0x4B400000 : f32
        %add3A_444 = vector.broadcast %add3A_443 : f32 to vector<16xf32>
        %add3A_445 = arith.addf %mul3A_442, %add3A_444 : vector<16xf32>
        %sub3A_446 = arith.constant 0x4B400000 : f32
        %sub3A_447 = vector.broadcast %sub3A_446 : f32 to vector<16xf32>
        %sub3A_448 = arith.subf %add3A_445, %sub3A_447 : vector<16xf32>
        %mul3A_449 = arith.constant 6.28318548 : f32
        %mul3A_450 = vector.broadcast %mul3A_449 : f32 to vector<16xf32>
        %mul3A_451 = arith.mulf %sub3A_448, %mul3A_450 : vector<16xf32>
        %sub3A_452 = arith.subf %sub3A_439, %mul3A_451 : vector<16xf32>
        %mul3A_453 = arith.mulf %sub3A_452, %sub3A_452 : vector<16xf32>
        %mul3A_454 = arith.constant 1.90652427E-5 : f32
        %mul3A_455 = vector.broadcast %mul3A_454 : f32 to vector<16xf32>
        %mul3A_456 = arith.mulf %mul3A_455, %mul3A_453 : vector<16xf32>
        %add3A_457 = arith.constant -0.00134410732 : f32
        %add3A_458 = vector.broadcast %add3A_457 : f32 to vector<16xf32>
        %add3A_459 = arith.addf %mul3A_456, %add3A_458 : vector<16xf32>
        %mul3A_460 = arith.mulf %add3A_459, %mul3A_453 : vector<16xf32>
        %add3A_461 = arith.constant 0.0415223055 : f32
        %add3A_462 = vector.broadcast %add3A_461 : f32 to vector<16xf32>
        %add3A_463 = arith.addf %mul3A_460, %add3A_462 : vector<16xf32>
        %mul3A_464 = arith.mulf %add3A_463, %mul3A_453 : vector<16xf32>
        %add3A_465 = arith.constant -0.499837607 : f32
        %add3A_466 = vector.broadcast %add3A_465 : f32 to vector<16xf32>
        %add3A_467 = arith.addf %mul3A_464, %add3A_466 : vector<16xf32>
        %mul3A_468 = arith.mulf %add3A_467, %mul3A_453 : vector<16xf32>
        %add3A_469 = arith.constant 0.999971091 : f32
        %add3A_470 = vector.broadcast %add3A_469 : f32 to vector<16xf32>
        %add3A_471 = arith.addf %mul3A_468, %add3A_470 : vector<16xf32>
        %add3A_472 = arith.addf %add3A_438, %add3A_471 : vector<16xf32>
        %get3A_473 = arith.index_cast %scan3A_62 : i32 to index
        %get3A_474 = arith.constant 80 : index
        %get3A_475 = tpu.vector_load %arg4[%get3A_473, %get3A_474] {strides = array<i32>} : memref<24x512xf32, #tpu.memory_space<vmem>>, vector<1x16xf32>,
        %get3A_476 = vector.shape_cast %get3A_475 : vector<1x16xf32> to vector<16xf32>
        %get3A_477 = arith.index_cast %scan3A_62 : i32 to index
        %get3A_478 = arith.constant 81 : index
        %get3A_479 = tpu.vector_load %arg4[%get3A_477, %get3A_478] {strides = array<i32>} : memref<24x512xf32, #tpu.memory_space<vmem>>, vector<1x16xf32>,
        %get3A_480 = vector.shape_cast %get3A_479 : vector<1x16xf32> to vector<16xf32>
        %add3A_481 = arith.constant 1 : i32
        %add3A_482 = arith.addi %scan3A_62, %add3A_481 : i32
        %get3A_483 = arith.index_cast %add3A_482 : i32 to index
        %get3A_484 = arith.constant 80 : index
        %get3A_485 = tpu.vector_load %arg4[%get3A_483, %get3A_484] {strides = array<i32>} : memref<24x512xf32, #tpu.memory_space<vmem>>, vector<1x16xf32>,
        %get3A_486 = vector.shape_cast %get3A_485 : vector<1x16xf32> to vector<16xf32>
        %sub3A_487 = arith.subf %get3A_480, %get3A_476 : vector<16xf32>
        %mul3A_488 = arith.constant 0.159154937 : f32
        %mul3A_489 = vector.broadcast %mul3A_488 : f32 to vector<16xf32>
        %mul3A_490 = arith.mulf %sub3A_487, %mul3A_489 : vector<16xf32>
        %add3A_491 = arith.constant 0x4B400000 : f32
        %add3A_492 = vector.broadcast %add3A_491 : f32 to vector<16xf32>
        %add3A_493 = arith.addf %mul3A_490, %add3A_492 : vector<16xf32>
        %sub3A_494 = arith.constant 0x4B400000 : f32
        %sub3A_495 = vector.broadcast %sub3A_494 : f32 to vector<16xf32>
        %sub3A_496 = arith.subf %add3A_493, %sub3A_495 : vector<16xf32>
        %mul3A_497 = arith.constant 6.28318548 : f32
        %mul3A_498 = vector.broadcast %mul3A_497 : f32 to vector<16xf32>
        %mul3A_499 = arith.mulf %sub3A_496, %mul3A_498 : vector<16xf32>
        %sub3A_500 = arith.subf %sub3A_487, %mul3A_499 : vector<16xf32>
        %mul3A_501 = arith.mulf %sub3A_500, %sub3A_500 : vector<16xf32>
        %mul3A_502 = arith.constant 1.90652427E-5 : f32
        %mul3A_503 = vector.broadcast %mul3A_502 : f32 to vector<16xf32>
        %mul3A_504 = arith.mulf %mul3A_503, %mul3A_501 : vector<16xf32>
        %add3A_505 = arith.constant -0.00134410732 : f32
        %add3A_506 = vector.broadcast %add3A_505 : f32 to vector<16xf32>
        %add3A_507 = arith.addf %mul3A_504, %add3A_506 : vector<16xf32>
        %mul3A_508 = arith.mulf %add3A_507, %mul3A_501 : vector<16xf32>
        %add3A_509 = arith.constant 0.0415223055 : f32
        %add3A_510 = vector.broadcast %add3A_509 : f32 to vector<16xf32>
        %add3A_511 = arith.addf %mul3A_508, %add3A_510 : vector<16xf32>
        %mul3A_512 = arith.mulf %add3A_511, %mul3A_501 : vector<16xf32>
        %add3A_513 = arith.constant -0.499837607 : f32
        %add3A_514 = vector.broadcast %add3A_513 : f32 to vector<16xf32>
        %add3A_515 = arith.addf %mul3A_512, %add3A_514 : vector<16xf32>
        %mul3A_516 = arith.mulf %add3A_515, %mul3A_501 : vector<16xf32>
        %add3A_517 = arith.constant 0.999971091 : f32
        %add3A_518 = vector.broadcast %add3A_517 : f32 to vector<16xf32>
        %add3A_519 = arith.addf %mul3A_516, %add3A_518 : vector<16xf32>
        %add3A_520 = arith.addf %add3A_472, %add3A_519 : vector<16xf32>
        %sub3A_521 = arith.subf %get3A_486, %get3A_476 : vector<16xf32>
        %mul3A_522 = arith.constant 0.159154937 : f32
        %mul3A_523 = vector.broadcast %mul3A_522 : f32 to vector<16xf32>
        %mul3A_524 = arith.mulf %sub3A_521, %mul3A_523 : vector<16xf32>
        %add3A_525 = arith.constant 0x4B400000 : f32
        %add3A_526 = vector.broadcast %add3A_525 : f32 to vector<16xf32>
        %add3A_527 = arith.addf %mul3A_524, %add3A_526 : vector<16xf32>
        %sub3A_528 = arith.constant 0x4B400000 : f32
        %sub3A_529 = vector.broadcast %sub3A_528 : f32 to vector<16xf32>
        %sub3A_530 = arith.subf %add3A_527, %sub3A_529 : vector<16xf32>
        %mul3A_531 = arith.constant 6.28318548 : f32
        %mul3A_532 = vector.broadcast %mul3A_531 : f32 to vector<16xf32>
        %mul3A_533 = arith.mulf %sub3A_530, %mul3A_532 : vector<16xf32>
        %sub3A_534 = arith.subf %sub3A_521, %mul3A_533 : vector<16xf32>
        %mul3A_535 = arith.mulf %sub3A_534, %sub3A_534 : vector<16xf32>
        %mul3A_536 = arith.constant 1.90652427E-5 : f32
        %mul3A_537 = vector.broadcast %mul3A_536 : f32 to vector<16xf32>
        %mul3A_538 = arith.mulf %mul3A_537, %mul3A_535 : vector<16xf32>
        %add3A_539 = arith.constant -0.00134410732 : f32
        %add3A_540 = vector.broadcast %add3A_539 : f32 to vector<16xf32>
        %add3A_541 = arith.addf %mul3A_538, %add3A_540 : vector<16xf32>
        %mul3A_542 = arith.mulf %add3A_541, %mul3A_535 : vector<16xf32>
        %add3A_543 = arith.constant 0.0415223055 : f32
        %add3A_544 = vector.broadcast %add3A_543 : f32 to vector<16xf32>
        %add3A_545 = arith.addf %mul3A_542, %add3A_544 : vector<16xf32>
        %mul3A_546 = arith.mulf %add3A_545, %mul3A_535 : vector<16xf32>
        %add3A_547 = arith.constant -0.499837607 : f32
        %add3A_548 = vector.broadcast %add3A_547 : f32 to vector<16xf32>
        %add3A_549 = arith.addf %mul3A_546, %add3A_548 : vector<16xf32>
        %mul3A_550 = arith.mulf %add3A_549, %mul3A_535 : vector<16xf32>
        %add3A_551 = arith.constant 0.999971091 : f32
        %add3A_552 = vector.broadcast %add3A_551 : f32 to vector<16xf32>
        %add3A_553 = arith.addf %mul3A_550, %add3A_552 : vector<16xf32>
        %add3A_554 = arith.addf %add3A_520, %add3A_553 : vector<16xf32>
        %get3A_555 = arith.index_cast %scan3A_62 : i32 to index
        %get3A_556 = arith.constant 96 : index
        %get3A_557 = tpu.vector_load %arg4[%get3A_555, %get3A_556] {strides = array<i32>} : memref<24x512xf32, #tpu.memory_space<vmem>>, vector<1x16xf32>,
        %get3A_558 = vector.shape_cast %get3A_557 : vector<1x16xf32> to vector<16xf32>
        %get3A_559 = arith.index_cast %scan3A_62 : i32 to index
        %get3A_560 = arith.constant 97 : index
        %get3A_561 = tpu.vector_load %arg4[%get3A_559, %get3A_560] {strides = array<i32>} : memref<24x512xf32, #tpu.memory_space<vmem>>, vector<1x16xf32>,
        %get3A_562 = vector.shape_cast %get3A_561 : vector<1x16xf32> to vector<16xf32>
        %add3A_563 = arith.constant 1 : i32
        %add3A_564 = arith.addi %scan3A_62, %add3A_563 : i32
        %get3A_565 = arith.index_cast %add3A_564 : i32 to index
        %get3A_566 = arith.constant 96 : index
        %get3A_567 = tpu.vector_load %arg4[%get3A_565, %get3A_566] {strides = array<i32>} : memref<24x512xf32, #tpu.memory_space<vmem>>, vector<1x16xf32>,
        %get3A_568 = vector.shape_cast %get3A_567 : vector<1x16xf32> to vector<16xf32>
        %sub3A_569 = arith.subf %get3A_562, %get3A_558 : vector<16xf32>
        %mul3A_570 = arith.constant 0.159154937 : f32
        %mul3A_571 = vector.broadcast %mul3A_570 : f32 to vector<16xf32>
        %mul3A_572 = arith.mulf %sub3A_569, %mul3A_571 : vector<16xf32>
        %add3A_573 = arith.constant 0x4B400000 : f32
        %add3A_574 = vector.broadcast %add3A_573 : f32 to vector<16xf32>
        %add3A_575 = arith.addf %mul3A_572, %add3A_574 : vector<16xf32>
        %sub3A_576 = arith.constant 0x4B400000 : f32
        %sub3A_577 = vector.broadcast %sub3A_576 : f32 to vector<16xf32>
        %sub3A_578 = arith.subf %add3A_575, %sub3A_577 : vector<16xf32>
        %mul3A_579 = arith.constant 6.28318548 : f32
        %mul3A_580 = vector.broadcast %mul3A_579 : f32 to vector<16xf32>
        %mul3A_581 = arith.mulf %sub3A_578, %mul3A_580 : vector<16xf32>
        %sub3A_582 = arith.subf %sub3A_569, %mul3A_581 : vector<16xf32>
        %mul3A_583 = arith.mulf %sub3A_582, %sub3A_582 : vector<16xf32>
        %mul3A_584 = arith.constant 1.90652427E-5 : f32
        %mul3A_585 = vector.broadcast %mul3A_584 : f32 to vector<16xf32>
        %mul3A_586 = arith.mulf %mul3A_585, %mul3A_583 : vector<16xf32>
        %add3A_587 = arith.constant -0.00134410732 : f32
        %add3A_588 = vector.broadcast %add3A_587 : f32 to vector<16xf32>
        %add3A_589 = arith.addf %mul3A_586, %add3A_588 : vector<16xf32>
        %mul3A_590 = arith.mulf %add3A_589, %mul3A_583 : vector<16xf32>
        %add3A_591 = arith.constant 0.0415223055 : f32
        %add3A_592 = vector.broadcast %add3A_591 : f32 to vector<16xf32>
        %add3A_593 = arith.addf %mul3A_590, %add3A_592 : vector<16xf32>
        %mul3A_594 = arith.mulf %add3A_593, %mul3A_583 : vector<16xf32>
        %add3A_595 = arith.constant -0.499837607 : f32
        %add3A_596 = vector.broadcast %add3A_595 : f32 to vector<16xf32>
        %add3A_597 = arith.addf %mul3A_594, %add3A_596 : vector<16xf32>
        %mul3A_598 = arith.mulf %add3A_597, %mul3A_583 : vector<16xf32>
        %add3A_599 = arith.constant 0.999971091 : f32
        %add3A_600 = vector.broadcast %add3A_599 : f32 to vector<16xf32>
        %add3A_601 = arith.addf %mul3A_598, %add3A_600 : vector<16xf32>
        %add3A_602 = arith.addf %add3A_554, %add3A_601 : vector<16xf32>
        %sub3A_603 = arith.subf %get3A_568, %get3A_558 : vector<16xf32>
        %mul3A_604 = arith.constant 0.159154937 : f32
        %mul3A_605 = vector.broadcast %mul3A_604 : f32 to vector<16xf32>
        %mul3A_606 = arith.mulf %sub3A_603, %mul3A_605 : vector<16xf32>
        %add3A_607 = arith.constant 0x4B400000 : f32
        %add3A_608 = vector.broadcast %add3A_607 : f32 to vector<16xf32>
        %add3A_609 = arith.addf %mul3A_606, %add3A_608 : vector<16xf32>
        %sub3A_610 = arith.constant 0x4B400000 : f32
        %sub3A_611 = vector.broadcast %sub3A_610 : f32 to vector<16xf32>
        %sub3A_612 = arith.subf %add3A_609, %sub3A_611 : vector<16xf32>
        %mul3A_613 = arith.constant 6.28318548 : f32
        %mul3A_614 = vector.broadcast %mul3A_613 : f32 to vector<16xf32>
        %mul3A_615 = arith.mulf %sub3A_612, %mul3A_614 : vector<16xf32>
        %sub3A_616 = arith.subf %sub3A_603, %mul3A_615 : vector<16xf32>
        %mul3A_617 = arith.mulf %sub3A_616, %sub3A_616 : vector<16xf32>
        %mul3A_618 = arith.constant 1.90652427E-5 : f32
        %mul3A_619 = vector.broadcast %mul3A_618 : f32 to vector<16xf32>
        %mul3A_620 = arith.mulf %mul3A_619, %mul3A_617 : vector<16xf32>
        %add3A_621 = arith.constant -0.00134410732 : f32
        %add3A_622 = vector.broadcast %add3A_621 : f32 to vector<16xf32>
        %add3A_623 = arith.addf %mul3A_620, %add3A_622 : vector<16xf32>
        %mul3A_624 = arith.mulf %add3A_623, %mul3A_617 : vector<16xf32>
        %add3A_625 = arith.constant 0.0415223055 : f32
        %add3A_626 = vector.broadcast %add3A_625 : f32 to vector<16xf32>
        %add3A_627 = arith.addf %mul3A_624, %add3A_626 : vector<16xf32>
        %mul3A_628 = arith.mulf %add3A_627, %mul3A_617 : vector<16xf32>
        %add3A_629 = arith.constant -0.499837607 : f32
        %add3A_630 = vector.broadcast %add3A_629 : f32 to vector<16xf32>
        %add3A_631 = arith.addf %mul3A_628, %add3A_630 : vector<16xf32>
        %mul3A_632 = arith.mulf %add3A_631, %mul3A_617 : vector<16xf32>
        %add3A_633 = arith.constant 0.999971091 : f32
        %add3A_634 = vector.broadcast %add3A_633 : f32 to vector<16xf32>
        %add3A_635 = arith.addf %mul3A_632, %add3A_634 : vector<16xf32>
        %add3A_636 = arith.addf %add3A_602, %add3A_635 : vector<16xf32>
        %get3A_637 = arith.index_cast %scan3A_62 : i32 to index
        %get3A_638 = arith.constant 112 : index
        %get3A_639 = tpu.vector_load %arg4[%get3A_637, %get3A_638] {strides = array<i32>} : memref<24x512xf32, #tpu.memory_space<vmem>>, vector<1x16xf32>,
        %get3A_640 = vector.shape_cast %get3A_639 : vector<1x16xf32> to vector<16xf32>
        %get3A_641 = arith.index_cast %scan3A_62 : i32 to index
        %get3A_642 = arith.constant 113 : index
        %get3A_643 = tpu.vector_load %arg4[%get3A_641, %get3A_642] {strides = array<i32>} : memref<24x512xf32, #tpu.memory_space<vmem>>, vector<1x16xf32>,
        %get3A_644 = vector.shape_cast %get3A_643 : vector<1x16xf32> to vector<16xf32>
        %add3A_645 = arith.constant 1 : i32
        %add3A_646 = arith.addi %scan3A_62, %add3A_645 : i32
        %get3A_647 = arith.index_cast %add3A_646 : i32 to index
        %get3A_648 = arith.constant 112 : index
        %get3A_649 = tpu.vector_load %arg4[%get3A_647, %get3A_648] {strides = array<i32>} : memref<24x512xf32, #tpu.memory_space<vmem>>, vector<1x16xf32>,
        %get3A_650 = vector.shape_cast %get3A_649 : vector<1x16xf32> to vector<16xf32>
        %sub3A_651 = arith.subf %get3A_644, %get3A_640 : vector<16xf32>
        %mul3A_652 = arith.constant 0.159154937 : f32
        %mul3A_653 = vector.broadcast %mul3A_652 : f32 to vector<16xf32>
        %mul3A_654 = arith.mulf %sub3A_651, %mul3A_653 : vector<16xf32>
        %add3A_655 = arith.constant 0x4B400000 : f32
        %add3A_656 = vector.broadcast %add3A_655 : f32 to vector<16xf32>
        %add3A_657 = arith.addf %mul3A_654, %add3A_656 : vector<16xf32>
        %sub3A_658 = arith.constant 0x4B400000 : f32
        %sub3A_659 = vector.broadcast %sub3A_658 : f32 to vector<16xf32>
        %sub3A_660 = arith.subf %add3A_657, %sub3A_659 : vector<16xf32>
        %mul3A_661 = arith.constant 6.28318548 : f32
        %mul3A_662 = vector.broadcast %mul3A_661 : f32 to vector<16xf32>
        %mul3A_663 = arith.mulf %sub3A_660, %mul3A_662 : vector<16xf32>
        %sub3A_664 = arith.subf %sub3A_651, %mul3A_663 : vector<16xf32>
        %mul3A_665 = arith.mulf %sub3A_664, %sub3A_664 : vector<16xf32>
        %mul3A_666 = arith.constant 1.90652427E-5 : f32
        %mul3A_667 = vector.broadcast %mul3A_666 : f32 to vector<16xf32>
        %mul3A_668 = arith.mulf %mul3A_667, %mul3A_665 : vector<16xf32>
        %add3A_669 = arith.constant -0.00134410732 : f32
        %add3A_670 = vector.broadcast %add3A_669 : f32 to vector<16xf32>
        %add3A_671 = arith.addf %mul3A_668, %add3A_670 : vector<16xf32>
        %mul3A_672 = arith.mulf %add3A_671, %mul3A_665 : vector<16xf32>
        %add3A_673 = arith.constant 0.0415223055 : f32
        %add3A_674 = vector.broadcast %add3A_673 : f32 to vector<16xf32>
        %add3A_675 = arith.addf %mul3A_672, %add3A_674 : vector<16xf32>
        %mul3A_676 = arith.mulf %add3A_675, %mul3A_665 : vector<16xf32>
        %add3A_677 = arith.constant -0.499837607 : f32
        %add3A_678 = vector.broadcast %add3A_677 : f32 to vector<16xf32>
        %add3A_679 = arith.addf %mul3A_676, %add3A_678 : vector<16xf32>
        %mul3A_680 = arith.mulf %add3A_679, %mul3A_665 : vector<16xf32>
        %add3A_681 = arith.constant 0.999971091 : f32
        %add3A_682 = vector.broadcast %add3A_681 : f32 to vector<16xf32>
        %add3A_683 = arith.addf %mul3A_680, %add3A_682 : vector<16xf32>
        %add3A_684 = arith.addf %add3A_636, %add3A_683 : vector<16xf32>
        %sub3A_685 = arith.subf %get3A_650, %get3A_640 : vector<16xf32>
        %mul3A_686 = arith.constant 0.159154937 : f32
        %mul3A_687 = vector.broadcast %mul3A_686 : f32 to vector<16xf32>
        %mul3A_688 = arith.mulf %sub3A_685, %mul3A_687 : vector<16xf32>
        %add3A_689 = arith.constant 0x4B400000 : f32
        %add3A_690 = vector.broadcast %add3A_689 : f32 to vector<16xf32>
        %add3A_691 = arith.addf %mul3A_688, %add3A_690 : vector<16xf32>
        %sub3A_692 = arith.constant 0x4B400000 : f32
        %sub3A_693 = vector.broadcast %sub3A_692 : f32 to vector<16xf32>
        %sub3A_694 = arith.subf %add3A_691, %sub3A_693 : vector<16xf32>
        %mul3A_695 = arith.constant 6.28318548 : f32
        %mul3A_696 = vector.broadcast %mul3A_695 : f32 to vector<16xf32>
        %mul3A_697 = arith.mulf %sub3A_694, %mul3A_696 : vector<16xf32>
        %sub3A_698 = arith.subf %sub3A_685, %mul3A_697 : vector<16xf32>
        %mul3A_699 = arith.mulf %sub3A_698, %sub3A_698 : vector<16xf32>
        %mul3A_700 = arith.constant 1.90652427E-5 : f32
        %mul3A_701 = vector.broadcast %mul3A_700 : f32 to vector<16xf32>
        %mul3A_702 = arith.mulf %mul3A_701, %mul3A_699 : vector<16xf32>
        %add3A_703 = arith.constant -0.00134410732 : f32
        %add3A_704 = vector.broadcast %add3A_703 : f32 to vector<16xf32>
        %add3A_705 = arith.addf %mul3A_702, %add3A_704 : vector<16xf32>
        %mul3A_706 = arith.mulf %add3A_705, %mul3A_699 : vector<16xf32>
        %add3A_707 = arith.constant 0.0415223055 : f32
        %add3A_708 = vector.broadcast %add3A_707 : f32 to vector<16xf32>
        %add3A_709 = arith.addf %mul3A_706, %add3A_708 : vector<16xf32>
        %mul3A_710 = arith.mulf %add3A_709, %mul3A_699 : vector<16xf32>
        %add3A_711 = arith.constant -0.499837607 : f32
        %add3A_712 = vector.broadcast %add3A_711 : f32 to vector<16xf32>
        %add3A_713 = arith.addf %mul3A_710, %add3A_712 : vector<16xf32>
        %mul3A_714 = arith.mulf %add3A_713, %mul3A_699 : vector<16xf32>
        %add3A_715 = arith.constant 0.999971091 : f32
        %add3A_716 = vector.broadcast %add3A_715 : f32 to vector<16xf32>
        %add3A_717 = arith.addf %mul3A_714, %add3A_716 : vector<16xf32>
        %add3A_718 = arith.addf %add3A_684, %add3A_717 : vector<16xf32>
        %get3A_719 = arith.index_cast %scan3A_62 : i32 to index
        %get3A_720 = arith.constant 128 : index
        %get3A_721 = tpu.vector_load %arg4[%get3A_719, %get3A_720] {strides = array<i32>} : memref<24x512xf32, #tpu.memory_space<vmem>>, vector<1x16xf32>,
        %get3A_722 = vector.shape_cast %get3A_721 : vector<1x16xf32> to vector<16xf32>
        %get3A_723 = arith.index_cast %scan3A_62 : i32 to index
        %get3A_724 = arith.constant 129 : index
        %get3A_725 = tpu.vector_load %arg4[%get3A_723, %get3A_724] {strides = array<i32>} : memref<24x512xf32, #tpu.memory_space<vmem>>, vector<1x16xf32>,
        %get3A_726 = vector.shape_cast %get3A_725 : vector<1x16xf32> to vector<16xf32>
        %add3A_727 = arith.constant 1 : i32
        %add3A_728 = arith.addi %scan3A_62, %add3A_727 : i32
        %get3A_729 = arith.index_cast %add3A_728 : i32 to index
        %get3A_730 = arith.constant 128 : index
        %get3A_731 = tpu.vector_load %arg4[%get3A_729, %get3A_730] {strides = array<i32>} : memref<24x512xf32, #tpu.memory_space<vmem>>, vector<1x16xf32>,
        %get3A_732 = vector.shape_cast %get3A_731 : vector<1x16xf32> to vector<16xf32>
        %sub3A_733 = arith.subf %get3A_726, %get3A_722 : vector<16xf32>
        %mul3A_734 = arith.constant 0.159154937 : f32
        %mul3A_735 = vector.broadcast %mul3A_734 : f32 to vector<16xf32>
        %mul3A_736 = arith.mulf %sub3A_733, %mul3A_735 : vector<16xf32>
        %add3A_737 = arith.constant 0x4B400000 : f32
        %add3A_738 = vector.broadcast %add3A_737 : f32 to vector<16xf32>
        %add3A_739 = arith.addf %mul3A_736, %add3A_738 : vector<16xf32>
        %sub3A_740 = arith.constant 0x4B400000 : f32
        %sub3A_741 = vector.broadcast %sub3A_740 : f32 to vector<16xf32>
        %sub3A_742 = arith.subf %add3A_739, %sub3A_741 : vector<16xf32>
        %mul3A_743 = arith.constant 6.28318548 : f32
        %mul3A_744 = vector.broadcast %mul3A_743 : f32 to vector<16xf32>
        %mul3A_745 = arith.mulf %sub3A_742, %mul3A_744 : vector<16xf32>
        %sub3A_746 = arith.subf %sub3A_733, %mul3A_745 : vector<16xf32>
        %mul3A_747 = arith.mulf %sub3A_746, %sub3A_746 : vector<16xf32>
        %mul3A_748 = arith.constant 1.90652427E-5 : f32
        %mul3A_749 = vector.broadcast %mul3A_748 : f32 to vector<16xf32>
        %mul3A_750 = arith.mulf %mul3A_749, %mul3A_747 : vector<16xf32>
        %add3A_751 = arith.constant -0.00134410732 : f32
        %add3A_752 = vector.broadcast %add3A_751 : f32 to vector<16xf32>
        %add3A_753 = arith.addf %mul3A_750, %add3A_752 : vector<16xf32>
        %mul3A_754 = arith.mulf %add3A_753, %mul3A_747 : vector<16xf32>
        %add3A_755 = arith.constant 0.0415223055 : f32
        %add3A_756 = vector.broadcast %add3A_755 : f32 to vector<16xf32>
        %add3A_757 = arith.addf %mul3A_754, %add3A_756 : vector<16xf32>
        %mul3A_758 = arith.mulf %add3A_757, %mul3A_747 : vector<16xf32>
        %add3A_759 = arith.constant -0.499837607 : f32
        %add3A_760 = vector.broadcast %add3A_759 : f32 to vector<16xf32>
        %add3A_761 = arith.addf %mul3A_758, %add3A_760 : vector<16xf32>
        %mul3A_762 = arith.mulf %add3A_761, %mul3A_747 : vector<16xf32>
        %add3A_763 = arith.constant 0.999971091 : f32
        %add3A_764 = vector.broadcast %add3A_763 : f32 to vector<16xf32>
        %add3A_765 = arith.addf %mul3A_762, %add3A_764 : vector<16xf32>
        %add3A_766 = arith.addf %add3A_718, %add3A_765 : vector<16xf32>
        %sub3A_767 = arith.subf %get3A_732, %get3A_722 : vector<16xf32>
        %mul3A_768 = arith.constant 0.159154937 : f32
        %mul3A_769 = vector.broadcast %mul3A_768 : f32 to vector<16xf32>
        %mul3A_770 = arith.mulf %sub3A_767, %mul3A_769 : vector<16xf32>
        %add3A_771 = arith.constant 0x4B400000 : f32
        %add3A_772 = vector.broadcast %add3A_771 : f32 to vector<16xf32>
        %add3A_773 = arith.addf %mul3A_770, %add3A_772 : vector<16xf32>
        %sub3A_774 = arith.constant 0x4B400000 : f32
        %sub3A_775 = vector.broadcast %sub3A_774 : f32 to vector<16xf32>
        %sub3A_776 = arith.subf %add3A_773, %sub3A_775 : vector<16xf32>
        %mul3A_777 = arith.constant 6.28318548 : f32
        %mul3A_778 = vector.broadcast %mul3A_777 : f32 to vector<16xf32>
        %mul3A_779 = arith.mulf %sub3A_776, %mul3A_778 : vector<16xf32>
        %sub3A_780 = arith.subf %sub3A_767, %mul3A_779 : vector<16xf32>
        %mul3A_781 = arith.mulf %sub3A_780, %sub3A_780 : vector<16xf32>
        %mul3A_782 = arith.constant 1.90652427E-5 : f32
        %mul3A_783 = vector.broadcast %mul3A_782 : f32 to vector<16xf32>
        %mul3A_784 = arith.mulf %mul3A_783, %mul3A_781 : vector<16xf32>
        %add3A_785 = arith.constant -0.00134410732 : f32
        %add3A_786 = vector.broadcast %add3A_785 : f32 to vector<16xf32>
        %add3A_787 = arith.addf %mul3A_784, %add3A_786 : vector<16xf32>
        %mul3A_788 = arith.mulf %add3A_787, %mul3A_781 : vector<16xf32>
        %add3A_789 = arith.constant 0.0415223055 : f32
        %add3A_790 = vector.broadcast %add3A_789 : f32 to vector<16xf32>
        %add3A_791 = arith.addf %mul3A_788, %add3A_790 : vector<16xf32>
        %mul3A_792 = arith.mulf %add3A_791, %mul3A_781 : vector<16xf32>
        %add3A_793 = arith.constant -0.499837607 : f32
        %add3A_794 = vector.broadcast %add3A_793 : f32 to vector<16xf32>
        %add3A_795 = arith.addf %mul3A_792, %add3A_794 : vector<16xf32>
        %mul3A_796 = arith.mulf %add3A_795, %mul3A_781 : vector<16xf32>
        %add3A_797 = arith.constant 0.999971091 : f32
        %add3A_798 = vector.broadcast %add3A_797 : f32 to vector<16xf32>
        %add3A_799 = arith.addf %mul3A_796, %add3A_798 : vector<16xf32>
        %add3A_800 = arith.addf %add3A_766, %add3A_799 : vector<16xf32>
        %get3A_801 = arith.index_cast %scan3A_62 : i32 to index
        %get3A_802 = arith.constant 144 : index
        %get3A_803 = tpu.vector_load %arg4[%get3A_801, %get3A_802] {strides = array<i32>} : memref<24x512xf32, #tpu.memory_space<vmem>>, vector<1x16xf32>,
        %get3A_804 = vector.shape_cast %get3A_803 : vector<1x16xf32> to vector<16xf32>
        %get3A_805 = arith.index_cast %scan3A_62 : i32 to index
        %get3A_806 = arith.constant 145 : index
        %get3A_807 = tpu.vector_load %arg4[%get3A_805, %get3A_806] {strides = array<i32>} : memref<24x512xf32, #tpu.memory_space<vmem>>, vector<1x16xf32>,
        %get3A_808 = vector.shape_cast %get3A_807 : vector<1x16xf32> to vector<16xf32>
        %add3A_809 = arith.constant 1 : i32
        %add3A_810 = arith.addi %scan3A_62, %add3A_809 : i32
        %get3A_811 = arith.index_cast %add3A_810 : i32 to index
        %get3A_812 = arith.constant 144 : index
        %get3A_813 = tpu.vector_load %arg4[%get3A_811, %get3A_812] {strides = array<i32>} : memref<24x512xf32, #tpu.memory_space<vmem>>, vector<1x16xf32>,
        %get3A_814 = vector.shape_cast %get3A_813 : vector<1x16xf32> to vector<16xf32>
        %sub3A_815 = arith.subf %get3A_808, %get3A_804 : vector<16xf32>
        %mul3A_816 = arith.constant 0.159154937 : f32
        %mul3A_817 = vector.broadcast %mul3A_816 : f32 to vector<16xf32>
        %mul3A_818 = arith.mulf %sub3A_815, %mul3A_817 : vector<16xf32>
        %add3A_819 = arith.constant 0x4B400000 : f32
        %add3A_820 = vector.broadcast %add3A_819 : f32 to vector<16xf32>
        %add3A_821 = arith.addf %mul3A_818, %add3A_820 : vector<16xf32>
        %sub3A_822 = arith.constant 0x4B400000 : f32
        %sub3A_823 = vector.broadcast %sub3A_822 : f32 to vector<16xf32>
        %sub3A_824 = arith.subf %add3A_821, %sub3A_823 : vector<16xf32>
        %mul3A_825 = arith.constant 6.28318548 : f32
        %mul3A_826 = vector.broadcast %mul3A_825 : f32 to vector<16xf32>
        %mul3A_827 = arith.mulf %sub3A_824, %mul3A_826 : vector<16xf32>
        %sub3A_828 = arith.subf %sub3A_815, %mul3A_827 : vector<16xf32>
        %mul3A_829 = arith.mulf %sub3A_828, %sub3A_828 : vector<16xf32>
        %mul3A_830 = arith.constant 1.90652427E-5 : f32
        %mul3A_831 = vector.broadcast %mul3A_830 : f32 to vector<16xf32>
        %mul3A_832 = arith.mulf %mul3A_831, %mul3A_829 : vector<16xf32>
        %add3A_833 = arith.constant -0.00134410732 : f32
        %add3A_834 = vector.broadcast %add3A_833 : f32 to vector<16xf32>
        %add3A_835 = arith.addf %mul3A_832, %add3A_834 : vector<16xf32>
        %mul3A_836 = arith.mulf %add3A_835, %mul3A_829 : vector<16xf32>
        %add3A_837 = arith.constant 0.0415223055 : f32
        %add3A_838 = vector.broadcast %add3A_837 : f32 to vector<16xf32>
        %add3A_839 = arith.addf %mul3A_836, %add3A_838 : vector<16xf32>
        %mul3A_840 = arith.mulf %add3A_839, %mul3A_829 : vector<16xf32>
        %add3A_841 = arith.constant -0.499837607 : f32
        %add3A_842 = vector.broadcast %add3A_841 : f32 to vector<16xf32>
        %add3A_843 = arith.addf %mul3A_840, %add3A_842 : vector<16xf32>
        %mul3A_844 = arith.mulf %add3A_843, %mul3A_829 : vector<16xf32>
        %add3A_845 = arith.constant 0.999971091 : f32
        %add3A_846 = vector.broadcast %add3A_845 : f32 to vector<16xf32>
        %add3A_847 = arith.addf %mul3A_844, %add3A_846 : vector<16xf32>
        %add3A_848 = arith.addf %add3A_800, %add3A_847 : vector<16xf32>
        %sub3A_849 = arith.subf %get3A_814, %get3A_804 : vector<16xf32>
        %mul3A_850 = arith.constant 0.159154937 : f32
        %mul3A_851 = vector.broadcast %mul3A_850 : f32 to vector<16xf32>
        %mul3A_852 = arith.mulf %sub3A_849, %mul3A_851 : vector<16xf32>
        %add3A_853 = arith.constant 0x4B400000 : f32
        %add3A_854 = vector.broadcast %add3A_853 : f32 to vector<16xf32>
        %add3A_855 = arith.addf %mul3A_852, %add3A_854 : vector<16xf32>
        %sub3A_856 = arith.constant 0x4B400000 : f32
        %sub3A_857 = vector.broadcast %sub3A_856 : f32 to vector<16xf32>
        %sub3A_858 = arith.subf %add3A_855, %sub3A_857 : vector<16xf32>
        %mul3A_859 = arith.constant 6.28318548 : f32
        %mul3A_860 = vector.broadcast %mul3A_859 : f32 to vector<16xf32>
        %mul3A_861 = arith.mulf %sub3A_858, %mul3A_860 : vector<16xf32>
        %sub3A_862 = arith.subf %sub3A_849, %mul3A_861 : vector<16xf32>
        %mul3A_863 = arith.mulf %sub3A_862, %sub3A_862 : vector<16xf32>
        %mul3A_864 = arith.constant 1.90652427E-5 : f32
        %mul3A_865 = vector.broadcast %mul3A_864 : f32 to vector<16xf32>
        %mul3A_866 = arith.mulf %mul3A_865, %mul3A_863 : vector<16xf32>
        %add3A_867 = arith.constant -0.00134410732 : f32
        %add3A_868 = vector.broadcast %add3A_867 : f32 to vector<16xf32>
        %add3A_869 = arith.addf %mul3A_866, %add3A_868 : vector<16xf32>
        %mul3A_870 = arith.mulf %add3A_869, %mul3A_863 : vector<16xf32>
        %add3A_871 = arith.constant 0.0415223055 : f32
        %add3A_872 = vector.broadcast %add3A_871 : f32 to vector<16xf32>
        %add3A_873 = arith.addf %mul3A_870, %add3A_872 : vector<16xf32>
        %mul3A_874 = arith.mulf %add3A_873, %mul3A_863 : vector<16xf32>
        %add3A_875 = arith.constant -0.499837607 : f32
        %add3A_876 = vector.broadcast %add3A_875 : f32 to vector<16xf32>
        %add3A_877 = arith.addf %mul3A_874, %add3A_876 : vector<16xf32>
        %mul3A_878 = arith.mulf %add3A_877, %mul3A_863 : vector<16xf32>
        %add3A_879 = arith.constant 0.999971091 : f32
        %add3A_880 = vector.broadcast %add3A_879 : f32 to vector<16xf32>
        %add3A_881 = arith.addf %mul3A_878, %add3A_880 : vector<16xf32>
        %add3A_882 = arith.addf %add3A_848, %add3A_881 : vector<16xf32>
        %get3A_883 = arith.index_cast %scan3A_62 : i32 to index
        %get3A_884 = arith.constant 160 : index
        %get3A_885 = tpu.vector_load %arg4[%get3A_883, %get3A_884] {strides = array<i32>} : memref<24x512xf32, #tpu.memory_space<vmem>>, vector<1x16xf32>,
        %get3A_886 = vector.shape_cast %get3A_885 : vector<1x16xf32> to vector<16xf32>
        %get3A_887 = arith.index_cast %scan3A_62 : i32 to index
        %get3A_888 = arith.constant 161 : index
        %get3A_889 = tpu.vector_load %arg4[%get3A_887, %get3A_888] {strides = array<i32>} : memref<24x512xf32, #tpu.memory_space<vmem>>, vector<1x16xf32>,
        %get3A_890 = vector.shape_cast %get3A_889 : vector<1x16xf32> to vector<16xf32>
        %add3A_891 = arith.constant 1 : i32
        %add3A_892 = arith.addi %scan3A_62, %add3A_891 : i32
        %get3A_893 = arith.index_cast %add3A_892 : i32 to index
        %get3A_894 = arith.constant 160 : index
        %get3A_895 = tpu.vector_load %arg4[%get3A_893, %get3A_894] {strides = array<i32>} : memref<24x512xf32, #tpu.memory_space<vmem>>, vector<1x16xf32>,
        %get3A_896 = vector.shape_cast %get3A_895 : vector<1x16xf32> to vector<16xf32>
        %sub3A_897 = arith.subf %get3A_890, %get3A_886 : vector<16xf32>
        %mul3A_898 = arith.constant 0.159154937 : f32
        %mul3A_899 = vector.broadcast %mul3A_898 : f32 to vector<16xf32>
        %mul3A_900 = arith.mulf %sub3A_897, %mul3A_899 : vector<16xf32>
        %add3A_901 = arith.constant 0x4B400000 : f32
        %add3A_902 = vector.broadcast %add3A_901 : f32 to vector<16xf32>
        %add3A_903 = arith.addf %mul3A_900, %add3A_902 : vector<16xf32>
        %sub3A_904 = arith.constant 0x4B400000 : f32
        %sub3A_905 = vector.broadcast %sub3A_904 : f32 to vector<16xf32>
        %sub3A_906 = arith.subf %add3A_903, %sub3A_905 : vector<16xf32>
        %mul3A_907 = arith.constant 6.28318548 : f32
        %mul3A_908 = vector.broadcast %mul3A_907 : f32 to vector<16xf32>
        %mul3A_909 = arith.mulf %sub3A_906, %mul3A_908 : vector<16xf32>
        %sub3A_910 = arith.subf %sub3A_897, %mul3A_909 : vector<16xf32>
        %mul3A_911 = arith.mulf %sub3A_910, %sub3A_910 : vector<16xf32>
        %mul3A_912 = arith.constant 1.90652427E-5 : f32
        %mul3A_913 = vector.broadcast %mul3A_912 : f32 to vector<16xf32>
        %mul3A_914 = arith.mulf %mul3A_913, %mul3A_911 : vector<16xf32>
        %add3A_915 = arith.constant -0.00134410732 : f32
        %add3A_916 = vector.broadcast %add3A_915 : f32 to vector<16xf32>
        %add3A_917 = arith.addf %mul3A_914, %add3A_916 : vector<16xf32>
        %mul3A_918 = arith.mulf %add3A_917, %mul3A_911 : vector<16xf32>
        %add3A_919 = arith.constant 0.0415223055 : f32
        %add3A_920 = vector.broadcast %add3A_919 : f32 to vector<16xf32>
        %add3A_921 = arith.addf %mul3A_918, %add3A_920 : vector<16xf32>
        %mul3A_922 = arith.mulf %add3A_921, %mul3A_911 : vector<16xf32>
        %add3A_923 = arith.constant -0.499837607 : f32
        %add3A_924 = vector.broadcast %add3A_923 : f32 to vector<16xf32>
        %add3A_925 = arith.addf %mul3A_922, %add3A_924 : vector<16xf32>
        %mul3A_926 = arith.mulf %add3A_925, %mul3A_911 : vector<16xf32>
        %add3A_927 = arith.constant 0.999971091 : f32
        %add3A_928 = vector.broadcast %add3A_927 : f32 to vector<16xf32>
        %add3A_929 = arith.addf %mul3A_926, %add3A_928 : vector<16xf32>
        %add3A_930 = arith.addf %add3A_882, %add3A_929 : vector<16xf32>
        %sub3A_931 = arith.subf %get3A_896, %get3A_886 : vector<16xf32>
        %mul3A_932 = arith.constant 0.159154937 : f32
        %mul3A_933 = vector.broadcast %mul3A_932 : f32 to vector<16xf32>
        %mul3A_934 = arith.mulf %sub3A_931, %mul3A_933 : vector<16xf32>
        %add3A_935 = arith.constant 0x4B400000 : f32
        %add3A_936 = vector.broadcast %add3A_935 : f32 to vector<16xf32>
        %add3A_937 = arith.addf %mul3A_934, %add3A_936 : vector<16xf32>
        %sub3A_938 = arith.constant 0x4B400000 : f32
        %sub3A_939 = vector.broadcast %sub3A_938 : f32 to vector<16xf32>
        %sub3A_940 = arith.subf %add3A_937, %sub3A_939 : vector<16xf32>
        %mul3A_941 = arith.constant 6.28318548 : f32
        %mul3A_942 = vector.broadcast %mul3A_941 : f32 to vector<16xf32>
        %mul3A_943 = arith.mulf %sub3A_940, %mul3A_942 : vector<16xf32>
        %sub3A_944 = arith.subf %sub3A_931, %mul3A_943 : vector<16xf32>
        %mul3A_945 = arith.mulf %sub3A_944, %sub3A_944 : vector<16xf32>
        %mul3A_946 = arith.constant 1.90652427E-5 : f32
        %mul3A_947 = vector.broadcast %mul3A_946 : f32 to vector<16xf32>
        %mul3A_948 = arith.mulf %mul3A_947, %mul3A_945 : vector<16xf32>
        %add3A_949 = arith.constant -0.00134410732 : f32
        %add3A_950 = vector.broadcast %add3A_949 : f32 to vector<16xf32>
        %add3A_951 = arith.addf %mul3A_948, %add3A_950 : vector<16xf32>
        %mul3A_952 = arith.mulf %add3A_951, %mul3A_945 : vector<16xf32>
        %add3A_953 = arith.constant 0.0415223055 : f32
        %add3A_954 = vector.broadcast %add3A_953 : f32 to vector<16xf32>
        %add3A_955 = arith.addf %mul3A_952, %add3A_954 : vector<16xf32>
        %mul3A_956 = arith.mulf %add3A_955, %mul3A_945 : vector<16xf32>
        %add3A_957 = arith.constant -0.499837607 : f32
        %add3A_958 = vector.broadcast %add3A_957 : f32 to vector<16xf32>
        %add3A_959 = arith.addf %mul3A_956, %add3A_958 : vector<16xf32>
        %mul3A_960 = arith.mulf %add3A_959, %mul3A_945 : vector<16xf32>
        %add3A_961 = arith.constant 0.999971091 : f32
        %add3A_962 = vector.broadcast %add3A_961 : f32 to vector<16xf32>
        %add3A_963 = arith.addf %mul3A_960, %add3A_962 : vector<16xf32>
        %add3A_964 = arith.addf %add3A_930, %add3A_963 : vector<16xf32>
        %get3A_965 = arith.index_cast %scan3A_62 : i32 to index
        %get3A_966 = arith.constant 176 : index
        %get3A_967 = tpu.vector_load %arg4[%get3A_965, %get3A_966] {strides = array<i32>} : memref<24x512xf32, #tpu.memory_space<vmem>>, vector<1x16xf32>,
        %get3A_968 = vector.shape_cast %get3A_967 : vector<1x16xf32> to vector<16xf32>
        %get3A_969 = arith.index_cast %scan3A_62 : i32 to index
        %get3A_970 = arith.constant 177 : index
        %get3A_971 = tpu.vector_load %arg4[%get3A_969, %get3A_970] {strides = array<i32>} : memref<24x512xf32, #tpu.memory_space<vmem>>, vector<1x16xf32>,
        %get3A_972 = vector.shape_cast %get3A_971 : vector<1x16xf32> to vector<16xf32>
        %add3A_973 = arith.constant 1 : i32
        %add3A_974 = arith.addi %scan3A_62, %add3A_973 : i32
        %get3A_975 = arith.index_cast %add3A_974 : i32 to index
        %get3A_976 = arith.constant 176 : index
        %get3A_977 = tpu.vector_load %arg4[%get3A_975, %get3A_976] {strides = array<i32>} : memref<24x512xf32, #tpu.memory_space<vmem>>, vector<1x16xf32>,
        %get3A_978 = vector.shape_cast %get3A_977 : vector<1x16xf32> to vector<16xf32>
        %sub3A_979 = arith.subf %get3A_972, %get3A_968 : vector<16xf32>
        %mul3A_980 = arith.constant 0.159154937 : f32
        %mul3A_981 = vector.broadcast %mul3A_980 : f32 to vector<16xf32>
        %mul3A_982 = arith.mulf %sub3A_979, %mul3A_981 : vector<16xf32>
        %add3A_983 = arith.constant 0x4B400000 : f32
        %add3A_984 = vector.broadcast %add3A_983 : f32 to vector<16xf32>
        %add3A_985 = arith.addf %mul3A_982, %add3A_984 : vector<16xf32>
        %sub3A_986 = arith.constant 0x4B400000 : f32
        %sub3A_987 = vector.broadcast %sub3A_986 : f32 to vector<16xf32>
        %sub3A_988 = arith.subf %add3A_985, %sub3A_987 : vector<16xf32>
        %mul3A_989 = arith.constant 6.28318548 : f32
        %mul3A_990 = vector.broadcast %mul3A_989 : f32 to vector<16xf32>
        %mul3A_991 = arith.mulf %sub3A_988, %mul3A_990 : vector<16xf32>
        %sub3A_992 = arith.subf %sub3A_979, %mul3A_991 : vector<16xf32>
        %mul3A_993 = arith.mulf %sub3A_992, %sub3A_992 : vector<16xf32>
        %mul3A_994 = arith.constant 1.90652427E-5 : f32
        %mul3A_995 = vector.broadcast %mul3A_994 : f32 to vector<16xf32>
        %mul3A_996 = arith.mulf %mul3A_995, %mul3A_993 : vector<16xf32>
        %add3A_997 = arith.constant -0.00134410732 : f32
        %add3A_998 = vector.broadcast %add3A_997 : f32 to vector<16xf32>
        %add3A_999 = arith.addf %mul3A_996, %add3A_998 : vector<16xf32>
        %mul3A_1000 = arith.mulf %add3A_999, %mul3A_993 : vector<16xf32>
        %add3A_1001 = arith.constant 0.0415223055 : f32
        %add3A_1002 = vector.broadcast %add3A_1001 : f32 to vector<16xf32>
        %add3A_1003 = arith.addf %mul3A_1000, %add3A_1002 : vector<16xf32>
        %mul3A_1004 = arith.mulf %add3A_1003, %mul3A_993 : vector<16xf32>
        %add3A_1005 = arith.constant -0.499837607 : f32
        %add3A_1006 = vector.broadcast %add3A_1005 : f32 to vector<16xf32>
        %add3A_1007 = arith.addf %mul3A_1004, %add3A_1006 : vector<16xf32>
        %mul3A_1008 = arith.mulf %add3A_1007, %mul3A_993 : vector<16xf32>
        %add3A_1009 = arith.constant 0.999971091 : f32
        %add3A_1010 = vector.broadcast %add3A_1009 : f32 to vector<16xf32>
        %add3A_1011 = arith.addf %mul3A_1008, %add3A_1010 : vector<16xf32>
        %add3A_1012 = arith.addf %add3A_964, %add3A_1011 : vector<16xf32>
        %sub3A_1013 = arith.subf %get3A_978, %get3A_968 : vector<16xf32>
        %mul3A_1014 = arith.constant 0.159154937 : f32
        %mul3A_1015 = vector.broadcast %mul3A_1014 : f32 to vector<16xf32>
        %mul3A_1016 = arith.mulf %sub3A_1013, %mul3A_1015 : vector<16xf32>
        %add3A_1017 = arith.constant 0x4B400000 : f32
        %add3A_1018 = vector.broadcast %add3A_1017 : f32 to vector<16xf32>
        %add3A_1019 = arith.addf %mul3A_1016, %add3A_1018 : vector<16xf32>
        %sub3A_1020 = arith.constant 0x4B400000 : f32
        %sub3A_1021 = vector.broadcast %sub3A_1020 : f32 to vector<16xf32>
        %sub3A_1022 = arith.subf %add3A_1019, %sub3A_1021 : vector<16xf32>
        %mul3A_1023 = arith.constant 6.28318548 : f32
        %mul3A_1024 = vector.broadcast %mul3A_1023 : f32 to vector<16xf32>
        %mul3A_1025 = arith.mulf %sub3A_1022, %mul3A_1024 : vector<16xf32>
        %sub3A_1026 = arith.subf %sub3A_1013, %mul3A_1025 : vector<16xf32>
        %mul3A_1027 = arith.mulf %sub3A_1026, %sub3A_1026 : vector<16xf32>
        %mul3A_1028 = arith.constant 1.90652427E-5 : f32
        %mul3A_1029 = vector.broadcast %mul3A_1028 : f32 to vector<16xf32>
        %mul3A_1030 = arith.mulf %mul3A_1029, %mul3A_1027 : vector<16xf32>
        %add3A_1031 = arith.constant -0.00134410732 : f32
        %add3A_1032 = vector.broadcast %add3A_1031 : f32 to vector<16xf32>
        %add3A_1033 = arith.addf %mul3A_1030, %add3A_1032 : vector<16xf32>
        %mul3A_1034 = arith.mulf %add3A_1033, %mul3A_1027 : vector<16xf32>
        %add3A_1035 = arith.constant 0.0415223055 : f32
        %add3A_1036 = vector.broadcast %add3A_1035 : f32 to vector<16xf32>
        %add3A_1037 = arith.addf %mul3A_1034, %add3A_1036 : vector<16xf32>
        %mul3A_1038 = arith.mulf %add3A_1037, %mul3A_1027 : vector<16xf32>
        %add3A_1039 = arith.constant -0.499837607 : f32
        %add3A_1040 = vector.broadcast %add3A_1039 : f32 to vector<16xf32>
        %add3A_1041 = arith.addf %mul3A_1038, %add3A_1040 : vector<16xf32>
        %mul3A_1042 = arith.mulf %add3A_1041, %mul3A_1027 : vector<16xf32>
        %add3A_1043 = arith.constant 0.999971091 : f32
        %add3A_1044 = vector.broadcast %add3A_1043 : f32 to vector<16xf32>
        %add3A_1045 = arith.addf %mul3A_1042, %add3A_1044 : vector<16xf32>
        %add3A_1046 = arith.addf %add3A_1012, %add3A_1045 : vector<16xf32>
        %get3A_1047 = arith.index_cast %scan3A_62 : i32 to index
        %get3A_1048 = arith.constant 192 : index
        %get3A_1049 = tpu.vector_load %arg4[%get3A_1047, %get3A_1048] {strides = array<i32>} : memref<24x512xf32, #tpu.memory_space<vmem>>, vector<1x16xf32>,
        %get3A_1050 = vector.shape_cast %get3A_1049 : vector<1x16xf32> to vector<16xf32>
        %get3A_1051 = arith.index_cast %scan3A_62 : i32 to index
        %get3A_1052 = arith.constant 193 : index
        %get3A_1053 = tpu.vector_load %arg4[%get3A_1051, %get3A_1052] {strides = array<i32>} : memref<24x512xf32, #tpu.memory_space<vmem>>, vector<1x16xf32>,
        %get3A_1054 = vector.shape_cast %get3A_1053 : vector<1x16xf32> to vector<16xf32>
        %add3A_1055 = arith.constant 1 : i32
        %add3A_1056 = arith.addi %scan3A_62, %add3A_1055 : i32
        %get3A_1057 = arith.index_cast %add3A_1056 : i32 to index
        %get3A_1058 = arith.constant 192 : index
        %get3A_1059 = tpu.vector_load %arg4[%get3A_1057, %get3A_1058] {strides = array<i32>} : memref<24x512xf32, #tpu.memory_space<vmem>>, vector<1x16xf32>,
        %get3A_1060 = vector.shape_cast %get3A_1059 : vector<1x16xf32> to vector<16xf32>
        %sub3A_1061 = arith.subf %get3A_1054, %get3A_1050 : vector<16xf32>
        %mul3A_1062 = arith.constant 0.159154937 : f32
        %mul3A_1063 = vector.broadcast %mul3A_1062 : f32 to vector<16xf32>
        %mul3A_1064 = arith.mulf %sub3A_1061, %mul3A_1063 : vector<16xf32>
        %add3A_1065 = arith.constant 0x4B400000 : f32
        %add3A_1066 = vector.broadcast %add3A_1065 : f32 to vector<16xf32>
        %add3A_1067 = arith.addf %mul3A_1064, %add3A_1066 : vector<16xf32>
        %sub3A_1068 = arith.constant 0x4B400000 : f32
        %sub3A_1069 = vector.broadcast %sub3A_1068 : f32 to vector<16xf32>
        %sub3A_1070 = arith.subf %add3A_1067, %sub3A_1069 : vector<16xf32>
        %mul3A_1071 = arith.constant 6.28318548 : f32
        %mul3A_1072 = vector.broadcast %mul3A_1071 : f32 to vector<16xf32>
        %mul3A_1073 = arith.mulf %sub3A_1070, %mul3A_1072 : vector<16xf32>
        %sub3A_1074 = arith.subf %sub3A_1061, %mul3A_1073 : vector<16xf32>
        %mul3A_1075 = arith.mulf %sub3A_1074, %sub3A_1074 : vector<16xf32>
        %mul3A_1076 = arith.constant 1.90652427E-5 : f32
        %mul3A_1077 = vector.broadcast %mul3A_1076 : f32 to vector<16xf32>
        %mul3A_1078 = arith.mulf %mul3A_1077, %mul3A_1075 : vector<16xf32>
        %add3A_1079 = arith.constant -0.00134410732 : f32
        %add3A_1080 = vector.broadcast %add3A_1079 : f32 to vector<16xf32>
        %add3A_1081 = arith.addf %mul3A_1078, %add3A_1080 : vector<16xf32>
        %mul3A_1082 = arith.mulf %add3A_1081, %mul3A_1075 : vector<16xf32>
        %add3A_1083 = arith.constant 0.0415223055 : f32
        %add3A_1084 = vector.broadcast %add3A_1083 : f32 to vector<16xf32>
        %add3A_1085 = arith.addf %mul3A_1082, %add3A_1084 : vector<16xf32>
        %mul3A_1086 = arith.mulf %add3A_1085, %mul3A_1075 : vector<16xf32>
        %add3A_1087 = arith.constant -0.499837607 : f32
        %add3A_1088 = vector.broadcast %add3A_1087 : f32 to vector<16xf32>
        %add3A_1089 = arith.addf %mul3A_1086, %add3A_1088 : vector<16xf32>
        %mul3A_1090 = arith.mulf %add3A_1089, %mul3A_1075 : vector<16xf32>
        %add3A_1091 = arith.constant 0.999971091 : f32
        %add3A_1092 = vector.broadcast %add3A_1091 : f32 to vector<16xf32>
        %add3A_1093 = arith.addf %mul3A_1090, %add3A_1092 : vector<16xf32>
        %add3A_1094 = arith.addf %add3A_1046, %add3A_1093 : vector<16xf32>
        %sub3A_1095 = arith.subf %get3A_1060, %get3A_1050 : vector<16xf32>
        %mul3A_1096 = arith.constant 0.159154937 : f32
        %mul3A_1097 = vector.broadcast %mul3A_1096 : f32 to vector<16xf32>
        %mul3A_1098 = arith.mulf %sub3A_1095, %mul3A_1097 : vector<16xf32>
        %add3A_1099 = arith.constant 0x4B400000 : f32
        %add3A_1100 = vector.broadcast %add3A_1099 : f32 to vector<16xf32>
        %add3A_1101 = arith.addf %mul3A_1098, %add3A_1100 : vector<16xf32>
        %sub3A_1102 = arith.constant 0x4B400000 : f32
        %sub3A_1103 = vector.broadcast %sub3A_1102 : f32 to vector<16xf32>
        %sub3A_1104 = arith.subf %add3A_1101, %sub3A_1103 : vector<16xf32>
        %mul3A_1105 = arith.constant 6.28318548 : f32
        %mul3A_1106 = vector.broadcast %mul3A_1105 : f32 to vector<16xf32>
        %mul3A_1107 = arith.mulf %sub3A_1104, %mul3A_1106 : vector<16xf32>
        %sub3A_1108 = arith.subf %sub3A_1095, %mul3A_1107 : vector<16xf32>
        %mul3A_1109 = arith.mulf %sub3A_1108, %sub3A_1108 : vector<16xf32>
        %mul3A_1110 = arith.constant 1.90652427E-5 : f32
        %mul3A_1111 = vector.broadcast %mul3A_1110 : f32 to vector<16xf32>
        %mul3A_1112 = arith.mulf %mul3A_1111, %mul3A_1109 : vector<16xf32>
        %add3A_1113 = arith.constant -0.00134410732 : f32
        %add3A_1114 = vector.broadcast %add3A_1113 : f32 to vector<16xf32>
        %add3A_1115 = arith.addf %mul3A_1112, %add3A_1114 : vector<16xf32>
        %mul3A_1116 = arith.mulf %add3A_1115, %mul3A_1109 : vector<16xf32>
        %add3A_1117 = arith.constant 0.0415223055 : f32
        %add3A_1118 = vector.broadcast %add3A_1117 : f32 to vector<16xf32>
        %add3A_1119 = arith.addf %mul3A_1116, %add3A_1118 : vector<16xf32>
        %mul3A_1120 = arith.mulf %add3A_1119, %mul3A_1109 : vector<16xf32>
        %add3A_1121 = arith.constant -0.499837607 : f32
        %add3A_1122 = vector.broadcast %add3A_1121 : f32 to vector<16xf32>
        %add3A_1123 = arith.addf %mul3A_1120, %add3A_1122 : vector<16xf32>
        %mul3A_1124 = arith.mulf %add3A_1123, %mul3A_1109 : vector<16xf32>
        %add3A_1125 = arith.constant 0.999971091 : f32
        %add3A_1126 = vector.broadcast %add3A_1125 : f32 to vector<16xf32>
        %add3A_1127 = arith.addf %mul3A_1124, %add3A_1126 : vector<16xf32>
        %add3A_1128 = arith.addf %add3A_1094, %add3A_1127 : vector<16xf32>
        %get3A_1129 = arith.index_cast %scan3A_62 : i32 to index
        %get3A_1130 = arith.constant 208 : index
        %get3A_1131 = tpu.vector_load %arg4[%get3A_1129, %get3A_1130] {strides = array<i32>} : memref<24x512xf32, #tpu.memory_space<vmem>>, vector<1x16xf32>,
        %get3A_1132 = vector.shape_cast %get3A_1131 : vector<1x16xf32> to vector<16xf32>
        %get3A_1133 = arith.index_cast %scan3A_62 : i32 to index
        %get3A_1134 = arith.constant 209 : index
        %get3A_1135 = tpu.vector_load %arg4[%get3A_1133, %get3A_1134] {strides = array<i32>} : memref<24x512xf32, #tpu.memory_space<vmem>>, vector<1x16xf32>,
        %get3A_1136 = vector.shape_cast %get3A_1135 : vector<1x16xf32> to vector<16xf32>
        %add3A_1137 = arith.constant 1 : i32
        %add3A_1138 = arith.addi %scan3A_62, %add3A_1137 : i32
        %get3A_1139 = arith.index_cast %add3A_1138 : i32 to index
        %get3A_1140 = arith.constant 208 : index
        %get3A_1141 = tpu.vector_load %arg4[%get3A_1139, %get3A_1140] {strides = array<i32>} : memref<24x512xf32, #tpu.memory_space<vmem>>, vector<1x16xf32>,
        %get3A_1142 = vector.shape_cast %get3A_1141 : vector<1x16xf32> to vector<16xf32>
        %sub3A_1143 = arith.subf %get3A_1136, %get3A_1132 : vector<16xf32>
        %mul3A_1144 = arith.constant 0.159154937 : f32
        %mul3A_1145 = vector.broadcast %mul3A_1144 : f32 to vector<16xf32>
        %mul3A_1146 = arith.mulf %sub3A_1143, %mul3A_1145 : vector<16xf32>
        %add3A_1147 = arith.constant 0x4B400000 : f32
        %add3A_1148 = vector.broadcast %add3A_1147 : f32 to vector<16xf32>
        %add3A_1149 = arith.addf %mul3A_1146, %add3A_1148 : vector<16xf32>
        %sub3A_1150 = arith.constant 0x4B400000 : f32
        %sub3A_1151 = vector.broadcast %sub3A_1150 : f32 to vector<16xf32>
        %sub3A_1152 = arith.subf %add3A_1149, %sub3A_1151 : vector<16xf32>
        %mul3A_1153 = arith.constant 6.28318548 : f32
        %mul3A_1154 = vector.broadcast %mul3A_1153 : f32 to vector<16xf32>
        %mul3A_1155 = arith.mulf %sub3A_1152, %mul3A_1154 : vector<16xf32>
        %sub3A_1156 = arith.subf %sub3A_1143, %mul3A_1155 : vector<16xf32>
        %mul3A_1157 = arith.mulf %sub3A_1156, %sub3A_1156 : vector<16xf32>
        %mul3A_1158 = arith.constant 1.90652427E-5 : f32
        %mul3A_1159 = vector.broadcast %mul3A_1158 : f32 to vector<16xf32>
        %mul3A_1160 = arith.mulf %mul3A_1159, %mul3A_1157 : vector<16xf32>
        %add3A_1161 = arith.constant -0.00134410732 : f32
        %add3A_1162 = vector.broadcast %add3A_1161 : f32 to vector<16xf32>
        %add3A_1163 = arith.addf %mul3A_1160, %add3A_1162 : vector<16xf32>
        %mul3A_1164 = arith.mulf %add3A_1163, %mul3A_1157 : vector<16xf32>
        %add3A_1165 = arith.constant 0.0415223055 : f32
        %add3A_1166 = vector.broadcast %add3A_1165 : f32 to vector<16xf32>
        %add3A_1167 = arith.addf %mul3A_1164, %add3A_1166 : vector<16xf32>
        %mul3A_1168 = arith.mulf %add3A_1167, %mul3A_1157 : vector<16xf32>
        %add3A_1169 = arith.constant -0.499837607 : f32
        %add3A_1170 = vector.broadcast %add3A_1169 : f32 to vector<16xf32>
        %add3A_1171 = arith.addf %mul3A_1168, %add3A_1170 : vector<16xf32>
        %mul3A_1172 = arith.mulf %add3A_1171, %mul3A_1157 : vector<16xf32>
        %add3A_1173 = arith.constant 0.999971091 : f32
        %add3A_1174 = vector.broadcast %add3A_1173 : f32 to vector<16xf32>
        %add3A_1175 = arith.addf %mul3A_1172, %add3A_1174 : vector<16xf32>
        %add3A_1176 = arith.addf %add3A_1128, %add3A_1175 : vector<16xf32>
        %sub3A_1177 = arith.subf %get3A_1142, %get3A_1132 : vector<16xf32>
        %mul3A_1178 = arith.constant 0.159154937 : f32
        %mul3A_1179 = vector.broadcast %mul3A_1178 : f32 to vector<16xf32>
        %mul3A_1180 = arith.mulf %sub3A_1177, %mul3A_1179 : vector<16xf32>
        %add3A_1181 = arith.constant 0x4B400000 : f32
        %add3A_1182 = vector.broadcast %add3A_1181 : f32 to vector<16xf32>
        %add3A_1183 = arith.addf %mul3A_1180, %add3A_1182 : vector<16xf32>
        %sub3A_1184 = arith.constant 0x4B400000 : f32
        %sub3A_1185 = vector.broadcast %sub3A_1184 : f32 to vector<16xf32>
        %sub3A_1186 = arith.subf %add3A_1183, %sub3A_1185 : vector<16xf32>
        %mul3A_1187 = arith.constant 6.28318548 : f32
        %mul3A_1188 = vector.broadcast %mul3A_1187 : f32 to vector<16xf32>
        %mul3A_1189 = arith.mulf %sub3A_1186, %mul3A_1188 : vector<16xf32>
        %sub3A_1190 = arith.subf %sub3A_1177, %mul3A_1189 : vector<16xf32>
        %mul3A_1191 = arith.mulf %sub3A_1190, %sub3A_1190 : vector<16xf32>
        %mul3A_1192 = arith.constant 1.90652427E-5 : f32
        %mul3A_1193 = vector.broadcast %mul3A_1192 : f32 to vector<16xf32>
        %mul3A_1194 = arith.mulf %mul3A_1193, %mul3A_1191 : vector<16xf32>
        %add3A_1195 = arith.constant -0.00134410732 : f32
        %add3A_1196 = vector.broadcast %add3A_1195 : f32 to vector<16xf32>
        %add3A_1197 = arith.addf %mul3A_1194, %add3A_1196 : vector<16xf32>
        %mul3A_1198 = arith.mulf %add3A_1197, %mul3A_1191 : vector<16xf32>
        %add3A_1199 = arith.constant 0.0415223055 : f32
        %add3A_1200 = vector.broadcast %add3A_1199 : f32 to vector<16xf32>
        %add3A_1201 = arith.addf %mul3A_1198, %add3A_1200 : vector<16xf32>
        %mul3A_1202 = arith.mulf %add3A_1201, %mul3A_1191 : vector<16xf32>
        %add3A_1203 = arith.constant -0.499837607 : f32
        %add3A_1204 = vector.broadcast %add3A_1203 : f32 to vector<16xf32>
        %add3A_1205 = arith.addf %mul3A_1202, %add3A_1204 : vector<16xf32>
        %mul3A_1206 = arith.mulf %add3A_1205, %mul3A_1191 : vector<16xf32>
        %add3A_1207 = arith.constant 0.999971091 : f32
        %add3A_1208 = vector.broadcast %add3A_1207 : f32 to vector<16xf32>
        %add3A_1209 = arith.addf %mul3A_1206, %add3A_1208 : vector<16xf32>
        %add3A_1210 = arith.addf %add3A_1176, %add3A_1209 : vector<16xf32>
        %get3A_1211 = arith.index_cast %scan3A_62 : i32 to index
        %get3A_1212 = arith.constant 224 : index
        %get3A_1213 = tpu.vector_load %arg4[%get3A_1211, %get3A_1212] {strides = array<i32>} : memref<24x512xf32, #tpu.memory_space<vmem>>, vector<1x16xf32>,
        %get3A_1214 = vector.shape_cast %get3A_1213 : vector<1x16xf32> to vector<16xf32>
        %get3A_1215 = arith.index_cast %scan3A_62 : i32 to index
        %get3A_1216 = arith.constant 225 : index
        %get3A_1217 = tpu.vector_load %arg4[%get3A_1215, %get3A_1216] {strides = array<i32>} : memref<24x512xf32, #tpu.memory_space<vmem>>, vector<1x16xf32>,
        %get3A_1218 = vector.shape_cast %get3A_1217 : vector<1x16xf32> to vector<16xf32>
        %add3A_1219 = arith.constant 1 : i32
        %add3A_1220 = arith.addi %scan3A_62, %add3A_1219 : i32
        %get3A_1221 = arith.index_cast %add3A_1220 : i32 to index
        %get3A_1222 = arith.constant 224 : index
        %get3A_1223 = tpu.vector_load %arg4[%get3A_1221, %get3A_1222] {strides = array<i32>} : memref<24x512xf32, #tpu.memory_space<vmem>>, vector<1x16xf32>,
        %get3A_1224 = vector.shape_cast %get3A_1223 : vector<1x16xf32> to vector<16xf32>
        %sub3A_1225 = arith.subf %get3A_1218, %get3A_1214 : vector<16xf32>
        %mul3A_1226 = arith.constant 0.159154937 : f32
        %mul3A_1227 = vector.broadcast %mul3A_1226 : f32 to vector<16xf32>
        %mul3A_1228 = arith.mulf %sub3A_1225, %mul3A_1227 : vector<16xf32>
        %add3A_1229 = arith.constant 0x4B400000 : f32
        %add3A_1230 = vector.broadcast %add3A_1229 : f32 to vector<16xf32>
        %add3A_1231 = arith.addf %mul3A_1228, %add3A_1230 : vector<16xf32>
        %sub3A_1232 = arith.constant 0x4B400000 : f32
        %sub3A_1233 = vector.broadcast %sub3A_1232 : f32 to vector<16xf32>
        %sub3A_1234 = arith.subf %add3A_1231, %sub3A_1233 : vector<16xf32>
        %mul3A_1235 = arith.constant 6.28318548 : f32
        %mul3A_1236 = vector.broadcast %mul3A_1235 : f32 to vector<16xf32>
        %mul3A_1237 = arith.mulf %sub3A_1234, %mul3A_1236 : vector<16xf32>
        %sub3A_1238 = arith.subf %sub3A_1225, %mul3A_1237 : vector<16xf32>
        %mul3A_1239 = arith.mulf %sub3A_1238, %sub3A_1238 : vector<16xf32>
        %mul3A_1240 = arith.constant 1.90652427E-5 : f32
        %mul3A_1241 = vector.broadcast %mul3A_1240 : f32 to vector<16xf32>
        %mul3A_1242 = arith.mulf %mul3A_1241, %mul3A_1239 : vector<16xf32>
        %add3A_1243 = arith.constant -0.00134410732 : f32
        %add3A_1244 = vector.broadcast %add3A_1243 : f32 to vector<16xf32>
        %add3A_1245 = arith.addf %mul3A_1242, %add3A_1244 : vector<16xf32>
        %mul3A_1246 = arith.mulf %add3A_1245, %mul3A_1239 : vector<16xf32>
        %add3A_1247 = arith.constant 0.0415223055 : f32
        %add3A_1248 = vector.broadcast %add3A_1247 : f32 to vector<16xf32>
        %add3A_1249 = arith.addf %mul3A_1246, %add3A_1248 : vector<16xf32>
        %mul3A_1250 = arith.mulf %add3A_1249, %mul3A_1239 : vector<16xf32>
        %add3A_1251 = arith.constant -0.499837607 : f32
        %add3A_1252 = vector.broadcast %add3A_1251 : f32 to vector<16xf32>
        %add3A_1253 = arith.addf %mul3A_1250, %add3A_1252 : vector<16xf32>
        %mul3A_1254 = arith.mulf %add3A_1253, %mul3A_1239 : vector<16xf32>
        %add3A_1255 = arith.constant 0.999971091 : f32
        %add3A_1256 = vector.broadcast %add3A_1255 : f32 to vector<16xf32>
        %add3A_1257 = arith.addf %mul3A_1254, %add3A_1256 : vector<16xf32>
        %add3A_1258 = arith.addf %add3A_1210, %add3A_1257 : vector<16xf32>
        %sub3A_1259 = arith.subf %get3A_1224, %get3A_1214 : vector<16xf32>
        %mul3A_1260 = arith.constant 0.159154937 : f32
        %mul3A_1261 = vector.broadcast %mul3A_1260 : f32 to vector<16xf32>
        %mul3A_1262 = arith.mulf %sub3A_1259, %mul3A_1261 : vector<16xf32>
        %add3A_1263 = arith.constant 0x4B400000 : f32
        %add3A_1264 = vector.broadcast %add3A_1263 : f32 to vector<16xf32>
        %add3A_1265 = arith.addf %mul3A_1262, %add3A_1264 : vector<16xf32>
        %sub3A_1266 = arith.constant 0x4B400000 : f32
        %sub3A_1267 = vector.broadcast %sub3A_1266 : f32 to vector<16xf32>
        %sub3A_1268 = arith.subf %add3A_1265, %sub3A_1267 : vector<16xf32>
        %mul3A_1269 = arith.constant 6.28318548 : f32
        %mul3A_1270 = vector.broadcast %mul3A_1269 : f32 to vector<16xf32>
        %mul3A_1271 = arith.mulf %sub3A_1268, %mul3A_1270 : vector<16xf32>
        %sub3A_1272 = arith.subf %sub3A_1259, %mul3A_1271 : vector<16xf32>
        %mul3A_1273 = arith.mulf %sub3A_1272, %sub3A_1272 : vector<16xf32>
        %mul3A_1274 = arith.constant 1.90652427E-5 : f32
        %mul3A_1275 = vector.broadcast %mul3A_1274 : f32 to vector<16xf32>
        %mul3A_1276 = arith.mulf %mul3A_1275, %mul3A_1273 : vector<16xf32>
        %add3A_1277 = arith.constant -0.00134410732 : f32
        %add3A_1278 = vector.broadcast %add3A_1277 : f32 to vector<16xf32>
        %add3A_1279 = arith.addf %mul3A_1276, %add3A_1278 : vector<16xf32>
        %mul3A_1280 = arith.mulf %add3A_1279, %mul3A_1273 : vector<16xf32>
        %add3A_1281 = arith.constant 0.0415223055 : f32
        %add3A_1282 = vector.broadcast %add3A_1281 : f32 to vector<16xf32>
        %add3A_1283 = arith.addf %mul3A_1280, %add3A_1282 : vector<16xf32>
        %mul3A_1284 = arith.mulf %add3A_1283, %mul3A_1273 : vector<16xf32>
        %add3A_1285 = arith.constant -0.499837607 : f32
        %add3A_1286 = vector.broadcast %add3A_1285 : f32 to vector<16xf32>
        %add3A_1287 = arith.addf %mul3A_1284, %add3A_1286 : vector<16xf32>
        %mul3A_1288 = arith.mulf %add3A_1287, %mul3A_1273 : vector<16xf32>
        %add3A_1289 = arith.constant 0.999971091 : f32
        %add3A_1290 = vector.broadcast %add3A_1289 : f32 to vector<16xf32>
        %add3A_1291 = arith.addf %mul3A_1288, %add3A_1290 : vector<16xf32>
        %add3A_1292 = arith.addf %add3A_1258, %add3A_1291 : vector<16xf32>
        %get3A_1293 = arith.index_cast %scan3A_62 : i32 to index
        %get3A_1294 = arith.constant 240 : index
        %get3A_1295 = tpu.vector_load %arg4[%get3A_1293, %get3A_1294] {strides = array<i32>} : memref<24x512xf32, #tpu.memory_space<vmem>>, vector<1x16xf32>,
        %get3A_1296 = vector.shape_cast %get3A_1295 : vector<1x16xf32> to vector<16xf32>
        %get3A_1297 = arith.index_cast %scan3A_62 : i32 to index
        %get3A_1298 = arith.constant 241 : index
        %get3A_1299 = tpu.vector_load %arg4[%get3A_1297, %get3A_1298] {strides = array<i32>} : memref<24x512xf32, #tpu.memory_space<vmem>>, vector<1x16xf32>,
        %get3A_1300 = vector.shape_cast %get3A_1299 : vector<1x16xf32> to vector<16xf32>
        %add3A_1301 = arith.constant 1 : i32
        %add3A_1302 = arith.addi %scan3A_62, %add3A_1301 : i32
        %get3A_1303 = arith.index_cast %add3A_1302 : i32 to index
        %get3A_1304 = arith.constant 240 : index
        %get3A_1305 = tpu.vector_load %arg4[%get3A_1303, %get3A_1304] {strides = array<i32>} : memref<24x512xf32, #tpu.memory_space<vmem>>, vector<1x16xf32>,
        %get3A_1306 = vector.shape_cast %get3A_1305 : vector<1x16xf32> to vector<16xf32>
        %sub3A_1307 = arith.subf %get3A_1300, %get3A_1296 : vector<16xf32>
        %mul3A_1308 = arith.constant 0.159154937 : f32
        %mul3A_1309 = vector.broadcast %mul3A_1308 : f32 to vector<16xf32>
        %mul3A_1310 = arith.mulf %sub3A_1307, %mul3A_1309 : vector<16xf32>
        %add3A_1311 = arith.constant 0x4B400000 : f32
        %add3A_1312 = vector.broadcast %add3A_1311 : f32 to vector<16xf32>
        %add3A_1313 = arith.addf %mul3A_1310, %add3A_1312 : vector<16xf32>
        %sub3A_1314 = arith.constant 0x4B400000 : f32
        %sub3A_1315 = vector.broadcast %sub3A_1314 : f32 to vector<16xf32>
        %sub3A_1316 = arith.subf %add3A_1313, %sub3A_1315 : vector<16xf32>
        %mul3A_1317 = arith.constant 6.28318548 : f32
        %mul3A_1318 = vector.broadcast %mul3A_1317 : f32 to vector<16xf32>
        %mul3A_1319 = arith.mulf %sub3A_1316, %mul3A_1318 : vector<16xf32>
        %sub3A_1320 = arith.subf %sub3A_1307, %mul3A_1319 : vector<16xf32>
        %mul3A_1321 = arith.mulf %sub3A_1320, %sub3A_1320 : vector<16xf32>
        %mul3A_1322 = arith.constant 1.90652427E-5 : f32
        %mul3A_1323 = vector.broadcast %mul3A_1322 : f32 to vector<16xf32>
        %mul3A_1324 = arith.mulf %mul3A_1323, %mul3A_1321 : vector<16xf32>
        %add3A_1325 = arith.constant -0.00134410732 : f32
        %add3A_1326 = vector.broadcast %add3A_1325 : f32 to vector<16xf32>
        %add3A_1327 = arith.addf %mul3A_1324, %add3A_1326 : vector<16xf32>
        %mul3A_1328 = arith.mulf %add3A_1327, %mul3A_1321 : vector<16xf32>
        %add3A_1329 = arith.constant 0.0415223055 : f32
        %add3A_1330 = vector.broadcast %add3A_1329 : f32 to vector<16xf32>
        %add3A_1331 = arith.addf %mul3A_1328, %add3A_1330 : vector<16xf32>
        %mul3A_1332 = arith.mulf %add3A_1331, %mul3A_1321 : vector<16xf32>
        %add3A_1333 = arith.constant -0.499837607 : f32
        %add3A_1334 = vector.broadcast %add3A_1333 : f32 to vector<16xf32>
        %add3A_1335 = arith.addf %mul3A_1332, %add3A_1334 : vector<16xf32>
        %mul3A_1336 = arith.mulf %add3A_1335, %mul3A_1321 : vector<16xf32>
        %add3A_1337 = arith.constant 0.999971091 : f32
        %add3A_1338 = vector.broadcast %add3A_1337 : f32 to vector<16xf32>
        %add3A_1339 = arith.addf %mul3A_1336, %add3A_1338 : vector<16xf32>
        %add3A_1340 = arith.addf %add3A_1292, %add3A_1339 : vector<16xf32>
        %sub3A_1341 = arith.subf %get3A_1306, %get3A_1296 : vector<16xf32>
        %mul3A_1342 = arith.constant 0.159154937 : f32
        %mul3A_1343 = vector.broadcast %mul3A_1342 : f32 to vector<16xf32>
        %mul3A_1344 = arith.mulf %sub3A_1341, %mul3A_1343 : vector<16xf32>
        %add3A_1345 = arith.constant 0x4B400000 : f32
        %add3A_1346 = vector.broadcast %add3A_1345 : f32 to vector<16xf32>
        %add3A_1347 = arith.addf %mul3A_1344, %add3A_1346 : vector<16xf32>
        %sub3A_1348 = arith.constant 0x4B400000 : f32
        %sub3A_1349 = vector.broadcast %sub3A_1348 : f32 to vector<16xf32>
        %sub3A_1350 = arith.subf %add3A_1347, %sub3A_1349 : vector<16xf32>
        %mul3A_1351 = arith.constant 6.28318548 : f32
        %mul3A_1352 = vector.broadcast %mul3A_1351 : f32 to vector<16xf32>
        %mul3A_1353 = arith.mulf %sub3A_1350, %mul3A_1352 : vector<16xf32>
        %sub3A_1354 = arith.subf %sub3A_1341, %mul3A_1353 : vector<16xf32>
        %mul3A_1355 = arith.mulf %sub3A_1354, %sub3A_1354 : vector<16xf32>
        %mul3A_1356 = arith.constant 1.90652427E-5 : f32
        %mul3A_1357 = vector.broadcast %mul3A_1356 : f32 to vector<16xf32>
        %mul3A_1358 = arith.mulf %mul3A_1357, %mul3A_1355 : vector<16xf32>
        %add3A_1359 = arith.constant -0.00134410732 : f32
        %add3A_1360 = vector.broadcast %add3A_1359 : f32 to vector<16xf32>
        %add3A_1361 = arith.addf %mul3A_1358, %add3A_1360 : vector<16xf32>
        %mul3A_1362 = arith.mulf %add3A_1361, %mul3A_1355 : vector<16xf32>
        %add3A_1363 = arith.constant 0.0415223055 : f32
        %add3A_1364 = vector.broadcast %add3A_1363 : f32 to vector<16xf32>
        %add3A_1365 = arith.addf %mul3A_1362, %add3A_1364 : vector<16xf32>
        %mul3A_1366 = arith.mulf %add3A_1365, %mul3A_1355 : vector<16xf32>
        %add3A_1367 = arith.constant -0.499837607 : f32
        %add3A_1368 = vector.broadcast %add3A_1367 : f32 to vector<16xf32>
        %add3A_1369 = arith.addf %mul3A_1366, %add3A_1368 : vector<16xf32>
        %mul3A_1370 = arith.mulf %add3A_1369, %mul3A_1355 : vector<16xf32>
        %add3A_1371 = arith.constant 0.999971091 : f32
        %add3A_1372 = vector.broadcast %add3A_1371 : f32 to vector<16xf32>
        %add3A_1373 = arith.addf %mul3A_1370, %add3A_1372 : vector<16xf32>
        %add3A_1374 = arith.addf %add3A_1340, %add3A_1373 : vector<16xf32>
        %get3A_1375 = arith.index_cast %scan3A_62 : i32 to index
        %get3A_1376 = arith.constant 256 : index
        %get3A_1377 = tpu.vector_load %arg4[%get3A_1375, %get3A_1376] {strides = array<i32>} : memref<24x512xf32, #tpu.memory_space<vmem>>, vector<1x16xf32>,
        %get3A_1378 = vector.shape_cast %get3A_1377 : vector<1x16xf32> to vector<16xf32>
        %get3A_1379 = arith.index_cast %scan3A_62 : i32 to index
        %get3A_1380 = arith.constant 257 : index
        %get3A_1381 = tpu.vector_load %arg4[%get3A_1379, %get3A_1380] {strides = array<i32>} : memref<24x512xf32, #tpu.memory_space<vmem>>, vector<1x16xf32>,
        %get3A_1382 = vector.shape_cast %get3A_1381 : vector<1x16xf32> to vector<16xf32>
        %add3A_1383 = arith.constant 1 : i32
        %add3A_1384 = arith.addi %scan3A_62, %add3A_1383 : i32
        %get3A_1385 = arith.index_cast %add3A_1384 : i32 to index
        %get3A_1386 = arith.constant 256 : index
        %get3A_1387 = tpu.vector_load %arg4[%get3A_1385, %get3A_1386] {strides = array<i32>} : memref<24x512xf32, #tpu.memory_space<vmem>>, vector<1x16xf32>,
        %get3A_1388 = vector.shape_cast %get3A_1387 : vector<1x16xf32> to vector<16xf32>
        %sub3A_1389 = arith.subf %get3A_1382, %get3A_1378 : vector<16xf32>
        %mul3A_1390 = arith.constant 0.159154937 : f32
        %mul3A_1391 = vector.broadcast %mul3A_1390 : f32 to vector<16xf32>
        %mul3A_1392 = arith.mulf %sub3A_1389, %mul3A_1391 : vector<16xf32>
        %add3A_1393 = arith.constant 0x4B400000 : f32
        %add3A_1394 = vector.broadcast %add3A_1393 : f32 to vector<16xf32>
        %add3A_1395 = arith.addf %mul3A_1392, %add3A_1394 : vector<16xf32>
        %sub3A_1396 = arith.constant 0x4B400000 : f32
        %sub3A_1397 = vector.broadcast %sub3A_1396 : f32 to vector<16xf32>
        %sub3A_1398 = arith.subf %add3A_1395, %sub3A_1397 : vector<16xf32>
        %mul3A_1399 = arith.constant 6.28318548 : f32
        %mul3A_1400 = vector.broadcast %mul3A_1399 : f32 to vector<16xf32>
        %mul3A_1401 = arith.mulf %sub3A_1398, %mul3A_1400 : vector<16xf32>
        %sub3A_1402 = arith.subf %sub3A_1389, %mul3A_1401 : vector<16xf32>
        %mul3A_1403 = arith.mulf %sub3A_1402, %sub3A_1402 : vector<16xf32>
        %mul3A_1404 = arith.constant 1.90652427E-5 : f32
        %mul3A_1405 = vector.broadcast %mul3A_1404 : f32 to vector<16xf32>
        %mul3A_1406 = arith.mulf %mul3A_1405, %mul3A_1403 : vector<16xf32>
        %add3A_1407 = arith.constant -0.00134410732 : f32
        %add3A_1408 = vector.broadcast %add3A_1407 : f32 to vector<16xf32>
        %add3A_1409 = arith.addf %mul3A_1406, %add3A_1408 : vector<16xf32>
        %mul3A_1410 = arith.mulf %add3A_1409, %mul3A_1403 : vector<16xf32>
        %add3A_1411 = arith.constant 0.0415223055 : f32
        %add3A_1412 = vector.broadcast %add3A_1411 : f32 to vector<16xf32>
        %add3A_1413 = arith.addf %mul3A_1410, %add3A_1412 : vector<16xf32>
        %mul3A_1414 = arith.mulf %add3A_1413, %mul3A_1403 : vector<16xf32>
        %add3A_1415 = arith.constant -0.499837607 : f32
        %add3A_1416 = vector.broadcast %add3A_1415 : f32 to vector<16xf32>
        %add3A_1417 = arith.addf %mul3A_1414, %add3A_1416 : vector<16xf32>
        %mul3A_1418 = arith.mulf %add3A_1417, %mul3A_1403 : vector<16xf32>
        %add3A_1419 = arith.constant 0.999971091 : f32
        %add3A_1420 = vector.broadcast %add3A_1419 : f32 to vector<16xf32>
        %add3A_1421 = arith.addf %mul3A_1418, %add3A_1420 : vector<16xf32>
        %add3A_1422 = arith.addf %add3A_1374, %add3A_1421 : vector<16xf32>
        %sub3A_1423 = arith.subf %get3A_1388, %get3A_1378 : vector<16xf32>
        %mul3A_1424 = arith.constant 0.159154937 : f32
        %mul3A_1425 = vector.broadcast %mul3A_1424 : f32 to vector<16xf32>
        %mul3A_1426 = arith.mulf %sub3A_1423, %mul3A_1425 : vector<16xf32>
        %add3A_1427 = arith.constant 0x4B400000 : f32
        %add3A_1428 = vector.broadcast %add3A_1427 : f32 to vector<16xf32>
        %add3A_1429 = arith.addf %mul3A_1426, %add3A_1428 : vector<16xf32>
        %sub3A_1430 = arith.constant 0x4B400000 : f32
        %sub3A_1431 = vector.broadcast %sub3A_1430 : f32 to vector<16xf32>
        %sub3A_1432 = arith.subf %add3A_1429, %sub3A_1431 : vector<16xf32>
        %mul3A_1433 = arith.constant 6.28318548 : f32
        %mul3A_1434 = vector.broadcast %mul3A_1433 : f32 to vector<16xf32>
        %mul3A_1435 = arith.mulf %sub3A_1432, %mul3A_1434 : vector<16xf32>
        %sub3A_1436 = arith.subf %sub3A_1423, %mul3A_1435 : vector<16xf32>
        %mul3A_1437 = arith.mulf %sub3A_1436, %sub3A_1436 : vector<16xf32>
        %mul3A_1438 = arith.constant 1.90652427E-5 : f32
        %mul3A_1439 = vector.broadcast %mul3A_1438 : f32 to vector<16xf32>
        %mul3A_1440 = arith.mulf %mul3A_1439, %mul3A_1437 : vector<16xf32>
        %add3A_1441 = arith.constant -0.00134410732 : f32
        %add3A_1442 = vector.broadcast %add3A_1441 : f32 to vector<16xf32>
        %add3A_1443 = arith.addf %mul3A_1440, %add3A_1442 : vector<16xf32>
        %mul3A_1444 = arith.mulf %add3A_1443, %mul3A_1437 : vector<16xf32>
        %add3A_1445 = arith.constant 0.0415223055 : f32
        %add3A_1446 = vector.broadcast %add3A_1445 : f32 to vector<16xf32>
        %add3A_1447 = arith.addf %mul3A_1444, %add3A_1446 : vector<16xf32>
        %mul3A_1448 = arith.mulf %add3A_1447, %mul3A_1437 : vector<16xf32>
        %add3A_1449 = arith.constant -0.499837607 : f32
        %add3A_1450 = vector.broadcast %add3A_1449 : f32 to vector<16xf32>
        %add3A_1451 = arith.addf %mul3A_1448, %add3A_1450 : vector<16xf32>
        %mul3A_1452 = arith.mulf %add3A_1451, %mul3A_1437 : vector<16xf32>
        %add3A_1453 = arith.constant 0.999971091 : f32
        %add3A_1454 = vector.broadcast %add3A_1453 : f32 to vector<16xf32>
        %add3A_1455 = arith.addf %mul3A_1452, %add3A_1454 : vector<16xf32>
        %add3A_1456 = arith.addf %add3A_1422, %add3A_1455 : vector<16xf32>
        %get3A_1457 = arith.index_cast %scan3A_62 : i32 to index
        %get3A_1458 = arith.constant 272 : index
        %get3A_1459 = tpu.vector_load %arg4[%get3A_1457, %get3A_1458] {strides = array<i32>} : memref<24x512xf32, #tpu.memory_space<vmem>>, vector<1x16xf32>,
        %get3A_1460 = vector.shape_cast %get3A_1459 : vector<1x16xf32> to vector<16xf32>
        %get3A_1461 = arith.index_cast %scan3A_62 : i32 to index
        %get3A_1462 = arith.constant 273 : index
        %get3A_1463 = tpu.vector_load %arg4[%get3A_1461, %get3A_1462] {strides = array<i32>} : memref<24x512xf32, #tpu.memory_space<vmem>>, vector<1x16xf32>,
        %get3A_1464 = vector.shape_cast %get3A_1463 : vector<1x16xf32> to vector<16xf32>
        %add3A_1465 = arith.constant 1 : i32
        %add3A_1466 = arith.addi %scan3A_62, %add3A_1465 : i32
        %get3A_1467 = arith.index_cast %add3A_1466 : i32 to index
        %get3A_1468 = arith.constant 272 : index
        %get3A_1469 = tpu.vector_load %arg4[%get3A_1467, %get3A_1468] {strides = array<i32>} : memref<24x512xf32, #tpu.memory_space<vmem>>, vector<1x16xf32>,
        %get3A_1470 = vector.shape_cast %get3A_1469 : vector<1x16xf32> to vector<16xf32>
        %sub3A_1471 = arith.subf %get3A_1464, %get3A_1460 : vector<16xf32>
        %mul3A_1472 = arith.constant 0.159154937 : f32
        %mul3A_1473 = vector.broadcast %mul3A_1472 : f32 to vector<16xf32>
        %mul3A_1474 = arith.mulf %sub3A_1471, %mul3A_1473 : vector<16xf32>
        %add3A_1475 = arith.constant 0x4B400000 : f32
        %add3A_1476 = vector.broadcast %add3A_1475 : f32 to vector<16xf32>
        %add3A_1477 = arith.addf %mul3A_1474, %add3A_1476 : vector<16xf32>
        %sub3A_1478 = arith.constant 0x4B400000 : f32
        %sub3A_1479 = vector.broadcast %sub3A_1478 : f32 to vector<16xf32>
        %sub3A_1480 = arith.subf %add3A_1477, %sub3A_1479 : vector<16xf32>
        %mul3A_1481 = arith.constant 6.28318548 : f32
        %mul3A_1482 = vector.broadcast %mul3A_1481 : f32 to vector<16xf32>
        %mul3A_1483 = arith.mulf %sub3A_1480, %mul3A_1482 : vector<16xf32>
        %sub3A_1484 = arith.subf %sub3A_1471, %mul3A_1483 : vector<16xf32>
        %mul3A_1485 = arith.mulf %sub3A_1484, %sub3A_1484 : vector<16xf32>
        %mul3A_1486 = arith.constant 1.90652427E-5 : f32
        %mul3A_1487 = vector.broadcast %mul3A_1486 : f32 to vector<16xf32>
        %mul3A_1488 = arith.mulf %mul3A_1487, %mul3A_1485 : vector<16xf32>
        %add3A_1489 = arith.constant -0.00134410732 : f32
        %add3A_1490 = vector.broadcast %add3A_1489 : f32 to vector<16xf32>
        %add3A_1491 = arith.addf %mul3A_1488, %add3A_1490 : vector<16xf32>
        %mul3A_1492 = arith.mulf %add3A_1491, %mul3A_1485 : vector<16xf32>
        %add3A_1493 = arith.constant 0.0415223055 : f32
        %add3A_1494 = vector.broadcast %add3A_1493 : f32 to vector<16xf32>
        %add3A_1495 = arith.addf %mul3A_1492, %add3A_1494 : vector<16xf32>
        %mul3A_1496 = arith.mulf %add3A_1495, %mul3A_1485 : vector<16xf32>
        %add3A_1497 = arith.constant -0.499837607 : f32
        %add3A_1498 = vector.broadcast %add3A_1497 : f32 to vector<16xf32>
        %add3A_1499 = arith.addf %mul3A_1496, %add3A_1498 : vector<16xf32>
        %mul3A_1500 = arith.mulf %add3A_1499, %mul3A_1485 : vector<16xf32>
        %add3A_1501 = arith.constant 0.999971091 : f32
        %add3A_1502 = vector.broadcast %add3A_1501 : f32 to vector<16xf32>
        %add3A_1503 = arith.addf %mul3A_1500, %add3A_1502 : vector<16xf32>
        %add3A_1504 = arith.addf %add3A_1456, %add3A_1503 : vector<16xf32>
        %sub3A_1505 = arith.subf %get3A_1470, %get3A_1460 : vector<16xf32>
        %mul3A_1506 = arith.constant 0.159154937 : f32
        %mul3A_1507 = vector.broadcast %mul3A_1506 : f32 to vector<16xf32>
        %mul3A_1508 = arith.mulf %sub3A_1505, %mul3A_1507 : vector<16xf32>
        %add3A_1509 = arith.constant 0x4B400000 : f32
        %add3A_1510 = vector.broadcast %add3A_1509 : f32 to vector<16xf32>
        %add3A_1511 = arith.addf %mul3A_1508, %add3A_1510 : vector<16xf32>
        %sub3A_1512 = arith.constant 0x4B400000 : f32
        %sub3A_1513 = vector.broadcast %sub3A_1512 : f32 to vector<16xf32>
        %sub3A_1514 = arith.subf %add3A_1511, %sub3A_1513 : vector<16xf32>
        %mul3A_1515 = arith.constant 6.28318548 : f32
        %mul3A_1516 = vector.broadcast %mul3A_1515 : f32 to vector<16xf32>
        %mul3A_1517 = arith.mulf %sub3A_1514, %mul3A_1516 : vector<16xf32>
        %sub3A_1518 = arith.subf %sub3A_1505, %mul3A_1517 : vector<16xf32>
        %mul3A_1519 = arith.mulf %sub3A_1518, %sub3A_1518 : vector<16xf32>
        %mul3A_1520 = arith.constant 1.90652427E-5 : f32
        %mul3A_1521 = vector.broadcast %mul3A_1520 : f32 to vector<16xf32>
        %mul3A_1522 = arith.mulf %mul3A_1521, %mul3A_1519 : vector<16xf32>
        %add3A_1523 = arith.constant -0.00134410732 : f32
        %add3A_1524 = vector.broadcast %add3A_1523 : f32 to vector<16xf32>
        %add3A_1525 = arith.addf %mul3A_1522, %add3A_1524 : vector<16xf32>
        %mul3A_1526 = arith.mulf %add3A_1525, %mul3A_1519 : vector<16xf32>
        %add3A_1527 = arith.constant 0.0415223055 : f32
        %add3A_1528 = vector.broadcast %add3A_1527 : f32 to vector<16xf32>
        %add3A_1529 = arith.addf %mul3A_1526, %add3A_1528 : vector<16xf32>
        %mul3A_1530 = arith.mulf %add3A_1529, %mul3A_1519 : vector<16xf32>
        %add3A_1531 = arith.constant -0.499837607 : f32
        %add3A_1532 = vector.broadcast %add3A_1531 : f32 to vector<16xf32>
        %add3A_1533 = arith.addf %mul3A_1530, %add3A_1532 : vector<16xf32>
        %mul3A_1534 = arith.mulf %add3A_1533, %mul3A_1519 : vector<16xf32>
        %add3A_1535 = arith.constant 0.999971091 : f32
        %add3A_1536 = vector.broadcast %add3A_1535 : f32 to vector<16xf32>
        %add3A_1537 = arith.addf %mul3A_1534, %add3A_1536 : vector<16xf32>
        %add3A_1538 = arith.addf %add3A_1504, %add3A_1537 : vector<16xf32>
        %get3A_1539 = arith.index_cast %scan3A_62 : i32 to index
        %get3A_1540 = arith.constant 288 : index
        %get3A_1541 = tpu.vector_load %arg4[%get3A_1539, %get3A_1540] {strides = array<i32>} : memref<24x512xf32, #tpu.memory_space<vmem>>, vector<1x16xf32>,
        %get3A_1542 = vector.shape_cast %get3A_1541 : vector<1x16xf32> to vector<16xf32>
        %get3A_1543 = arith.index_cast %scan3A_62 : i32 to index
        %get3A_1544 = arith.constant 289 : index
        %get3A_1545 = tpu.vector_load %arg4[%get3A_1543, %get3A_1544] {strides = array<i32>} : memref<24x512xf32, #tpu.memory_space<vmem>>, vector<1x16xf32>,
        %get3A_1546 = vector.shape_cast %get3A_1545 : vector<1x16xf32> to vector<16xf32>
        %add3A_1547 = arith.constant 1 : i32
        %add3A_1548 = arith.addi %scan3A_62, %add3A_1547 : i32
        %get3A_1549 = arith.index_cast %add3A_1548 : i32 to index
        %get3A_1550 = arith.constant 288 : index
        %get3A_1551 = tpu.vector_load %arg4[%get3A_1549, %get3A_1550] {strides = array<i32>} : memref<24x512xf32, #tpu.memory_space<vmem>>, vector<1x16xf32>,
        %get3A_1552 = vector.shape_cast %get3A_1551 : vector<1x16xf32> to vector<16xf32>
        %sub3A_1553 = arith.subf %get3A_1546, %get3A_1542 : vector<16xf32>
        %mul3A_1554 = arith.constant 0.159154937 : f32
        %mul3A_1555 = vector.broadcast %mul3A_1554 : f32 to vector<16xf32>
        %mul3A_1556 = arith.mulf %sub3A_1553, %mul3A_1555 : vector<16xf32>
        %add3A_1557 = arith.constant 0x4B400000 : f32
        %add3A_1558 = vector.broadcast %add3A_1557 : f32 to vector<16xf32>
        %add3A_1559 = arith.addf %mul3A_1556, %add3A_1558 : vector<16xf32>
        %sub3A_1560 = arith.constant 0x4B400000 : f32
        %sub3A_1561 = vector.broadcast %sub3A_1560 : f32 to vector<16xf32>
        %sub3A_1562 = arith.subf %add3A_1559, %sub3A_1561 : vector<16xf32>
        %mul3A_1563 = arith.constant 6.28318548 : f32
        %mul3A_1564 = vector.broadcast %mul3A_1563 : f32 to vector<16xf32>
        %mul3A_1565 = arith.mulf %sub3A_1562, %mul3A_1564 : vector<16xf32>
        %sub3A_1566 = arith.subf %sub3A_1553, %mul3A_1565 : vector<16xf32>
        %mul3A_1567 = arith.mulf %sub3A_1566, %sub3A_1566 : vector<16xf32>
        %mul3A_1568 = arith.constant 1.90652427E-5 : f32
        %mul3A_1569 = vector.broadcast %mul3A_1568 : f32 to vector<16xf32>
        %mul3A_1570 = arith.mulf %mul3A_1569, %mul3A_1567 : vector<16xf32>
        %add3A_1571 = arith.constant -0.00134410732 : f32
        %add3A_1572 = vector.broadcast %add3A_1571 : f32 to vector<16xf32>
        %add3A_1573 = arith.addf %mul3A_1570, %add3A_1572 : vector<16xf32>
        %mul3A_1574 = arith.mulf %add3A_1573, %mul3A_1567 : vector<16xf32>
        %add3A_1575 = arith.constant 0.0415223055 : f32
        %add3A_1576 = vector.broadcast %add3A_1575 : f32 to vector<16xf32>
        %add3A_1577 = arith.addf %mul3A_1574, %add3A_1576 : vector<16xf32>
        %mul3A_1578 = arith.mulf %add3A_1577, %mul3A_1567 : vector<16xf32>
        %add3A_1579 = arith.constant -0.499837607 : f32
        %add3A_1580 = vector.broadcast %add3A_1579 : f32 to vector<16xf32>
        %add3A_1581 = arith.addf %mul3A_1578, %add3A_1580 : vector<16xf32>
        %mul3A_1582 = arith.mulf %add3A_1581, %mul3A_1567 : vector<16xf32>
        %add3A_1583 = arith.constant 0.999971091 : f32
        %add3A_1584 = vector.broadcast %add3A_1583 : f32 to vector<16xf32>
        %add3A_1585 = arith.addf %mul3A_1582, %add3A_1584 : vector<16xf32>
        %add3A_1586 = arith.addf %add3A_1538, %add3A_1585 : vector<16xf32>
        %sub3A_1587 = arith.subf %get3A_1552, %get3A_1542 : vector<16xf32>
        %mul3A_1588 = arith.constant 0.159154937 : f32
        %mul3A_1589 = vector.broadcast %mul3A_1588 : f32 to vector<16xf32>
        %mul3A_1590 = arith.mulf %sub3A_1587, %mul3A_1589 : vector<16xf32>
        %add3A_1591 = arith.constant 0x4B400000 : f32
        %add3A_1592 = vector.broadcast %add3A_1591 : f32 to vector<16xf32>
        %add3A_1593 = arith.addf %mul3A_1590, %add3A_1592 : vector<16xf32>
        %sub3A_1594 = arith.constant 0x4B400000 : f32
        %sub3A_1595 = vector.broadcast %sub3A_1594 : f32 to vector<16xf32>
        %sub3A_1596 = arith.subf %add3A_1593, %sub3A_1595 : vector<16xf32>
        %mul3A_1597 = arith.constant 6.28318548 : f32
        %mul3A_1598 = vector.broadcast %mul3A_1597 : f32 to vector<16xf32>
        %mul3A_1599 = arith.mulf %sub3A_1596, %mul3A_1598 : vector<16xf32>
        %sub3A_1600 = arith.subf %sub3A_1587, %mul3A_1599 : vector<16xf32>
        %mul3A_1601 = arith.mulf %sub3A_1600, %sub3A_1600 : vector<16xf32>
        %mul3A_1602 = arith.constant 1.90652427E-5 : f32
        %mul3A_1603 = vector.broadcast %mul3A_1602 : f32 to vector<16xf32>
        %mul3A_1604 = arith.mulf %mul3A_1603, %mul3A_1601 : vector<16xf32>
        %add3A_1605 = arith.constant -0.00134410732 : f32
        %add3A_1606 = vector.broadcast %add3A_1605 : f32 to vector<16xf32>
        %add3A_1607 = arith.addf %mul3A_1604, %add3A_1606 : vector<16xf32>
        %mul3A_1608 = arith.mulf %add3A_1607, %mul3A_1601 : vector<16xf32>
        %add3A_1609 = arith.constant 0.0415223055 : f32
        %add3A_1610 = vector.broadcast %add3A_1609 : f32 to vector<16xf32>
        %add3A_1611 = arith.addf %mul3A_1608, %add3A_1610 : vector<16xf32>
        %mul3A_1612 = arith.mulf %add3A_1611, %mul3A_1601 : vector<16xf32>
        %add3A_1613 = arith.constant -0.499837607 : f32
        %add3A_1614 = vector.broadcast %add3A_1613 : f32 to vector<16xf32>
        %add3A_1615 = arith.addf %mul3A_1612, %add3A_1614 : vector<16xf32>
        %mul3A_1616 = arith.mulf %add3A_1615, %mul3A_1601 : vector<16xf32>
        %add3A_1617 = arith.constant 0.999971091 : f32
        %add3A_1618 = vector.broadcast %add3A_1617 : f32 to vector<16xf32>
        %add3A_1619 = arith.addf %mul3A_1616, %add3A_1618 : vector<16xf32>
        %add3A_1620 = arith.addf %add3A_1586, %add3A_1619 : vector<16xf32>
        %get3A_1621 = arith.index_cast %scan3A_62 : i32 to index
        %get3A_1622 = arith.constant 304 : index
        %get3A_1623 = tpu.vector_load %arg4[%get3A_1621, %get3A_1622] {strides = array<i32>} : memref<24x512xf32, #tpu.memory_space<vmem>>, vector<1x16xf32>,
        %get3A_1624 = vector.shape_cast %get3A_1623 : vector<1x16xf32> to vector<16xf32>
        %get3A_1625 = arith.index_cast %scan3A_62 : i32 to index
        %get3A_1626 = arith.constant 305 : index
        %get3A_1627 = tpu.vector_load %arg4[%get3A_1625, %get3A_1626] {strides = array<i32>} : memref<24x512xf32, #tpu.memory_space<vmem>>, vector<1x16xf32>,
        %get3A_1628 = vector.shape_cast %get3A_1627 : vector<1x16xf32> to vector<16xf32>
        %add3A_1629 = arith.constant 1 : i32
        %add3A_1630 = arith.addi %scan3A_62, %add3A_1629 : i32
        %get3A_1631 = arith.index_cast %add3A_1630 : i32 to index
        %get3A_1632 = arith.constant 304 : index
        %get3A_1633 = tpu.vector_load %arg4[%get3A_1631, %get3A_1632] {strides = array<i32>} : memref<24x512xf32, #tpu.memory_space<vmem>>, vector<1x16xf32>,
        %get3A_1634 = vector.shape_cast %get3A_1633 : vector<1x16xf32> to vector<16xf32>
        %sub3A_1635 = arith.subf %get3A_1628, %get3A_1624 : vector<16xf32>
        %mul3A_1636 = arith.constant 0.159154937 : f32
        %mul3A_1637 = vector.broadcast %mul3A_1636 : f32 to vector<16xf32>
        %mul3A_1638 = arith.mulf %sub3A_1635, %mul3A_1637 : vector<16xf32>
        %add3A_1639 = arith.constant 0x4B400000 : f32
        %add3A_1640 = vector.broadcast %add3A_1639 : f32 to vector<16xf32>
        %add3A_1641 = arith.addf %mul3A_1638, %add3A_1640 : vector<16xf32>
        %sub3A_1642 = arith.constant 0x4B400000 : f32
        %sub3A_1643 = vector.broadcast %sub3A_1642 : f32 to vector<16xf32>
        %sub3A_1644 = arith.subf %add3A_1641, %sub3A_1643 : vector<16xf32>
        %mul3A_1645 = arith.constant 6.28318548 : f32
        %mul3A_1646 = vector.broadcast %mul3A_1645 : f32 to vector<16xf32>
        %mul3A_1647 = arith.mulf %sub3A_1644, %mul3A_1646 : vector<16xf32>
        %sub3A_1648 = arith.subf %sub3A_1635, %mul3A_1647 : vector<16xf32>
        %mul3A_1649 = arith.mulf %sub3A_1648, %sub3A_1648 : vector<16xf32>
        %mul3A_1650 = arith.constant 1.90652427E-5 : f32
        %mul3A_1651 = vector.broadcast %mul3A_1650 : f32 to vector<16xf32>
        %mul3A_1652 = arith.mulf %mul3A_1651, %mul3A_1649 : vector<16xf32>
        %add3A_1653 = arith.constant -0.00134410732 : f32
        %add3A_1654 = vector.broadcast %add3A_1653 : f32 to vector<16xf32>
        %add3A_1655 = arith.addf %mul3A_1652, %add3A_1654 : vector<16xf32>
        %mul3A_1656 = arith.mulf %add3A_1655, %mul3A_1649 : vector<16xf32>
        %add3A_1657 = arith.constant 0.0415223055 : f32
        %add3A_1658 = vector.broadcast %add3A_1657 : f32 to vector<16xf32>
        %add3A_1659 = arith.addf %mul3A_1656, %add3A_1658 : vector<16xf32>
        %mul3A_1660 = arith.mulf %add3A_1659, %mul3A_1649 : vector<16xf32>
        %add3A_1661 = arith.constant -0.499837607 : f32
        %add3A_1662 = vector.broadcast %add3A_1661 : f32 to vector<16xf32>
        %add3A_1663 = arith.addf %mul3A_1660, %add3A_1662 : vector<16xf32>
        %mul3A_1664 = arith.mulf %add3A_1663, %mul3A_1649 : vector<16xf32>
        %add3A_1665 = arith.constant 0.999971091 : f32
        %add3A_1666 = vector.broadcast %add3A_1665 : f32 to vector<16xf32>
        %add3A_1667 = arith.addf %mul3A_1664, %add3A_1666 : vector<16xf32>
        %add3A_1668 = arith.addf %add3A_1620, %add3A_1667 : vector<16xf32>
        %sub3A_1669 = arith.subf %get3A_1634, %get3A_1624 : vector<16xf32>
        %mul3A_1670 = arith.constant 0.159154937 : f32
        %mul3A_1671 = vector.broadcast %mul3A_1670 : f32 to vector<16xf32>
        %mul3A_1672 = arith.mulf %sub3A_1669, %mul3A_1671 : vector<16xf32>
        %add3A_1673 = arith.constant 0x4B400000 : f32
        %add3A_1674 = vector.broadcast %add3A_1673 : f32 to vector<16xf32>
        %add3A_1675 = arith.addf %mul3A_1672, %add3A_1674 : vector<16xf32>
        %sub3A_1676 = arith.constant 0x4B400000 : f32
        %sub3A_1677 = vector.broadcast %sub3A_1676 : f32 to vector<16xf32>
        %sub3A_1678 = arith.subf %add3A_1675, %sub3A_1677 : vector<16xf32>
        %mul3A_1679 = arith.constant 6.28318548 : f32
        %mul3A_1680 = vector.broadcast %mul3A_1679 : f32 to vector<16xf32>
        %mul3A_1681 = arith.mulf %sub3A_1678, %mul3A_1680 : vector<16xf32>
        %sub3A_1682 = arith.subf %sub3A_1669, %mul3A_1681 : vector<16xf32>
        %mul3A_1683 = arith.mulf %sub3A_1682, %sub3A_1682 : vector<16xf32>
        %mul3A_1684 = arith.constant 1.90652427E-5 : f32
        %mul3A_1685 = vector.broadcast %mul3A_1684 : f32 to vector<16xf32>
        %mul3A_1686 = arith.mulf %mul3A_1685, %mul3A_1683 : vector<16xf32>
        %add3A_1687 = arith.constant -0.00134410732 : f32
        %add3A_1688 = vector.broadcast %add3A_1687 : f32 to vector<16xf32>
        %add3A_1689 = arith.addf %mul3A_1686, %add3A_1688 : vector<16xf32>
        %mul3A_1690 = arith.mulf %add3A_1689, %mul3A_1683 : vector<16xf32>
        %add3A_1691 = arith.constant 0.0415223055 : f32
        %add3A_1692 = vector.broadcast %add3A_1691 : f32 to vector<16xf32>
        %add3A_1693 = arith.addf %mul3A_1690, %add3A_1692 : vector<16xf32>
        %mul3A_1694 = arith.mulf %add3A_1693, %mul3A_1683 : vector<16xf32>
        %add3A_1695 = arith.constant -0.499837607 : f32
        %add3A_1696 = vector.broadcast %add3A_1695 : f32 to vector<16xf32>
        %add3A_1697 = arith.addf %mul3A_1694, %add3A_1696 : vector<16xf32>
        %mul3A_1698 = arith.mulf %add3A_1697, %mul3A_1683 : vector<16xf32>
        %add3A_1699 = arith.constant 0.999971091 : f32
        %add3A_1700 = vector.broadcast %add3A_1699 : f32 to vector<16xf32>
        %add3A_1701 = arith.addf %mul3A_1698, %add3A_1700 : vector<16xf32>
        %add3A_1702 = arith.addf %add3A_1668, %add3A_1701 : vector<16xf32>
        %get3A_1703 = arith.index_cast %scan3A_62 : i32 to index
        %get3A_1704 = arith.constant 320 : index
        %get3A_1705 = tpu.vector_load %arg4[%get3A_1703, %get3A_1704] {strides = array<i32>} : memref<24x512xf32, #tpu.memory_space<vmem>>, vector<1x16xf32>,
        %get3A_1706 = vector.shape_cast %get3A_1705 : vector<1x16xf32> to vector<16xf32>
        %get3A_1707 = arith.index_cast %scan3A_62 : i32 to index
        %get3A_1708 = arith.constant 321 : index
        %get3A_1709 = tpu.vector_load %arg4[%get3A_1707, %get3A_1708] {strides = array<i32>} : memref<24x512xf32, #tpu.memory_space<vmem>>, vector<1x16xf32>,
        %get3A_1710 = vector.shape_cast %get3A_1709 : vector<1x16xf32> to vector<16xf32>
        %add3A_1711 = arith.constant 1 : i32
        %add3A_1712 = arith.addi %scan3A_62, %add3A_1711 : i32
        %get3A_1713 = arith.index_cast %add3A_1712 : i32 to index
        %get3A_1714 = arith.constant 320 : index
        %get3A_1715 = tpu.vector_load %arg4[%get3A_1713, %get3A_1714] {strides = array<i32>} : memref<24x512xf32, #tpu.memory_space<vmem>>, vector<1x16xf32>,
        %get3A_1716 = vector.shape_cast %get3A_1715 : vector<1x16xf32> to vector<16xf32>
        %sub3A_1717 = arith.subf %get3A_1710, %get3A_1706 : vector<16xf32>
        %mul3A_1718 = arith.constant 0.159154937 : f32
        %mul3A_1719 = vector.broadcast %mul3A_1718 : f32 to vector<16xf32>
        %mul3A_1720 = arith.mulf %sub3A_1717, %mul3A_1719 : vector<16xf32>
        %add3A_1721 = arith.constant 0x4B400000 : f32
        %add3A_1722 = vector.broadcast %add3A_1721 : f32 to vector<16xf32>
        %add3A_1723 = arith.addf %mul3A_1720, %add3A_1722 : vector<16xf32>
        %sub3A_1724 = arith.constant 0x4B400000 : f32
        %sub3A_1725 = vector.broadcast %sub3A_1724 : f32 to vector<16xf32>
        %sub3A_1726 = arith.subf %add3A_1723, %sub3A_1725 : vector<16xf32>
        %mul3A_1727 = arith.constant 6.28318548 : f32
        %mul3A_1728 = vector.broadcast %mul3A_1727 : f32 to vector<16xf32>
        %mul3A_1729 = arith.mulf %sub3A_1726, %mul3A_1728 : vector<16xf32>
        %sub3A_1730 = arith.subf %sub3A_1717, %mul3A_1729 : vector<16xf32>
        %mul3A_1731 = arith.mulf %sub3A_1730, %sub3A_1730 : vector<16xf32>
        %mul3A_1732 = arith.constant 1.90652427E-5 : f32
        %mul3A_1733 = vector.broadcast %mul3A_1732 : f32 to vector<16xf32>
        %mul3A_1734 = arith.mulf %mul3A_1733, %mul3A_1731 : vector<16xf32>
        %add3A_1735 = arith.constant -0.00134410732 : f32
        %add3A_1736 = vector.broadcast %add3A_1735 : f32 to vector<16xf32>
        %add3A_1737 = arith.addf %mul3A_1734, %add3A_1736 : vector<16xf32>
        %mul3A_1738 = arith.mulf %add3A_1737, %mul3A_1731 : vector<16xf32>
        %add3A_1739 = arith.constant 0.0415223055 : f32
        %add3A_1740 = vector.broadcast %add3A_1739 : f32 to vector<16xf32>
        %add3A_1741 = arith.addf %mul3A_1738, %add3A_1740 : vector<16xf32>
        %mul3A_1742 = arith.mulf %add3A_1741, %mul3A_1731 : vector<16xf32>
        %add3A_1743 = arith.constant -0.499837607 : f32
        %add3A_1744 = vector.broadcast %add3A_1743 : f32 to vector<16xf32>
        %add3A_1745 = arith.addf %mul3A_1742, %add3A_1744 : vector<16xf32>
        %mul3A_1746 = arith.mulf %add3A_1745, %mul3A_1731 : vector<16xf32>
        %add3A_1747 = arith.constant 0.999971091 : f32
        %add3A_1748 = vector.broadcast %add3A_1747 : f32 to vector<16xf32>
        %add3A_1749 = arith.addf %mul3A_1746, %add3A_1748 : vector<16xf32>
        %add3A_1750 = arith.addf %add3A_1702, %add3A_1749 : vector<16xf32>
        %sub3A_1751 = arith.subf %get3A_1716, %get3A_1706 : vector<16xf32>
        %mul3A_1752 = arith.constant 0.159154937 : f32
        %mul3A_1753 = vector.broadcast %mul3A_1752 : f32 to vector<16xf32>
        %mul3A_1754 = arith.mulf %sub3A_1751, %mul3A_1753 : vector<16xf32>
        %add3A_1755 = arith.constant 0x4B400000 : f32
        %add3A_1756 = vector.broadcast %add3A_1755 : f32 to vector<16xf32>
        %add3A_1757 = arith.addf %mul3A_1754, %add3A_1756 : vector<16xf32>
        %sub3A_1758 = arith.constant 0x4B400000 : f32
        %sub3A_1759 = vector.broadcast %sub3A_1758 : f32 to vector<16xf32>
        %sub3A_1760 = arith.subf %add3A_1757, %sub3A_1759 : vector<16xf32>
        %mul3A_1761 = arith.constant 6.28318548 : f32
        %mul3A_1762 = vector.broadcast %mul3A_1761 : f32 to vector<16xf32>
        %mul3A_1763 = arith.mulf %sub3A_1760, %mul3A_1762 : vector<16xf32>
        %sub3A_1764 = arith.subf %sub3A_1751, %mul3A_1763 : vector<16xf32>
        %mul3A_1765 = arith.mulf %sub3A_1764, %sub3A_1764 : vector<16xf32>
        %mul3A_1766 = arith.constant 1.90652427E-5 : f32
        %mul3A_1767 = vector.broadcast %mul3A_1766 : f32 to vector<16xf32>
        %mul3A_1768 = arith.mulf %mul3A_1767, %mul3A_1765 : vector<16xf32>
        %add3A_1769 = arith.constant -0.00134410732 : f32
        %add3A_1770 = vector.broadcast %add3A_1769 : f32 to vector<16xf32>
        %add3A_1771 = arith.addf %mul3A_1768, %add3A_1770 : vector<16xf32>
        %mul3A_1772 = arith.mulf %add3A_1771, %mul3A_1765 : vector<16xf32>
        %add3A_1773 = arith.constant 0.0415223055 : f32
        %add3A_1774 = vector.broadcast %add3A_1773 : f32 to vector<16xf32>
        %add3A_1775 = arith.addf %mul3A_1772, %add3A_1774 : vector<16xf32>
        %mul3A_1776 = arith.mulf %add3A_1775, %mul3A_1765 : vector<16xf32>
        %add3A_1777 = arith.constant -0.499837607 : f32
        %add3A_1778 = vector.broadcast %add3A_1777 : f32 to vector<16xf32>
        %add3A_1779 = arith.addf %mul3A_1776, %add3A_1778 : vector<16xf32>
        %mul3A_1780 = arith.mulf %add3A_1779, %mul3A_1765 : vector<16xf32>
        %add3A_1781 = arith.constant 0.999971091 : f32
        %add3A_1782 = vector.broadcast %add3A_1781 : f32 to vector<16xf32>
        %add3A_1783 = arith.addf %mul3A_1780, %add3A_1782 : vector<16xf32>
        %add3A_1784 = arith.addf %add3A_1750, %add3A_1783 : vector<16xf32>
        %get3A_1785 = arith.index_cast %scan3A_62 : i32 to index
        %get3A_1786 = arith.constant 336 : index
        %get3A_1787 = tpu.vector_load %arg4[%get3A_1785, %get3A_1786] {strides = array<i32>} : memref<24x512xf32, #tpu.memory_space<vmem>>, vector<1x16xf32>,
        %get3A_1788 = vector.shape_cast %get3A_1787 : vector<1x16xf32> to vector<16xf32>
        %get3A_1789 = arith.index_cast %scan3A_62 : i32 to index
        %get3A_1790 = arith.constant 337 : index
        %get3A_1791 = tpu.vector_load %arg4[%get3A_1789, %get3A_1790] {strides = array<i32>} : memref<24x512xf32, #tpu.memory_space<vmem>>, vector<1x16xf32>,
        %get3A_1792 = vector.shape_cast %get3A_1791 : vector<1x16xf32> to vector<16xf32>
        %add3A_1793 = arith.constant 1 : i32
        %add3A_1794 = arith.addi %scan3A_62, %add3A_1793 : i32
        %get3A_1795 = arith.index_cast %add3A_1794 : i32 to index
        %get3A_1796 = arith.constant 336 : index
        %get3A_1797 = tpu.vector_load %arg4[%get3A_1795, %get3A_1796] {strides = array<i32>} : memref<24x512xf32, #tpu.memory_space<vmem>>, vector<1x16xf32>,
        %get3A_1798 = vector.shape_cast %get3A_1797 : vector<1x16xf32> to vector<16xf32>
        %sub3A_1799 = arith.subf %get3A_1792, %get3A_1788 : vector<16xf32>
        %mul3A_1800 = arith.constant 0.159154937 : f32
        %mul3A_1801 = vector.broadcast %mul3A_1800 : f32 to vector<16xf32>
        %mul3A_1802 = arith.mulf %sub3A_1799, %mul3A_1801 : vector<16xf32>
        %add3A_1803 = arith.constant 0x4B400000 : f32
        %add3A_1804 = vector.broadcast %add3A_1803 : f32 to vector<16xf32>
        %add3A_1805 = arith.addf %mul3A_1802, %add3A_1804 : vector<16xf32>
        %sub3A_1806 = arith.constant 0x4B400000 : f32
        %sub3A_1807 = vector.broadcast %sub3A_1806 : f32 to vector<16xf32>
        %sub3A_1808 = arith.subf %add3A_1805, %sub3A_1807 : vector<16xf32>
        %mul3A_1809 = arith.constant 6.28318548 : f32
        %mul3A_1810 = vector.broadcast %mul3A_1809 : f32 to vector<16xf32>
        %mul3A_1811 = arith.mulf %sub3A_1808, %mul3A_1810 : vector<16xf32>
        %sub3A_1812 = arith.subf %sub3A_1799, %mul3A_1811 : vector<16xf32>
        %mul3A_1813 = arith.mulf %sub3A_1812, %sub3A_1812 : vector<16xf32>
        %mul3A_1814 = arith.constant 1.90652427E-5 : f32
        %mul3A_1815 = vector.broadcast %mul3A_1814 : f32 to vector<16xf32>
        %mul3A_1816 = arith.mulf %mul3A_1815, %mul3A_1813 : vector<16xf32>
        %add3A_1817 = arith.constant -0.00134410732 : f32
        %add3A_1818 = vector.broadcast %add3A_1817 : f32 to vector<16xf32>
        %add3A_1819 = arith.addf %mul3A_1816, %add3A_1818 : vector<16xf32>
        %mul3A_1820 = arith.mulf %add3A_1819, %mul3A_1813 : vector<16xf32>
        %add3A_1821 = arith.constant 0.0415223055 : f32
        %add3A_1822 = vector.broadcast %add3A_1821 : f32 to vector<16xf32>
        %add3A_1823 = arith.addf %mul3A_1820, %add3A_1822 : vector<16xf32>
        %mul3A_1824 = arith.mulf %add3A_1823, %mul3A_1813 : vector<16xf32>
        %add3A_1825 = arith.constant -0.499837607 : f32
        %add3A_1826 = vector.broadcast %add3A_1825 : f32 to vector<16xf32>
        %add3A_1827 = arith.addf %mul3A_1824, %add3A_1826 : vector<16xf32>
        %mul3A_1828 = arith.mulf %add3A_1827, %mul3A_1813 : vector<16xf32>
        %add3A_1829 = arith.constant 0.999971091 : f32
        %add3A_1830 = vector.broadcast %add3A_1829 : f32 to vector<16xf32>
        %add3A_1831 = arith.addf %mul3A_1828, %add3A_1830 : vector<16xf32>
        %add3A_1832 = arith.addf %add3A_1784, %add3A_1831 : vector<16xf32>
        %sub3A_1833 = arith.subf %get3A_1798, %get3A_1788 : vector<16xf32>
        %mul3A_1834 = arith.constant 0.159154937 : f32
        %mul3A_1835 = vector.broadcast %mul3A_1834 : f32 to vector<16xf32>
        %mul3A_1836 = arith.mulf %sub3A_1833, %mul3A_1835 : vector<16xf32>
        %add3A_1837 = arith.constant 0x4B400000 : f32
        %add3A_1838 = vector.broadcast %add3A_1837 : f32 to vector<16xf32>
        %add3A_1839 = arith.addf %mul3A_1836, %add3A_1838 : vector<16xf32>
        %sub3A_1840 = arith.constant 0x4B400000 : f32
        %sub3A_1841 = vector.broadcast %sub3A_1840 : f32 to vector<16xf32>
        %sub3A_1842 = arith.subf %add3A_1839, %sub3A_1841 : vector<16xf32>
        %mul3A_1843 = arith.constant 6.28318548 : f32
        %mul3A_1844 = vector.broadcast %mul3A_1843 : f32 to vector<16xf32>
        %mul3A_1845 = arith.mulf %sub3A_1842, %mul3A_1844 : vector<16xf32>
        %sub3A_1846 = arith.subf %sub3A_1833, %mul3A_1845 : vector<16xf32>
        %mul3A_1847 = arith.mulf %sub3A_1846, %sub3A_1846 : vector<16xf32>
        %mul3A_1848 = arith.constant 1.90652427E-5 : f32
        %mul3A_1849 = vector.broadcast %mul3A_1848 : f32 to vector<16xf32>
        %mul3A_1850 = arith.mulf %mul3A_1849, %mul3A_1847 : vector<16xf32>
        %add3A_1851 = arith.constant -0.00134410732 : f32
        %add3A_1852 = vector.broadcast %add3A_1851 : f32 to vector<16xf32>
        %add3A_1853 = arith.addf %mul3A_1850, %add3A_1852 : vector<16xf32>
        %mul3A_1854 = arith.mulf %add3A_1853, %mul3A_1847 : vector<16xf32>
        %add3A_1855 = arith.constant 0.0415223055 : f32
        %add3A_1856 = vector.broadcast %add3A_1855 : f32 to vector<16xf32>
        %add3A_1857 = arith.addf %mul3A_1854, %add3A_1856 : vector<16xf32>
        %mul3A_1858 = arith.mulf %add3A_1857, %mul3A_1847 : vector<16xf32>
        %add3A_1859 = arith.constant -0.499837607 : f32
        %add3A_1860 = vector.broadcast %add3A_1859 : f32 to vector<16xf32>
        %add3A_1861 = arith.addf %mul3A_1858, %add3A_1860 : vector<16xf32>
        %mul3A_1862 = arith.mulf %add3A_1861, %mul3A_1847 : vector<16xf32>
        %add3A_1863 = arith.constant 0.999971091 : f32
        %add3A_1864 = vector.broadcast %add3A_1863 : f32 to vector<16xf32>
        %add3A_1865 = arith.addf %mul3A_1862, %add3A_1864 : vector<16xf32>
        %add3A_1866 = arith.addf %add3A_1832, %add3A_1865 : vector<16xf32>
        %get3A_1867 = arith.index_cast %scan3A_62 : i32 to index
        %get3A_1868 = arith.constant 352 : index
        %get3A_1869 = tpu.vector_load %arg4[%get3A_1867, %get3A_1868] {strides = array<i32>} : memref<24x512xf32, #tpu.memory_space<vmem>>, vector<1x16xf32>,
        %get3A_1870 = vector.shape_cast %get3A_1869 : vector<1x16xf32> to vector<16xf32>
        %get3A_1871 = arith.index_cast %scan3A_62 : i32 to index
        %get3A_1872 = arith.constant 353 : index
        %get3A_1873 = tpu.vector_load %arg4[%get3A_1871, %get3A_1872] {strides = array<i32>} : memref<24x512xf32, #tpu.memory_space<vmem>>, vector<1x16xf32>,
        %get3A_1874 = vector.shape_cast %get3A_1873 : vector<1x16xf32> to vector<16xf32>
        %add3A_1875 = arith.constant 1 : i32
        %add3A_1876 = arith.addi %scan3A_62, %add3A_1875 : i32
        %get3A_1877 = arith.index_cast %add3A_1876 : i32 to index
        %get3A_1878 = arith.constant 352 : index
        %get3A_1879 = tpu.vector_load %arg4[%get3A_1877, %get3A_1878] {strides = array<i32>} : memref<24x512xf32, #tpu.memory_space<vmem>>, vector<1x16xf32>,
        %get3A_1880 = vector.shape_cast %get3A_1879 : vector<1x16xf32> to vector<16xf32>
        %sub3A_1881 = arith.subf %get3A_1874, %get3A_1870 : vector<16xf32>
        %mul3A_1882 = arith.constant 0.159154937 : f32
        %mul3A_1883 = vector.broadcast %mul3A_1882 : f32 to vector<16xf32>
        %mul3A_1884 = arith.mulf %sub3A_1881, %mul3A_1883 : vector<16xf32>
        %add3A_1885 = arith.constant 0x4B400000 : f32
        %add3A_1886 = vector.broadcast %add3A_1885 : f32 to vector<16xf32>
        %add3A_1887 = arith.addf %mul3A_1884, %add3A_1886 : vector<16xf32>
        %sub3A_1888 = arith.constant 0x4B400000 : f32
        %sub3A_1889 = vector.broadcast %sub3A_1888 : f32 to vector<16xf32>
        %sub3A_1890 = arith.subf %add3A_1887, %sub3A_1889 : vector<16xf32>
        %mul3A_1891 = arith.constant 6.28318548 : f32
        %mul3A_1892 = vector.broadcast %mul3A_1891 : f32 to vector<16xf32>
        %mul3A_1893 = arith.mulf %sub3A_1890, %mul3A_1892 : vector<16xf32>
        %sub3A_1894 = arith.subf %sub3A_1881, %mul3A_1893 : vector<16xf32>
        %mul3A_1895 = arith.mulf %sub3A_1894, %sub3A_1894 : vector<16xf32>
        %mul3A_1896 = arith.constant 1.90652427E-5 : f32
        %mul3A_1897 = vector.broadcast %mul3A_1896 : f32 to vector<16xf32>
        %mul3A_1898 = arith.mulf %mul3A_1897, %mul3A_1895 : vector<16xf32>
        %add3A_1899 = arith.constant -0.00134410732 : f32
        %add3A_1900 = vector.broadcast %add3A_1899 : f32 to vector<16xf32>
        %add3A_1901 = arith.addf %mul3A_1898, %add3A_1900 : vector<16xf32>
        %mul3A_1902 = arith.mulf %add3A_1901, %mul3A_1895 : vector<16xf32>
        %add3A_1903 = arith.constant 0.0415223055 : f32
        %add3A_1904 = vector.broadcast %add3A_1903 : f32 to vector<16xf32>
        %add3A_1905 = arith.addf %mul3A_1902, %add3A_1904 : vector<16xf32>
        %mul3A_1906 = arith.mulf %add3A_1905, %mul3A_1895 : vector<16xf32>
        %add3A_1907 = arith.constant -0.499837607 : f32
        %add3A_1908 = vector.broadcast %add3A_1907 : f32 to vector<16xf32>
        %add3A_1909 = arith.addf %mul3A_1906, %add3A_1908 : vector<16xf32>
        %mul3A_1910 = arith.mulf %add3A_1909, %mul3A_1895 : vector<16xf32>
        %add3A_1911 = arith.constant 0.999971091 : f32
        %add3A_1912 = vector.broadcast %add3A_1911 : f32 to vector<16xf32>
        %add3A_1913 = arith.addf %mul3A_1910, %add3A_1912 : vector<16xf32>
        %add3A_1914 = arith.addf %add3A_1866, %add3A_1913 : vector<16xf32>
        %sub3A_1915 = arith.subf %get3A_1880, %get3A_1870 : vector<16xf32>
        %mul3A_1916 = arith.constant 0.159154937 : f32
        %mul3A_1917 = vector.broadcast %mul3A_1916 : f32 to vector<16xf32>
        %mul3A_1918 = arith.mulf %sub3A_1915, %mul3A_1917 : vector<16xf32>
        %add3A_1919 = arith.constant 0x4B400000 : f32
        %add3A_1920 = vector.broadcast %add3A_1919 : f32 to vector<16xf32>
        %add3A_1921 = arith.addf %mul3A_1918, %add3A_1920 : vector<16xf32>
        %sub3A_1922 = arith.constant 0x4B400000 : f32
        %sub3A_1923 = vector.broadcast %sub3A_1922 : f32 to vector<16xf32>
        %sub3A_1924 = arith.subf %add3A_1921, %sub3A_1923 : vector<16xf32>
        %mul3A_1925 = arith.constant 6.28318548 : f32
        %mul3A_1926 = vector.broadcast %mul3A_1925 : f32 to vector<16xf32>
        %mul3A_1927 = arith.mulf %sub3A_1924, %mul3A_1926 : vector<16xf32>
        %sub3A_1928 = arith.subf %sub3A_1915, %mul3A_1927 : vector<16xf32>
        %mul3A_1929 = arith.mulf %sub3A_1928, %sub3A_1928 : vector<16xf32>
        %mul3A_1930 = arith.constant 1.90652427E-5 : f32
        %mul3A_1931 = vector.broadcast %mul3A_1930 : f32 to vector<16xf32>
        %mul3A_1932 = arith.mulf %mul3A_1931, %mul3A_1929 : vector<16xf32>
        %add3A_1933 = arith.constant -0.00134410732 : f32
        %add3A_1934 = vector.broadcast %add3A_1933 : f32 to vector<16xf32>
        %add3A_1935 = arith.addf %mul3A_1932, %add3A_1934 : vector<16xf32>
        %mul3A_1936 = arith.mulf %add3A_1935, %mul3A_1929 : vector<16xf32>
        %add3A_1937 = arith.constant 0.0415223055 : f32
        %add3A_1938 = vector.broadcast %add3A_1937 : f32 to vector<16xf32>
        %add3A_1939 = arith.addf %mul3A_1936, %add3A_1938 : vector<16xf32>
        %mul3A_1940 = arith.mulf %add3A_1939, %mul3A_1929 : vector<16xf32>
        %add3A_1941 = arith.constant -0.499837607 : f32
        %add3A_1942 = vector.broadcast %add3A_1941 : f32 to vector<16xf32>
        %add3A_1943 = arith.addf %mul3A_1940, %add3A_1942 : vector<16xf32>
        %mul3A_1944 = arith.mulf %add3A_1943, %mul3A_1929 : vector<16xf32>
        %add3A_1945 = arith.constant 0.999971091 : f32
        %add3A_1946 = vector.broadcast %add3A_1945 : f32 to vector<16xf32>
        %add3A_1947 = arith.addf %mul3A_1944, %add3A_1946 : vector<16xf32>
        %add3A_1948 = arith.addf %add3A_1914, %add3A_1947 : vector<16xf32>
        %get3A_1949 = arith.index_cast %scan3A_62 : i32 to index
        %get3A_1950 = arith.constant 368 : index
        %get3A_1951 = tpu.vector_load %arg4[%get3A_1949, %get3A_1950] {strides = array<i32>} : memref<24x512xf32, #tpu.memory_space<vmem>>, vector<1x16xf32>,
        %get3A_1952 = vector.shape_cast %get3A_1951 : vector<1x16xf32> to vector<16xf32>
        %get3A_1953 = arith.index_cast %scan3A_62 : i32 to index
        %get3A_1954 = arith.constant 369 : index
        %get3A_1955 = tpu.vector_load %arg4[%get3A_1953, %get3A_1954] {strides = array<i32>} : memref<24x512xf32, #tpu.memory_space<vmem>>, vector<1x16xf32>,
        %get3A_1956 = vector.shape_cast %get3A_1955 : vector<1x16xf32> to vector<16xf32>
        %add3A_1957 = arith.constant 1 : i32
        %add3A_1958 = arith.addi %scan3A_62, %add3A_1957 : i32
        %get3A_1959 = arith.index_cast %add3A_1958 : i32 to index
        %get3A_1960 = arith.constant 368 : index
        %get3A_1961 = tpu.vector_load %arg4[%get3A_1959, %get3A_1960] {strides = array<i32>} : memref<24x512xf32, #tpu.memory_space<vmem>>, vector<1x16xf32>,
        %get3A_1962 = vector.shape_cast %get3A_1961 : vector<1x16xf32> to vector<16xf32>
        %sub3A_1963 = arith.subf %get3A_1956, %get3A_1952 : vector<16xf32>
        %mul3A_1964 = arith.constant 0.159154937 : f32
        %mul3A_1965 = vector.broadcast %mul3A_1964 : f32 to vector<16xf32>
        %mul3A_1966 = arith.mulf %sub3A_1963, %mul3A_1965 : vector<16xf32>
        %add3A_1967 = arith.constant 0x4B400000 : f32
        %add3A_1968 = vector.broadcast %add3A_1967 : f32 to vector<16xf32>
        %add3A_1969 = arith.addf %mul3A_1966, %add3A_1968 : vector<16xf32>
        %sub3A_1970 = arith.constant 0x4B400000 : f32
        %sub3A_1971 = vector.broadcast %sub3A_1970 : f32 to vector<16xf32>
        %sub3A_1972 = arith.subf %add3A_1969, %sub3A_1971 : vector<16xf32>
        %mul3A_1973 = arith.constant 6.28318548 : f32
        %mul3A_1974 = vector.broadcast %mul3A_1973 : f32 to vector<16xf32>
        %mul3A_1975 = arith.mulf %sub3A_1972, %mul3A_1974 : vector<16xf32>
        %sub3A_1976 = arith.subf %sub3A_1963, %mul3A_1975 : vector<16xf32>
        %mul3A_1977 = arith.mulf %sub3A_1976, %sub3A_1976 : vector<16xf32>
        %mul3A_1978 = arith.constant 1.90652427E-5 : f32
        %mul3A_1979 = vector.broadcast %mul3A_1978 : f32 to vector<16xf32>
        %mul3A_1980 = arith.mulf %mul3A_1979, %mul3A_1977 : vector<16xf32>
        %add3A_1981 = arith.constant -0.00134410732 : f32
        %add3A_1982 = vector.broadcast %add3A_1981 : f32 to vector<16xf32>
        %add3A_1983 = arith.addf %mul3A_1980, %add3A_1982 : vector<16xf32>
        %mul3A_1984 = arith.mulf %add3A_1983, %mul3A_1977 : vector<16xf32>
        %add3A_1985 = arith.constant 0.0415223055 : f32
        %add3A_1986 = vector.broadcast %add3A_1985 : f32 to vector<16xf32>
        %add3A_1987 = arith.addf %mul3A_1984, %add3A_1986 : vector<16xf32>
        %mul3A_1988 = arith.mulf %add3A_1987, %mul3A_1977 : vector<16xf32>
        %add3A_1989 = arith.constant -0.499837607 : f32
        %add3A_1990 = vector.broadcast %add3A_1989 : f32 to vector<16xf32>
        %add3A_1991 = arith.addf %mul3A_1988, %add3A_1990 : vector<16xf32>
        %mul3A_1992 = arith.mulf %add3A_1991, %mul3A_1977 : vector<16xf32>
        %add3A_1993 = arith.constant 0.999971091 : f32
        %add3A_1994 = vector.broadcast %add3A_1993 : f32 to vector<16xf32>
        %add3A_1995 = arith.addf %mul3A_1992, %add3A_1994 : vector<16xf32>
        %add3A_1996 = arith.addf %add3A_1948, %add3A_1995 : vector<16xf32>
        %sub3A_1997 = arith.subf %get3A_1962, %get3A_1952 : vector<16xf32>
        %mul3A_1998 = arith.constant 0.159154937 : f32
        %mul3A_1999 = vector.broadcast %mul3A_1998 : f32 to vector<16xf32>
        %mul3A_2000 = arith.mulf %sub3A_1997, %mul3A_1999 : vector<16xf32>
        %add3A_2001 = arith.constant 0x4B400000 : f32
        %add3A_2002 = vector.broadcast %add3A_2001 : f32 to vector<16xf32>
        %add3A_2003 = arith.addf %mul3A_2000, %add3A_2002 : vector<16xf32>
        %sub3A_2004 = arith.constant 0x4B400000 : f32
        %sub3A_2005 = vector.broadcast %sub3A_2004 : f32 to vector<16xf32>
        %sub3A_2006 = arith.subf %add3A_2003, %sub3A_2005 : vector<16xf32>
        %mul3A_2007 = arith.constant 6.28318548 : f32
        %mul3A_2008 = vector.broadcast %mul3A_2007 : f32 to vector<16xf32>
        %mul3A_2009 = arith.mulf %sub3A_2006, %mul3A_2008 : vector<16xf32>
        %sub3A_2010 = arith.subf %sub3A_1997, %mul3A_2009 : vector<16xf32>
        %mul3A_2011 = arith.mulf %sub3A_2010, %sub3A_2010 : vector<16xf32>
        %mul3A_2012 = arith.constant 1.90652427E-5 : f32
        %mul3A_2013 = vector.broadcast %mul3A_2012 : f32 to vector<16xf32>
        %mul3A_2014 = arith.mulf %mul3A_2013, %mul3A_2011 : vector<16xf32>
        %add3A_2015 = arith.constant -0.00134410732 : f32
        %add3A_2016 = vector.broadcast %add3A_2015 : f32 to vector<16xf32>
        %add3A_2017 = arith.addf %mul3A_2014, %add3A_2016 : vector<16xf32>
        %mul3A_2018 = arith.mulf %add3A_2017, %mul3A_2011 : vector<16xf32>
        %add3A_2019 = arith.constant 0.0415223055 : f32
        %add3A_2020 = vector.broadcast %add3A_2019 : f32 to vector<16xf32>
        %add3A_2021 = arith.addf %mul3A_2018, %add3A_2020 : vector<16xf32>
        %mul3A_2022 = arith.mulf %add3A_2021, %mul3A_2011 : vector<16xf32>
        %add3A_2023 = arith.constant -0.499837607 : f32
        %add3A_2024 = vector.broadcast %add3A_2023 : f32 to vector<16xf32>
        %add3A_2025 = arith.addf %mul3A_2022, %add3A_2024 : vector<16xf32>
        %mul3A_2026 = arith.mulf %add3A_2025, %mul3A_2011 : vector<16xf32>
        %add3A_2027 = arith.constant 0.999971091 : f32
        %add3A_2028 = vector.broadcast %add3A_2027 : f32 to vector<16xf32>
        %add3A_2029 = arith.addf %mul3A_2026, %add3A_2028 : vector<16xf32>
        %add3A_2030 = arith.addf %add3A_1996, %add3A_2029 : vector<16xf32>
        %get3A_2031 = arith.index_cast %scan3A_62 : i32 to index
        %get3A_2032 = arith.constant 384 : index
        %get3A_2033 = tpu.vector_load %arg4[%get3A_2031, %get3A_2032] {strides = array<i32>} : memref<24x512xf32, #tpu.memory_space<vmem>>, vector<1x16xf32>,
        %get3A_2034 = vector.shape_cast %get3A_2033 : vector<1x16xf32> to vector<16xf32>
        %get3A_2035 = arith.index_cast %scan3A_62 : i32 to index
        %get3A_2036 = arith.constant 385 : index
        %get3A_2037 = tpu.vector_load %arg4[%get3A_2035, %get3A_2036] {strides = array<i32>} : memref<24x512xf32, #tpu.memory_space<vmem>>, vector<1x16xf32>,
        %get3A_2038 = vector.shape_cast %get3A_2037 : vector<1x16xf32> to vector<16xf32>
        %add3A_2039 = arith.constant 1 : i32
        %add3A_2040 = arith.addi %scan3A_62, %add3A_2039 : i32
        %get3A_2041 = arith.index_cast %add3A_2040 : i32 to index
        %get3A_2042 = arith.constant 384 : index
        %get3A_2043 = tpu.vector_load %arg4[%get3A_2041, %get3A_2042] {strides = array<i32>} : memref<24x512xf32, #tpu.memory_space<vmem>>, vector<1x16xf32>,
        %get3A_2044 = vector.shape_cast %get3A_2043 : vector<1x16xf32> to vector<16xf32>
        %sub3A_2045 = arith.subf %get3A_2038, %get3A_2034 : vector<16xf32>
        %mul3A_2046 = arith.constant 0.159154937 : f32
        %mul3A_2047 = vector.broadcast %mul3A_2046 : f32 to vector<16xf32>
        %mul3A_2048 = arith.mulf %sub3A_2045, %mul3A_2047 : vector<16xf32>
        %add3A_2049 = arith.constant 0x4B400000 : f32
        %add3A_2050 = vector.broadcast %add3A_2049 : f32 to vector<16xf32>
        %add3A_2051 = arith.addf %mul3A_2048, %add3A_2050 : vector<16xf32>
        %sub3A_2052 = arith.constant 0x4B400000 : f32
        %sub3A_2053 = vector.broadcast %sub3A_2052 : f32 to vector<16xf32>
        %sub3A_2054 = arith.subf %add3A_2051, %sub3A_2053 : vector<16xf32>
        %mul3A_2055 = arith.constant 6.28318548 : f32
        %mul3A_2056 = vector.broadcast %mul3A_2055 : f32 to vector<16xf32>
        %mul3A_2057 = arith.mulf %sub3A_2054, %mul3A_2056 : vector<16xf32>
        %sub3A_2058 = arith.subf %sub3A_2045, %mul3A_2057 : vector<16xf32>
        %mul3A_2059 = arith.mulf %sub3A_2058, %sub3A_2058 : vector<16xf32>
        %mul3A_2060 = arith.constant 1.90652427E-5 : f32
        %mul3A_2061 = vector.broadcast %mul3A_2060 : f32 to vector<16xf32>
        %mul3A_2062 = arith.mulf %mul3A_2061, %mul3A_2059 : vector<16xf32>
        %add3A_2063 = arith.constant -0.00134410732 : f32
        %add3A_2064 = vector.broadcast %add3A_2063 : f32 to vector<16xf32>
        %add3A_2065 = arith.addf %mul3A_2062, %add3A_2064 : vector<16xf32>
        %mul3A_2066 = arith.mulf %add3A_2065, %mul3A_2059 : vector<16xf32>
        %add3A_2067 = arith.constant 0.0415223055 : f32
        %add3A_2068 = vector.broadcast %add3A_2067 : f32 to vector<16xf32>
        %add3A_2069 = arith.addf %mul3A_2066, %add3A_2068 : vector<16xf32>
        %mul3A_2070 = arith.mulf %add3A_2069, %mul3A_2059 : vector<16xf32>
        %add3A_2071 = arith.constant -0.499837607 : f32
        %add3A_2072 = vector.broadcast %add3A_2071 : f32 to vector<16xf32>
        %add3A_2073 = arith.addf %mul3A_2070, %add3A_2072 : vector<16xf32>
        %mul3A_2074 = arith.mulf %add3A_2073, %mul3A_2059 : vector<16xf32>
        %add3A_2075 = arith.constant 0.999971091 : f32
        %add3A_2076 = vector.broadcast %add3A_2075 : f32 to vector<16xf32>
        %add3A_2077 = arith.addf %mul3A_2074, %add3A_2076 : vector<16xf32>
        %add3A_2078 = arith.addf %add3A_2030, %add3A_2077 : vector<16xf32>
        %sub3A_2079 = arith.subf %get3A_2044, %get3A_2034 : vector<16xf32>
        %mul3A_2080 = arith.constant 0.159154937 : f32
        %mul3A_2081 = vector.broadcast %mul3A_2080 : f32 to vector<16xf32>
        %mul3A_2082 = arith.mulf %sub3A_2079, %mul3A_2081 : vector<16xf32>
        %add3A_2083 = arith.constant 0x4B400000 : f32
        %add3A_2084 = vector.broadcast %add3A_2083 : f32 to vector<16xf32>
        %add3A_2085 = arith.addf %mul3A_2082, %add3A_2084 : vector<16xf32>
        %sub3A_2086 = arith.constant 0x4B400000 : f32
        %sub3A_2087 = vector.broadcast %sub3A_2086 : f32 to vector<16xf32>
        %sub3A_2088 = arith.subf %add3A_2085, %sub3A_2087 : vector<16xf32>
        %mul3A_2089 = arith.constant 6.28318548 : f32
        %mul3A_2090 = vector.broadcast %mul3A_2089 : f32 to vector<16xf32>
        %mul3A_2091 = arith.mulf %sub3A_2088, %mul3A_2090 : vector<16xf32>
        %sub3A_2092 = arith.subf %sub3A_2079, %mul3A_2091 : vector<16xf32>
        %mul3A_2093 = arith.mulf %sub3A_2092, %sub3A_2092 : vector<16xf32>
        %mul3A_2094 = arith.constant 1.90652427E-5 : f32
        %mul3A_2095 = vector.broadcast %mul3A_2094 : f32 to vector<16xf32>
        %mul3A_2096 = arith.mulf %mul3A_2095, %mul3A_2093 : vector<16xf32>
        %add3A_2097 = arith.constant -0.00134410732 : f32
        %add3A_2098 = vector.broadcast %add3A_2097 : f32 to vector<16xf32>
        %add3A_2099 = arith.addf %mul3A_2096, %add3A_2098 : vector<16xf32>
        %mul3A_2100 = arith.mulf %add3A_2099, %mul3A_2093 : vector<16xf32>
        %add3A_2101 = arith.constant 0.0415223055 : f32
        %add3A_2102 = vector.broadcast %add3A_2101 : f32 to vector<16xf32>
        %add3A_2103 = arith.addf %mul3A_2100, %add3A_2102 : vector<16xf32>
        %mul3A_2104 = arith.mulf %add3A_2103, %mul3A_2093 : vector<16xf32>
        %add3A_2105 = arith.constant -0.499837607 : f32
        %add3A_2106 = vector.broadcast %add3A_2105 : f32 to vector<16xf32>
        %add3A_2107 = arith.addf %mul3A_2104, %add3A_2106 : vector<16xf32>
        %mul3A_2108 = arith.mulf %add3A_2107, %mul3A_2093 : vector<16xf32>
        %add3A_2109 = arith.constant 0.999971091 : f32
        %add3A_2110 = vector.broadcast %add3A_2109 : f32 to vector<16xf32>
        %add3A_2111 = arith.addf %mul3A_2108, %add3A_2110 : vector<16xf32>
        %add3A_2112 = arith.addf %add3A_2078, %add3A_2111 : vector<16xf32>
        %get3A_2113 = arith.index_cast %scan3A_62 : i32 to index
        %get3A_2114 = arith.constant 400 : index
        %get3A_2115 = tpu.vector_load %arg4[%get3A_2113, %get3A_2114] {strides = array<i32>} : memref<24x512xf32, #tpu.memory_space<vmem>>, vector<1x16xf32>,
        %get3A_2116 = vector.shape_cast %get3A_2115 : vector<1x16xf32> to vector<16xf32>
        %get3A_2117 = arith.index_cast %scan3A_62 : i32 to index
        %get3A_2118 = arith.constant 401 : index
        %get3A_2119 = tpu.vector_load %arg4[%get3A_2117, %get3A_2118] {strides = array<i32>} : memref<24x512xf32, #tpu.memory_space<vmem>>, vector<1x16xf32>,
        %get3A_2120 = vector.shape_cast %get3A_2119 : vector<1x16xf32> to vector<16xf32>
        %add3A_2121 = arith.constant 1 : i32
        %add3A_2122 = arith.addi %scan3A_62, %add3A_2121 : i32
        %get3A_2123 = arith.index_cast %add3A_2122 : i32 to index
        %get3A_2124 = arith.constant 400 : index
        %get3A_2125 = tpu.vector_load %arg4[%get3A_2123, %get3A_2124] {strides = array<i32>} : memref<24x512xf32, #tpu.memory_space<vmem>>, vector<1x16xf32>,
        %get3A_2126 = vector.shape_cast %get3A_2125 : vector<1x16xf32> to vector<16xf32>
        %sub3A_2127 = arith.subf %get3A_2120, %get3A_2116 : vector<16xf32>
        %mul3A_2128 = arith.constant 0.159154937 : f32
        %mul3A_2129 = vector.broadcast %mul3A_2128 : f32 to vector<16xf32>
        %mul3A_2130 = arith.mulf %sub3A_2127, %mul3A_2129 : vector<16xf32>
        %add3A_2131 = arith.constant 0x4B400000 : f32
        %add3A_2132 = vector.broadcast %add3A_2131 : f32 to vector<16xf32>
        %add3A_2133 = arith.addf %mul3A_2130, %add3A_2132 : vector<16xf32>
        %sub3A_2134 = arith.constant 0x4B400000 : f32
        %sub3A_2135 = vector.broadcast %sub3A_2134 : f32 to vector<16xf32>
        %sub3A_2136 = arith.subf %add3A_2133, %sub3A_2135 : vector<16xf32>
        %mul3A_2137 = arith.constant 6.28318548 : f32
        %mul3A_2138 = vector.broadcast %mul3A_2137 : f32 to vector<16xf32>
        %mul3A_2139 = arith.mulf %sub3A_2136, %mul3A_2138 : vector<16xf32>
        %sub3A_2140 = arith.subf %sub3A_2127, %mul3A_2139 : vector<16xf32>
        %mul3A_2141 = arith.mulf %sub3A_2140, %sub3A_2140 : vector<16xf32>
        %mul3A_2142 = arith.constant 1.90652427E-5 : f32
        %mul3A_2143 = vector.broadcast %mul3A_2142 : f32 to vector<16xf32>
        %mul3A_2144 = arith.mulf %mul3A_2143, %mul3A_2141 : vector<16xf32>
        %add3A_2145 = arith.constant -0.00134410732 : f32
        %add3A_2146 = vector.broadcast %add3A_2145 : f32 to vector<16xf32>
        %add3A_2147 = arith.addf %mul3A_2144, %add3A_2146 : vector<16xf32>
        %mul3A_2148 = arith.mulf %add3A_2147, %mul3A_2141 : vector<16xf32>
        %add3A_2149 = arith.constant 0.0415223055 : f32
        %add3A_2150 = vector.broadcast %add3A_2149 : f32 to vector<16xf32>
        %add3A_2151 = arith.addf %mul3A_2148, %add3A_2150 : vector<16xf32>
        %mul3A_2152 = arith.mulf %add3A_2151, %mul3A_2141 : vector<16xf32>
        %add3A_2153 = arith.constant -0.499837607 : f32
        %add3A_2154 = vector.broadcast %add3A_2153 : f32 to vector<16xf32>
        %add3A_2155 = arith.addf %mul3A_2152, %add3A_2154 : vector<16xf32>
        %mul3A_2156 = arith.mulf %add3A_2155, %mul3A_2141 : vector<16xf32>
        %add3A_2157 = arith.constant 0.999971091 : f32
        %add3A_2158 = vector.broadcast %add3A_2157 : f32 to vector<16xf32>
        %add3A_2159 = arith.addf %mul3A_2156, %add3A_2158 : vector<16xf32>
        %add3A_2160 = arith.addf %add3A_2112, %add3A_2159 : vector<16xf32>
        %sub3A_2161 = arith.subf %get3A_2126, %get3A_2116 : vector<16xf32>
        %mul3A_2162 = arith.constant 0.159154937 : f32
        %mul3A_2163 = vector.broadcast %mul3A_2162 : f32 to vector<16xf32>
        %mul3A_2164 = arith.mulf %sub3A_2161, %mul3A_2163 : vector<16xf32>
        %add3A_2165 = arith.constant 0x4B400000 : f32
        %add3A_2166 = vector.broadcast %add3A_2165 : f32 to vector<16xf32>
        %add3A_2167 = arith.addf %mul3A_2164, %add3A_2166 : vector<16xf32>
        %sub3A_2168 = arith.constant 0x4B400000 : f32
        %sub3A_2169 = vector.broadcast %sub3A_2168 : f32 to vector<16xf32>
        %sub3A_2170 = arith.subf %add3A_2167, %sub3A_2169 : vector<16xf32>
        %mul3A_2171 = arith.constant 6.28318548 : f32
        %mul3A_2172 = vector.broadcast %mul3A_2171 : f32 to vector<16xf32>
        %mul3A_2173 = arith.mulf %sub3A_2170, %mul3A_2172 : vector<16xf32>
        %sub3A_2174 = arith.subf %sub3A_2161, %mul3A_2173 : vector<16xf32>
        %mul3A_2175 = arith.mulf %sub3A_2174, %sub3A_2174 : vector<16xf32>
        %mul3A_2176 = arith.constant 1.90652427E-5 : f32
        %mul3A_2177 = vector.broadcast %mul3A_2176 : f32 to vector<16xf32>
        %mul3A_2178 = arith.mulf %mul3A_2177, %mul3A_2175 : vector<16xf32>
        %add3A_2179 = arith.constant -0.00134410732 : f32
        %add3A_2180 = vector.broadcast %add3A_2179 : f32 to vector<16xf32>
        %add3A_2181 = arith.addf %mul3A_2178, %add3A_2180 : vector<16xf32>
        %mul3A_2182 = arith.mulf %add3A_2181, %mul3A_2175 : vector<16xf32>
        %add3A_2183 = arith.constant 0.0415223055 : f32
        %add3A_2184 = vector.broadcast %add3A_2183 : f32 to vector<16xf32>
        %add3A_2185 = arith.addf %mul3A_2182, %add3A_2184 : vector<16xf32>
        %mul3A_2186 = arith.mulf %add3A_2185, %mul3A_2175 : vector<16xf32>
        %add3A_2187 = arith.constant -0.499837607 : f32
        %add3A_2188 = vector.broadcast %add3A_2187 : f32 to vector<16xf32>
        %add3A_2189 = arith.addf %mul3A_2186, %add3A_2188 : vector<16xf32>
        %mul3A_2190 = arith.mulf %add3A_2189, %mul3A_2175 : vector<16xf32>
        %add3A_2191 = arith.constant 0.999971091 : f32
        %add3A_2192 = vector.broadcast %add3A_2191 : f32 to vector<16xf32>
        %add3A_2193 = arith.addf %mul3A_2190, %add3A_2192 : vector<16xf32>
        %add3A_2194 = arith.addf %add3A_2160, %add3A_2193 : vector<16xf32>
        %get3A_2195 = arith.index_cast %scan3A_62 : i32 to index
        %get3A_2196 = arith.constant 416 : index
        %get3A_2197 = tpu.vector_load %arg4[%get3A_2195, %get3A_2196] {strides = array<i32>} : memref<24x512xf32, #tpu.memory_space<vmem>>, vector<1x16xf32>,
        %get3A_2198 = vector.shape_cast %get3A_2197 : vector<1x16xf32> to vector<16xf32>
        %get3A_2199 = arith.index_cast %scan3A_62 : i32 to index
        %get3A_2200 = arith.constant 417 : index
        %get3A_2201 = tpu.vector_load %arg4[%get3A_2199, %get3A_2200] {strides = array<i32>} : memref<24x512xf32, #tpu.memory_space<vmem>>, vector<1x16xf32>,
        %get3A_2202 = vector.shape_cast %get3A_2201 : vector<1x16xf32> to vector<16xf32>
        %add3A_2203 = arith.constant 1 : i32
        %add3A_2204 = arith.addi %scan3A_62, %add3A_2203 : i32
        %get3A_2205 = arith.index_cast %add3A_2204 : i32 to index
        %get3A_2206 = arith.constant 416 : index
        %get3A_2207 = tpu.vector_load %arg4[%get3A_2205, %get3A_2206] {strides = array<i32>} : memref<24x512xf32, #tpu.memory_space<vmem>>, vector<1x16xf32>,
        %get3A_2208 = vector.shape_cast %get3A_2207 : vector<1x16xf32> to vector<16xf32>
        %sub3A_2209 = arith.subf %get3A_2202, %get3A_2198 : vector<16xf32>
        %mul3A_2210 = arith.constant 0.159154937 : f32
        %mul3A_2211 = vector.broadcast %mul3A_2210 : f32 to vector<16xf32>
        %mul3A_2212 = arith.mulf %sub3A_2209, %mul3A_2211 : vector<16xf32>
        %add3A_2213 = arith.constant 0x4B400000 : f32
        %add3A_2214 = vector.broadcast %add3A_2213 : f32 to vector<16xf32>
        %add3A_2215 = arith.addf %mul3A_2212, %add3A_2214 : vector<16xf32>
        %sub3A_2216 = arith.constant 0x4B400000 : f32
        %sub3A_2217 = vector.broadcast %sub3A_2216 : f32 to vector<16xf32>
        %sub3A_2218 = arith.subf %add3A_2215, %sub3A_2217 : vector<16xf32>
        %mul3A_2219 = arith.constant 6.28318548 : f32
        %mul3A_2220 = vector.broadcast %mul3A_2219 : f32 to vector<16xf32>
        %mul3A_2221 = arith.mulf %sub3A_2218, %mul3A_2220 : vector<16xf32>
        %sub3A_2222 = arith.subf %sub3A_2209, %mul3A_2221 : vector<16xf32>
        %mul3A_2223 = arith.mulf %sub3A_2222, %sub3A_2222 : vector<16xf32>
        %mul3A_2224 = arith.constant 1.90652427E-5 : f32
        %mul3A_2225 = vector.broadcast %mul3A_2224 : f32 to vector<16xf32>
        %mul3A_2226 = arith.mulf %mul3A_2225, %mul3A_2223 : vector<16xf32>
        %add3A_2227 = arith.constant -0.00134410732 : f32
        %add3A_2228 = vector.broadcast %add3A_2227 : f32 to vector<16xf32>
        %add3A_2229 = arith.addf %mul3A_2226, %add3A_2228 : vector<16xf32>
        %mul3A_2230 = arith.mulf %add3A_2229, %mul3A_2223 : vector<16xf32>
        %add3A_2231 = arith.constant 0.0415223055 : f32
        %add3A_2232 = vector.broadcast %add3A_2231 : f32 to vector<16xf32>
        %add3A_2233 = arith.addf %mul3A_2230, %add3A_2232 : vector<16xf32>
        %mul3A_2234 = arith.mulf %add3A_2233, %mul3A_2223 : vector<16xf32>
        %add3A_2235 = arith.constant -0.499837607 : f32
        %add3A_2236 = vector.broadcast %add3A_2235 : f32 to vector<16xf32>
        %add3A_2237 = arith.addf %mul3A_2234, %add3A_2236 : vector<16xf32>
        %mul3A_2238 = arith.mulf %add3A_2237, %mul3A_2223 : vector<16xf32>
        %add3A_2239 = arith.constant 0.999971091 : f32
        %add3A_2240 = vector.broadcast %add3A_2239 : f32 to vector<16xf32>
        %add3A_2241 = arith.addf %mul3A_2238, %add3A_2240 : vector<16xf32>
        %add3A_2242 = arith.addf %add3A_2194, %add3A_2241 : vector<16xf32>
        %sub3A_2243 = arith.subf %get3A_2208, %get3A_2198 : vector<16xf32>
        %mul3A_2244 = arith.constant 0.159154937 : f32
        %mul3A_2245 = vector.broadcast %mul3A_2244 : f32 to vector<16xf32>
        %mul3A_2246 = arith.mulf %sub3A_2243, %mul3A_2245 : vector<16xf32>
        %add3A_2247 = arith.constant 0x4B400000 : f32
        %add3A_2248 = vector.broadcast %add3A_2247 : f32 to vector<16xf32>
        %add3A_2249 = arith.addf %mul3A_2246, %add3A_2248 : vector<16xf32>
        %sub3A_2250 = arith.constant 0x4B400000 : f32
        %sub3A_2251 = vector.broadcast %sub3A_2250 : f32 to vector<16xf32>
        %sub3A_2252 = arith.subf %add3A_2249, %sub3A_2251 : vector<16xf32>
        %mul3A_2253 = arith.constant 6.28318548 : f32
        %mul3A_2254 = vector.broadcast %mul3A_2253 : f32 to vector<16xf32>
        %mul3A_2255 = arith.mulf %sub3A_2252, %mul3A_2254 : vector<16xf32>
        %sub3A_2256 = arith.subf %sub3A_2243, %mul3A_2255 : vector<16xf32>
        %mul3A_2257 = arith.mulf %sub3A_2256, %sub3A_2256 : vector<16xf32>
        %mul3A_2258 = arith.constant 1.90652427E-5 : f32
        %mul3A_2259 = vector.broadcast %mul3A_2258 : f32 to vector<16xf32>
        %mul3A_2260 = arith.mulf %mul3A_2259, %mul3A_2257 : vector<16xf32>
        %add3A_2261 = arith.constant -0.00134410732 : f32
        %add3A_2262 = vector.broadcast %add3A_2261 : f32 to vector<16xf32>
        %add3A_2263 = arith.addf %mul3A_2260, %add3A_2262 : vector<16xf32>
        %mul3A_2264 = arith.mulf %add3A_2263, %mul3A_2257 : vector<16xf32>
        %add3A_2265 = arith.constant 0.0415223055 : f32
        %add3A_2266 = vector.broadcast %add3A_2265 : f32 to vector<16xf32>
        %add3A_2267 = arith.addf %mul3A_2264, %add3A_2266 : vector<16xf32>
        %mul3A_2268 = arith.mulf %add3A_2267, %mul3A_2257 : vector<16xf32>
        %add3A_2269 = arith.constant -0.499837607 : f32
        %add3A_2270 = vector.broadcast %add3A_2269 : f32 to vector<16xf32>
        %add3A_2271 = arith.addf %mul3A_2268, %add3A_2270 : vector<16xf32>
        %mul3A_2272 = arith.mulf %add3A_2271, %mul3A_2257 : vector<16xf32>
        %add3A_2273 = arith.constant 0.999971091 : f32
        %add3A_2274 = vector.broadcast %add3A_2273 : f32 to vector<16xf32>
        %add3A_2275 = arith.addf %mul3A_2272, %add3A_2274 : vector<16xf32>
        %add3A_2276 = arith.addf %add3A_2242, %add3A_2275 : vector<16xf32>
        %get3A_2277 = arith.index_cast %scan3A_62 : i32 to index
        %get3A_2278 = arith.constant 432 : index
        %get3A_2279 = tpu.vector_load %arg4[%get3A_2277, %get3A_2278] {strides = array<i32>} : memref<24x512xf32, #tpu.memory_space<vmem>>, vector<1x16xf32>,
        %get3A_2280 = vector.shape_cast %get3A_2279 : vector<1x16xf32> to vector<16xf32>
        %get3A_2281 = arith.index_cast %scan3A_62 : i32 to index
        %get3A_2282 = arith.constant 433 : index
        %get3A_2283 = tpu.vector_load %arg4[%get3A_2281, %get3A_2282] {strides = array<i32>} : memref<24x512xf32, #tpu.memory_space<vmem>>, vector<1x16xf32>,
        %get3A_2284 = vector.shape_cast %get3A_2283 : vector<1x16xf32> to vector<16xf32>
        %add3A_2285 = arith.constant 1 : i32
        %add3A_2286 = arith.addi %scan3A_62, %add3A_2285 : i32
        %get3A_2287 = arith.index_cast %add3A_2286 : i32 to index
        %get3A_2288 = arith.constant 432 : index
        %get3A_2289 = tpu.vector_load %arg4[%get3A_2287, %get3A_2288] {strides = array<i32>} : memref<24x512xf32, #tpu.memory_space<vmem>>, vector<1x16xf32>,
        %get3A_2290 = vector.shape_cast %get3A_2289 : vector<1x16xf32> to vector<16xf32>
        %sub3A_2291 = arith.subf %get3A_2284, %get3A_2280 : vector<16xf32>
        %mul3A_2292 = arith.constant 0.159154937 : f32
        %mul3A_2293 = vector.broadcast %mul3A_2292 : f32 to vector<16xf32>
        %mul3A_2294 = arith.mulf %sub3A_2291, %mul3A_2293 : vector<16xf32>
        %add3A_2295 = arith.constant 0x4B400000 : f32
        %add3A_2296 = vector.broadcast %add3A_2295 : f32 to vector<16xf32>
        %add3A_2297 = arith.addf %mul3A_2294, %add3A_2296 : vector<16xf32>
        %sub3A_2298 = arith.constant 0x4B400000 : f32
        %sub3A_2299 = vector.broadcast %sub3A_2298 : f32 to vector<16xf32>
        %sub3A_2300 = arith.subf %add3A_2297, %sub3A_2299 : vector<16xf32>
        %mul3A_2301 = arith.constant 6.28318548 : f32
        %mul3A_2302 = vector.broadcast %mul3A_2301 : f32 to vector<16xf32>
        %mul3A_2303 = arith.mulf %sub3A_2300, %mul3A_2302 : vector<16xf32>
        %sub3A_2304 = arith.subf %sub3A_2291, %mul3A_2303 : vector<16xf32>
        %mul3A_2305 = arith.mulf %sub3A_2304, %sub3A_2304 : vector<16xf32>
        %mul3A_2306 = arith.constant 1.90652427E-5 : f32
        %mul3A_2307 = vector.broadcast %mul3A_2306 : f32 to vector<16xf32>
        %mul3A_2308 = arith.mulf %mul3A_2307, %mul3A_2305 : vector<16xf32>
        %add3A_2309 = arith.constant -0.00134410732 : f32
        %add3A_2310 = vector.broadcast %add3A_2309 : f32 to vector<16xf32>
        %add3A_2311 = arith.addf %mul3A_2308, %add3A_2310 : vector<16xf32>
        %mul3A_2312 = arith.mulf %add3A_2311, %mul3A_2305 : vector<16xf32>
        %add3A_2313 = arith.constant 0.0415223055 : f32
        %add3A_2314 = vector.broadcast %add3A_2313 : f32 to vector<16xf32>
        %add3A_2315 = arith.addf %mul3A_2312, %add3A_2314 : vector<16xf32>
        %mul3A_2316 = arith.mulf %add3A_2315, %mul3A_2305 : vector<16xf32>
        %add3A_2317 = arith.constant -0.499837607 : f32
        %add3A_2318 = vector.broadcast %add3A_2317 : f32 to vector<16xf32>
        %add3A_2319 = arith.addf %mul3A_2316, %add3A_2318 : vector<16xf32>
        %mul3A_2320 = arith.mulf %add3A_2319, %mul3A_2305 : vector<16xf32>
        %add3A_2321 = arith.constant 0.999971091 : f32
        %add3A_2322 = vector.broadcast %add3A_2321 : f32 to vector<16xf32>
        %add3A_2323 = arith.addf %mul3A_2320, %add3A_2322 : vector<16xf32>
        %add3A_2324 = arith.addf %add3A_2276, %add3A_2323 : vector<16xf32>
        %sub3A_2325 = arith.subf %get3A_2290, %get3A_2280 : vector<16xf32>
        %mul3A_2326 = arith.constant 0.159154937 : f32
        %mul3A_2327 = vector.broadcast %mul3A_2326 : f32 to vector<16xf32>
        %mul3A_2328 = arith.mulf %sub3A_2325, %mul3A_2327 : vector<16xf32>
        %add3A_2329 = arith.constant 0x4B400000 : f32
        %add3A_2330 = vector.broadcast %add3A_2329 : f32 to vector<16xf32>
        %add3A_2331 = arith.addf %mul3A_2328, %add3A_2330 : vector<16xf32>
        %sub3A_2332 = arith.constant 0x4B400000 : f32
        %sub3A_2333 = vector.broadcast %sub3A_2332 : f32 to vector<16xf32>
        %sub3A_2334 = arith.subf %add3A_2331, %sub3A_2333 : vector<16xf32>
        %mul3A_2335 = arith.constant 6.28318548 : f32
        %mul3A_2336 = vector.broadcast %mul3A_2335 : f32 to vector<16xf32>
        %mul3A_2337 = arith.mulf %sub3A_2334, %mul3A_2336 : vector<16xf32>
        %sub3A_2338 = arith.subf %sub3A_2325, %mul3A_2337 : vector<16xf32>
        %mul3A_2339 = arith.mulf %sub3A_2338, %sub3A_2338 : vector<16xf32>
        %mul3A_2340 = arith.constant 1.90652427E-5 : f32
        %mul3A_2341 = vector.broadcast %mul3A_2340 : f32 to vector<16xf32>
        %mul3A_2342 = arith.mulf %mul3A_2341, %mul3A_2339 : vector<16xf32>
        %add3A_2343 = arith.constant -0.00134410732 : f32
        %add3A_2344 = vector.broadcast %add3A_2343 : f32 to vector<16xf32>
        %add3A_2345 = arith.addf %mul3A_2342, %add3A_2344 : vector<16xf32>
        %mul3A_2346 = arith.mulf %add3A_2345, %mul3A_2339 : vector<16xf32>
        %add3A_2347 = arith.constant 0.0415223055 : f32
        %add3A_2348 = vector.broadcast %add3A_2347 : f32 to vector<16xf32>
        %add3A_2349 = arith.addf %mul3A_2346, %add3A_2348 : vector<16xf32>
        %mul3A_2350 = arith.mulf %add3A_2349, %mul3A_2339 : vector<16xf32>
        %add3A_2351 = arith.constant -0.499837607 : f32
        %add3A_2352 = vector.broadcast %add3A_2351 : f32 to vector<16xf32>
        %add3A_2353 = arith.addf %mul3A_2350, %add3A_2352 : vector<16xf32>
        %mul3A_2354 = arith.mulf %add3A_2353, %mul3A_2339 : vector<16xf32>
        %add3A_2355 = arith.constant 0.999971091 : f32
        %add3A_2356 = vector.broadcast %add3A_2355 : f32 to vector<16xf32>
        %add3A_2357 = arith.addf %mul3A_2354, %add3A_2356 : vector<16xf32>
        %add3A_2358 = arith.addf %add3A_2324, %add3A_2357 : vector<16xf32>
        %get3A_2359 = arith.index_cast %scan3A_62 : i32 to index
        %get3A_2360 = arith.constant 448 : index
        %get3A_2361 = tpu.vector_load %arg4[%get3A_2359, %get3A_2360] {strides = array<i32>} : memref<24x512xf32, #tpu.memory_space<vmem>>, vector<1x16xf32>,
        %get3A_2362 = vector.shape_cast %get3A_2361 : vector<1x16xf32> to vector<16xf32>
        %get3A_2363 = arith.index_cast %scan3A_62 : i32 to index
        %get3A_2364 = arith.constant 449 : index
        %get3A_2365 = tpu.vector_load %arg4[%get3A_2363, %get3A_2364] {strides = array<i32>} : memref<24x512xf32, #tpu.memory_space<vmem>>, vector<1x16xf32>,
        %get3A_2366 = vector.shape_cast %get3A_2365 : vector<1x16xf32> to vector<16xf32>
        %add3A_2367 = arith.constant 1 : i32
        %add3A_2368 = arith.addi %scan3A_62, %add3A_2367 : i32
        %get3A_2369 = arith.index_cast %add3A_2368 : i32 to index
        %get3A_2370 = arith.constant 448 : index
        %get3A_2371 = tpu.vector_load %arg4[%get3A_2369, %get3A_2370] {strides = array<i32>} : memref<24x512xf32, #tpu.memory_space<vmem>>, vector<1x16xf32>,
        %get3A_2372 = vector.shape_cast %get3A_2371 : vector<1x16xf32> to vector<16xf32>
        %sub3A_2373 = arith.subf %get3A_2366, %get3A_2362 : vector<16xf32>
        %mul3A_2374 = arith.constant 0.159154937 : f32
        %mul3A_2375 = vector.broadcast %mul3A_2374 : f32 to vector<16xf32>
        %mul3A_2376 = arith.mulf %sub3A_2373, %mul3A_2375 : vector<16xf32>
        %add3A_2377 = arith.constant 0x4B400000 : f32
        %add3A_2378 = vector.broadcast %add3A_2377 : f32 to vector<16xf32>
        %add3A_2379 = arith.addf %mul3A_2376, %add3A_2378 : vector<16xf32>
        %sub3A_2380 = arith.constant 0x4B400000 : f32
        %sub3A_2381 = vector.broadcast %sub3A_2380 : f32 to vector<16xf32>
        %sub3A_2382 = arith.subf %add3A_2379, %sub3A_2381 : vector<16xf32>
        %mul3A_2383 = arith.constant 6.28318548 : f32
        %mul3A_2384 = vector.broadcast %mul3A_2383 : f32 to vector<16xf32>
        %mul3A_2385 = arith.mulf %sub3A_2382, %mul3A_2384 : vector<16xf32>
        %sub3A_2386 = arith.subf %sub3A_2373, %mul3A_2385 : vector<16xf32>
        %mul3A_2387 = arith.mulf %sub3A_2386, %sub3A_2386 : vector<16xf32>
        %mul3A_2388 = arith.constant 1.90652427E-5 : f32
        %mul3A_2389 = vector.broadcast %mul3A_2388 : f32 to vector<16xf32>
        %mul3A_2390 = arith.mulf %mul3A_2389, %mul3A_2387 : vector<16xf32>
        %add3A_2391 = arith.constant -0.00134410732 : f32
        %add3A_2392 = vector.broadcast %add3A_2391 : f32 to vector<16xf32>
        %add3A_2393 = arith.addf %mul3A_2390, %add3A_2392 : vector<16xf32>
        %mul3A_2394 = arith.mulf %add3A_2393, %mul3A_2387 : vector<16xf32>
        %add3A_2395 = arith.constant 0.0415223055 : f32
        %add3A_2396 = vector.broadcast %add3A_2395 : f32 to vector<16xf32>
        %add3A_2397 = arith.addf %mul3A_2394, %add3A_2396 : vector<16xf32>
        %mul3A_2398 = arith.mulf %add3A_2397, %mul3A_2387 : vector<16xf32>
        %add3A_2399 = arith.constant -0.499837607 : f32
        %add3A_2400 = vector.broadcast %add3A_2399 : f32 to vector<16xf32>
        %add3A_2401 = arith.addf %mul3A_2398, %add3A_2400 : vector<16xf32>
        %mul3A_2402 = arith.mulf %add3A_2401, %mul3A_2387 : vector<16xf32>
        %add3A_2403 = arith.constant 0.999971091 : f32
        %add3A_2404 = vector.broadcast %add3A_2403 : f32 to vector<16xf32>
        %add3A_2405 = arith.addf %mul3A_2402, %add3A_2404 : vector<16xf32>
        %add3A_2406 = arith.addf %add3A_2358, %add3A_2405 : vector<16xf32>
        %sub3A_2407 = arith.subf %get3A_2372, %get3A_2362 : vector<16xf32>
        %mul3A_2408 = arith.constant 0.159154937 : f32
        %mul3A_2409 = vector.broadcast %mul3A_2408 : f32 to vector<16xf32>
        %mul3A_2410 = arith.mulf %sub3A_2407, %mul3A_2409 : vector<16xf32>
        %add3A_2411 = arith.constant 0x4B400000 : f32
        %add3A_2412 = vector.broadcast %add3A_2411 : f32 to vector<16xf32>
        %add3A_2413 = arith.addf %mul3A_2410, %add3A_2412 : vector<16xf32>
        %sub3A_2414 = arith.constant 0x4B400000 : f32
        %sub3A_2415 = vector.broadcast %sub3A_2414 : f32 to vector<16xf32>
        %sub3A_2416 = arith.subf %add3A_2413, %sub3A_2415 : vector<16xf32>
        %mul3A_2417 = arith.constant 6.28318548 : f32
        %mul3A_2418 = vector.broadcast %mul3A_2417 : f32 to vector<16xf32>
        %mul3A_2419 = arith.mulf %sub3A_2416, %mul3A_2418 : vector<16xf32>
        %sub3A_2420 = arith.subf %sub3A_2407, %mul3A_2419 : vector<16xf32>
        %mul3A_2421 = arith.mulf %sub3A_2420, %sub3A_2420 : vector<16xf32>
        %mul3A_2422 = arith.constant 1.90652427E-5 : f32
        %mul3A_2423 = vector.broadcast %mul3A_2422 : f32 to vector<16xf32>
        %mul3A_2424 = arith.mulf %mul3A_2423, %mul3A_2421 : vector<16xf32>
        %add3A_2425 = arith.constant -0.00134410732 : f32
        %add3A_2426 = vector.broadcast %add3A_2425 : f32 to vector<16xf32>
        %add3A_2427 = arith.addf %mul3A_2424, %add3A_2426 : vector<16xf32>
        %mul3A_2428 = arith.mulf %add3A_2427, %mul3A_2421 : vector<16xf32>
        %add3A_2429 = arith.constant 0.0415223055 : f32
        %add3A_2430 = vector.broadcast %add3A_2429 : f32 to vector<16xf32>
        %add3A_2431 = arith.addf %mul3A_2428, %add3A_2430 : vector<16xf32>
        %mul3A_2432 = arith.mulf %add3A_2431, %mul3A_2421 : vector<16xf32>
        %add3A_2433 = arith.constant -0.499837607 : f32
        %add3A_2434 = vector.broadcast %add3A_2433 : f32 to vector<16xf32>
        %add3A_2435 = arith.addf %mul3A_2432, %add3A_2434 : vector<16xf32>
        %mul3A_2436 = arith.mulf %add3A_2435, %mul3A_2421 : vector<16xf32>
        %add3A_2437 = arith.constant 0.999971091 : f32
        %add3A_2438 = vector.broadcast %add3A_2437 : f32 to vector<16xf32>
        %add3A_2439 = arith.addf %mul3A_2436, %add3A_2438 : vector<16xf32>
        %add3A_2440 = arith.addf %add3A_2406, %add3A_2439 : vector<16xf32>
        %get3A_2441 = arith.index_cast %scan3A_62 : i32 to index
        %get3A_2442 = arith.constant 464 : index
        %get3A_2443 = tpu.vector_load %arg4[%get3A_2441, %get3A_2442] {strides = array<i32>} : memref<24x512xf32, #tpu.memory_space<vmem>>, vector<1x16xf32>,
        %get3A_2444 = vector.shape_cast %get3A_2443 : vector<1x16xf32> to vector<16xf32>
        %get3A_2445 = arith.index_cast %scan3A_62 : i32 to index
        %get3A_2446 = arith.constant 465 : index
        %get3A_2447 = tpu.vector_load %arg4[%get3A_2445, %get3A_2446] {strides = array<i32>} : memref<24x512xf32, #tpu.memory_space<vmem>>, vector<1x16xf32>,
        %get3A_2448 = vector.shape_cast %get3A_2447 : vector<1x16xf32> to vector<16xf32>
        %add3A_2449 = arith.constant 1 : i32
        %add3A_2450 = arith.addi %scan3A_62, %add3A_2449 : i32
        %get3A_2451 = arith.index_cast %add3A_2450 : i32 to index
        %get3A_2452 = arith.constant 464 : index
        %get3A_2453 = tpu.vector_load %arg4[%get3A_2451, %get3A_2452] {strides = array<i32>} : memref<24x512xf32, #tpu.memory_space<vmem>>, vector<1x16xf32>,
        %get3A_2454 = vector.shape_cast %get3A_2453 : vector<1x16xf32> to vector<16xf32>
        %sub3A_2455 = arith.subf %get3A_2448, %get3A_2444 : vector<16xf32>
        %mul3A_2456 = arith.constant 0.159154937 : f32
        %mul3A_2457 = vector.broadcast %mul3A_2456 : f32 to vector<16xf32>
        %mul3A_2458 = arith.mulf %sub3A_2455, %mul3A_2457 : vector<16xf32>
        %add3A_2459 = arith.constant 0x4B400000 : f32
        %add3A_2460 = vector.broadcast %add3A_2459 : f32 to vector<16xf32>
        %add3A_2461 = arith.addf %mul3A_2458, %add3A_2460 : vector<16xf32>
        %sub3A_2462 = arith.constant 0x4B400000 : f32
        %sub3A_2463 = vector.broadcast %sub3A_2462 : f32 to vector<16xf32>
        %sub3A_2464 = arith.subf %add3A_2461, %sub3A_2463 : vector<16xf32>
        %mul3A_2465 = arith.constant 6.28318548 : f32
        %mul3A_2466 = vector.broadcast %mul3A_2465 : f32 to vector<16xf32>
        %mul3A_2467 = arith.mulf %sub3A_2464, %mul3A_2466 : vector<16xf32>
        %sub3A_2468 = arith.subf %sub3A_2455, %mul3A_2467 : vector<16xf32>
        %mul3A_2469 = arith.mulf %sub3A_2468, %sub3A_2468 : vector<16xf32>
        %mul3A_2470 = arith.constant 1.90652427E-5 : f32
        %mul3A_2471 = vector.broadcast %mul3A_2470 : f32 to vector<16xf32>
        %mul3A_2472 = arith.mulf %mul3A_2471, %mul3A_2469 : vector<16xf32>
        %add3A_2473 = arith.constant -0.00134410732 : f32
        %add3A_2474 = vector.broadcast %add3A_2473 : f32 to vector<16xf32>
        %add3A_2475 = arith.addf %mul3A_2472, %add3A_2474 : vector<16xf32>
        %mul3A_2476 = arith.mulf %add3A_2475, %mul3A_2469 : vector<16xf32>
        %add3A_2477 = arith.constant 0.0415223055 : f32
        %add3A_2478 = vector.broadcast %add3A_2477 : f32 to vector<16xf32>
        %add3A_2479 = arith.addf %mul3A_2476, %add3A_2478 : vector<16xf32>
        %mul3A_2480 = arith.mulf %add3A_2479, %mul3A_2469 : vector<16xf32>
        %add3A_2481 = arith.constant -0.499837607 : f32
        %add3A_2482 = vector.broadcast %add3A_2481 : f32 to vector<16xf32>
        %add3A_2483 = arith.addf %mul3A_2480, %add3A_2482 : vector<16xf32>
        %mul3A_2484 = arith.mulf %add3A_2483, %mul3A_2469 : vector<16xf32>
        %add3A_2485 = arith.constant 0.999971091 : f32
        %add3A_2486 = vector.broadcast %add3A_2485 : f32 to vector<16xf32>
        %add3A_2487 = arith.addf %mul3A_2484, %add3A_2486 : vector<16xf32>
        %add3A_2488 = arith.addf %add3A_2440, %add3A_2487 : vector<16xf32>
        %sub3A_2489 = arith.subf %get3A_2454, %get3A_2444 : vector<16xf32>
        %mul3A_2490 = arith.constant 0.159154937 : f32
        %mul3A_2491 = vector.broadcast %mul3A_2490 : f32 to vector<16xf32>
        %mul3A_2492 = arith.mulf %sub3A_2489, %mul3A_2491 : vector<16xf32>
        %add3A_2493 = arith.constant 0x4B400000 : f32
        %add3A_2494 = vector.broadcast %add3A_2493 : f32 to vector<16xf32>
        %add3A_2495 = arith.addf %mul3A_2492, %add3A_2494 : vector<16xf32>
        %sub3A_2496 = arith.constant 0x4B400000 : f32
        %sub3A_2497 = vector.broadcast %sub3A_2496 : f32 to vector<16xf32>
        %sub3A_2498 = arith.subf %add3A_2495, %sub3A_2497 : vector<16xf32>
        %mul3A_2499 = arith.constant 6.28318548 : f32
        %mul3A_2500 = vector.broadcast %mul3A_2499 : f32 to vector<16xf32>
        %mul3A_2501 = arith.mulf %sub3A_2498, %mul3A_2500 : vector<16xf32>
        %sub3A_2502 = arith.subf %sub3A_2489, %mul3A_2501 : vector<16xf32>
        %mul3A_2503 = arith.mulf %sub3A_2502, %sub3A_2502 : vector<16xf32>
        %mul3A_2504 = arith.constant 1.90652427E-5 : f32
        %mul3A_2505 = vector.broadcast %mul3A_2504 : f32 to vector<16xf32>
        %mul3A_2506 = arith.mulf %mul3A_2505, %mul3A_2503 : vector<16xf32>
        %add3A_2507 = arith.constant -0.00134410732 : f32
        %add3A_2508 = vector.broadcast %add3A_2507 : f32 to vector<16xf32>
        %add3A_2509 = arith.addf %mul3A_2506, %add3A_2508 : vector<16xf32>
        %mul3A_2510 = arith.mulf %add3A_2509, %mul3A_2503 : vector<16xf32>
        %add3A_2511 = arith.constant 0.0415223055 : f32
        %add3A_2512 = vector.broadcast %add3A_2511 : f32 to vector<16xf32>
        %add3A_2513 = arith.addf %mul3A_2510, %add3A_2512 : vector<16xf32>
        %mul3A_2514 = arith.mulf %add3A_2513, %mul3A_2503 : vector<16xf32>
        %add3A_2515 = arith.constant -0.499837607 : f32
        %add3A_2516 = vector.broadcast %add3A_2515 : f32 to vector<16xf32>
        %add3A_2517 = arith.addf %mul3A_2514, %add3A_2516 : vector<16xf32>
        %mul3A_2518 = arith.mulf %add3A_2517, %mul3A_2503 : vector<16xf32>
        %add3A_2519 = arith.constant 0.999971091 : f32
        %add3A_2520 = vector.broadcast %add3A_2519 : f32 to vector<16xf32>
        %add3A_2521 = arith.addf %mul3A_2518, %add3A_2520 : vector<16xf32>
        %add3A_2522 = arith.addf %add3A_2488, %add3A_2521 : vector<16xf32>
        %get3A_2523 = arith.index_cast %scan3A_62 : i32 to index
        %get3A_2524 = arith.constant 480 : index
        %get3A_2525 = tpu.vector_load %arg4[%get3A_2523, %get3A_2524] {strides = array<i32>} : memref<24x512xf32, #tpu.memory_space<vmem>>, vector<1x16xf32>,
        %get3A_2526 = vector.shape_cast %get3A_2525 : vector<1x16xf32> to vector<16xf32>
        %get3A_2527 = arith.index_cast %scan3A_62 : i32 to index
        %get3A_2528 = arith.constant 481 : index
        %get3A_2529 = tpu.vector_load %arg4[%get3A_2527, %get3A_2528] {strides = array<i32>} : memref<24x512xf32, #tpu.memory_space<vmem>>, vector<1x16xf32>,
        %get3A_2530 = vector.shape_cast %get3A_2529 : vector<1x16xf32> to vector<16xf32>
        %add3A_2531 = arith.constant 1 : i32
        %add3A_2532 = arith.addi %scan3A_62, %add3A_2531 : i32
        %get3A_2533 = arith.index_cast %add3A_2532 : i32 to index
        %get3A_2534 = arith.constant 480 : index
        %get3A_2535 = tpu.vector_load %arg4[%get3A_2533, %get3A_2534] {strides = array<i32>} : memref<24x512xf32, #tpu.memory_space<vmem>>, vector<1x16xf32>,
        %get3A_2536 = vector.shape_cast %get3A_2535 : vector<1x16xf32> to vector<16xf32>
        %sub3A_2537 = arith.subf %get3A_2530, %get3A_2526 : vector<16xf32>
        %mul3A_2538 = arith.constant 0.159154937 : f32
        %mul3A_2539 = vector.broadcast %mul3A_2538 : f32 to vector<16xf32>
        %mul3A_2540 = arith.mulf %sub3A_2537, %mul3A_2539 : vector<16xf32>
        %add3A_2541 = arith.constant 0x4B400000 : f32
        %add3A_2542 = vector.broadcast %add3A_2541 : f32 to vector<16xf32>
        %add3A_2543 = arith.addf %mul3A_2540, %add3A_2542 : vector<16xf32>
        %sub3A_2544 = arith.constant 0x4B400000 : f32
        %sub3A_2545 = vector.broadcast %sub3A_2544 : f32 to vector<16xf32>
        %sub3A_2546 = arith.subf %add3A_2543, %sub3A_2545 : vector<16xf32>
        %mul3A_2547 = arith.constant 6.28318548 : f32
        %mul3A_2548 = vector.broadcast %mul3A_2547 : f32 to vector<16xf32>
        %mul3A_2549 = arith.mulf %sub3A_2546, %mul3A_2548 : vector<16xf32>
        %sub3A_2550 = arith.subf %sub3A_2537, %mul3A_2549 : vector<16xf32>
        %mul3A_2551 = arith.mulf %sub3A_2550, %sub3A_2550 : vector<16xf32>
        %mul3A_2552 = arith.constant 1.90652427E-5 : f32
        %mul3A_2553 = vector.broadcast %mul3A_2552 : f32 to vector<16xf32>
        %mul3A_2554 = arith.mulf %mul3A_2553, %mul3A_2551 : vector<16xf32>
        %add3A_2555 = arith.constant -0.00134410732 : f32
        %add3A_2556 = vector.broadcast %add3A_2555 : f32 to vector<16xf32>
        %add3A_2557 = arith.addf %mul3A_2554, %add3A_2556 : vector<16xf32>
        %mul3A_2558 = arith.mulf %add3A_2557, %mul3A_2551 : vector<16xf32>
        %add3A_2559 = arith.constant 0.0415223055 : f32
        %add3A_2560 = vector.broadcast %add3A_2559 : f32 to vector<16xf32>
        %add3A_2561 = arith.addf %mul3A_2558, %add3A_2560 : vector<16xf32>
        %mul3A_2562 = arith.mulf %add3A_2561, %mul3A_2551 : vector<16xf32>
        %add3A_2563 = arith.constant -0.499837607 : f32
        %add3A_2564 = vector.broadcast %add3A_2563 : f32 to vector<16xf32>
        %add3A_2565 = arith.addf %mul3A_2562, %add3A_2564 : vector<16xf32>
        %mul3A_2566 = arith.mulf %add3A_2565, %mul3A_2551 : vector<16xf32>
        %add3A_2567 = arith.constant 0.999971091 : f32
        %add3A_2568 = vector.broadcast %add3A_2567 : f32 to vector<16xf32>
        %add3A_2569 = arith.addf %mul3A_2566, %add3A_2568 : vector<16xf32>
        %add3A_2570 = arith.addf %add3A_2522, %add3A_2569 : vector<16xf32>
        %sub3A_2571 = arith.subf %get3A_2536, %get3A_2526 : vector<16xf32>
        %mul3A_2572 = arith.constant 0.159154937 : f32
        %mul3A_2573 = vector.broadcast %mul3A_2572 : f32 to vector<16xf32>
        %mul3A_2574 = arith.mulf %sub3A_2571, %mul3A_2573 : vector<16xf32>
        %add3A_2575 = arith.constant 0x4B400000 : f32
        %add3A_2576 = vector.broadcast %add3A_2575 : f32 to vector<16xf32>
        %add3A_2577 = arith.addf %mul3A_2574, %add3A_2576 : vector<16xf32>
        %sub3A_2578 = arith.constant 0x4B400000 : f32
        %sub3A_2579 = vector.broadcast %sub3A_2578 : f32 to vector<16xf32>
        %sub3A_2580 = arith.subf %add3A_2577, %sub3A_2579 : vector<16xf32>
        %mul3A_2581 = arith.constant 6.28318548 : f32
        %mul3A_2582 = vector.broadcast %mul3A_2581 : f32 to vector<16xf32>
        %mul3A_2583 = arith.mulf %sub3A_2580, %mul3A_2582 : vector<16xf32>
        %sub3A_2584 = arith.subf %sub3A_2571, %mul3A_2583 : vector<16xf32>
        %mul3A_2585 = arith.mulf %sub3A_2584, %sub3A_2584 : vector<16xf32>
        %mul3A_2586 = arith.constant 1.90652427E-5 : f32
        %mul3A_2587 = vector.broadcast %mul3A_2586 : f32 to vector<16xf32>
        %mul3A_2588 = arith.mulf %mul3A_2587, %mul3A_2585 : vector<16xf32>
        %add3A_2589 = arith.constant -0.00134410732 : f32
        %add3A_2590 = vector.broadcast %add3A_2589 : f32 to vector<16xf32>
        %add3A_2591 = arith.addf %mul3A_2588, %add3A_2590 : vector<16xf32>
        %mul3A_2592 = arith.mulf %add3A_2591, %mul3A_2585 : vector<16xf32>
        %add3A_2593 = arith.constant 0.0415223055 : f32
        %add3A_2594 = vector.broadcast %add3A_2593 : f32 to vector<16xf32>
        %add3A_2595 = arith.addf %mul3A_2592, %add3A_2594 : vector<16xf32>
        %mul3A_2596 = arith.mulf %add3A_2595, %mul3A_2585 : vector<16xf32>
        %add3A_2597 = arith.constant -0.499837607 : f32
        %add3A_2598 = vector.broadcast %add3A_2597 : f32 to vector<16xf32>
        %add3A_2599 = arith.addf %mul3A_2596, %add3A_2598 : vector<16xf32>
        %mul3A_2600 = arith.mulf %add3A_2599, %mul3A_2585 : vector<16xf32>
        %add3A_2601 = arith.constant 0.999971091 : f32
        %add3A_2602 = vector.broadcast %add3A_2601 : f32 to vector<16xf32>
        %add3A_2603 = arith.addf %mul3A_2600, %add3A_2602 : vector<16xf32>
        %add3A_2604 = arith.addf %add3A_2570, %add3A_2603 : vector<16xf32>
        %get3A_2605 = arith.index_cast %scan3A_62 : i32 to index
        %get3A_2606 = arith.constant 496 : index
        %get3A_2607 = tpu.vector_load %arg4[%get3A_2605, %get3A_2606] {strides = array<i32>} : memref<24x512xf32, #tpu.memory_space<vmem>>, vector<1x16xf32>,
        %get3A_2608 = vector.shape_cast %get3A_2607 : vector<1x16xf32> to vector<16xf32>
        %add3A_2609 = arith.constant 1 : i32
        %add3A_2610 = arith.addi %scan3A_62, %add3A_2609 : i32
        %get3A_2611 = arith.index_cast %add3A_2610 : i32 to index
        %get3A_2612 = arith.constant 496 : index
        %get3A_2613 = tpu.vector_load %arg4[%get3A_2611, %get3A_2612] {strides = array<i32>} : memref<24x512xf32, #tpu.memory_space<vmem>>, vector<1x16xf32>,
        %get3A_2614 = vector.shape_cast %get3A_2613 : vector<1x16xf32> to vector<16xf32>
        %get3A_2615 = arith.index_cast %scan3A_62 : i32 to index
        %get3A_2616 = arith.constant 0 : index
        %get3A_2617 = tpu.vector_load %arg4[%get3A_2615, %get3A_2616] {strides = array<i32>} : memref<24x512xf32, #tpu.memory_space<vmem>>, vector<1x16xf32>,
        %get3A_2618 = vector.shape_cast %get3A_2617 : vector<1x16xf32> to vector<16xf32>
        %broadcast_in_dim3A_2619 = vector.shape_cast %and3A_5 : vector<16xi32> to vector<16x1xi32>
        %gather3A_2620 = vector.shape_cast %broadcast_in_dim3A_2619 : vector<16x1xi32> to vector<16xi32>
        %gather3A_2621 = tpu.dynamic_gather %get3A_2608[%gather3A_2620] in [0] : vector<16xf32>, vector<16xi32> -> vector<16xf32>
        %broadcast_in_dim3A_2622 = vector.shape_cast %sub3A : vector<16xi32> to vector<16x1xi32>
        %gather3A_2623 = vector.shape_cast %broadcast_in_dim3A_2622 : vector<16x1xi32> to vector<16xi32>
        %gather3A_2624 = tpu.dynamic_gather %get3A_2618[%gather3A_2623] in [0] : vector<16xf32>, vector<16xi32> -> vector<16xf32>
        %select_n3A_2625 = arith.select %eq3A_7, %gather3A_2624, %gather3A_2621 : vector<16xi1>, vector<16xf32>
        %sub3A_2626 = arith.subf %select_n3A_2625, %get3A_2608 : vector<16xf32>
        %mul3A_2627 = arith.constant 0.159154937 : f32
        %mul3A_2628 = vector.broadcast %mul3A_2627 : f32 to vector<16xf32>
        %mul3A_2629 = arith.mulf %sub3A_2626, %mul3A_2628 : vector<16xf32>
        %add3A_2630 = arith.constant 0x4B400000 : f32
        %add3A_2631 = vector.broadcast %add3A_2630 : f32 to vector<16xf32>
        %add3A_2632 = arith.addf %mul3A_2629, %add3A_2631 : vector<16xf32>
        %sub3A_2633 = arith.constant 0x4B400000 : f32
        %sub3A_2634 = vector.broadcast %sub3A_2633 : f32 to vector<16xf32>
        %sub3A_2635 = arith.subf %add3A_2632, %sub3A_2634 : vector<16xf32>
        %mul3A_2636 = arith.constant 6.28318548 : f32
        %mul3A_2637 = vector.broadcast %mul3A_2636 : f32 to vector<16xf32>
        %mul3A_2638 = arith.mulf %sub3A_2635, %mul3A_2637 : vector<16xf32>
        %sub3A_2639 = arith.subf %sub3A_2626, %mul3A_2638 : vector<16xf32>
        %mul3A_2640 = arith.mulf %sub3A_2639, %sub3A_2639 : vector<16xf32>
        %mul3A_2641 = arith.constant 1.90652427E-5 : f32
        %mul3A_2642 = vector.broadcast %mul3A_2641 : f32 to vector<16xf32>
        %mul3A_2643 = arith.mulf %mul3A_2642, %mul3A_2640 : vector<16xf32>
        %add3A_2644 = arith.constant -0.00134410732 : f32
        %add3A_2645 = vector.broadcast %add3A_2644 : f32 to vector<16xf32>
        %add3A_2646 = arith.addf %mul3A_2643, %add3A_2645 : vector<16xf32>
        %mul3A_2647 = arith.mulf %add3A_2646, %mul3A_2640 : vector<16xf32>
        %add3A_2648 = arith.constant 0.0415223055 : f32
        %add3A_2649 = vector.broadcast %add3A_2648 : f32 to vector<16xf32>
        %add3A_2650 = arith.addf %mul3A_2647, %add3A_2649 : vector<16xf32>
        %mul3A_2651 = arith.mulf %add3A_2650, %mul3A_2640 : vector<16xf32>
        %add3A_2652 = arith.constant -0.499837607 : f32
        %add3A_2653 = vector.broadcast %add3A_2652 : f32 to vector<16xf32>
        %add3A_2654 = arith.addf %mul3A_2651, %add3A_2653 : vector<16xf32>
        %mul3A_2655 = arith.mulf %add3A_2654, %mul3A_2640 : vector<16xf32>
        %add3A_2656 = arith.constant 0.999971091 : f32
        %add3A_2657 = vector.broadcast %add3A_2656 : f32 to vector<16xf32>
        %add3A_2658 = arith.addf %mul3A_2655, %add3A_2657 : vector<16xf32>
        %add3A_2659 = arith.addf %add3A_2604, %add3A_2658 : vector<16xf32>
        %sub3A_2660 = arith.subf %get3A_2614, %get3A_2608 : vector<16xf32>
        %mul3A_2661 = arith.constant 0.159154937 : f32
        %mul3A_2662 = vector.broadcast %mul3A_2661 : f32 to vector<16xf32>
        %mul3A_2663 = arith.mulf %sub3A_2660, %mul3A_2662 : vector<16xf32>
        %add3A_2664 = arith.constant 0x4B400000 : f32
        %add3A_2665 = vector.broadcast %add3A_2664 : f32 to vector<16xf32>
        %add3A_2666 = arith.addf %mul3A_2663, %add3A_2665 : vector<16xf32>
        %sub3A_2667 = arith.constant 0x4B400000 : f32
        %sub3A_2668 = vector.broadcast %sub3A_2667 : f32 to vector<16xf32>
        %sub3A_2669 = arith.subf %add3A_2666, %sub3A_2668 : vector<16xf32>
        %mul3A_2670 = arith.constant 6.28318548 : f32
        %mul3A_2671 = vector.broadcast %mul3A_2670 : f32 to vector<16xf32>
        %mul3A_2672 = arith.mulf %sub3A_2669, %mul3A_2671 : vector<16xf32>
        %sub3A_2673 = arith.subf %sub3A_2660, %mul3A_2672 : vector<16xf32>
        %mul3A_2674 = arith.mulf %sub3A_2673, %sub3A_2673 : vector<16xf32>
        %mul3A_2675 = arith.constant 1.90652427E-5 : f32
        %mul3A_2676 = vector.broadcast %mul3A_2675 : f32 to vector<16xf32>
        %mul3A_2677 = arith.mulf %mul3A_2676, %mul3A_2674 : vector<16xf32>
        %add3A_2678 = arith.constant -0.00134410732 : f32
        %add3A_2679 = vector.broadcast %add3A_2678 : f32 to vector<16xf32>
        %add3A_2680 = arith.addf %mul3A_2677, %add3A_2679 : vector<16xf32>
        %mul3A_2681 = arith.mulf %add3A_2680, %mul3A_2674 : vector<16xf32>
        %add3A_2682 = arith.constant 0.0415223055 : f32
        %add3A_2683 = vector.broadcast %add3A_2682 : f32 to vector<16xf32>
        %add3A_2684 = arith.addf %mul3A_2681, %add3A_2683 : vector<16xf32>
        %mul3A_2685 = arith.mulf %add3A_2684, %mul3A_2674 : vector<16xf32>
        %add3A_2686 = arith.constant -0.499837607 : f32
        %add3A_2687 = vector.broadcast %add3A_2686 : f32 to vector<16xf32>
        %add3A_2688 = arith.addf %mul3A_2685, %add3A_2687 : vector<16xf32>
        %mul3A_2689 = arith.mulf %add3A_2688, %mul3A_2674 : vector<16xf32>
        %add3A_2690 = arith.constant 0.999971091 : f32
        %add3A_2691 = vector.broadcast %add3A_2690 : f32 to vector<16xf32>
        %add3A_2692 = arith.addf %mul3A_2689, %add3A_2691 : vector<16xf32>
        %add3A_2693 = arith.addf %add3A_2659, %add3A_2692 : vector<16xf32>
        scf.yield %add3A_2693 : vector<16xf32>
      }
      %scan3A_28 = arith.constant 16 : i32
      %xor3A = arith.constant 1 : i32
      %xor3A_29 = vector.broadcast %xor3A : i32 to vector<16xi32>
      %xor3A_30 = arith.xori %iota3A, %xor3A_29 : vector<16xi32>
      %broadcast_in_dim3A_31 = vector.shape_cast %xor3A_30 : vector<16xi32> to vector<16x1xi32>
      %gather3A = vector.shape_cast %broadcast_in_dim3A_31 : vector<16x1xi32> to vector<16xi32>
      %gather3A_32 = tpu.dynamic_gather %scan3A_27[%gather3A] in [0] : vector<16xf32>, vector<16xi32> -> vector<16xf32>
      %add3A_33 = arith.addf %scan3A_27, %gather3A_32 : vector<16xf32>
      %xor3A_34 = arith.constant 2 : i32
      %xor3A_35 = vector.broadcast %xor3A_34 : i32 to vector<16xi32>
      %xor3A_36 = arith.xori %iota3A, %xor3A_35 : vector<16xi32>
      %broadcast_in_dim3A_37 = vector.shape_cast %xor3A_36 : vector<16xi32> to vector<16x1xi32>
      %gather3A_38 = vector.shape_cast %broadcast_in_dim3A_37 : vector<16x1xi32> to vector<16xi32>
      %gather3A_39 = tpu.dynamic_gather %add3A_33[%gather3A_38] in [0] : vector<16xf32>, vector<16xi32> -> vector<16xf32>
      %add3A_40 = arith.addf %add3A_33, %gather3A_39 : vector<16xf32>
      %xor3A_41 = arith.constant 4 : i32
      %xor3A_42 = vector.broadcast %xor3A_41 : i32 to vector<16xi32>
      %xor3A_43 = arith.xori %iota3A, %xor3A_42 : vector<16xi32>
      %broadcast_in_dim3A_44 = vector.shape_cast %xor3A_43 : vector<16xi32> to vector<16x1xi32>
      %gather3A_45 = vector.shape_cast %broadcast_in_dim3A_44 : vector<16x1xi32> to vector<16xi32>
      %gather3A_46 = tpu.dynamic_gather %add3A_40[%gather3A_45] in [0] : vector<16xf32>, vector<16xi32> -> vector<16xf32>
      %add3A_47 = arith.addf %add3A_40, %gather3A_46 : vector<16xf32>
      %xor3A_48 = arith.constant 8 : i32
      %xor3A_49 = vector.broadcast %xor3A_48 : i32 to vector<16xi32>
      %xor3A_50 = arith.xori %iota3A, %xor3A_49 : vector<16xi32>
      %broadcast_in_dim3A_51 = vector.shape_cast %xor3A_50 : vector<16xi32> to vector<16x1xi32>
      %gather3A_52 = vector.shape_cast %broadcast_in_dim3A_51 : vector<16x1xi32> to vector<16xi32>
      %gather3A_53 = tpu.dynamic_gather %add3A_47[%gather3A_52] in [0] : vector<16xf32>, vector<16xi32> -> vector<16xf32>
      %add3A_54 = arith.addf %add3A_47, %gather3A_53 : vector<16xf32>
      %mul3A_55 = arith.constant -1.000000e+00 : f32
      %mul3A_56 = vector.broadcast %mul3A_55 : f32 to vector<16xf32>
      %mul3A_57 = arith.mulf %mul3A_56, %add3A_54 : vector<16xf32>
      %swap3A = arith.index_cast %scan3A_21 : i32 to index
      %swap3A_58 = arith.constant 0 : index
      %swap3A_59 = tpu.vector_load %arg5[%swap3A, %swap3A_58] {strides = array<i32>} : memref<12x16xf32, #tpu.memory_space<vmem>>, vector<1x16xf32>,
      %swap3A_60 = vector.shape_cast %swap3A_59 : vector<1x16xf32> to vector<16xf32>
      %swap3A_61 = vector.shape_cast %mul3A_57 : vector<16xf32> to vector<1x16xf32>
      tpu.vector_store %arg5[%swap3A, %swap3A_58], %swap3A_61 {strides = array<i32>} : memref<12x16xf32, #tpu.memory_space<vmem>>, vector<1x16xf32>,
    }
    %scan3A_20 = arith.constant 12 : i32
    "tpu.region"() ({
      %run_scoped3A = tpu.sem_alloc : memref<!tpu.dma_semaphore, #tpu.memory_space<semaphore_mem>>
      %dma_start3A = arith.constant 0 : i32
      %dma_start3A_21 = arith.constant 0 : i32
      %dma_start3A_22 = tpu.memref_slice %arg3[%add3A, %dma_start3A, %dma_start3A_21] : memref<32x12x16xf32, #tpu.memory_space<hbm>> -> memref<1x12x16xf32, #tpu.memory_space<hbm>>
      %dma_start3A_23 = tpu.memref_squeeze %dma_start3A_22 : memref<1x12x16xf32, #tpu.memory_space<hbm>> -> memref<12x16xf32, #tpu.memory_space<hbm>>
      %dma_start3A_24 = arith.constant 0 : i32
      %dma_start3A_25 = arith.constant 0 : i32
      %dma_start3A_26 = tpu.memref_slice %arg3[%add3A, %dma_start3A_24, %dma_start3A_25] : memref<32x12x16xf32, #tpu.memory_space<hbm>> -> memref<1x12x16xf32, #tpu.memory_space<hbm>>
      %dma_start3A_27 = tpu.memref_squeeze %dma_start3A_26 : memref<1x12x16xf32, #tpu.memory_space<hbm>> -> memref<12x16xf32, #tpu.memory_space<hbm>>
      tpu.enqueue_dma source(%arg5 : memref<12x16xf32, #tpu.memory_space<vmem>>) target(%dma_start3A_27 : memref<12x16xf32, #tpu.memory_space<hbm>>) target_semaphore(%run_scoped3A : memref<!tpu.dma_semaphore, #tpu.memory_space<semaphore_mem>>)
      %dma_wait3A = arith.constant 0 : i32
      %dma_wait3A_28 = arith.constant 0 : i32
      %dma_wait3A_29 = tpu.memref_slice %arg3[%add3A, %dma_wait3A, %dma_wait3A_28] : memref<32x12x16xf32, #tpu.memory_space<hbm>> -> memref<1x12x16xf32, #tpu.memory_space<hbm>>
      %dma_wait3A_30 = tpu.memref_squeeze %dma_wait3A_29 : memref<1x12x16xf32, #tpu.memory_space<hbm>> -> memref<12x16xf32, #tpu.memory_space<hbm>>
      %dma_wait3A_31 = arith.constant 0 : i32
      %dma_wait3A_32 = arith.constant 0 : i32
      %dma_wait3A_33 = tpu.memref_slice %arg3[%add3A, %dma_wait3A_31, %dma_wait3A_32] : memref<32x12x16xf32, #tpu.memory_space<hbm>> -> memref<1x12x16xf32, #tpu.memory_space<hbm>>
      %dma_wait3A_34 = tpu.memref_squeeze %dma_wait3A_33 : memref<1x12x16xf32, #tpu.memory_space<hbm>> -> memref<12x16xf32, #tpu.memory_space<hbm>>
      tpu.wait_dma2 semaphore(%run_scoped3A : memref<!tpu.dma_semaphore, #tpu.memory_space<semaphore_mem>>) src(%arg5 : memref<12x16xf32, #tpu.memory_space<vmem>>) dst(%dma_wait3A_34 : memref<12x16xf32, #tpu.memory_space<hbm>>)
      tpu.yield
    }) : () -> ()
    return
  }
}

module attributes {stable_mosaic.version = 14 : i64} {
  func.func @_tc_body(%arg0: i32, %arg1: memref<4x512x512xf32, #tpu.memory_space<vmem>>, %arg2: memref<52x1xf32, #tpu.memory_space<vmem>>) attributes {dimension_semantics = [#tpu.dimension_semantics<arbitrary>], iteration_bounds = array<i64: 13>, scalar_prefetch = 0 : i64, scratch_operands = 0 : i64, tpu.core_type = #tpu.core_type<tc>, window_params = [{transform_indices = @transform_0, window_bounds = array<i64: 4, 512, 512>}, {pipeline_mode = #tpu.pipeline_mode<synchronous>, transform_indices = @transform_1, window_bounds = array<i64: 52, 1>}]} {
    %get3A = arith.constant 0 : index
    %get3A_0 = arith.constant 0 : index
    %get3A_1 = arith.constant 0 : index
    %get3A_2 = vector.load %arg1[%get3A, %get3A_0, %get3A_1] : memref<4x512x512xf32, #tpu.memory_space<vmem>>, vector<4x512x512xf32>
    %convert_element_type3A = arith.truncf %get3A_2 : vector<4x512x512xf32> to vector<4x512x512xbf16>
    %slice3A = vector.extract_strided_slice %convert_element_type3A {offsets = [0, 1, 0], sizes = [4, 511, 512], strides = [1, 1, 1]} : vector<4x512x512xbf16> to vector<4x511x512xbf16>
    %slice3A_3 = vector.extract_strided_slice %convert_element_type3A {offsets = [0, 0, 0], sizes = [4, 1, 512], strides = [1, 1, 1]} : vector<4x512x512xbf16> to vector<4x1x512xbf16>
    %concatenate3A = tpu.concatenate %slice3A, %slice3A_3 in 1 : vector<4x511x512xbf16>, vector<4x1x512xbf16> -> vector<4x512x512xbf16>
    %slice3A_4 = vector.extract_strided_slice %convert_element_type3A {offsets = [0, 0, 1], sizes = [4, 512, 511], strides = [1, 1, 1]} : vector<4x512x512xbf16> to vector<4x512x511xbf16>
    %slice3A_5 = vector.extract_strided_slice %convert_element_type3A {offsets = [0, 0, 0], sizes = [4, 512, 1], strides = [1, 1, 1]} : vector<4x512x512xbf16> to vector<4x512x1xbf16>
    %concatenate3A_6 = tpu.concatenate %slice3A_4, %slice3A_5 in 2 : vector<4x512x511xbf16>, vector<4x512x1xbf16> -> vector<4x512x512xbf16>
    %sub3A = arith.subf %concatenate3A, %convert_element_type3A : vector<4x512x512xbf16>
    %mul3A = arith.constant 1.591800e-01 : bf16
    %mul3A_7 = vector.broadcast %mul3A : bf16 to vector<4x512x512xbf16>
    %mul3A_8 = arith.mulf %sub3A, %mul3A_7 : vector<4x512x512xbf16>
    %add3A = arith.constant 3.840000e+02 : bf16
    %add3A_9 = vector.broadcast %add3A : bf16 to vector<4x512x512xbf16>
    %add3A_10 = arith.addf %mul3A_8, %add3A_9 : vector<4x512x512xbf16>
    %sub3A_11 = arith.constant 3.840000e+02 : bf16
    %sub3A_12 = vector.broadcast %sub3A_11 : bf16 to vector<4x512x512xbf16>
    %sub3A_13 = arith.subf %add3A_10, %sub3A_12 : vector<4x512x512xbf16>
    %mul3A_14 = arith.constant 6.281250e+00 : bf16
    %mul3A_15 = vector.broadcast %mul3A_14 : bf16 to vector<4x512x512xbf16>
    %mul3A_16 = arith.mulf %sub3A_13, %mul3A_15 : vector<4x512x512xbf16>
    %sub3A_17 = arith.subf %sub3A, %mul3A_16 : vector<4x512x512xbf16>
    %mul3A_18 = arith.mulf %sub3A_17, %sub3A_17 : vector<4x512x512xbf16>
    %mul3A_19 = arith.constant 1.907350e-05 : bf16
    %mul3A_20 = vector.broadcast %mul3A_19 : bf16 to vector<4x512x512xbf16>
    %mul3A_21 = arith.mulf %mul3A_20, %mul3A_18 : vector<4x512x512xbf16>
    %add3A_22 = arith.constant -1.342770e-03 : bf16
    %add3A_23 = vector.broadcast %add3A_22 : bf16 to vector<4x512x512xbf16>
    %add3A_24 = arith.addf %mul3A_21, %add3A_23 : vector<4x512x512xbf16>
    %mul3A_25 = arith.mulf %add3A_24, %mul3A_18 : vector<4x512x512xbf16>
    %add3A_26 = arith.constant 4.150390e-02 : bf16
    %add3A_27 = vector.broadcast %add3A_26 : bf16 to vector<4x512x512xbf16>
    %add3A_28 = arith.addf %mul3A_25, %add3A_27 : vector<4x512x512xbf16>
    %mul3A_29 = arith.mulf %add3A_28, %mul3A_18 : vector<4x512x512xbf16>
    %add3A_30 = arith.constant -5.000000e-01 : bf16
    %add3A_31 = vector.broadcast %add3A_30 : bf16 to vector<4x512x512xbf16>
    %add3A_32 = arith.addf %mul3A_29, %add3A_31 : vector<4x512x512xbf16>
    %mul3A_33 = arith.mulf %add3A_32, %mul3A_18 : vector<4x512x512xbf16>
    %add3A_34 = arith.constant 1.000000e+00 : bf16
    %add3A_35 = vector.broadcast %add3A_34 : bf16 to vector<4x512x512xbf16>
    %add3A_36 = arith.addf %mul3A_33, %add3A_35 : vector<4x512x512xbf16>
    %sub3A_37 = arith.subf %concatenate3A_6, %convert_element_type3A : vector<4x512x512xbf16>
    %mul3A_38 = arith.constant 1.591800e-01 : bf16
    %mul3A_39 = vector.broadcast %mul3A_38 : bf16 to vector<4x512x512xbf16>
    %mul3A_40 = arith.mulf %sub3A_37, %mul3A_39 : vector<4x512x512xbf16>
    %add3A_41 = arith.constant 3.840000e+02 : bf16
    %add3A_42 = vector.broadcast %add3A_41 : bf16 to vector<4x512x512xbf16>
    %add3A_43 = arith.addf %mul3A_40, %add3A_42 : vector<4x512x512xbf16>
    %sub3A_44 = arith.constant 3.840000e+02 : bf16
    %sub3A_45 = vector.broadcast %sub3A_44 : bf16 to vector<4x512x512xbf16>
    %sub3A_46 = arith.subf %add3A_43, %sub3A_45 : vector<4x512x512xbf16>
    %mul3A_47 = arith.constant 6.281250e+00 : bf16
    %mul3A_48 = vector.broadcast %mul3A_47 : bf16 to vector<4x512x512xbf16>
    %mul3A_49 = arith.mulf %sub3A_46, %mul3A_48 : vector<4x512x512xbf16>
    %sub3A_50 = arith.subf %sub3A_37, %mul3A_49 : vector<4x512x512xbf16>
    %mul3A_51 = arith.mulf %sub3A_50, %sub3A_50 : vector<4x512x512xbf16>
    %mul3A_52 = arith.constant 1.907350e-05 : bf16
    %mul3A_53 = vector.broadcast %mul3A_52 : bf16 to vector<4x512x512xbf16>
    %mul3A_54 = arith.mulf %mul3A_53, %mul3A_51 : vector<4x512x512xbf16>
    %add3A_55 = arith.constant -1.342770e-03 : bf16
    %add3A_56 = vector.broadcast %add3A_55 : bf16 to vector<4x512x512xbf16>
    %add3A_57 = arith.addf %mul3A_54, %add3A_56 : vector<4x512x512xbf16>
    %mul3A_58 = arith.mulf %add3A_57, %mul3A_51 : vector<4x512x512xbf16>
    %add3A_59 = arith.constant 4.150390e-02 : bf16
    %add3A_60 = vector.broadcast %add3A_59 : bf16 to vector<4x512x512xbf16>
    %add3A_61 = arith.addf %mul3A_58, %add3A_60 : vector<4x512x512xbf16>
    %mul3A_62 = arith.mulf %add3A_61, %mul3A_51 : vector<4x512x512xbf16>
    %add3A_63 = arith.constant -5.000000e-01 : bf16
    %add3A_64 = vector.broadcast %add3A_63 : bf16 to vector<4x512x512xbf16>
    %add3A_65 = arith.addf %mul3A_62, %add3A_64 : vector<4x512x512xbf16>
    %mul3A_66 = arith.mulf %add3A_65, %mul3A_51 : vector<4x512x512xbf16>
    %add3A_67 = arith.constant 1.000000e+00 : bf16
    %add3A_68 = vector.broadcast %add3A_67 : bf16 to vector<4x512x512xbf16>
    %add3A_69 = arith.addf %mul3A_66, %add3A_68 : vector<4x512x512xbf16>
    %add3A_70 = arith.addf %add3A_36, %add3A_69 : vector<4x512x512xbf16>
    %convert_element_type3A_71 = arith.extf %add3A_70 : vector<4x512x512xbf16> to vector<4x512x512xf32>
    %reduce_sum3A = arith.constant dense<0.000000e+00> : vector<4xf32>
    %reduce_sum3A_72 = vector.multi_reduction <add>, %convert_element_type3A_71, %reduce_sum3A [1, 2] : vector<4x512x512xf32> to vector<4xf32>
    %broadcast_in_dim3A = vector.shape_cast %reduce_sum3A_72 : vector<4xf32> to vector<4x1xf32>
    %mul3A_73 = arith.constant -1.000000e+00 : f32
    %mul3A_74 = vector.broadcast %mul3A_73 : f32 to vector<4x1xf32>
    %mul3A_75 = arith.mulf %mul3A_74, %broadcast_in_dim3A : vector<4x1xf32>
    %add3A_76 = arith.constant 5.242880e+05 : f32
    %add3A_77 = vector.broadcast %add3A_76 : f32 to vector<4x1xf32>
    %add3A_78 = arith.addf %mul3A_75, %add3A_77 : vector<4x1xf32>
    %mul3A_79 = arith.constant 4 : i32
    %mul3A_80 = arith.muli %arg0, %mul3A_79 : i32
    %swap3A = arith.index_cast %mul3A_80 : i32 to index
    %swap3A_81 = arith.constant 0 : index
    %swap3A_82 = vector.load %arg2[%swap3A, %swap3A_81] : memref<52x1xf32, #tpu.memory_space<vmem>>, vector<4x1xf32>
    tpu.vector_store %arg2[%swap3A, %swap3A_81], %add3A_78 {strides = array<i32>} : memref<52x1xf32, #tpu.memory_space<vmem>>, vector<4x1xf32>,
    return
  }
  func.func @transform_0(%arg0: i32) -> (i32, i32, i32) {
    %c0_i32 = arith.constant 0 : i32
    %c0_i32_0 = arith.constant 0 : i32
    %c0_i32_1 = arith.constant 0 : i32
    return %arg0, %c0_i32, %c0_i32_0 : i32, i32, i32
  }
  func.func @transform_1(%arg0: i32) -> (i32, i32) {
    %c0_i32 = arith.constant 0 : i32
    %c0_i32_0 = arith.constant 0 : i32
    %c0_i32_1 = arith.constant 0 : i32
    return %c0_i32, %c0_i32_0 : i32, i32
  }
}

</mosaic_0001>

<sc_bundles>
// kernel: kernel.4.cloned.1.call-start
scs
__scs_entry_jumppad:
0x0: {  	(pc) =	sbr.rel $0x88, $3  }
0x1: {  	(tag) =	ssettag $0x0;
	lr =	simm.s32 $0x1  }
0x2: {  	[smem:$0x3FA0] =	sst lr;
	_ =	strace $0xD0000000  }
0x3: {  	_ = 	snop  }
0x4: {  	_ = 	snop  }
0x5: {  	_ = 	snop  }
0x6: {  	_ = 	snop  }
0x7: {  	_ = 	snop  }
__scs_overlays_trampoline_lowered:
0x8: {  	[smem:$0x3FAF] =	sst s0  }
0x9: {  	[smem:$0x3FB0] =	sst s1  }
0xa: {  	[smem:$0x3FB1] =	sst s2  }
0xb: {  	[smem:$0x3FB2] =	sst s3  }
0xc: {  	[smem:$0x3FB3] =	sst s4  }
0xd: {  	[smem:$0x3FB4] =	sst s5  }
0xe: {  	[smem:$0x3FB5] =	sst s6  }
0xf: {  	[smem:$0x3FB6] =	sst s7  }
0x10: {  	[smem:$0x3FB7] =	sst s8  }
0x11: {  	[smem:$0x3FB8] =	sst s9;
	s0 =	simm.s32 @!p0 $0x0  }
0x12: {  	s1 =	sld [smem:$0x3F9E];
	s0 =	simm.s32 @p0 $0x1  }
0x13: {  	[smem:$0x3FB9] =	sst s0;
	s0 =	simm.s32 @!p1 $0x0  }
0x14: {  	s2 =	sld [smem:$0x3F9D];
	s0 =	simm.s32 @p1 $0x1  }
0x15: {  	[smem:$0x3FBA] =	sst s0;
	s0 =	simm.s32 @!p2 $0x0  }
0x16: {  	s3 =	sld [smem:$0x3FDB];
	s0 =	simm.s32 @p2 $0x1  }
0x17: {  	s4 =	simm.s32 $0x1BF5;
	[smem:$0x3FBC] =	sst s0  }
0x18: {  	s0 =	sld [smem:$0x3F9F];
	_ =	swait.ge [sflag:s4], $0x0  }
0x19: {  	s7 =	sld [smem:$0x3FA0]  }
0x1a: {  	s8 =	sadd.s32 $0xFFFFE003, lr  }
0x1b: {  	s9 =	sadd.s32 $0xFFFFFEF7, lr;
	s5 =	simm.s32 $0xFFFFFFFF;
	p2 =	slt.u32 s8, $0xFFFFF086  }
0x1c: {  	p1 =	slt.u32 s9, $0xF7A;
	s5 =	simm.s32 @!p2 $0x0  }
0x1d: {  	s5 =	simm.s32 @p1 $0x1;
	p0 =	seq.s32 s7, s2  }
0x1e: {  	s7 =	smul.u32 @!p0 $0xF7A, s2;
	p2 =	seq.s32 @!p0 s5, $0x0  }
0x1f: {  	s9 =	smul.u32 $0xF7A, s1;
	s8 =	simm.s32 @!p0 $0x1BF5;
	p2 =	por !p2, p0  }
0x20: {  	[sflag:s8] =	ssyncset.s32 @!p0 $0xFFFFF086;
	s6 =	sadd.s32 @!p0 s3, s7;
	s7 =	simm.s32 @!p0 $0x108  }
0x21: {  	s3 =	sadd.s32 s3, s9;
	s6 =	sadd.s32 @!p0 $0x88, s6;
	s7 =	simm.s32 @p2 $0x1082  }
0x22: {  	[simem:s7], [sflag:s8] =	dma.local @!p0 [hbm:s6], $0xF7A  }
0x23: {  	s9 =	sor.u32 $0xD0000000, s2;
	s6 =	simm.s32 $0x108;
	_ =	swait.ge @!p0 [sflag:s8], $0x0  }
0x24: {  	s3 =	sadd.s32 $0x88, s3;
	s6 =	simm.s32 @!p1 $0x1082;
	[sflag:s4] =	ssyncset.s32 $0xFFFFF086  }
0x25: {  	[simem:s6], [sflag:s4] =	dma.local [hbm:s3], $0xF7A  }
0x26: {  	[smem:$0x3FA0] =	sst s1;
	(tag) =	ssettag s2;
	_ =	strace s9  }
0x27: {  	s1 =	sld [smem:$0x3FB0]  }
0x28: {  	s2 =	sld [smem:$0x3FB1]  }
0x29: {  	s4 =	sld [smem:$0x3FB3]  }
0x2a: {  	p0 =	seq.s32 s5, $0x0;
	s5 =	sld [smem:$0x3FB4]  }
0x2b: {  	s6 =	sld [smem:$0x3FB5]  }
0x2c: {  	s7 =	sld [smem:$0x3FB6]  }
0x2d: {  	s3 =	simm.s32 $0x108;
	s8 =	sld [smem:$0x3FB7]  }
0x2e: {  	s3 =	simm.s32 @!p0 $0x1082;
	s9 =	sld [smem:$0x3FB8]  }
0x2f: {  	lr =	sadd.s32 s0, s3;
	s0 =	sld [smem:$0x3FAF]  }
0x30: {  	s3 =	sld [smem:$0x3FB2]  }
0x31: {  	[smem:$0x3FBB] =	sst s10  }
0x32: {  	s10 =	sld [smem:$0x3FB9];
	_ =	sdelay $0x3  }
0x33: {  	p0 =	seq.s32 s10, $0x1;
	s10 =	sld [smem:$0x3FBB];
	_ =	sdelay $0x3  }
0x34: {  	[smem:$0x3FBB] =	sst s10  }
0x35: {  	s10 =	sld [smem:$0x3FBA];
	_ =	sdelay $0x3  }
0x36: {  	p1 =	seq.s32 s10, $0x1;
	s10 =	sld [smem:$0x3FBB];
	_ =	sdelay $0x3  }
0x37: {  	[smem:$0x3FBB] =	sst s10  }
0x38: {  	s10 =	sld [smem:$0x3FBC]  }
0x39: {  	_ = 	snop;
	(pc) =	sbr.ind lr, $3  }
0x3a: {  	_ = 	snop  }
0x3b: {  	_ = 	snop  }
0x3c: {  	p2 =	seq.s32 s10, $0x1;
	s10 =	sld [smem:$0x3FBB]  }
0x3d: {  	_ =	shalt  }
0x3e: {  	_ =	shalt  }
0x3f: {  	_ =	shalt  }
0x40: {  	_ =	shalt  }
0x41: {  	_ =	shalt  }
0x42: {  	_ =	shalt  }
0x43: {  	_ =	shalt  }
0x44: {  	_ =	shalt  }
0x45: {  	_ =	shalt  }
0x46: {  	_ =	shalt  }
0x47: {  	_ =	shalt  }
0x48: {  	_ =	shalt  }
0x49: {  	_ =	shalt  }
0x4a: {  	_ =	shalt  }
0x4b: {  	_ =	shalt  }
0x4c: {  	_ =	shalt  }
0x4d: {  	_ =	shalt  }
0x4e: {  	_ =	shalt  }
0x4f: {  	_ =	shalt  }
0x50: {  	_ =	shalt  }
0x51: {  	_ =	shalt  }
0x52: {  	_ =	shalt  }
0x53: {  	_ =	shalt  }
0x54: {  	_ =	shalt  }
0x55: {  	_ =	shalt  }
0x56: {  	_ =	shalt  }
0x57: {  	_ =	shalt  }
0x58: {  	_ =	shalt  }
0x59: {  	_ =	shalt  }
0x5a: {  	_ =	shalt  }
0x5b: {  	_ =	shalt  }
0x5c: {  	_ =	shalt  }
0x5d: {  	_ =	shalt  }
0x5e: {  	_ =	shalt  }
0x5f: {  	_ =	shalt  }
0x60: {  	_ =	shalt  }
0x61: {  	_ =	shalt  }
0x62: {  	_ =	shalt  }
0x63: {  	_ =	shalt  }
0x64: {  	_ =	shalt  }
0x65: {  	_ =	shalt  }
0x66: {  	_ =	shalt  }
0x67: {  	_ =	shalt  }
0x68: {  	_ =	shalt  }
0x69: {  	_ =	shalt  }
0x6a: {  	_ =	shalt  }
0x6b: {  	_ =	shalt  }
0x6c: {  	_ =	shalt  }
0x6d: {  	_ =	shalt  }
0x6e: {  	_ =	shalt  }
0x6f: {  	_ =	shalt  }
0x70: {  	_ =	shalt  }
0x71: {  	_ =	shalt  }
0x72: {  	_ =	shalt  }
0x73: {  	_ =	shalt  }
0x74: {  	_ =	shalt  }
0x75: {  	_ =	shalt  }
0x76: {  	_ =	shalt  }
0x77: {  	_ =	shalt  }
0x78: {  	_ =	shalt  }
0x79: {  	_ =	shalt  }
0x7a: {  	_ =	shalt  }
0x7b: {  	_ =	shalt  }
0x7c: {  	_ =	shalt  }
0x7d: {  	_ =	shalt  }
0x7e: {  	_ =	shalt  }
0x7f: {  	_ =	shalt  }
0x80: {  	_ =	shalt  }
0x81: {  	_ =	shalt  }
0x82: {  	_ =	shalt  }
0x83: {  	_ =	shalt  }
0x84: {  	_ =	shalt  }
0x85: {  	_ =	shalt  }
0x86: {  	_ =	shalt  }
0x87: {  	_ =	shalt  }
.Lfunc_end0:
.L_simem_size_0:
called_computation.1_lowered:
.L_overlay_start_0:
0x88: {  	s2 =	sld [smem:$0x3FD9]  }
0x89: {  	s3 =	sld [smem:$0x3FFE];
	_ =	sdelay $0x1  }
0x8a: {  	s1 =	srdreg.scid  }
0x8b: {  	s0 =	sand.u32 $0x1, s1  }
0x8c: {  	s16 =	sshll.u32 s0, $0xA;
	s2 =	sadd.s32 s3, s2  }
0x8d: {  	s2 =	sadd.s32 s2, s16  }
0x8e: {  	[smem:$0x3FC7] =	sst s2  }
0x8f: {  	_ = 	snop  }
0x90: {  	(tm) =	ssettm $0x1  }
0x91: {  	s17 =	sld [smem:$0x3FFB];
	_ =	sdelay $0x3  }
0x92: {  	_ =	strace s17  }
0x93: {  	s2 =	sld [smem:$0x3FFC];
	_ =	sdelay $0x3  }
0x94: {  	_ =	strace s2  }
0x95: {  	s2 =	sld [smem:$0x3FFD];
	_ =	sdelay $0x3  }
0x96: {  	_ =	strace s2  }
0x97: {  	_ =	strace $0x8FFFFFFF  }
0x98: {  	s18 =	sld [smem:$0x3FDB];
	_ =	sdelay $0x1  }
0x99: {  	s19 =	simm.s32 $_scs_section_size  }
0x9a: {  	s4 =	simm.s32 $_size__tile_overlayer_lowered;
	s5 =	simm.s32 $_tile_overlayer_lowered  }
0x9b: {  	s22 =	simm.s32 $0x1BFF;
	s21 =	sshll.u32 s5, $0x1;
	s2 =	sadd.s32 s19, s18  }
0x9c: {  	s6 =	simm.s32 $0x0;
	s20 =	sshll.u32 s4, $0x1;
	s4 =	sadd.s32 s21, s2  }
0x9d: {  	[timem:s6], [sflag:s22] =	dma.local [hbm:s4], s20  }
0x9e: {  	_ =	swait.ge [sflag:s22], s20  }
0x9f: {  	s3 =	ssub.s32 $0x0, s20;
	[sflag:s22] =	ssyncset.done $0x0  }
0xa0: {  	[sflag:s22] =	ssyncadd.s32 s3;
	_ =	sdelay $0x1  }
0xa1: {  	s23 =	simm.s32 $0x1B8B  }
0xa2: {  	_ =	swait.ge [sflag:s23], $0x1  }
0xa3: {  	[sflag:s23] =	ssyncset.done $0x0  }
0xa4: {  	s25 =	simm.s32 $0x1B8E;
	s24 =	sld [smem:$0x3FFE];
	[sflag:s23] =	ssyncadd.s32 $0xFFFFFFFF  }
0xa5: {  	s26 =	simm.s32 $execute0_lowered;
	[smem:$0x3FD2] =	sst s25  }
0xa6: {  	s4 =	sshll.u32 s26, $0x1;
	_ =	strace $0x80000049;
	[dreg:$0x1] =	wrdreg $0xFFFFFFFF  }
0xa7: {  	s28 =	simm.s32 $_size_execute0_lowered;
	s2 =	sadd.s32 s2, s4;
	[dreg:$0x0] =	wrdreg $0x0  }
0xa8: {  	s4 =	sshll.u32 s28, $0x1;
	[dreg:$0x2] =	wrdreg s2  }
0xa9: {  	[dreg:$0x3] =	wrdreg s4  }
0xaa: {  	[dreg:$0x4] =	wrdreg $0xC0  }
0xab: {  	_ =	task [dreg:s6], $0x5FFFF  }
0xac: {  	[dreg:$0x1] =	wrdreg $0xFFFFFFFF  }
0xad: {  	[dreg:$0x0] =	wrdreg $0x60  }
0xae: {  	[dreg:$0x2] =	wrdreg s24  }
0xaf: {  	[dreg:$0x3] =	wrdreg $0x9  }
0xb0: {  	_ =	task.clear_ibuf [dreg:s6], $0x4FFFF;
	_ =	strace $0x90000049  }
0xb1: {  	s29 =	simm.s32 $0x9;
	_ =	strace $0x8000004B  }
0xb2: {  	_ =	swait.ge [sflag:s29], $0x1  }
0xb3: {  	[sflag:s29] =	ssyncadd.s32 $0xFFFFFFFF  }
0xb4: {  	_ =	strace $0x9000004B  }
0xb5: {  	_ =	sfence  }
0xb6: {  	s30 =	sld [smem:$0x0];
	_ =	sdelay $0x2  }
0xb7: {  	s31 =	sshll.u32 s1, $0xD;
	s1 =	sshrl.u32 s1, $0x2  }
0xb8: {  	s3 =	sand.u32 $0x4000, s31;
	s1 =	sadd.s32 s1, s30  }
0xb9: {  	s0 =	sor.u32 s3, s0;
	s1 =	sshll.u32 s1, $0x11  }
0xba: {  	s0 =	sor.u32 s1, s0  }
0xbb: {  	s0 =	sadd.s32 $0x8F2B, s0  }
0xbc: {  	[sflag:s0] =	ssyncadd.remote.s32 $0x1  }
0xbd: {  	_ =	sfence.sel $0xFFFF  }
0xbe: {  	[dreg:$0x0] =	wrdreg $0xFFFFFFFF;
	(pc) =	sbr.abs _section_cstart, $3  }
0xbf: {  	[dreg:$0x1] =	wrdreg $0xFFFFFFFF  }
0xc0: {  	_ =	task.clear_ibuf [dreg:s6], $0x2FFFF;
	_ =	strace $0x9FFFFFFF  }
0xc1: {  	(tm) =	ssettm $0x7FFFFFFF  }
tec
execute0_lowered:
.L_overlay_start_1:
0x0: {  	(tag) =	ssettag $0x1  }
0x1: {  	v0 =	vimm.s32 $0xEDCBA987;
	v1 =	vimm.s32 $0x6543210F  }
0x2: {  	v0 =	vunpack.c.l.s4.s8 v0;
	v1 =	vunpack.c.l.s4.s8 v1  }
0x3: {  	v2 =	vimm.s32 $0xFEDCBA9;
	v3 =	vimm.s32 $0x87654321  }
0x4: {  	v5 =	vimm.s32 $0xED0FA9CB;
	v0 =	vunpack.c.0.s8.s32 v0;
	v1 =	vunpack.c.0.s8.s32 v1  }
0x5: {  	v6 =	vimm.s32 $0x65872143;
	v7 =	vimm.s32 $0xCBA90FED;
	v8 =	vimm.s32 $0x43218765  }
0x6: {  	v0 =	vcombine.low v1, v0;
	v1 =	vunpack.c.l.s4.s8 v2;
	v2 =	vimm.s32 $0xF0DEBC9A  }
0x7: {  	s4 =	rddreg [dreg:$0x0];
	vm0 =	vmmov $0x7fff;
	vm1 =	vcmask $0x373C;
	v2 =	vunpack.c.l.s4.s8 v2  }
0x8: {  	s0 =	rddreg [dreg:$0x1];
	s2 =	simm.s32 $0x0;
	s3 =	srdreg.scid;
	v5 =	vunpack.c.l.s4.s8 v5;
	v6 =	vunpack.c.l.s4.s8 v6;
	v7 =	vunpack.c.l.s4.s8 v7  }
0x9: {  	s1 =	stileid.u32;
	s9 =	simm.s32 $0x2000;
	s10 =	simm.s32 $0x3000;
	v8 =	vunpack.c.l.s4.s8 v8;
	v4 =	vunpack.c.0.s8.s32 v2;
	v2 =	vimm.s32 $0x78563412  }
0xa: {  	vm2 =	vcmask $0x3338;
	s11 =	simm.s32 $0x0;
	s5 =	sand.u32 $0x1, s3;
	s29 =	sshll.u32 s1, $0x1;
	v5 =	vunpack.c.0.s8.s32 v5;
	v2 =	vunpack.c.l.s4.s8 v2  }
0xb: {  	[smem:$0x7FF] =	sst s2;
	s3 =	sadd.s32 $0x200400, s4;
	s6 =	sor.u32 s5, s29;
	v6 =	vunpack.c.0.s8.s32 v6;
	v7 =	vunpack.c.0.s8.s32 v7;
	v8 =	vunpack.c.0.s8.s32 v8  }
0xc: {  	vm3 =	vcmask $0x2B30;
	v3 =	vunpack.c.l.s4.s8 v3;
	_ =	strace $0x8000004A;
	s5 =	ssub.s32 $0x2, s5;
	s7 =	sshll.u32 s6, $0x8;
	v9 =	vunpack.c.0.s8.s32 v2  }
0xd: {  	vm4 =	vcmask $0x1B20;
	s8 =	sshll.u32 s6, $0x4;
	s31 =	sshrl.u32 s5, $0x1;
	s7 =	sadd.s32 s7, s4;
	v6 =	vcombine.low v6, v5;
	v7 =	vcombine.low v8, v7  }
0xe: {  	s30 =	sadd.s32 $0x10, s8;
	s8 =	ssub.s32 s5, s31;
	s5 =	sshll.u32 s6, $0xD;
	v1 =	vunpack.c.0.s8.s32 v1;
	v2 =	vunpack.c.0.s8.s32 v3;
	v9 =	vcombine.low v9, v4  }
0xf: {  	p0 =	seq.s32 s30, $0x200;
	s4 =	sshll.u32 s30, $0x9;
	s6 =	sadd.s32 $0x260400, s7;
	v0 =	vand.u32 $0xF, v0;
	v6 =	vand.u32 $0xF, v6;
	v7 =	vand.u32 $0xF, v7  }
0x10: {  	s7 =	smax.u32 s8, $0x1;
	s8 =	simm.s32 $0x1;
	s4 =	simm.s32 @p0 $0x0;
	v3 =	vcombine.low v2, v1;
	v4 =	vimm.s32 $0x0;
	v5 =	vand.u32 $0xF, v9  }
.LBB2_1:
0x11: {  	s12 =	simm.s32 $0x0  }
.LBB2_2:
0x12: {  	s14 =	sshll.u32 s12, $0x12  }
0x13: {  	s13 =	sor.u32 s5, s14  }
0x14: {  	s13 =	sshrl.u32 s13, $0x3  }
0x15: {  	s15 =	sadd.s32 s3, s13;
	s13 =	simm.s32 $0x0  }
0x16: {  	[tilespmem:s13], [sflag:$0x1] =	stream.linear.gather [hbm4b:s15+s13], $0x2000, $0x38;
	[tilespmem:$0x3800] =	vst v63  }
0x17: {  	s14 =	sadd.s32 s4, s14;
	_ =	swait.ge [sflag:s8], $0x2000  }
0x18: {  	s14 =	sshrl.u32 s14, $0x3;
	[sflag:s8] =	ssyncset.done $0x0  }
0x19: {  	s14 =	sadd.s32 s3, s14;
	[sflag:s8] =	ssyncadd.s32 $0xFFFFE000  }
0x1a: {  	[tilespmem:s9], [sflag:$0x1] =	stream.linear.gather [hbm4b:s14+s13], $0x1000, $0x38;
	[tilespmem:$0x3800] =	vst v63  }
0x1b: {  	_ =	swait.ge [sflag:s8], $0x1000  }
0x1c: {  	[sflag:s8] =	ssyncset.done $0x0  }
0x1d: {  	v9 =	vimm.f32 $0.0e+00;
	v10 =	vimm.f32 $0.0e+00;
	s14 =	simm.s32 $0x80;
	[sflag:s8] =	ssyncadd.s32 $0xFFFFF000  }
.LBB2_3:
0x1e: {  	s16 =	sadd.s32 $0xFFFFFF80, s14  }
0x1f: {  	s15 =	sand.u32 $0x1000, s13;
	s13 =	sadd.s32 $0x200, s13;
	s16 =	sand.u32 $0x380, s16  }
0x20: {  	s17 =	sand.u32 $0x380, s14;
	s25 =	sand.u32 $0x3000, s13;
	s16 =	sor.u32 s16, s15  }
0x21: {  	s15 =	sor.u32 s17, s25;
	v8 =	vld [tilespmem:s16+$0x0]  }
0x22: {  	v11 =	vld [tilespmem:s15+$0x0];
	s26 =	sor.u32 $0x10, s16  }
0x23: {  	v12 =	vld.msk [tilespmem:s26+$0x0], $0x1  }
0x24: {  	v57 =	vld [tilespmem:s16+$0x10]  }
0x25: {  	s28 =	sor.u32 $0x20, s16  }
0x26: {  	v17 =	vld.msk [tilespmem:s28+$0x0], $0x1;
	v13 =	vperm.xlane v8, v0  }
0x27: {  	v11 =	vsub.f32 v11, v8  }
0x28: {  	v63 =	vld [tilespmem:s16+$0x20];
	v14 =	vsub.f32 v8, v13;
	v12 =	vsub.f32 v12, v13  }
0x29: {  	v37 =	vld [tilespmem:s16+$0x30];
	v20 =	vperm.xlane v57, v0;
	v55 =	vmul.f32 $1.591549370e-01, v11  }
0x2a: {  	v15 =	vmul.f32 $1.591549370e-01, v14;
	v16 =	vmul.f32 $1.591549370e-01, v12  }
0x2b: {  	v17 =	vsub.f32 v17, v20;
	v13 =	vadd.f32 $1.258291200e+07, v55  }
0x2c: {  	v15 =	vadd.f32 $1.258291200e+07, v15;
	v16 =	vadd.f32 $1.258291200e+07, v16  }
0x2d: {  	v28 =	vperm.xlane v63, v0;
	v22 =	vmul.f32 $1.591549370e-01, v17;
	v13 =	vadd.f32 $-1.258291200e+07, v13  }
0x2e: {  	v58 =	vld [tilespmem:s15+$0x10];
	v44 =	vperm.xlane v37, v0;
	v15 =	vadd.f32 $-1.258291200e+07, v15;
	v16 =	vadd.f32 $-1.258291200e+07, v16  }
0x2f: {  	v31 =	vsub.f32 v63, v28;
	v22 =	vadd.f32 $1.258291200e+07, v22;
	v13 =	vmul.f32 $6.283185480e+00, v13  }
0x30: {  	v47 =	vsub.f32 v37, v44;
	v15 =	vmul.f32 $6.283185480e+00, v15;
	v16 =	vmul.f32 $6.283185480e+00, v16  }
0x31: {  	v22 =	vadd.f32 $-1.258291200e+07, v22;
	v11 =	vsub.f32 v11, v13  }
0x32: {  	v49 =	vmul.f32 $1.591549370e-01, v47;
	v56 =	vsub.f32 v14, v15;
	v12 =	vsub.f32 v12, v16  }
0x33: {  	v62 =	vmul.f32 $6.283185480e+00, v22;
	v11 =	vmul.f32 v11, v11;
	v15 =	vsub.f32 v58, v57  }
0x34: {  	s29 =	sor.u32 $0x30, s16;
	v14 =	vsub.f32 v57, v20;
	v13 =	vmul.f32 v56, v56;
	v12 =	vmul.f32 v12, v12  }
0x35: {  	v26 =	vld.msk [tilespmem:s29+$0x0], $0x1;
	v50 =	vadd.f32 $1.258291200e+07, v49;
	v59 =	vmul.f32 $1.906524270e-05, v11;
	v60 =	vmul.f32 $1.591549370e-01, v15  }
0x36: {  	v23 =	vsub.f32 v17, v62;
	v21 =	vmul.f32 $1.591549370e-01, v14;
	v18 =	vmul.f32 $1.906524270e-05, v13  }
0x37: {  	v19 =	vmul.f32 $1.906524270e-05, v12;
	v16 =	vadd.f32 $-1.344107320e-03, v59;
	v20 =	vadd.f32 $1.258291200e+07, v60  }
0x38: {  	v32 =	vmul.f32 $1.591549370e-01, v31;
	v21 =	vadd.f32 $1.258291200e+07, v21;
	v18 =	vadd.f32 $-1.344107320e-03, v18  }
0x39: {  	v19 =	vadd.f32 $-1.344107320e-03, v19;
	v16 =	vmul.f32 v16, v11;
	v20 =	vadd.f32 $-1.258291200e+07, v20  }
0x3a: {  	v17 =	vsub.f32 v26, v28;
	v21 =	vadd.f32 $-1.258291200e+07, v21;
	v18 =	vmul.f32 v18, v13  }
0x3b: {  	v19 =	vmul.f32 v19, v12;
	v16 =	vadd.f32 $4.152230550e-02, v16;
	v20 =	vmul.f32 $6.283185480e+00, v20  }
0x3c: {  	v33 =	vmul.f32 $1.591549370e-01, v17;
	v61 =	vmul.f32 $6.283185480e+00, v21;
	v18 =	vadd.f32 $4.152230550e-02, v18  }
0x3d: {  	v19 =	vadd.f32 $4.152230550e-02, v19;
	v16 =	vmul.f32 v16, v11;
	v15 =	vsub.f32 v15, v20  }
0x3e: {  	v14 =	vsub.f32 v14, v61;
	v20 =	vadd.f32 $1.258291200e+07, v33;
	v18 =	vmul.f32 v18, v13  }
0x3f: {  	v29 =	vld [tilespmem:s15+$0x20];
	v19 =	vmul.f32 v19, v12;
	v16 =	vadd.f32 $-4.998376070e-01, v16;
	v15 =	vmul.f32 v15, v15  }
0x40: {  	v14 =	vmul.f32 v14, v14;
	v20 =	vadd.f32 $-1.258291200e+07, v20;
	v18 =	vadd.f32 $-4.998376070e-01, v18  }
0x41: {  	v19 =	vadd.f32 $-4.998376070e-01, v19;
	v11 =	vmul.f32 v16, v11;
	v25 =	vmul.f32 $1.906524270e-05, v15  }
0x42: {  	v36 =	vmul.f32 $6.283185480e+00, v20;
	v20 =	vadd.f32 $-1.258291200e+07, v50;
	v13 =	vmul.f32 v18, v13  }
0x43: {  	v12 =	vmul.f32 v19, v12;
	v11 =	vadd.f32 $9.999710910e-01, v11;
	v16 =	vadd.f32 $-1.344107320e-03, v25  }
0x44: {  	v24 =	vmul.f32 v23, v23;
	v19 =	vsub.f32 v29, v63;
	v18 =	vadd.f32 $1.258291200e+07, v32  }
0x45: {  	v27 =	vmul.f32 $1.906524270e-05, v14;
	v13 =	vadd.f32 $9.999710910e-01, v13;
	v12 =	vadd.f32 $9.999710910e-01, v12  }
0x46: {  	v11 =	vperm.xlane v11, v0;
	v16 =	vmul.f32 v16, v15;
	v18 =	vadd.f32 $-1.258291200e+07, v18  }
0x47: {  	v34 =	vmul.f32 $1.591549370e-01, v19;
	v10 =	vadd.f32 v13, v10;
	v9 =	vadd.f32 v12, v9  }
0x48: {  	v30 =	vmul.f32 $1.906524270e-05, v24;
	v12 =	vadd.f32 $-1.344107320e-03, v27;
	v16 =	vadd.f32 $4.152230550e-02, v16  }
0x49: {  	v20 =	vmul.f32 $6.283185480e+00, v20;
	v21 =	vadd.f32 $1.258291200e+07, v34;
	v10 =	vadd.f32 v11, v10  }
0x4a: {  	v9 =	vadd.f32 v11, v9;
	v11 =	vadd.f32 $-1.344107320e-03, v30;
	v12 =	vmul.f32 v12, v14  }
0x4b: {  	v54 =	vsub.f32 v47, v20;
	v18 =	vmul.f32 $6.283185480e+00, v18;
	v16 =	vmul.f32 v16, v15  }
0x4c: {  	v35 =	vadd.f32 $-1.258291200e+07, v21;
	v11 =	vmul.f32 v11, v24;
	v12 =	vadd.f32 $4.152230550e-02, v12  }
0x4d: {  	s30 =	sor.u32 $0x40, s16;
	v45 =	vld [tilespmem:s15+$0x30];
	v58 =	vmul.f32 v54, v54;
	v18 =	vsub.f32 v31, v18;
	v16 =	vadd.f32 $-4.998376070e-01, v16  }
0x4e: {  	v41 =	vld.msk [tilespmem:s30+$0x0], $0x1;
	v39 =	vmul.f32 $6.283185480e+00, v35;
	v11 =	vadd.f32 $4.152230550e-02, v11;
	v12 =	vmul.f32 v12, v14  }
0x4f: {  	v40 =	vmul.f32 v18, v18;
	v15 =	vmul.f32 v16, v15  }
0x50: {  	v60 =	vmul.f32 $1.906524270e-05, v58;
	v11 =	vmul.f32 v11, v24;
	v12 =	vadd.f32 $-4.998376070e-01, v12  }
0x51: {  	v43 =	vmul.f32 $1.906524270e-05, v40;
	v38 =	vadd.f32 $9.999710910e-01, v15;
	v15 =	vsub.f32 v19, v39  }
0x52: {  	v19 =	vsub.f32 v45, v37;
	v11 =	vadd.f32 $-4.998376070e-01, v11;
	v12 =	vmul.f32 v12, v14  }
0x53: {  	v14 =	vsub.f32 v17, v36;
	v15 =	vmul.f32 v15, v15;
	v17 =	vsub.f32 v41, v44  }
0x54: {  	v52 =	vmul.f32 $1.591549370e-01, v19;
	v11 =	vmul.f32 v11, v24;
	v12 =	vadd.f32 $9.999710910e-01, v12  }
0x55: {  	v42 =	vmul.f32 v14, v14;
	v14 =	vadd.f32 $-1.344107320e-03, v43;
	v46 =	vmul.f32 $1.906524270e-05, v15  }
0x56: {  	v23 =	vmul.f32 $1.591549370e-01, v17;
	v24 =	vadd.f32 $-1.344107320e-03, v60;
	v11 =	vadd.f32 $9.999710910e-01, v11  }
0x57: {  	v10 =	vadd.f32 v12, v10;
	v14 =	vmul.f32 v14, v40;
	v48 =	vadd.f32 $-1.344107320e-03, v46  }
0x58: {  	v51 =	vadd.f32 $1.258291200e+07, v23;
	v9 =	vadd.f32 v11, v9;
	v11 =	vmul.f32 $1.906524270e-05, v42  }
0x59: {  	v61 =	vld [tilespmem:s16+$0x40];
	v13 =	vperm.xlane v38, v0;
	v23 =	vadd.f32 $1.258291200e+07, v52;
	v14 =	vadd.f32 $4.152230550e-02, v14  }
0x5a: {  	s31 =	sor.u32 $0x50, s16;
	v63 =	vld [tilespmem:s15+$0x40];
	v18 =	vmul.f32 v48, v15;
	v21 =	vadd.f32 $-1.258291200e+07, v51;
	v11 =	vadd.f32 $-1.344107320e-03, v11  }
0x5b: {  	v26 =	vld.msk [tilespmem:s31+$0x0], $0x1;
	v10 =	vadd.f32 v13, v10;
	v23 =	vadd.f32 $-1.258291200e+07, v23;
	v14 =	vmul.f32 v14, v40  }
0x5c: {  	v18 =	vadd.f32 $4.152230550e-02, v18;
	v21 =	vmul.f32 $6.283185480e+00, v21;
	v11 =	vmul.f32 v11, v42  }
0x5d: {  	v56 =	vmul.f32 $6.283185480e+00, v23;
	v9 =	vadd.f32 v13, v9;
	v14 =	vadd.f32 $-4.998376070e-01, v14  }
0x5e: {  	v29 =	vperm.xlane v61, v0;
	v55 =	vsub.f32 v17, v21;
	v11 =	vadd.f32 $4.152230550e-02, v11  }
0x5f: {  	v18 =	vmul.f32 v18, v15;
	v59 =	vsub.f32 v19, v56;
	v19 =	vsub.f32 v63, v61  }
0x60: {  	v17 =	vsub.f32 v26, v29;
	v14 =	vmul.f32 v14, v40;
	v11 =	vmul.f32 v11, v42  }
0x61: {  	v53 =	vadd.f32 $-4.998376070e-01, v18;
	v12 =	vmul.f32 v55, v55;
	v16 =	vmul.f32 v59, v59  }
0x62: {  	v36 =	vld [tilespmem:s16+$0x50];
	v18 =	vsub.f32 v61, v29;
	v30 =	vmul.f32 $1.591549370e-01, v19;
	v11 =	vadd.f32 $-4.998376070e-01, v11  }
0x63: {  	v32 =	vmul.f32 $1.591549370e-01, v17;
	v57 =	vmul.f32 v53, v15;
	v14 =	vadd.f32 $9.999710910e-01, v14  }
0x64: {  	v62 =	vmul.f32 $1.906524270e-05, v12;
	v20 =	vadd.f32 $1.258291200e+07, v30;
	v11 =	vmul.f32 v11, v42  }
0x65: {  	v25 =	vmul.f32 $1.906524270e-05, v16;
	v22 =	vadd.f32 $1.258291200e+07, v32;
	v13 =	vadd.f32 $9.999710910e-01, v57  }
0x66: {  	v31 =	vmul.f32 $1.591549370e-01, v18;
	v10 =	vadd.f32 v14, v10;
	v11 =	vadd.f32 $9.999710910e-01, v11  }
0x67: {  	v45 =	vperm.xlane v36, v0;
	v51 =	vld [tilespmem:s16+$0x60];
	v14 =	vadd.f32 $-1.344107320e-03, v62;
	v28 =	vadd.f32 $-1.344107320e-03, v25  }
0x68: {  	v21 =	vadd.f32 $1.258291200e+07, v31;
	v25 =	vld [tilespmem:s16+$0x70];
	v9 =	vadd.f32 v11, v9;
	v11 =	vperm.xlane v13, v0  }
0x69: {  	v20 =	vadd.f32 $-1.258291200e+07, v20;
	v27 =	vmul.f32 v14, v12;
	v14 =	vmul.f32 v28, v16  }
0x6a: {  	v10 =	vadd.f32 v11, v10;
	v9 =	vadd.f32 v11, v9;
	v11 =	vmul.f32 v24, v58  }
0x6b: {  	v34 =	vadd.f32 $-1.258291200e+07, v22;
	v33 =	vadd.f32 $-1.258291200e+07, v21;
	v20 =	vmul.f32 $6.283185480e+00, v20  }
0x6c: {  	v55 =	vperm.xlane v51, v0;
	v14 =	vadd.f32 $4.152230550e-02, v14;
	v11 =	vadd.f32 $4.152230550e-02, v11  }
0x6d: {  	v15 =	vmul.f32 $6.283185480e+00, v33;
	v35 =	vsub.f32 v19, v20;
	v31 =	vperm.xlane v25, v0  }
0x6e: {  	v38 =	vld [tilespmem:s15+$0x50];
	v13 =	vadd.f32 $4.152230550e-02, v27;
	v14 =	vmul.f32 v14, v16;
	v11 =	vmul.f32 v11, v58  }
0x6f: {  	v15 =	vsub.f32 v18, v15;
	v37 =	vmul.f32 v35, v35;
	v18 =	vsub.f32 v36, v45  }
0x70: {  	v35 =	vsub.f32 v25, v31;
	v13 =	vmul.f32 v13, v12;
	v11 =	vadd.f32 $-4.998376070e-01, v11  }
0x71: {  	v14 =	vadd.f32 $-4.998376070e-01, v14;
	v40 =	vmul.f32 v15, v15;
	v41 =	vmul.f32 $1.906524270e-05, v37  }
0x72: {  	v47 =	vmul.f32 $1.591549370e-01, v18;
	v13 =	vadd.f32 $-4.998376070e-01, v13;
	v11 =	vmul.f32 v11, v58  }
0x73: {  	v14 =	vmul.f32 v14, v16;
	v15 =	vadd.f32 $-1.344107320e-03, v41;
	v16 =	vsub.f32 v38, v36  }
0x74: {  	v12 =	vmul.f32 v13, v12;
	v13 =	vmul.f32 $6.283185480e+00, v34;
	v11 =	vadd.f32 $9.999710910e-01, v11  }
0x75: {  	s18 =	sor.u32 $0x60, s16;
	v21 =	vadd.f32 $1.258291200e+07, v47;
	v14 =	vadd.f32 $9.999710910e-01, v14;
	v15 =	vmul.f32 v15, v37  }
0x76: {  	v42 =	vld.msk [tilespmem:s18+$0x0], $0x1;
	v46 =	vmul.f32 $1.591549370e-01, v16;
	v10 =	vadd.f32 v11, v10;
	v11 =	vsub.f32 v17, v13  }
0x77: {  	v43 =	vmul.f32 $1.906524270e-05, v40;
	v21 =	vadd.f32 $-1.258291200e+07, v21;
	v12 =	vadd.f32 $9.999710910e-01, v12  }
0x78: {  	v15 =	vadd.f32 $4.152230550e-02, v15;
	v20 =	vadd.f32 $1.258291200e+07, v46;
	v11 =	vmul.f32 v11, v11  }
0x79: {  	v39 =	vperm.xlane v14, v0;
	v9 =	vadd.f32 v12, v9;
	v12 =	vadd.f32 $-1.344107320e-03, v43  }
0x7a: {  	v49 =	vmul.f32 $6.283185480e+00, v21;
	v20 =	vadd.f32 $-1.258291200e+07, v20;
	v44 =	vmul.f32 $1.906524270e-05, v11  }
0x7b: {  	v58 =	vsub.f32 v51, v55;
	v12 =	vmul.f32 v12, v40;
	v17 =	vsub.f32 v42, v45  }
0x7c: {  	v15 =	vmul.f32 v15, v37;
	v9 =	vadd.f32 v39, v9;
	v19 =	vadd.f32 $-1.344107320e-03, v44  }
0x7d: {  	v20 =	vmul.f32 $6.283185480e+00, v20;
	v12 =	vadd.f32 $4.152230550e-02, v12;
	v48 =	vmul.f32 $1.591549370e-01, v17  }
0x7e: {  	v15 =	vadd.f32 $-4.998376070e-01, v15;
	v60 =	vmul.f32 $1.591549370e-01, v58;
	v19 =	vmul.f32 v19, v11  }
0x7f: {  	v16 =	vsub.f32 v16, v20;
	v12 =	vmul.f32 v12, v40;
	v22 =	vadd.f32 $1.258291200e+07, v48  }
0x80: {  	s19 =	sor.u32 $0x70, s16;
	v13 =	vmul.f32 v15, v37;
	v15 =	vsub.f32 v18, v49;
	v19 =	vadd.f32 $4.152230550e-02, v19  }
0x81: {  	v54 =	vld.msk [tilespmem:s19+$0x0], $0x1;
	v37 =	vmul.f32 $1.591549370e-01, v35;
	v12 =	vadd.f32 $-4.998376070e-01, v12;
	v22 =	vadd.f32 $-1.258291200e+07, v22  }
0x82: {  	v18 =	vadd.f32 $1.258291200e+07, v60;
	v16 =	vmul.f32 v16, v16;
	v19 =	vmul.f32 v19, v11  }
0x83: {  	v10 =	vadd.f32 v39, v10;
	v12 =	vmul.f32 v12, v40;
	v50 =	vmul.f32 $6.283185480e+00, v22  }
0x84: {  	v13 =	vadd.f32 $9.999710910e-01, v13;
	v15 =	vmul.f32 v15, v15;
	v19 =	vadd.f32 $-4.998376070e-01, v19  }
0x85: {  	v53 =	vmul.f32 $1.906524270e-05, v16;
	v12 =	vadd.f32 $9.999710910e-01, v12;
	v14 =	vsub.f32 v17, v50  }
0x86: {  	v56 =	vld [tilespmem:s15+$0x60];
	v13 =	vperm.xlane v13, v0;
	v17 =	vsub.f32 v54, v55;
	v11 =	vmul.f32 v19, v11  }
0x87: {  	v10 =	vadd.f32 v12, v10;
	v52 =	vmul.f32 v14, v14;
	v14 =	vadd.f32 $-1.344107320e-03, v53  }
0x88: {  	v18 =	vadd.f32 $-1.258291200e+07, v18;
	v61 =	vmul.f32 $1.591549370e-01, v17;
	v11 =	vadd.f32 $9.999710910e-01, v11  }
0x89: {  	v39 =	vadd.f32 $1.258291200e+07, v37;
	v10 =	vadd.f32 v13, v10;
	v14 =	vmul.f32 v14, v16  }
0x8a: {  	v20 =	vadd.f32 $1.258291200e+07, v61;
	v9 =	vadd.f32 v11, v9;
	v11 =	vmul.f32 $1.906524270e-05, v15  }
0x8b: {  	v57 =	vmul.f32 $1.906524270e-05, v52;
	v14 =	vadd.f32 $4.152230550e-02, v14;
	v19 =	vsub.f32 v56, v51  }
0x8c: {  	v20 =	vadd.f32 $-1.258291200e+07, v20;
	v11 =	vadd.f32 $-1.344107320e-03, v11  }
0x8d: {  	v59 =	vadd.f32 $-1.344107320e-03, v57;
	v14 =	vmul.f32 v14, v16;
	v62 =	vmul.f32 $1.591549370e-01, v19  }
0x8e: {  	v24 =	vmul.f32 $6.283185480e+00, v20;
	v20 =	vadd.f32 $-1.258291200e+07, v39;
	v11 =	vmul.f32 v11, v15  }
0x8f: {  	v18 =	vmul.f32 $6.283185480e+00, v18;
	v14 =	vadd.f32 $-4.998376070e-01, v14;
	v21 =	vadd.f32 $1.258291200e+07, v62  }
0x90: {  	v32 =	vld [tilespmem:s15+$0x70];
	v9 =	vadd.f32 v13, v9;
	v13 =	vmul.f32 v59, v52;
	v11 =	vadd.f32 $4.152230550e-02, v11  }
0x91: {  	v18 =	vsub.f32 v58, v18;
	v20 =	vmul.f32 $6.283185480e+00, v20;
	v63 =	vadd.f32 $-1.258291200e+07, v21  }
0x92: {  	v14 =	vmul.f32 v14, v16;
	v13 =	vadd.f32 $4.152230550e-02, v13;
	v11 =	vmul.f32 v11, v15  }
0x93: {  	v28 =	vmul.f32 v18, v18;
	v43 =	vsub.f32 v35, v20;
	v27 =	vmul.f32 $6.283185480e+00, v63  }
0x94: {  	s20 =	sor.u32 $0x400, s16;
	v26 =	vadd.f32 $9.999710910e-01, v14;
	v13 =	vmul.f32 v13, v52;
	v11 =	vadd.f32 $-4.998376070e-01, v11  }
0x95: {  	v29 =	vld.msk [tilespmem:s20+$0x0], $0x1;
	v30 =	vmul.f32 $1.906524270e-05, v28;
	v14 =	vsub.f32 v19, v27;
	v19 =	vsub.f32 v32, v25  }
0x96: {  	v50 =	vld [tilespmem:s16+$0x400];
	v47 =	vmul.f32 v43, v43;
	v13 =	vadd.f32 $-4.998376070e-01, v13;
	v11 =	vmul.f32 v11, v15  }
0x97: {  	v14 =	vmul.f32 v14, v14;
	v41 =	vmul.f32 $1.591549370e-01, v19  }
0x98: {  	v12 =	vmul.f32 v13, v52;
	v15 =	vsub.f32 v17, v24;
	v11 =	vadd.f32 $9.999710910e-01, v11  }
0x99: {  	v49 =	vmul.f32 $1.906524270e-05, v47;
	v34 =	vmul.f32 $1.906524270e-05, v14;
	v23 =	vadd.f32 $1.258291200e+07, v41  }
0x9a: {  	v12 =	vadd.f32 $9.999710910e-01, v12;
	v10 =	vadd.f32 v11, v10;
	v11 =	vmul.f32 v15, v15  }
0x9b: {  	v58 =	vperm.xlane v50, v0;
	v52 =	vld [tilespmem:s15+$0x400];
	v17 =	vsub.f32 v29, v31;
	v36 =	vadd.f32 $-1.344107320e-03, v34  }
0x9c: {  	v53 =	vadd.f32 $-1.344107320e-03, v49;
	v41 =	vld [tilespmem:s16+$0x420];
	v23 =	vadd.f32 $-1.258291200e+07, v23;
	v33 =	vmul.f32 $1.906524270e-05, v11  }
0x9d: {  	v9 =	vadd.f32 v12, v9;
	v38 =	vmul.f32 $1.591549370e-01, v17;
	v18 =	vmul.f32 v36, v14  }
0x9e: {  	v13 =	vperm.xlane v26, v0;
	v15 =	vadd.f32 $-1.344107320e-03, v30;
	v12 =	vadd.f32 $-1.344107320e-03, v33  }
0x9f: {  	v45 =	vmul.f32 $6.283185480e+00, v23;
	v40 =	vadd.f32 $1.258291200e+07, v38;
	v18 =	vadd.f32 $4.152230550e-02, v18  }
0xa0: {  	v9 =	vadd.f32 v13, v9;
	v15 =	vmul.f32 v15, v28;
	v12 =	vmul.f32 v12, v11  }
0xa1: {  	v48 =	vsub.f32 v19, v45;
	v19 =	vsub.f32 v52, v50;
	v45 =	vperm.xlane v41, v0  }
0xa2: {  	v18 =	vmul.f32 v18, v14;
	v15 =	vadd.f32 $4.152230550e-02, v15;
	v12 =	vadd.f32 $4.152230550e-02, v12  }
0xa3: {  	v21 =	vadd.f32 $-1.258291200e+07, v40;
	v16 =	vmul.f32 v48, v48;
	v59 =	vmul.f32 $1.591549370e-01, v19  }
0xa4: {  	v10 =	vadd.f32 v13, v10;
	v15 =	vmul.f32 v15, v28;
	v12 =	vmul.f32 v12, v11  }
0xa5: {  	s21 =	sor.u32 $0x410, s16;
	v48 =	vsub.f32 v41, v45;
	v21 =	vmul.f32 $6.283185480e+00, v21;
	v42 =	vadd.f32 $-4.998376070e-01, v18  }
0xa6: {  	v55 =	vld.msk [tilespmem:s21+$0x0], $0x1;
	v54 =	vmul.f32 $1.906524270e-05, v16;
	v15 =	vadd.f32 $-4.998376070e-01, v15;
	v12 =	vadd.f32 $-4.998376070e-01, v12  }
0xa7: {  	v18 =	vsub.f32 v50, v58;
	v44 =	vsub.f32 v17, v21;
	v46 =	vmul.f32 v42, v14  }
0xa8: {  	v20 =	vadd.f32 $1.258291200e+07, v59;
	v15 =	vmul.f32 v15, v28;
	v11 =	vmul.f32 v12, v11  }
0xa9: {  	v57 =	vadd.f32 $-1.344107320e-03, v54;
	v13 =	vadd.f32 $9.999710910e-01, v46;
	v12 =	vmul.f32 v44, v44  }
0xaa: {  	v15 =	vadd.f32 $9.999710910e-01, v15;
	v11 =	vadd.f32 $9.999710910e-01, v11  }
0xab: {  	v17 =	vsub.f32 v55, v58;
	v60 =	vmul.f32 $1.591549370e-01, v18;
	v51 =	vmul.f32 $1.906524270e-05, v12  }
0xac: {  	v26 =	vld [tilespmem:s16+$0x410];
	v10 =	vadd.f32 v15, v10;
	v9 =	vadd.f32 v11, v9;
	v11 =	vperm.xlane v13, v0  }
0xad: {  	v20 =	vadd.f32 $-1.258291200e+07, v20;
	v15 =	vadd.f32 $-1.344107320e-03, v51  }
0xae: {  	v61 =	vmul.f32 $1.591549370e-01, v17;
	v21 =	vadd.f32 $1.258291200e+07, v60;
	v10 =	vadd.f32 v11, v10  }
0xaf: {  	v9 =	vadd.f32 v11, v9;
	v11 =	vmul.f32 v53, v47;
	v56 =	vmul.f32 v15, v12  }
0xb0: {  	v55 =	vld [tilespmem:s16+$0x430];
	v20 =	vmul.f32 $6.283185480e+00, v20;
	v22 =	vadd.f32 $1.258291200e+07, v61;
	v15 =	vmul.f32 v57, v16  }
0xb1: {  	v35 =	vperm.xlane v26, v0;
	v11 =	vadd.f32 $4.152230550e-02, v11;
	v13 =	vadd.f32 $4.152230550e-02, v56  }
0xb2: {  	v50 =	vmul.f32 $1.591549370e-01, v48;
	v25 =	vsub.f32 v19, v20;
	v15 =	vadd.f32 $4.152230550e-02, v15  }
0xb3: {  	v63 =	vadd.f32 $-1.258291200e+07, v21;
	v28 =	vld [tilespmem:s15+$0x410];
	v11 =	vmul.f32 v11, v47;
	v13 =	vmul.f32 v13, v12  }
0xb4: {  	v24 =	vadd.f32 $-1.258291200e+07, v22;
	v27 =	vmul.f32 v25, v25;
	v15 =	vmul.f32 v15, v16  }
0xb5: {  	v61 =	vperm.xlane v55, v0;
	v11 =	vadd.f32 $-4.998376070e-01, v11;
	v13 =	vadd.f32 $-4.998376070e-01, v13  }
0xb6: {  	v31 =	vmul.f32 $1.906524270e-05, v27;
	v62 =	vadd.f32 $-4.998376070e-01, v15;
	v15 =	vmul.f32 $6.283185480e+00, v63  }
0xb7: {  	v25 =	vsub.f32 v55, v61;
	v11 =	vmul.f32 v11, v47;
	v12 =	vmul.f32 v13, v12  }
0xb8: {  	s22 =	sor.u32 $0x420, s16;
	v14 =	vmul.f32 v62, v16;
	v15 =	vsub.f32 v18, v15;
	v16 =	vsub.f32 v28, v26  }
0xb9: {  	v32 =	vld.msk [tilespmem:s22+$0x0], $0x1;
	v13 =	vmul.f32 $6.283185480e+00, v24;
	v18 =	vsub.f32 v26, v35;
	v11 =	vadd.f32 $9.999710910e-01, v11  }
0xba: {  	v12 =	vadd.f32 $9.999710910e-01, v12;
	v14 =	vadd.f32 $9.999710910e-01, v14;
	v30 =	vmul.f32 v15, v15  }
0xbb: {  	v36 =	vmul.f32 $1.591549370e-01, v16;
	v10 =	vadd.f32 v11, v10;
	v11 =	vsub.f32 v17, v13  }
0xbc: {  	v15 =	vadd.f32 $-1.344107320e-03, v31;
	v37 =	vmul.f32 $1.591549370e-01, v18;
	v29 =	vperm.xlane v14, v0  }
0xbd: {  	v9 =	vadd.f32 v12, v9;
	v33 =	vmul.f32 $1.906524270e-05, v30;
	v11 =	vmul.f32 v11, v11  }
0xbe: {  	v15 =	vmul.f32 v15, v27;
	v17 =	vsub.f32 v32, v35;
	v20 =	vadd.f32 $1.258291200e+07, v36  }
0xbf: {  	v21 =	vadd.f32 $1.258291200e+07, v37;
	v12 =	vadd.f32 $-1.344107320e-03, v33;
	v34 =	vmul.f32 $1.906524270e-05, v11  }
0xc0: {  	v10 =	vadd.f32 v29, v10;
	v15 =	vadd.f32 $4.152230550e-02, v15;
	v38 =	vmul.f32 $1.591549370e-01, v17  }
0xc1: {  	v20 =	vadd.f32 $-1.258291200e+07, v20;
	v12 =	vmul.f32 v12, v30;
	v19 =	vadd.f32 $-1.344107320e-03, v34  }
0xc2: {  	v21 =	vadd.f32 $-1.258291200e+07, v21;
	v15 =	vmul.f32 v15, v27;
	v22 =	vadd.f32 $1.258291200e+07, v38  }
0xc3: {  	s23 =	sor.u32 $0x430, s16;
	v20 =	vmul.f32 $6.283185480e+00, v20;
	v12 =	vadd.f32 $4.152230550e-02, v12;
	v19 =	vmul.f32 v19, v11  }
0xc4: {  	v39 =	vmul.f32 $6.283185480e+00, v21;
	v15 =	vadd.f32 $-4.998376070e-01, v15;
	v22 =	vadd.f32 $-1.258291200e+07, v22  }
0xc5: {  	v44 =	vld.msk [tilespmem:s23+$0x0], $0x1;
	v16 =	vsub.f32 v16, v20;
	v12 =	vmul.f32 v12, v30;
	v19 =	vadd.f32 $4.152230550e-02, v19  }
0xc6: {  	v9 =	vadd.f32 v29, v9;
	v13 =	vmul.f32 v15, v27;
	v40 =	vmul.f32 $6.283185480e+00, v22  }
0xc7: {  	v15 =	vsub.f32 v18, v39;
	v16 =	vmul.f32 v16, v16;
	v19 =	vmul.f32 v19, v11  }
0xc8: {  	v18 =	vadd.f32 $1.258291200e+07, v50;
	v27 =	vmul.f32 $1.591549370e-01, v25;
	v12 =	vadd.f32 $-4.998376070e-01, v12  }
0xc9: {  	v14 =	vsub.f32 v17, v40;
	v43 =	vmul.f32 $1.906524270e-05, v16;
	v19 =	vadd.f32 $-4.998376070e-01, v19  }
0xca: {  	v13 =	vadd.f32 $9.999710910e-01, v13;
	v15 =	vmul.f32 v15, v15;
	v17 =	vsub.f32 v44, v45  }
0xcb: {  	v46 =	vld [tilespmem:s15+$0x420];
	v42 =	vmul.f32 v14, v14;
	v14 =	vadd.f32 $-1.344107320e-03, v43;
	v11 =	vmul.f32 v19, v11  }
0xcc: {  	v18 =	vadd.f32 $-1.258291200e+07, v18;
	v12 =	vmul.f32 v12, v30;
	v51 =	vmul.f32 $1.591549370e-01, v17  }
0xcd: {  	v29 =	vadd.f32 $1.258291200e+07, v27;
	v14 =	vmul.f32 v14, v16;
	v11 =	vadd.f32 $9.999710910e-01, v11  }
0xce: {  	v13 =	vperm.xlane v13, v0;
	v12 =	vadd.f32 $9.999710910e-01, v12;
	v20 =	vadd.f32 $1.258291200e+07, v51  }
0xcf: {  	v14 =	vadd.f32 $4.152230550e-02, v14;
	v9 =	vadd.f32 v11, v9;
	v11 =	vmul.f32 $1.906524270e-05, v15  }
0xd0: {  	v47 =	vmul.f32 $1.906524270e-05, v42;
	v19 =	vsub.f32 v46, v41;
	v20 =	vadd.f32 $-1.258291200e+07, v20  }
0xd1: {  	v10 =	vadd.f32 v12, v10;
	v14 =	vmul.f32 v14, v16;
	v11 =	vadd.f32 $-1.344107320e-03, v11  }
0xd2: {  	v52 =	vmul.f32 $1.591549370e-01, v19;
	v54 =	vmul.f32 $6.283185480e+00, v20;
	v20 =	vadd.f32 $-1.258291200e+07, v29  }
0xd3: {  	v49 =	vadd.f32 $-1.344107320e-03, v47;
	v10 =	vadd.f32 v13, v10;
	v11 =	vmul.f32 v11, v15  }
0xd4: {  	v14 =	vadd.f32 $-4.998376070e-01, v14;
	v21 =	vadd.f32 $1.258291200e+07, v52;
	v20 =	vmul.f32 $6.283185480e+00, v20  }
0xd5: {  	v62 =	vld [tilespmem:s15+$0x430];
	v9 =	vadd.f32 v13, v9;
	v13 =	vmul.f32 v49, v42;
	v11 =	vadd.f32 $4.152230550e-02, v11  }
0xd6: {  	v18 =	vmul.f32 $6.283185480e+00, v18;
	v14 =	vmul.f32 v14, v16;
	v53 =	vadd.f32 $-1.258291200e+07, v21  }
0xd7: {  	v33 =	vsub.f32 v25, v20;
	v13 =	vadd.f32 $4.152230550e-02, v13;
	v11 =	vmul.f32 v11, v15  }
0xd8: {  	v18 =	vsub.f32 v48, v18;
	v56 =	vadd.f32 $9.999710910e-01, v14;
	v57 =	vmul.f32 $6.283185480e+00, v53  }
0xd9: {  	v37 =	vmul.f32 v33, v33;
	v13 =	vmul.f32 v13, v42;
	v11 =	vadd.f32 $-4.998376070e-01, v11  }
0xda: {  	s24 =	sor.u32 $0x440, s16;
	v58 =	vmul.f32 v18, v18;
	v14 =	vsub.f32 v19, v57;
	v19 =	vsub.f32 v62, v55  }
0xdb: {  	v59 =	vld.msk [tilespmem:s24+$0x0], $0x1;
	v39 =	vmul.f32 $1.906524270e-05, v37;
	v13 =	vadd.f32 $-4.998376070e-01, v13;
	v11 =	vmul.f32 v11, v15  }
0xdc: {  	v14 =	vmul.f32 v14, v14;
	v31 =	vmul.f32 $1.591549370e-01, v19  }
0xdd: {  	v12 =	vmul.f32 v13, v42;
	v15 =	vsub.f32 v17, v54;
	v11 =	vadd.f32 $9.999710910e-01, v11  }
0xde: {  	v43 =	vadd.f32 $-1.344107320e-03, v39;
	v24 =	vmul.f32 $1.906524270e-05, v14;
	v23 =	vadd.f32 $1.258291200e+07, v31  }
0xdf: {  	v12 =	vadd.f32 $9.999710910e-01, v12;
	v10 =	vadd.f32 v11, v10;
	v11 =	vmul.f32 v15, v15  }
0xe0: {  	v40 =	vld [tilespmem:s16+$0x440];
	v60 =	vmul.f32 $1.906524270e-05, v58;
	v17 =	vsub.f32 v59, v61;
	v26 =	vadd.f32 $-1.344107320e-03, v24  }
0xe1: {  	v13 =	vperm.xlane v56, v0;
	v42 =	vld [tilespmem:s15+$0x440];
	v23 =	vadd.f32 $-1.258291200e+07, v23;
	v63 =	vmul.f32 $1.906524270e-05, v11  }
0xe2: {  	v56 =	vld [tilespmem:s16+$0x450];
	v9 =	vadd.f32 v12, v9;
	v28 =	vmul.f32 $1.591549370e-01, v17;
	v18 =	vmul.f32 v26, v14  }
0xe3: {  	v15 =	vadd.f32 $-1.344107320e-03, v60;
	v12 =	vadd.f32 $-1.344107320e-03, v63  }
0xe4: {  	v35 =	vmul.f32 $6.283185480e+00, v23;
	v30 =	vadd.f32 $1.258291200e+07, v28;
	v18 =	vadd.f32 $4.152230550e-02, v18  }
0xe5: {  	v9 =	vadd.f32 v13, v9;
	v15 =	vmul.f32 v15, v58;
	v12 =	vmul.f32 v12, v11  }
0xe6: {  	v48 =	vperm.xlane v40, v0;
	v38 =	vsub.f32 v19, v35;
	v19 =	vsub.f32 v42, v40  }
0xe7: {  	v25 =	vperm.xlane v56, v0;
	v15 =	vadd.f32 $4.152230550e-02, v15;
	v12 =	vadd.f32 $4.152230550e-02, v12  }
0xe8: {  	v21 =	vadd.f32 $-1.258291200e+07, v30;
	v18 =	vmul.f32 v18, v14;
	v16 =	vmul.f32 v38, v38  }
0xe9: {  	s25 =	sor.u32 $0x450, s16;
	v31 =	vld [tilespmem:s16+$0x460];
	v10 =	vadd.f32 v13, v10;
	v15 =	vmul.f32 v15, v58;
	v12 =	vmul.f32 v12, v11  }
0xea: {  	v49 =	vmul.f32 $1.591549370e-01, v19;
	v21 =	vmul.f32 $6.283185480e+00, v21;
	v32 =	vadd.f32 $-4.998376070e-01, v18  }
0xeb: {  	v45 =	vld.msk [tilespmem:s25+$0x0], $0x1;
	v44 =	vmul.f32 $1.906524270e-05, v16;
	v15 =	vadd.f32 $-4.998376070e-01, v15;
	v12 =	vadd.f32 $-4.998376070e-01, v12  }
0xec: {  	v18 =	vsub.f32 v40, v48;
	v34 =	vsub.f32 v17, v21;
	v36 =	vmul.f32 v32, v14  }
0xed: {  	v20 =	vadd.f32 $1.258291200e+07, v49;
	v15 =	vmul.f32 v15, v58;
	v11 =	vmul.f32 v12, v11  }
0xee: {  	v47 =	vadd.f32 $-1.344107320e-03, v44;
	v13 =	vadd.f32 $9.999710910e-01, v36;
	v12 =	vmul.f32 v34, v34  }
0xef: {  	v35 =	vperm.xlane v31, v0;
	v15 =	vadd.f32 $9.999710910e-01, v15;
	v11 =	vadd.f32 $9.999710910e-01, v11  }
0xf0: {  	v17 =	vsub.f32 v45, v48;
	v50 =	vmul.f32 $1.591549370e-01, v18;
	v41 =	vmul.f32 $1.906524270e-05, v12  }
0xf1: {  	v10 =	vadd.f32 v15, v10;
	v9 =	vadd.f32 v11, v9;
	v11 =	vperm.xlane v13, v0  }
0xf2: {  	v20 =	vadd.f32 $-1.258291200e+07, v20;
	v51 =	vmul.f32 $1.591549370e-01, v17;
	v15 =	vadd.f32 $-1.344107320e-03, v41  }
0xf3: {  	v10 =	vadd.f32 v11, v10;
	v9 =	vadd.f32 v11, v9;
	v11 =	vmul.f32 v43, v37  }
0xf4: {  	v38 =	vsub.f32 v31, v35;
	v45 =	vld [tilespmem:s16+$0x470];
	v46 =	vmul.f32 v15, v12;
	v15 =	vmul.f32 v47, v16  }
0xf5: {  	v21 =	vadd.f32 $1.258291200e+07, v50;
	v20 =	vmul.f32 $6.283185480e+00, v20;
	v11 =	vadd.f32 $4.152230550e-02, v11  }
0xf6: {  	v40 =	vmul.f32 $1.591549370e-01, v38;
	v13 =	vadd.f32 $4.152230550e-02, v46;
	v15 =	vadd.f32 $4.152230550e-02, v15  }
0xf7: {  	v22 =	vadd.f32 $1.258291200e+07, v51;
	v55 =	vsub.f32 v19, v20;
	v11 =	vmul.f32 v11, v37  }
0xf8: {  	v53 =	vadd.f32 $-1.258291200e+07, v21;
	v58 =	vld [tilespmem:s15+$0x450];
	v13 =	vmul.f32 v13, v12;
	v15 =	vmul.f32 v15, v16  }
0xf9: {  	v51 =	vperm.xlane v45, v0;
	v57 =	vmul.f32 v55, v55;
	v11 =	vadd.f32 $-4.998376070e-01, v11  }
0xfa: {  	v13 =	vadd.f32 $-4.998376070e-01, v13;
	v52 =	vadd.f32 $-4.998376070e-01, v15;
	v15 =	vmul.f32 $6.283185480e+00, v53  }
0xfb: {  	v54 =	vadd.f32 $-1.258291200e+07, v22;
	v55 =	vsub.f32 v45, v51;
	v61 =	vmul.f32 $1.906524270e-05, v57  }
0xfc: {  	s26 =	sor.u32 $0x460, s16;
	v11 =	vmul.f32 v11, v37;
	v12 =	vmul.f32 v13, v12;
	v15 =	vsub.f32 v18, v15  }
0xfd: {  	v62 =	vld.msk [tilespmem:s26+$0x0], $0x1;
	v14 =	vmul.f32 v52, v16;
	v16 =	vsub.f32 v58, v56;
	v18 =	vsub.f32 v56, v25  }
0xfe: {  	v13 =	vmul.f32 $6.283185480e+00, v54;
	v11 =	vadd.f32 $9.999710910e-01, v11;
	v12 =	vadd.f32 $9.999710910e-01, v12  }
0xff: {  	v14 =	vadd.f32 $9.999710910e-01, v14;
	v60 =	vmul.f32 v15, v15;
	v15 =	vadd.f32 $-1.344107320e-03, v61  }
0x100: {  	v26 =	vmul.f32 $1.591549370e-01, v16;
	v10 =	vadd.f32 v11, v10;
	v11 =	vsub.f32 v17, v13  }
0x101: {  	v27 =	vmul.f32 $1.591549370e-01, v18;
	v9 =	vadd.f32 v12, v9;
	v59 =	vperm.xlane v14, v0  }
0x102: {  	v63 =	vmul.f32 $1.906524270e-05, v60;
	v17 =	vsub.f32 v62, v25;
	v11 =	vmul.f32 v11, v11  }
0x103: {  	v15 =	vmul.f32 v15, v57;
	v20 =	vadd.f32 $1.258291200e+07, v26;
	v21 =	vadd.f32 $1.258291200e+07, v27  }
0x104: {  	v10 =	vadd.f32 v59, v10;
	v12 =	vadd.f32 $-1.344107320e-03, v63;
	v24 =	vmul.f32 $1.906524270e-05, v11  }
0x105: {  	v9 =	vadd.f32 v59, v9;
	v15 =	vadd.f32 $4.152230550e-02, v15;
	v28 =	vmul.f32 $1.591549370e-01, v17  }
0x106: {  	v20 =	vadd.f32 $-1.258291200e+07, v20;
	v12 =	vmul.f32 v12, v60;
	v19 =	vadd.f32 $-1.344107320e-03, v24  }
0x107: {  	v21 =	vadd.f32 $-1.258291200e+07, v21;
	v15 =	vmul.f32 v15, v57;
	v22 =	vadd.f32 $1.258291200e+07, v28  }
0x108: {  	s28 =	sor.u32 $0x470, s16;
	v20 =	vmul.f32 $6.283185480e+00, v20;
	v12 =	vadd.f32 $4.152230550e-02, v12;
	v19 =	vmul.f32 v19, v11  }
0x109: {  	v29 =	vmul.f32 $6.283185480e+00, v21;
	v15 =	vadd.f32 $-4.998376070e-01, v15;
	v22 =	vadd.f32 $-1.258291200e+07, v22  }
0x10a: {  	v34 =	vld.msk [tilespmem:s28+$0x0], $0x1;
	v16 =	vsub.f32 v16, v20;
	v12 =	vmul.f32 v12, v60;
	v19 =	vadd.f32 $4.152230550e-02, v19  }
0x10b: {  	v13 =	vmul.f32 v15, v57;
	v30 =	vmul.f32 $6.283185480e+00, v22;
	v15 =	vsub.f32 v18, v29  }
0x10c: {  	v16 =	vmul.f32 v16, v16;
	v18 =	vadd.f32 $1.258291200e+07, v40;
	v19 =	vmul.f32 v19, v11  }
0x10d: {  	v57 =	vmul.f32 $1.591549370e-01, v55;
	v12 =	vadd.f32 $-4.998376070e-01, v12;
	v13 =	vadd.f32 $9.999710910e-01, v13  }
0x10e: {  	v14 =	vsub.f32 v17, v30;
	v15 =	vmul.f32 v15, v15;
	v19 =	vadd.f32 $-4.998376070e-01, v19  }
0x10f: {  	v33 =	vmul.f32 $1.906524270e-05, v16;
	v17 =	vsub.f32 v34, v35;
	v12 =	vmul.f32 v12, v60  }
0x110: {  	v36 =	vld [tilespmem:s15+$0x460];
	v18 =	vadd.f32 $-1.258291200e+07, v18;
	v32 =	vmul.f32 v14, v14;
	v11 =	vmul.f32 v19, v11  }
0x111: {  	v14 =	vadd.f32 $-1.344107320e-03, v33;
	v41 =	vmul.f32 $1.591549370e-01, v17;
	v12 =	vadd.f32 $9.999710910e-01, v12  }
0x112: {  	v59 =	vadd.f32 $1.258291200e+07, v57;
	v37 =	vmul.f32 $1.906524270e-05, v32;
	v11 =	vadd.f32 $9.999710910e-01, v11  }
0x113: {  	v14 =	vmul.f32 v14, v16;
	v20 =	vadd.f32 $1.258291200e+07, v41;
	v10 =	vadd.f32 v12, v10  }
0x114: {  	v39 =	vadd.f32 $-1.344107320e-03, v37;
	v9 =	vadd.f32 v11, v9;
	v11 =	vmul.f32 $1.906524270e-05, v15  }
0x115: {  	v13 =	vperm.xlane v13, v0;
	v14 =	vadd.f32 $4.152230550e-02, v14;
	v19 =	vsub.f32 v36, v31  }
0x116: {  	v20 =	vadd.f32 $-1.258291200e+07, v20;
	v11 =	vadd.f32 $-1.344107320e-03, v11  }
0x117: {  	v10 =	vadd.f32 v13, v10;
	v14 =	vmul.f32 v14, v16;
	v42 =	vmul.f32 $1.591549370e-01, v19  }
0x118: {  	v44 =	vmul.f32 $6.283185480e+00, v20;
	v20 =	vadd.f32 $-1.258291200e+07, v59;
	v11 =	vmul.f32 v11, v15  }
0x119: {  	v52 =	vld [tilespmem:s15+$0x470];
	v18 =	vmul.f32 $6.283185480e+00, v18;
	v14 =	vadd.f32 $-4.998376070e-01, v14;
	v21 =	vadd.f32 $1.258291200e+07, v42  }
0x11a: {  	v28 =	vld [tilespmem:s16+$0x800];
	v9 =	vadd.f32 v13, v9;
	v13 =	vmul.f32 v39, v32;
	v11 =	vadd.f32 $4.152230550e-02, v11  }
0x11b: {  	v18 =	vsub.f32 v38, v18;
	v20 =	vmul.f32 $6.283185480e+00, v20;
	v43 =	vadd.f32 $-1.258291200e+07, v21  }
0x11c: {  	v14 =	vmul.f32 v14, v16;
	v13 =	vadd.f32 $4.152230550e-02, v13;
	v11 =	vmul.f32 v11, v15  }
0x11d: {  	v48 =	vmul.f32 v18, v18;
	v63 =	vsub.f32 v55, v20;
	v47 =	vmul.f32 $6.283185480e+00, v43  }
0x11e: {  	v46 =	vadd.f32 $9.999710910e-01, v14;
	v13 =	vmul.f32 v13, v32;
	v11 =	vadd.f32 $-4.998376070e-01, v11  }
0x11f: {  	s29 =	sor.u32 $0x800, s16;
	v36 =	vperm.xlane v28, v0;
	v14 =	vsub.f32 v19, v47;
	v19 =	vsub.f32 v52, v45  }
0x120: {  	v49 =	vld.msk [tilespmem:s29+$0x0], $0x1;
	v25 =	vmul.f32 v63, v63;
	v13 =	vadd.f32 $-4.998376070e-01, v13;
	v11 =	vmul.f32 v11, v15  }
0x121: {  	v14 =	vmul.f32 v14, v14;
	v61 =	vmul.f32 $1.591549370e-01, v19  }
0x122: {  	v12 =	vmul.f32 v13, v32;
	v15 =	vsub.f32 v17, v44;
	v11 =	vadd.f32 $9.999710910e-01, v11  }
0x123: {  	v27 =	vmul.f32 $1.906524270e-05, v25;
	v54 =	vmul.f32 $1.906524270e-05, v14;
	v23 =	vadd.f32 $1.258291200e+07, v61  }
0x124: {  	v12 =	vadd.f32 $9.999710910e-01, v12;
	v10 =	vadd.f32 v11, v10;
	v11 =	vmul.f32 v15, v15  }
0x125: {  	v30 =	vld [tilespmem:s15+$0x800];
	v50 =	vmul.f32 $1.906524270e-05, v48;
	v17 =	vsub.f32 v49, v51;
	v56 =	vadd.f32 $-1.344107320e-03, v54  }
0x126: {  	v59 =	vld [tilespmem:s16+$0x820];
	v31 =	vadd.f32 $-1.344107320e-03, v27;
	v23 =	vadd.f32 $-1.258291200e+07, v23;
	v53 =	vmul.f32 $1.906524270e-05, v11  }
0x127: {  	v9 =	vadd.f32 v12, v9;
	v58 =	vmul.f32 $1.591549370e-01, v17;
	v18 =	vmul.f32 v56, v14  }
0x128: {  	v13 =	vperm.xlane v46, v0;
	v15 =	vadd.f32 $-1.344107320e-03, v50;
	v12 =	vadd.f32 $-1.344107320e-03, v53  }
0x129: {  	v23 =	vmul.f32 $6.283185480e+00, v23;
	v60 =	vadd.f32 $1.258291200e+07, v58;
	v18 =	vadd.f32 $4.152230550e-02, v18  }
0x12a: {  	v9 =	vadd.f32 v13, v9;
	v15 =	vmul.f32 v15, v48;
	v12 =	vmul.f32 v12, v11  }
0x12b: {  	v63 =	vperm.xlane v59, v0;
	v26 =	vsub.f32 v19, v23;
	v19 =	vsub.f32 v30, v28  }
0x12c: {  	v18 =	vmul.f32 v18, v14;
	v15 =	vadd.f32 $4.152230550e-02, v15;
	v12 =	vadd.f32 $4.152230550e-02, v12  }
0x12d: {  	v21 =	vadd.f32 $-1.258291200e+07, v60;
	v16 =	vmul.f32 v26, v26;
	v37 =	vmul.f32 $1.591549370e-01, v19  }
0x12e: {  	v10 =	vadd.f32 v13, v10;
	v15 =	vmul.f32 v15, v48;
	v12 =	vmul.f32 v12, v11  }
0x12f: {  	s30 =	sor.u32 $0x810, s16;
	v44 =	vld [tilespmem:s16+$0x810];
	v26 =	vsub.f32 v59, v63;
	v21 =	vmul.f32 $6.283185480e+00, v21;
	v62 =	vadd.f32 $-4.998376070e-01, v18  }
0x130: {  	v33 =	vld.msk [tilespmem:s30+$0x0], $0x1;
	v32 =	vmul.f32 $1.906524270e-05, v16;
	v15 =	vadd.f32 $-4.998376070e-01, v15;
	v12 =	vadd.f32 $-4.998376070e-01, v12  }
0x131: {  	v18 =	vsub.f32 v28, v36;
	v22 =	vsub.f32 v17, v21;
	v24 =	vmul.f32 v62, v14  }
0x132: {  	v20 =	vadd.f32 $1.258291200e+07, v37;
	v15 =	vmul.f32 v15, v48;
	v11 =	vmul.f32 v12, v11  }
0x133: {  	v35 =	vadd.f32 $-1.344107320e-03, v32;
	v13 =	vadd.f32 $9.999710910e-01, v24;
	v12 =	vmul.f32 v22, v22  }
0x134: {  	v53 =	vperm.xlane v44, v0;
	v15 =	vadd.f32 $9.999710910e-01, v15;
	v11 =	vadd.f32 $9.999710910e-01, v11  }
0x135: {  	v17 =	vsub.f32 v33, v36;
	v20 =	vadd.f32 $-1.258291200e+07, v20;
	v29 =	vmul.f32 $1.906524270e-05, v12  }
0x136: {  	v10 =	vadd.f32 v15, v10;
	v9 =	vadd.f32 v11, v9;
	v11 =	vperm.xlane v13, v0  }
0x137: {  	v38 =	vmul.f32 $1.591549370e-01, v18;
	v20 =	vmul.f32 $6.283185480e+00, v20;
	v15 =	vadd.f32 $-1.344107320e-03, v29  }
0x138: {  	v10 =	vadd.f32 v11, v10;
	v9 =	vadd.f32 v11, v9;
	v11 =	vmul.f32 v31, v25  }
0x139: {  	v33 =	vld [tilespmem:s16+$0x830];
	v21 =	vadd.f32 $1.258291200e+07, v38;
	v34 =	vmul.f32 v15, v12;
	v15 =	vmul.f32 v35, v16  }
0x13a: {  	v28 =	vmul.f32 $1.591549370e-01, v26;
	v43 =	vsub.f32 v19, v20;
	v11 =	vadd.f32 $4.152230550e-02, v11  }
0x13b: {  	v39 =	vmul.f32 $1.591549370e-01, v17;
	v13 =	vadd.f32 $4.152230550e-02, v34;
	v15 =	vadd.f32 $4.152230550e-02, v15  }
0x13c: {  	v45 =	vmul.f32 v43, v43;
	v11 =	vmul.f32 v11, v25  }
0x13d: {  	v46 =	vld [tilespmem:s15+$0x810];
	v41 =	vadd.f32 $-1.258291200e+07, v21;
	v13 =	vmul.f32 v13, v12;
	v15 =	vmul.f32 v15, v16  }
0x13e: {  	v22 =	vadd.f32 $1.258291200e+07, v39;
	v39 =	vperm.xlane v33, v0;
	v11 =	vadd.f32 $-4.998376070e-01, v11  }
0x13f: {  	v13 =	vadd.f32 $-4.998376070e-01, v13;
	v40 =	vadd.f32 $-4.998376070e-01, v15;
	v15 =	vmul.f32 $6.283185480e+00, v41  }
0x140: {  	v49 =	vmul.f32 $1.906524270e-05, v45;
	v42 =	vadd.f32 $-1.258291200e+07, v22;
	v43 =	vsub.f32 v33, v39  }
0x141: {  	s31 =	sor.u32 $0x820, s16;
	v11 =	vmul.f32 v11, v25;
	v12 =	vmul.f32 v13, v12;
	v15 =	vsub.f32 v18, v15  }
0x142: {  	v50 =	vld.msk [tilespmem:s31+$0x0], $0x1;
	v14 =	vmul.f32 v40, v16;
	v16 =	vsub.f32 v46, v44;
	v18 =	vsub.f32 v44, v53  }
0x143: {  	v13 =	vmul.f32 $6.283185480e+00, v42;
	v11 =	vadd.f32 $9.999710910e-01, v11;
	v12 =	vadd.f32 $9.999710910e-01, v12  }
0x144: {  	v14 =	vadd.f32 $9.999710910e-01, v14;
	v48 =	vmul.f32 v15, v15;
	v15 =	vadd.f32 $-1.344107320e-03, v49  }
0x145: {  	v54 =	vmul.f32 $1.591549370e-01, v16;
	v10 =	vadd.f32 v11, v10;
	v11 =	vsub.f32 v17, v13  }
0x146: {  	v55 =	vmul.f32 $1.591549370e-01, v18;
	v9 =	vadd.f32 v12, v9;
	v47 =	vperm.xlane v14, v0  }
0x147: {  	v51 =	vmul.f32 $1.906524270e-05, v48;
	v17 =	vsub.f32 v50, v53;
	v11 =	vmul.f32 v11, v11  }
0x148: {  	v15 =	vmul.f32 v15, v45;
	v20 =	vadd.f32 $1.258291200e+07, v54;
	v21 =	vadd.f32 $1.258291200e+07, v55  }
0x149: {  	v10 =	vadd.f32 v47, v10;
	v12 =	vadd.f32 $-1.344107320e-03, v51;
	v52 =	vmul.f32 $1.906524270e-05, v11  }
0x14a: {  	v9 =	vadd.f32 v47, v9;
	v15 =	vadd.f32 $4.152230550e-02, v15;
	v56 =	vmul.f32 $1.591549370e-01, v17  }
0x14b: {  	v20 =	vadd.f32 $-1.258291200e+07, v20;
	v12 =	vmul.f32 v12, v48;
	v19 =	vadd.f32 $-1.344107320e-03, v52  }
0x14c: {  	v21 =	vadd.f32 $-1.258291200e+07, v21;
	v15 =	vmul.f32 v15, v45;
	v22 =	vadd.f32 $1.258291200e+07, v56  }
0x14d: {  	s18 =	sor.u32 $0x830, s16;
	v20 =	vmul.f32 $6.283185480e+00, v20;
	v12 =	vadd.f32 $4.152230550e-02, v12;
	v19 =	vmul.f32 v19, v11  }
0x14e: {  	v57 =	vmul.f32 $6.283185480e+00, v21;
	v15 =	vadd.f32 $-4.998376070e-01, v15;
	v22 =	vadd.f32 $-1.258291200e+07, v22  }
0x14f: {  	v62 =	vld.msk [tilespmem:s18+$0x0], $0x1;
	v16 =	vsub.f32 v16, v20;
	v12 =	vmul.f32 v12, v48;
	v19 =	vadd.f32 $4.152230550e-02, v19  }
0x150: {  	v13 =	vmul.f32 v15, v45;
	v58 =	vmul.f32 $6.283185480e+00, v22;
	v15 =	vsub.f32 v18, v57  }
0x151: {  	v16 =	vmul.f32 v16, v16;
	v18 =	vadd.f32 $1.258291200e+07, v28;
	v19 =	vmul.f32 v19, v11  }
0x152: {  	v45 =	vmul.f32 $1.591549370e-01, v43;
	v12 =	vadd.f32 $-4.998376070e-01, v12;
	v13 =	vadd.f32 $9.999710910e-01, v13  }
0x153: {  	v14 =	vsub.f32 v17, v58;
	v15 =	vmul.f32 v15, v15;
	v19 =	vadd.f32 $-4.998376070e-01, v19  }
0x154: {  	v61 =	vmul.f32 $1.906524270e-05, v16;
	v17 =	vsub.f32 v62, v63;
	v12 =	vmul.f32 v12, v48  }
0x155: {  	v24 =	vld [tilespmem:s15+$0x820];
	v18 =	vadd.f32 $-1.258291200e+07, v18;
	v60 =	vmul.f32 v14, v14;
	v11 =	vmul.f32 v19, v11  }
0x156: {  	v14 =	vadd.f32 $-1.344107320e-03, v61;
	v29 =	vmul.f32 $1.591549370e-01, v17;
	v12 =	vadd.f32 $9.999710910e-01, v12  }
0x157: {  	v47 =	vadd.f32 $1.258291200e+07, v45;
	v25 =	vmul.f32 $1.906524270e-05, v60;
	v11 =	vadd.f32 $9.999710910e-01, v11  }
0x158: {  	v14 =	vmul.f32 v14, v16;
	v20 =	vadd.f32 $1.258291200e+07, v29;
	v10 =	vadd.f32 v12, v10  }
0x159: {  	v27 =	vadd.f32 $-1.344107320e-03, v25;
	v9 =	vadd.f32 v11, v9;
	v11 =	vmul.f32 $1.906524270e-05, v15  }
0x15a: {  	v13 =	vperm.xlane v13, v0;
	v14 =	vadd.f32 $4.152230550e-02, v14;
	v19 =	vsub.f32 v24, v59  }
0x15b: {  	v20 =	vadd.f32 $-1.258291200e+07, v20;
	v11 =	vadd.f32 $-1.344107320e-03, v11  }
0x15c: {  	v10 =	vadd.f32 v13, v10;
	v14 =	vmul.f32 v14, v16;
	v30 =	vmul.f32 $1.591549370e-01, v19  }
0x15d: {  	v58 =	vld [tilespmem:s16+$0x840];
	v32 =	vmul.f32 $6.283185480e+00, v20;
	v20 =	vadd.f32 $-1.258291200e+07, v47;
	v11 =	vmul.f32 v11, v15  }
0x15e: {  	v18 =	vmul.f32 $6.283185480e+00, v18;
	v14 =	vadd.f32 $-4.998376070e-01, v14;
	v21 =	vadd.f32 $1.258291200e+07, v30  }
0x15f: {  	v40 =	vld [tilespmem:s15+$0x830];
	v9 =	vadd.f32 v13, v9;
	v13 =	vmul.f32 v27, v60;
	v11 =	vadd.f32 $4.152230550e-02, v11  }
0x160: {  	v18 =	vsub.f32 v26, v18;
	v20 =	vmul.f32 $6.283185480e+00, v20;
	v31 =	vadd.f32 $-1.258291200e+07, v21  }
0x161: {  	v14 =	vmul.f32 v14, v16;
	v13 =	vadd.f32 $4.152230550e-02, v13;
	v11 =	vmul.f32 v11, v15  }
0x162: {  	v26 =	vperm.xlane v58, v0;
	v51 =	vsub.f32 v43, v20;
	v35 =	vmul.f32 $6.283185480e+00, v31  }
0x163: {  	v34 =	vadd.f32 $9.999710910e-01, v14;
	v13 =	vmul.f32 v13, v60;
	v11 =	vadd.f32 $-4.998376070e-01, v11  }
0x164: {  	s19 =	sor.u32 $0x840, s16;
	v36 =	vmul.f32 v18, v18;
	v14 =	vsub.f32 v19, v35;
	v19 =	vsub.f32 v40, v33  }
0x165: {  	v37 =	vld.msk [tilespmem:s19+$0x0], $0x1;
	v55 =	vmul.f32 v51, v51;
	v13 =	vadd.f32 $-4.998376070e-01, v13;
	v11 =	vmul.f32 v11, v15  }
0x166: {  	v14 =	vmul.f32 v14, v14;
	v49 =	vmul.f32 $1.591549370e-01, v19  }
0x167: {  	v12 =	vmul.f32 v13, v60;
	v15 =	vsub.f32 v17, v32;
	v11 =	vadd.f32 $9.999710910e-01, v11  }
0x168: {  	v57 =	vmul.f32 $1.906524270e-05, v55;
	v42 =	vmul.f32 $1.906524270e-05, v14;
	v23 =	vadd.f32 $1.258291200e+07, v49  }
0x169: {  	v12 =	vadd.f32 $9.999710910e-01, v12;
	v10 =	vadd.f32 v11, v10;
	v11 =	vmul.f32 v15, v15  }
0x16a: {  	v38 =	vmul.f32 $1.906524270e-05, v36;
	v60 =	vld [tilespmem:s15+$0x840];
	v17 =	vsub.f32 v37, v39;
	v44 =	vadd.f32 $-1.344107320e-03, v42  }
0x16b: {  	v61 =	vadd.f32 $-1.344107320e-03, v57;
	v49 =	vld [tilespmem:s16+$0x860];
	v23 =	vadd.f32 $-1.258291200e+07, v23;
	v41 =	vmul.f32 $1.906524270e-05, v11  }
0x16c: {  	v9 =	vadd.f32 v12, v9;
	v46 =	vmul.f32 $1.591549370e-01, v17;
	v18 =	vmul.f32 v44, v14  }
0x16d: {  	v13 =	vperm.xlane v34, v0;
	v15 =	vadd.f32 $-1.344107320e-03, v38;
	v12 =	vadd.f32 $-1.344107320e-03, v41  }
0x16e: {  	v53 =	vmul.f32 $6.283185480e+00, v23;
	v48 =	vadd.f32 $1.258291200e+07, v46;
	v18 =	vadd.f32 $4.152230550e-02, v18  }
0x16f: {  	v9 =	vadd.f32 v13, v9;
	v15 =	vmul.f32 v15, v36;
	v12 =	vmul.f32 v12, v11  }
0x170: {  	v56 =	vsub.f32 v19, v53;
	v19 =	vsub.f32 v60, v58;
	v53 =	vperm.xlane v49, v0  }
0x171: {  	v18 =	vmul.f32 v18, v14;
	v15 =	vadd.f32 $4.152230550e-02, v15;
	v12 =	vadd.f32 $4.152230550e-02, v12  }
0x172: {  	v21 =	vadd.f32 $-1.258291200e+07, v48;
	v16 =	vmul.f32 v56, v56;
	v27 =	vmul.f32 $1.591549370e-01, v19  }
0x173: {  	v10 =	vadd.f32 v13, v10;
	v15 =	vmul.f32 v15, v36;
	v12 =	vmul.f32 v12, v11  }
0x174: {  	s20 =	sor.u32 $0x850, s16;
	v56 =	vsub.f32 v49, v53;
	v21 =	vmul.f32 $6.283185480e+00, v21;
	v50 =	vadd.f32 $-4.998376070e-01, v18  }
0x175: {  	v63 =	vld.msk [tilespmem:s20+$0x0], $0x1;
	v62 =	vmul.f32 $1.906524270e-05, v16;
	v15 =	vadd.f32 $-4.998376070e-01, v15;
	v12 =	vadd.f32 $-4.998376070e-01, v12  }
0x176: {  	v18 =	vsub.f32 v58, v26;
	v52 =	vsub.f32 v17, v21;
	v54 =	vmul.f32 v50, v14  }
0x177: {  	v20 =	vadd.f32 $1.258291200e+07, v27;
	v15 =	vmul.f32 v15, v36;
	v11 =	vmul.f32 v12, v11  }
0x178: {  	v25 =	vadd.f32 $-1.344107320e-03, v62;
	v13 =	vadd.f32 $9.999710910e-01, v54;
	v12 =	vmul.f32 v52, v52  }
0x179: {  	v15 =	vadd.f32 $9.999710910e-01, v15;
	v11 =	vadd.f32 $9.999710910e-01, v11  }
0x17a: {  	v17 =	vsub.f32 v63, v26;
	v28 =	vmul.f32 $1.591549370e-01, v18;
	v59 =	vmul.f32 $1.906524270e-05, v12  }
0x17b: {  	v34 =	vld [tilespmem:s16+$0x850];
	v10 =	vadd.f32 v15, v10;
	v9 =	vadd.f32 v11, v9;
	v11 =	vperm.xlane v13, v0  }
0x17c: {  	v20 =	vadd.f32 $-1.258291200e+07, v20;
	v15 =	vadd.f32 $-1.344107320e-03, v59  }
0x17d: {  	v29 =	vmul.f32 $1.591549370e-01, v17;
	v21 =	vadd.f32 $1.258291200e+07, v28;
	v10 =	vadd.f32 v11, v10  }
0x17e: {  	v9 =	vadd.f32 v11, v9;
	v11 =	vmul.f32 v61, v55;
	v24 =	vmul.f32 v15, v12  }
0x17f: {  	v63 =	vld [tilespmem:s16+$0x870];
	v20 =	vmul.f32 $6.283185480e+00, v20;
	v22 =	vadd.f32 $1.258291200e+07, v29;
	v15 =	vmul.f32 v25, v16  }
0x180: {  	v43 =	vperm.xlane v34, v0;
	v11 =	vadd.f32 $4.152230550e-02, v11;
	v13 =	vadd.f32 $4.152230550e-02, v24  }
0x181: {  	v58 =	vmul.f32 $1.591549370e-01, v56;
	v33 =	vsub.f32 v19, v20;
	v15 =	vadd.f32 $4.152230550e-02, v15  }
0x182: {  	v31 =	vadd.f32 $-1.258291200e+07, v21;
	v36 =	vld [tilespmem:s15+$0x850];
	v11 =	vmul.f32 v11, v55;
	v13 =	vmul.f32 v13, v12  }
0x183: {  	v32 =	vadd.f32 $-1.258291200e+07, v22;
	v35 =	vmul.f32 v33, v33;
	v15 =	vmul.f32 v15, v16  }
0x184: {  	v29 =	vperm.xlane v63, v0;
	v11 =	vadd.f32 $-4.998376070e-01, v11;
	v13 =	vadd.f32 $-4.998376070e-01, v13  }
0x185: {  	v39 =	vmul.f32 $1.906524270e-05, v35;
	v30 =	vadd.f32 $-4.998376070e-01, v15;
	v15 =	vmul.f32 $6.283185480e+00, v31  }
0x186: {  	s21 =	sor.u32 $0x860, s16;
	v33 =	vsub.f32 v63, v29;
	v11 =	vmul.f32 v11, v55;
	v12 =	vmul.f32 v13, v12  }
0x187: {  	v40 =	vld.msk [tilespmem:s21+$0x0], $0x1;
	v14 =	vmul.f32 v30, v16;
	v15 =	vsub.f32 v18, v15;
	v16 =	vsub.f32 v36, v34  }
0x188: {  	v13 =	vmul.f32 $6.283185480e+00, v32;
	v18 =	vsub.f32 v34, v43;
	v11 =	vadd.f32 $9.999710910e-01, v11  }
0x189: {  	v12 =	vadd.f32 $9.999710910e-01, v12;
	v14 =	vadd.f32 $9.999710910e-01, v14;
	v38 =	vmul.f32 v15, v15  }
0x18a: {  	v15 =	vadd.f32 $-1.344107320e-03, v39;
	v44 =	vmul.f32 $1.591549370e-01, v16;
	v10 =	vadd.f32 v11, v10  }
0x18b: {  	v45 =	vmul.f32 $1.591549370e-01, v18;
	v11 =	vsub.f32 v17, v13;
	v9 =	vadd.f32 v12, v9  }
0x18c: {  	v37 =	vperm.xlane v14, v0;
	v41 =	vmul.f32 $1.906524270e-05, v38;
	v17 =	vsub.f32 v40, v43  }
0x18d: {  	v15 =	vmul.f32 v15, v35;
	v20 =	vadd.f32 $1.258291200e+07, v44;
	v21 =	vadd.f32 $1.258291200e+07, v45  }
0x18e: {  	v11 =	vmul.f32 v11, v11;
	v10 =	vadd.f32 v37, v10;
	v12 =	vadd.f32 $-1.344107320e-03, v41  }
0x18f: {  	v9 =	vadd.f32 v37, v9;
	v15 =	vadd.f32 $4.152230550e-02, v15;
	v46 =	vmul.f32 $1.591549370e-01, v17  }
0x190: {  	v20 =	vadd.f32 $-1.258291200e+07, v20;
	v42 =	vmul.f32 $1.906524270e-05, v11;
	v12 =	vmul.f32 v12, v38  }
0x191: {  	s22 =	sor.u32 $0x870, s16;
	v21 =	vadd.f32 $-1.258291200e+07, v21;
	v15 =	vmul.f32 v15, v35;
	v22 =	vadd.f32 $1.258291200e+07, v46  }
0x192: {  	v20 =	vmul.f32 $6.283185480e+00, v20;
	v19 =	vadd.f32 $-1.344107320e-03, v42;
	v12 =	vadd.f32 $4.152230550e-02, v12  }
0x193: {  	v47 =	vmul.f32 $6.283185480e+00, v21;
	v15 =	vadd.f32 $-4.998376070e-01, v15;
	v22 =	vadd.f32 $-1.258291200e+07, v22  }
0x194: {  	v52 =	vld.msk [tilespmem:s22+$0x0], $0x1;
	v16 =	vsub.f32 v16, v20;
	v19 =	vmul.f32 v19, v11;
	v12 =	vmul.f32 v12, v38  }
0x195: {  	v13 =	vmul.f32 v15, v35;
	v48 =	vmul.f32 $6.283185480e+00, v22;
	v15 =	vsub.f32 v18, v47  }
0x196: {  	v16 =	vmul.f32 v16, v16;
	v18 =	vadd.f32 $1.258291200e+07, v58;
	v19 =	vadd.f32 $4.152230550e-02, v19  }
0x197: {  	v35 =	vmul.f32 $1.591549370e-01, v33;
	v12 =	vadd.f32 $-4.998376070e-01, v12;
	v13 =	vadd.f32 $9.999710910e-01, v13  }
0x198: {  	v14 =	vsub.f32 v17, v48;
	v15 =	vmul.f32 v15, v15;
	v51 =	vmul.f32 $1.906524270e-05, v16  }
0x199: {  	v54 =	vld [tilespmem:s15+$0x860];
	v17 =	vsub.f32 v52, v53;
	v18 =	vadd.f32 $-1.258291200e+07, v18;
	v19 =	vmul.f32 v19, v11  }
0x19a: {  	v12 =	vmul.f32 v12, v38;
	v50 =	vmul.f32 v14, v14;
	v14 =	vadd.f32 $-1.344107320e-03, v51  }
0x19b: {  	v59 =	vmul.f32 $1.591549370e-01, v17;
	v18 =	vmul.f32 $6.283185480e+00, v18;
	v19 =	vadd.f32 $-4.998376070e-01, v19  }
0x19c: {  	v37 =	vadd.f32 $1.258291200e+07, v35;
	v12 =	vadd.f32 $9.999710910e-01, v12;
	v14 =	vmul.f32 v14, v16  }
0x19d: {  	v46 =	vld [tilespmem:s16+$0xC00];
	v20 =	vadd.f32 $1.258291200e+07, v59;
	v18 =	vsub.f32 v56, v18;
	v11 =	vmul.f32 v19, v11  }
0x19e: {  	v55 =	vmul.f32 $1.906524270e-05, v50;
	v14 =	vadd.f32 $4.152230550e-02, v14;
	v19 =	vsub.f32 v54, v49  }
0x19f: {  	v13 =	vperm.xlane v13, v0;
	v10 =	vadd.f32 v12, v10;
	v11 =	vadd.f32 $9.999710910e-01, v11  }
0x1a0: {  	v57 =	vadd.f32 $-1.344107320e-03, v55;
	v14 =	vmul.f32 v14, v16;
	v60 =	vmul.f32 $1.591549370e-01, v19  }
0x1a1: {  	v10 =	vadd.f32 v13, v10;
	v9 =	vadd.f32 v11, v9;
	v11 =	vmul.f32 $1.906524270e-05, v15  }
0x1a2: {  	v53 =	vperm.xlane v46, v0;
	v14 =	vadd.f32 $-4.998376070e-01, v14;
	v21 =	vadd.f32 $1.258291200e+07, v60  }
0x1a3: {  	v30 =	vld [tilespmem:s15+$0x870];
	v11 =	vadd.f32 $-1.344107320e-03, v11;
	v9 =	vadd.f32 v13, v9;
	v13 =	vmul.f32 v57, v50  }
0x1a4: {  	v20 =	vadd.f32 $-1.258291200e+07, v20;
	v26 =	vmul.f32 v18, v18;
	v61 =	vadd.f32 $-1.258291200e+07, v21  }
0x1a5: {  	v14 =	vmul.f32 v14, v16;
	v11 =	vmul.f32 v11, v15;
	v13 =	vadd.f32 $4.152230550e-02, v13  }
0x1a6: {  	v62 =	vmul.f32 $6.283185480e+00, v20;
	v20 =	vadd.f32 $-1.258291200e+07, v37;
	v25 =	vmul.f32 $6.283185480e+00, v61  }
0x1a7: {  	v24 =	vadd.f32 $9.999710910e-01, v14;
	v11 =	vadd.f32 $4.152230550e-02, v11;
	v13 =	vmul.f32 v13, v50  }
0x1a8: {  	s23 =	sor.u32 $0xC00, s16;
	v20 =	vmul.f32 $6.283185480e+00, v20;
	v14 =	vsub.f32 v19, v25;
	v19 =	vsub.f32 v30, v63  }
0x1a9: {  	v27 =	vld.msk [tilespmem:s23+$0x0], $0x1;
	v55 =	vsub.f32 v46, v53;
	v11 =	vmul.f32 v11, v15;
	v13 =	vadd.f32 $-4.998376070e-01, v13  }
0x1aa: {  	v20 =	vsub.f32 v33, v20;
	v14 =	vmul.f32 v14, v14;
	v39 =	vmul.f32 $1.591549370e-01, v19  }
0x1ab: {  	v28 =	vmul.f32 $1.906524270e-05, v26;
	v11 =	vadd.f32 $-4.998376070e-01, v11;
	v12 =	vmul.f32 v13, v50  }
0x1ac: {  	v43 =	vmul.f32 v20, v20;
	v32 =	vmul.f32 $1.906524270e-05, v14;
	v23 =	vadd.f32 $1.258291200e+07, v39  }
0x1ad: {  	v11 =	vmul.f32 v11, v15;
	v15 =	vsub.f32 v17, v62;
	v12 =	vadd.f32 $9.999710910e-01, v12  }
0x1ae: {  	v47 =	vmul.f32 $1.906524270e-05, v43;
	v17 =	vsub.f32 v27, v29;
	v34 =	vadd.f32 $-1.344107320e-03, v32  }
0x1af: {  	v56 =	vmul.f32 $1.591549370e-01, v55;
	v23 =	vadd.f32 $-1.258291200e+07, v23;
	v11 =	vadd.f32 $9.999710910e-01, v11  }
0x1b0: {  	v49 =	vadd.f32 $-1.344107320e-03, v47;
	v9 =	vadd.f32 v12, v9;
	v36 =	vmul.f32 $1.591549370e-01, v17  }
0x1b1: {  	v18 =	vmul.f32 v34, v14;
	v41 =	vmul.f32 $6.283185480e+00, v23;
	v10 =	vadd.f32 v11, v10  }
0x1b2: {  	v11 =	vmul.f32 v15, v15;
	v15 =	vadd.f32 $-1.344107320e-03, v28;
	v38 =	vadd.f32 $1.258291200e+07, v36  }
0x1b3: {  	s24 =	sor.u32 $0xC10, s16;
	v13 =	vperm.xlane v24, v0;
	v18 =	vadd.f32 $4.152230550e-02, v18;
	v45 =	vsub.f32 v19, v41  }
0x1b4: {  	v50 =	vld.msk [tilespmem:s24+$0x0], $0x1;
	v31 =	vmul.f32 $1.906524270e-05, v11;
	v15 =	vmul.f32 v15, v26;
	v21 =	vadd.f32 $-1.258291200e+07, v38  }
0x1b5: {  	v52 =	vld [tilespmem:s15+$0xC00];
	v9 =	vadd.f32 v13, v9;
	v18 =	vmul.f32 v18, v14;
	v16 =	vmul.f32 v45, v45  }
0x1b6: {  	v12 =	vadd.f32 $-1.344107320e-03, v31;
	v15 =	vadd.f32 $4.152230550e-02, v15;
	v21 =	vmul.f32 $6.283185480e+00, v21  }
0x1b7: {  	v10 =	vadd.f32 v13, v10;
	v18 =	vadd.f32 $-4.998376070e-01, v18;
	v51 =	vmul.f32 $1.906524270e-05, v16  }
0x1b8: {  	v12 =	vmul.f32 v12, v11;
	v15 =	vmul.f32 v15, v26;
	v40 =	vsub.f32 v17, v21  }
0x1b9: {  	v63 =	vld [tilespmem:s16+$0xC10];
	v42 =	vmul.f32 v18, v14;
	v54 =	vadd.f32 $-1.344107320e-03, v51;
	v18 =	vsub.f32 v50, v53  }
0x1ba: {  	v8 =	vperm.xlane v8, v4;
	v17 =	vsub.f32 v52, v46;
	v21 =	vadd.f32 $1.258291200e+07, v56  }
0x1bb: {  	v12 =	vadd.f32 $4.152230550e-02, v12;
	v15 =	vadd.f32 $-4.998376070e-01, v15;
	v44 =	vmul.f32 v40, v40  }
0x1bc: {  	v37 =	vld [tilespmem:s16+$0xC20];
	v13 =	vadd.f32 $9.999710910e-01, v42;
	v57 =	vmul.f32 $1.591549370e-01, v18;
	v58 =	vmul.f32 $1.591549370e-01, v17  }
0x1bd: {  	v21 =	vadd.f32 $-1.258291200e+07, v21;
	v40 =	vld [tilespmem:s15+$0xC20];
	v12 =	vmul.f32 v12, v11;
	v15 =	vmul.f32 v15, v26  }
0x1be: {  	s25 =	sor.u32 $0xC20, s16;
	v30 =	vperm.xlane v63, v0;
	v20 =	vadd.f32 $1.258291200e+07, v57;
	v22 =	vadd.f32 $1.258291200e+07, v58  }
0x1bf: {  	v28 =	vld.msk [tilespmem:s25+$0x0], $0x1;
	v48 =	vmul.f32 $1.906524270e-05, v44;
	v12 =	vadd.f32 $-4.998376070e-01, v12;
	v15 =	vadd.f32 $9.999710910e-01, v15  }
0x1c0: {  	v60 =	vmul.f32 $6.283185480e+00, v21;
	v59 =	vadd.f32 $-1.258291200e+07, v20;
	v61 =	vadd.f32 $-1.258291200e+07, v22  }
0x1c1: {  	v11 =	vmul.f32 v12, v11;
	v10 =	vadd.f32 v15, v10;
	v15 =	vmul.f32 v49, v43  }
0x1c2: {  	v46 =	vsub.f32 v40, v37;
	v12 =	vsub.f32 v55, v60;
	v62 =	vmul.f32 $6.283185480e+00, v61  }
0x1c3: {  	v13 =	vperm.xlane v13, v0;
	v11 =	vadd.f32 $9.999710910e-01, v11;
	v15 =	vadd.f32 $4.152230550e-02, v15  }
0x1c4: {  	v52 =	vld [tilespmem:s16+$0xC30];
	v50 =	vmul.f32 $1.591549370e-01, v46;
	v24 =	vsub.f32 v17, v62;
	v17 =	vsub.f32 v28, v30  }
0x1c5: {  	v12 =	vmul.f32 v12, v12;
	v9 =	vadd.f32 v11, v9;
	v11 =	vadd.f32 $-1.344107320e-03, v48  }
0x1c6: {  	v10 =	vadd.f32 v13, v10;
	v15 =	vmul.f32 v15, v43;
	v33 =	vmul.f32 $1.591549370e-01, v17  }
0x1c7: {  	v9 =	vadd.f32 v13, v9;
	v11 =	vmul.f32 v11, v44;
	v13 =	vmul.f32 v54, v16  }
0x1c8: {  	v27 =	vmul.f32 $1.906524270e-05, v12;
	v15 =	vadd.f32 $-4.998376070e-01, v15;
	v22 =	vadd.f32 $1.258291200e+07, v33  }
0x1c9: {  	v54 =	vperm.xlane v52, v0;
	v11 =	vadd.f32 $4.152230550e-02, v11;
	v13 =	vadd.f32 $4.152230550e-02, v13  }
0x1ca: {  	v14 =	vmul.f32 v15, v43;
	v15 =	vmul.f32 $6.283185480e+00, v59;
	v22 =	vadd.f32 $-1.258291200e+07, v22  }
0x1cb: {  	v43 =	vperm.xlane v37, v0;
	v58 =	vsub.f32 v52, v54;
	v11 =	vmul.f32 v11, v44  }
0x1cc: {  	v25 =	vld [tilespmem:s15+$0xC10];
	v13 =	vmul.f32 v13, v16;
	v14 =	vadd.f32 $9.999710910e-01, v14;
	v15 =	vsub.f32 v18, v15  }
0x1cd: {  	v18 =	vsub.f32 v63, v30;
	v34 =	vmul.f32 $6.283185480e+00, v22;
	v45 =	vsub.f32 v37, v43  }
0x1ce: {  	v61 =	vmul.f32 $1.591549370e-01, v58;
	v11 =	vadd.f32 $-4.998376070e-01, v11;
	v13 =	vadd.f32 $-4.998376070e-01, v13  }
0x1cf: {  	v10 =	vadd.f32 v14, v10;
	v26 =	vmul.f32 v15, v15;
	v14 =	vmul.f32 v24, v24  }
0x1d0: {  	v15 =	vadd.f32 $-1.344107320e-03, v27;
	v11 =	vmul.f32 v11, v44;
	v13 =	vmul.f32 v13, v16  }
0x1d1: {  	v32 =	vmul.f32 $1.591549370e-01, v18;
	v29 =	vmul.f32 $1.906524270e-05, v14;
	v16 =	vsub.f32 v25, v63  }
0x1d2: {  	s26 =	sor.u32 $0xC30, s16;
	v15 =	vmul.f32 v15, v12;
	v11 =	vadd.f32 $9.999710910e-01, v11;
	v13 =	vadd.f32 $9.999710910e-01, v13  }
0x1d3: {  	v21 =	vadd.f32 $1.258291200e+07, v32;
	v44 =	vld.msk [tilespmem:s26+$0x0], $0x1;
	v19 =	vadd.f32 $-1.344107320e-03, v29;
	v31 =	vmul.f32 $1.591549370e-01, v16  }
0x1d4: {  	v15 =	vadd.f32 $4.152230550e-02, v15;
	v9 =	vadd.f32 v11, v9;
	v11 =	vperm.xlane v13, v0  }
0x1d5: {  	v48 =	vmul.f32 $1.591549370e-01, v45;
	v21 =	vadd.f32 $-1.258291200e+07, v21;
	v20 =	vadd.f32 $1.258291200e+07, v31  }
0x1d6: {  	v10 =	vadd.f32 v11, v10;
	v9 =	vadd.f32 v11, v9;
	v11 =	vmul.f32 $1.906524270e-05, v26  }
0x1d7: {  	v19 =	vmul.f32 v19, v14;
	v15 =	vmul.f32 v15, v12;
	v20 =	vadd.f32 $-1.258291200e+07, v20  }
0x1d8: {  	v21 =	vmul.f32 $6.283185480e+00, v21;
	v49 =	vsub.f32 v44, v43;
	v11 =	vadd.f32 $-1.344107320e-03, v11  }
0x1d9: {  	v19 =	vadd.f32 $4.152230550e-02, v19;
	v15 =	vadd.f32 $-4.998376070e-01, v15;
	v20 =	vmul.f32 $6.283185480e+00, v20  }
0x1da: {  	v36 =	vsub.f32 v18, v21;
	v18 =	vadd.f32 $1.258291200e+07, v48;
	v11 =	vmul.f32 v11, v26  }
0x1db: {  	v21 =	vmul.f32 $1.591549370e-01, v49;
	v19 =	vmul.f32 v19, v14;
	v16 =	vsub.f32 v16, v20  }
0x1dc: {  	v12 =	vmul.f32 v15, v12;
	v15 =	vsub.f32 v17, v34;
	v11 =	vadd.f32 $4.152230550e-02, v11  }
0x1dd: {  	v18 =	vadd.f32 $-1.258291200e+07, v18;
	v21 =	vadd.f32 $1.258291200e+07, v21;
	v16 =	vmul.f32 v16, v16  }
0x1de: {  	v19 =	vadd.f32 $-4.998376070e-01, v19;
	v12 =	vadd.f32 $9.999710910e-01, v12;
	v11 =	vmul.f32 v11, v26  }
0x1df: {  	v38 =	vmul.f32 v15, v15;
	v20 =	vadd.f32 $1.258291200e+07, v50;
	v39 =	vmul.f32 $1.906524270e-05, v16  }
0x1e0: {  	v18 =	vmul.f32 $6.283185480e+00, v18;
	v51 =	vadd.f32 $-1.258291200e+07, v21;
	v11 =	vadd.f32 $-4.998376070e-01, v11  }
0x1e1: {  	v35 =	vmul.f32 v19, v14;
	v42 =	vmul.f32 $1.906524270e-05, v38;
	v15 =	vadd.f32 $-1.344107320e-03, v39  }
0x1e2: {  	v14 =	vmul.f32 v36, v36;
	v10 =	vadd.f32 v12, v10;
	v11 =	vmul.f32 v11, v26  }
0x1e3: {  	v20 =	vadd.f32 $-1.258291200e+07, v20;
	v19 =	vadd.f32 $-1.344107320e-03, v42;
	v15 =	vmul.f32 v15, v16  }
0x1e4: {  	v55 =	vld [tilespmem:s15+$0xC30];
	v13 =	vadd.f32 $9.999710910e-01, v35;
	v41 =	vmul.f32 $1.906524270e-05, v14;
	v11 =	vadd.f32 $9.999710910e-01, v11  }
0x1e5: {  	v25 =	vld [tilespmem:s16+$0xC40];
	v53 =	vsub.f32 v45, v18;
	v47 =	vmul.f32 v19, v38;
	v15 =	vadd.f32 $4.152230550e-02, v15  }
0x1e6: {  	v9 =	vadd.f32 v11, v9;
	v11 =	vperm.xlane v13, v0;
	v13 =	vadd.f32 $-1.344107320e-03, v41  }
0x1e7: {  	v20 =	vmul.f32 $6.283185480e+00, v20;
	v17 =	vadd.f32 $4.152230550e-02, v47;
	v15 =	vmul.f32 v15, v16  }
0x1e8: {  	s28 =	sor.u32 $0xC40, s16;
	v10 =	vadd.f32 v11, v10;
	v9 =	vadd.f32 v11, v9;
	v11 =	vmul.f32 v13, v14  }
0x1e9: {  	v60 =	vld.msk [tilespmem:s28+$0x0], $0x1;
	v18 =	vsub.f32 v55, v52;
	v17 =	vmul.f32 v17, v38;
	v15 =	vadd.f32 $-4.998376070e-01, v15  }
0x1ea: {  	v31 =	vperm.xlane v25, v0;
	v13 =	vsub.f32 v46, v20;
	v11 =	vadd.f32 $4.152230550e-02, v11  }
0x1eb: {  	v17 =	vadd.f32 $-4.998376070e-01, v17;
	v15 =	vmul.f32 v15, v16;
	v16 =	vmul.f32 $6.283185480e+00, v51  }
0x1ec: {  	v33 =	vsub.f32 v25, v31;
	v13 =	vmul.f32 v13, v13;
	v11 =	vmul.f32 v11, v14  }
0x1ed: {  	v21 =	vmul.f32 $1.591549370e-01, v18;
	v12 =	vmul.f32 v17, v38;
	v16 =	vsub.f32 v49, v16  }
0x1ee: {  	v17 =	vsub.f32 v60, v54;
	v57 =	vmul.f32 $1.906524270e-05, v13;
	v11 =	vadd.f32 $-4.998376070e-01, v11  }
0x1ef: {  	v21 =	vadd.f32 $1.258291200e+07, v21;
	v12 =	vadd.f32 $9.999710910e-01, v12;
	v56 =	vmul.f32 v16, v16  }
0x1f0: {  	v22 =	vmul.f32 $1.591549370e-01, v17;
	v16 =	vadd.f32 $-1.344107320e-03, v57;
	v11 =	vmul.f32 v11, v14  }
0x1f1: {  	v15 =	vadd.f32 $9.999710910e-01, v15;
	v9 =	vadd.f32 v12, v9;
	v59 =	vmul.f32 $1.906524270e-05, v56  }
0x1f2: {  	v14 =	vmul.f32 v53, v53;
	v16 =	vmul.f32 v16, v13;
	v11 =	vadd.f32 $9.999710910e-01, v11  }
0x1f3: {  	v22 =	vadd.f32 $1.258291200e+07, v22;
	v15 =	vperm.xlane v15, v0;
	v20 =	vadd.f32 $-1.344107320e-03, v59  }
0x1f4: {  	v32 =	vld [tilespmem:s15+$0xC40];
	v16 =	vadd.f32 $4.152230550e-02, v16;
	v10 =	vadd.f32 v11, v10;
	v11 =	vmul.f32 $1.906524270e-05, v14  }
0x1f5: {  	v21 =	vadd.f32 $-1.258291200e+07, v21;
	v24 =	vadd.f32 $-1.258291200e+07, v22;
	v20 =	vmul.f32 v20, v56  }
0x1f6: {  	s29 =	sor.u32 $0xC50, s16;
	v34 =	vld [tilespmem:s16+$0xC50];
	v9 =	vadd.f32 v15, v9;
	v16 =	vmul.f32 v16, v13;
	v11 =	vadd.f32 $-1.344107320e-03, v11  }
0x1f7: {  	s30 =	sor.u32 $0xC60, s16;
	v29 =	vld.msk [tilespmem:s29+$0x0], $0x1;
	v36 =	vmul.f32 $1.591549370e-01, v33;
	v10 =	vadd.f32 v15, v10;
	v20 =	vadd.f32 $4.152230550e-02, v20  }
0x1f8: {  	v40 =	vld.msk [tilespmem:s30+$0x0], $0x1;
	v63 =	vmul.f32 $6.283185480e+00, v21;
	v15 =	vadd.f32 $1.258291200e+07, v61;
	v16 =	vadd.f32 $-4.998376070e-01, v16  }
0x1f9: {  	v19 =	vsub.f32 v32, v25;
	v11 =	vmul.f32 v11, v14;
	v20 =	vmul.f32 v20, v56  }
0x1fa: {  	v15 =	vadd.f32 $-1.258291200e+07, v15;
	v13 =	vmul.f32 v16, v13;
	v16 =	vmul.f32 $6.283185480e+00, v24  }
0x1fb: {  	v24 =	vperm.xlane v34, v0;
	v11 =	vadd.f32 $4.152230550e-02, v11;
	v62 =	vadd.f32 $-4.998376070e-01, v20  }
0x1fc: {  	v38 =	vmul.f32 $1.591549370e-01, v19;
	v61 =	vld [tilespmem:s16+$0xC60];
	v27 =	vsub.f32 v17, v16;
	v17 =	vsub.f32 v29, v31  }
0x1fd: {  	v15 =	vmul.f32 $6.283185480e+00, v15;
	v25 =	vsub.f32 v34, v24;
	v46 =	vsub.f32 v40, v24;
	v24 =	vld [tilespmem:s15+$0xC60]  }
0x1fe: {  	v23 =	vadd.f32 $1.258291200e+07, v38;
	v13 =	vadd.f32 $9.999710910e-01, v13;
	v11 =	vmul.f32 v11, v14  }
0x1ff: {  	v15 =	vsub.f32 v58, v15;
	v12 =	vmul.f32 v62, v56;
	v37 =	vmul.f32 $1.591549370e-01, v17  }
0x200: {  	v39 =	vadd.f32 $-1.258291200e+07, v23;
	v13 =	vperm.xlane v13, v0;
	v11 =	vadd.f32 $-4.998376070e-01, v11  }
0x201: {  	v15 =	vmul.f32 v15, v15;
	v12 =	vadd.f32 $9.999710910e-01, v12;
	v20 =	vadd.f32 $1.258291200e+07, v37  }
0x202: {  	v31 =	vsub.f32 v24, v61;
	v11 =	vmul.f32 v11, v14;
	v14 =	vsub.f32 v18, v63  }
0x203: {  	v26 =	vmul.f32 $1.906524270e-05, v15;
	v9 =	vadd.f32 v12, v9;
	v18 =	vadd.f32 $1.258291200e+07, v36  }
0x204: {  	v48 =	vmul.f32 $1.591549370e-01, v46;
	v20 =	vadd.f32 $-1.258291200e+07, v20;
	v11 =	vadd.f32 $9.999710910e-01, v11  }
0x205: {  	v28 =	vadd.f32 $-1.344107320e-03, v26;
	v18 =	vadd.f32 $-1.258291200e+07, v18;
	v26 =	vmul.f32 $1.591549370e-01, v25  }
0x206: {  	v42 =	vmul.f32 $6.283185480e+00, v20;
	v10 =	vadd.f32 v11, v10;
	v11 =	vmul.f32 v14, v14  }
0x207: {  	v9 =	vadd.f32 v13, v9;
	v14 =	vmul.f32 v27, v27;
	v16 =	vmul.f32 v28, v15  }
0x208: {  	v18 =	vmul.f32 $6.283185480e+00, v18;
	v43 =	vadd.f32 $1.258291200e+07, v26;
	v17 =	vsub.f32 v17, v42;
	v26 =	vld [tilespmem:s16+$0xC70]  }
0x209: {  	v30 =	vmul.f32 $1.906524270e-05, v11;
	v10 =	vadd.f32 v13, v10;
	v16 =	vadd.f32 $4.152230550e-02, v16  }
0x20a: {  	v35 =	vmul.f32 $1.906524270e-05, v14;
	v44 =	vadd.f32 $-1.258291200e+07, v43;
	v17 =	vmul.f32 v17, v17  }
0x20b: {  	v41 =	vsub.f32 v33, v18;
	v12 =	vadd.f32 $-1.344107320e-03, v30;
	v16 =	vmul.f32 v16, v15  }
0x20c: {  	v13 =	vadd.f32 $-1.344107320e-03, v35;
	v18 =	vmul.f32 $6.283185480e+00, v44;
	v47 =	vmul.f32 $1.906524270e-05, v17  }
0x20d: {  	v50 =	vadd.f32 $1.258291200e+07, v48;
	v35 =	vmul.f32 $1.591549370e-01, v31;
	v33 =	vperm.xlane v26, v3  }
0x20e: {  	v12 =	vmul.f32 v12, v11;
	v16 =	vadd.f32 $-4.998376070e-01, v16;
	v13 =	vmul.f32 v13, v14  }
0x20f: {  	v18 =	vsub.f32 v25, v18;
	v25 =	vperm.xlane v61, v0;
	v38 =	vadd.f32 $1.258291200e+07, v35  }
0x210: {  	v8 =	vsel vm0, v33, v8;
	v12 =	vadd.f32 $4.152230550e-02, v12;
	v15 =	vmul.f32 v16, v15  }
0x211: {  	v13 =	vadd.f32 $4.152230550e-02, v13;
	v16 =	vmul.f32 $6.283185480e+00, v39;
	v18 =	vmul.f32 v18, v18  }
0x212: {  	v28 =	vsub.f32 v61, v25;
	v8 =	vsub.f32 v8, v26;
	v12 =	vmul.f32 v12, v11  }
0x213: {  	v15 =	vadd.f32 $9.999710910e-01, v15;
	v13 =	vmul.f32 v13, v14;
	v16 =	vsub.f32 v19, v16  }
0x214: {  	v53 =	vmul.f32 $1.906524270e-05, v18;
	v39 =	vmul.f32 $1.591549370e-01, v8;
	v12 =	vadd.f32 $-4.998376070e-01, v12  }
0x215: {  	v13 =	vadd.f32 $-4.998376070e-01, v13;
	v16 =	vmul.f32 v16, v16;
	v10 =	vadd.f32 v15, v10  }
0x216: {  	v15 =	vadd.f32 $-1.344107320e-03, v47;
	v11 =	vmul.f32 v12, v11;
	v12 =	vmul.f32 v41, v41  }
0x217: {  	v20 =	vadd.f32 $-1.344107320e-03, v53;
	v49 =	vmul.f32 $1.906524270e-05, v16;
	v13 =	vmul.f32 v13, v14  }
0x218: {  	v14 =	vadd.f32 $-1.258291200e+07, v50;
	v45 =	vmul.f32 $1.906524270e-05, v12;
	v11 =	vadd.f32 $9.999710910e-01, v11  }
0x219: {  	v15 =	vmul.f32 v15, v17;
	v51 =	vadd.f32 $-1.344107320e-03, v49;
	v13 =	vadd.f32 $9.999710910e-01, v13  }
0x21a: {  	v52 =	vld [tilespmem:s15+$0xC50];
	v14 =	vmul.f32 $6.283185480e+00, v14;
	v19 =	vadd.f32 $-1.344107320e-03, v45;
	v11 =	vperm.xlane v11, v0  }
0x21b: {  	v15 =	vadd.f32 $4.152230550e-02, v15;
	v21 =	vmul.f32 v51, v16;
	v9 =	vadd.f32 v13, v9  }
0x21c: {  	v14 =	vsub.f32 v46, v14;
	v19 =	vmul.f32 v19, v12;
	v10 =	vadd.f32 v11, v10  }
0x21d: {  	v20 =	vmul.f32 v20, v18;
	v21 =	vadd.f32 $4.152230550e-02, v21;
	v9 =	vadd.f32 v11, v9  }
0x21e: {  	v11 =	vmul.f32 v15, v17;
	v14 =	vmul.f32 v14, v14;
	v19 =	vadd.f32 $4.152230550e-02, v19  }
0x21f: {  	v60 =	vadd.f32 $4.152230550e-02, v20;
	v13 =	vsub.f32 v52, v34;
	v55 =	vmul.f32 v21, v16  }
0x220: {  	v11 =	vadd.f32 $-4.998376070e-01, v11;
	v57 =	vmul.f32 $1.906524270e-05, v14;
	v19 =	vmul.f32 v19, v12  }
0x221: {  	v58 =	vmul.f32 $1.591549370e-01, v13;
	v21 =	vadd.f32 $1.258291200e+07, v39;
	v56 =	vadd.f32 $-4.998376070e-01, v55  }
0x222: {  	v11 =	vmul.f32 v11, v17;
	v59 =	vadd.f32 $-1.344107320e-03, v57;
	v54 =	vadd.f32 $-4.998376070e-01, v19  }
0x223: {  	v17 =	vadd.f32 $1.258291200e+07, v58;
	v43 =	vadd.f32 $-1.258291200e+07, v21  }
0x224: {  	v32 =	vld [tilespmem:s15+$0xC70];
	v15 =	vmul.f32 v56, v16;
	v11 =	vadd.f32 $9.999710910e-01, v11;
	v12 =	vmul.f32 v54, v12  }
0x225: {  	s31 =	sor.u32 $0xC70, s16;
	v16 =	vmul.f32 v59, v14;
	v19 =	vmul.f32 v60, v18;
	v62 =	vadd.f32 $-1.258291200e+07, v17  }
0x226: {  	v27 =	vld.msk [tilespmem:s31+$0x0], $0x1;
	v15 =	vadd.f32 $9.999710910e-01, v15;
	v12 =	vadd.f32 $9.999710910e-01, v12  }
0x227: {  	v45 =	vmul.f32 $6.283185480e+00, v43;
	v16 =	vadd.f32 $4.152230550e-02, v16;
	v63 =	vadd.f32 $-4.998376070e-01, v19  }
0x228: {  	v9 =	vadd.f32 v11, v9;
	v10 =	vadd.f32 v12, v10;
	v12 =	vmul.f32 $6.283185480e+00, v62  }
0x229: {  	v30 =	vmul.f32 $1.591549370e-01, v28;
	v19 =	vsub.f32 v32, v26;
	v8 =	vsub.f32 v8, v45  }
0x22a: {  	v15 =	vperm.xlane v15, v0;
	v11 =	vmul.f32 v16, v14;
	v12 =	vsub.f32 v13, v12  }
0x22b: {  	v17 =	vmul.f32 v63, v18;
	v16 =	vsub.f32 v27, v25;
	v22 =	vmul.f32 $1.591549370e-01, v19  }
0x22c: {  	v9 =	vadd.f32 v15, v9;
	v11 =	vadd.f32 $-4.998376070e-01, v11;
	v12 =	vmul.f32 v12, v12  }
0x22d: {  	v29 =	vadd.f32 $9.999710910e-01, v17;
	v17 =	vadd.f32 $1.258291200e+07, v30;
	v36 =	vmul.f32 $1.591549370e-01, v16  }
0x22e: {  	v44 =	vadd.f32 $1.258291200e+07, v22;
	v10 =	vadd.f32 v15, v10;
	v34 =	vmul.f32 $1.906524270e-05, v12  }
0x22f: {  	v37 =	vadd.f32 $-1.258291200e+07, v17;
	v20 =	vadd.f32 $1.258291200e+07, v36  }
0x230: {  	v17 =	vadd.f32 $-1.258291200e+07, v38;
	v15 =	vadd.f32 $-1.344107320e-03, v34  }
0x231: {  	v11 =	vmul.f32 v11, v14;
	v14 =	vmul.f32 $6.283185480e+00, v37;
	v20 =	vadd.f32 $-1.258291200e+07, v20  }
0x232: {  	v46 =	vadd.f32 $-1.258291200e+07, v44;
	v41 =	vmul.f32 $6.283185480e+00, v17;
	v15 =	vmul.f32 v15, v12  }
0x233: {  	v11 =	vadd.f32 $9.999710910e-01, v11;
	v13 =	vsub.f32 v28, v14;
	v42 =	vmul.f32 $6.283185480e+00, v20  }
0x234: {  	v40 =	vadd.f32 $4.152230550e-02, v15;
	v15 =	vsub.f32 v31, v41  }
0x235: {  	v8 =	vmul.f32 v8, v8;
	v49 =	vmul.f32 $6.283185480e+00, v46;
	v16 =	vsub.f32 v16, v42  }
0x236: {  	v9 =	vadd.f32 v11, v9;
	v11 =	vmul.f32 v13, v13;
	v47 =	vmul.f32 v15, v15  }
0x237: {  	v48 =	vmul.f32 v16, v16;
	v16 =	vsub.f32 v19, v49;
	v14 =	vmul.f32 v40, v12  }
0x238: {  	v50 =	vmul.f32 $1.906524270e-05, v11;
	v51 =	vmul.f32 $1.906524270e-05, v47  }
0x239: {  	v52 =	vmul.f32 $1.906524270e-05, v48;
	v16 =	vmul.f32 v16, v16;
	v14 =	vadd.f32 $-4.998376070e-01, v14  }
0x23a: {  	v56 =	vmul.f32 $1.906524270e-05, v8;
	v53 =	vadd.f32 $-1.344107320e-03, v50;
	v54 =	vadd.f32 $-1.344107320e-03, v51  }
0x23b: {  	v55 =	vadd.f32 $-1.344107320e-03, v52;
	v57 =	vmul.f32 $1.906524270e-05, v16;
	v12 =	vmul.f32 v14, v12  }
0x23c: {  	v19 =	vadd.f32 $-1.344107320e-03, v56;
	v14 =	vmul.f32 v53, v11;
	v17 =	vmul.f32 v54, v47  }
0x23d: {  	v18 =	vmul.f32 v55, v48;
	v20 =	vadd.f32 $-1.344107320e-03, v57  }
0x23e: {  	v19 =	vmul.f32 v19, v8;
	v14 =	vadd.f32 $4.152230550e-02, v14;
	v17 =	vadd.f32 $4.152230550e-02, v17  }
0x23f: {  	v10 =	vadd.f32 v29, v10;
	v18 =	vadd.f32 $4.152230550e-02, v18;
	v20 =	vmul.f32 v20, v16  }
0x240: {  	v19 =	vadd.f32 $4.152230550e-02, v19;
	v14 =	vmul.f32 v14, v11;
	v17 =	vmul.f32 v17, v47  }
0x241: {  	v12 =	vadd.f32 $9.999710910e-01, v12;
	v18 =	vmul.f32 v18, v48;
	v20 =	vadd.f32 $4.152230550e-02, v20  }
0x242: {  	v19 =	vmul.f32 v19, v8;
	v14 =	vadd.f32 $-4.998376070e-01, v14;
	v17 =	vadd.f32 $-4.998376070e-01, v17  }
0x243: {  	v12 =	vperm.xlane v12, v0;
	v18 =	vadd.f32 $-4.998376070e-01, v18;
	v61 =	vmul.f32 v20, v16  }
0x244: {  	v60 =	vadd.f32 $-4.998376070e-01, v19;
	v11 =	vmul.f32 v14, v11;
	v58 =	vmul.f32 v17, v47  }
0x245: {  	v10 =	vadd.f32 v12, v10;
	v9 =	vadd.f32 v12, v9;
	v59 =	vmul.f32 v18, v48  }
0x246: {  	v11 =	vadd.f32 $9.999710910e-01, v11;
	v12 =	vadd.f32 $9.999710910e-01, v58  }
0x247: {  	v8 =	vmul.f32 v60, v8;
	v62 =	vadd.f32 $-4.998376070e-01, v61;
	v13 =	vadd.f32 $9.999710910e-01, v59  }
0x248: {  	v10 =	vadd.f32 v11, v10;
	v11 =	vperm.xlane v12, v0  }
0x249: {  	v8 =	vadd.f32 $9.999710910e-01, v8;
	v63 =	vmul.f32 v62, v16;
	v9 =	vadd.f32 v13, v9  }
0x24a: {  	p0 =	sne.s32 s14, $0x800;
	v10 =	vadd.f32 v11, v10  }
.Ltmp0:
0x24b: {  	v8 =	vperm.xlane v8, v0;
	v9 =	vadd.f32 v11, v9;
	v11 =	vadd.f32 $9.999710910e-01, v63;
	(pc) =	sbr.rel @p0 .LBB2_3-.Ltmp0, $3  }
0x24c: {  	_ = 	snop  }
0x24d: {  	v10 =	vadd.f32 v8, v10;
	v8 =	vadd.f32 v8, v9;
	v9 =	vperm.xlane v11, v0;
	_ =	sdelay $0x1  }
0x24e: {  	s14 =	sadd.s32 $0x80, s14;
	v10 =	vadd.f32 v9, v10;
	v9 =	vadd.f32 v9, v8  }
0x24f: {  	_ = 	snop  }
0x250: {  	v8 =	vperm.xlane v10, v5;
	v11 =	vperm.xlane v9, v5;
	_ =	sdelay $0x1  }
0x251: {  	v8 =	vsel vm1, v8, v11  }
0x252: {  	v8 =	vperm.xlane v8, v0;
	_ =	sdelay $0x1  }
0x253: {  	v55 =	vadd.f32 v8, v10;
	v8 =	vadd.f32 v8, v9;
	_ =	sdelay $0x1  }
0x254: {  	v56 =	vperm.xlane v55, v6;
	v57 =	vperm.xlane v8, v6;
	_ =	sdelay $0x1  }
0x255: {  	v9 =	vsel vm2, v56, v57  }
0x256: {  	v9 =	vperm.xlane v9, v0;
	_ =	sdelay $0x1  }
0x257: {  	v10 =	vadd.f32 v9, v55;
	v8 =	vadd.f32 v9, v8;
	_ =	sdelay $0x1  }
0x258: {  	v58 =	vperm.xlane v10, v7;
	v59 =	vperm.xlane v8, v7;
	_ =	sdelay $0x1  }
0x259: {  	v9 =	vsel vm3, v58, v59  }
0x25a: {  	v9 =	vperm.xlane v9, v0  }
0x25b: {  	v60 =	vcombine.low v1, v2  }
0x25c: {  	v10 =	vadd.f32 v9, v10;
	v8 =	vadd.f32 v9, v8  }
0x25d: {  	v61 =	vand.u32 $0xF, v60  }
0x25e: {  	v11 =	vperm.xlane v10, v61;
	v9 =	vperm.xlane v8, v61;
	_ =	sdelay $0x1  }
0x25f: {  	v9 =	vsel vm4, v11, v9  }
0x260: {  	v9 =	vperm.xlane v9, v0;
	_ =	sdelay $0x1  }
0x261: {  	s13 =	sshll.u32 s12, $0x7;
	s12 =	sadd.s32 $0x1, s12;
	v10 =	vadd.f32 v9, v10;
	v8 =	vadd.f32 v9, v8  }
0x262: {  	p0 =	sne.s32 s12, $0xC  }
.Ltmp1:
0x263: {  	v63 =	vand.u32 $0xF, v3;
	v62 =	vxor.u32 $0x80000000, v10;
	v8 =	vxor.u32 $0x80000000, v8;
	(pc) =	sbr.rel @p0 .LBB2_2-.Ltmp1, $3  }
0x264: {  	v9 =	vperm.xlane v62, v63;
	v8 =	vperm.xlane v8, v63;
	_ =	sdelay $0x1  }
0x265: {  	s13 =	sand.u32 $0x3FFFFF80, s13;
	v8 =	vsel vm0, v9, v8  }
0x266: {  	[tilespmem:s13+$0x3000] =	vst v8  }
0x267: {  	s11 =	sadd.s32 $0x1, s11  }
0x268: {  	p0 =	sne.s32 s11, s7  }
.Ltmp2:
0x269: {  	_ = 	snop;
	(pc) =	sbr.rel @p0 .LBB2_1-.Ltmp2, $4  }
0x26a: {  	[hbm4b:s6+s2] =	stream.linear.scatter [tilespmem:s10], [sflag:$0x1], $0x600, $0x38;
	[tilespmem:$0x3800] =	vst v63  }
0x26b: {  	_ =	swait.ge [sflag:s8], $0x600  }
0x26c: {  	[sflag:s8] =	ssyncset.done $0x0  }
0x26d: {  	[sflag:s8] =	ssyncadd.s32 $0xFFFFFA00  }
0x26e: {  	_ =	sfence.sel $0x180000  }
0x26f: {  	[bflag:$0x0] =	sbarrier.arrive $0xFFFF  }
0x270: {  	p0 =	sne.s32 s1, $0x0;
	_ =	strace $0x9000004A  }
0x271: {  	s0 =	sadd.s32 @!p0 $0x100000, s0;
	[bflag:$0x2] =	sbarrier.arrive $0xFFFF  }
0x272: {  	[sflag:s0] =	ssyncadd.tile.s32 @!p0 $0x1;
	_ =	shalt  }
.Lfunc_end2:
_tile_overlayer_lowered:
.L_overlay_start_2:
0x273: {  	(tag) =	ssettag $0x2  }
0x274: {  	s0 =	rddreg [dreg:$0x0];
	s2 =	stileid.u32  }
0x275: {  	s1 =	rddreg [dreg:$0x1];
	p0 =	sne.s32 s2, $0x0  }
0x276: {  	s3 =	rddreg [dreg:$0x2];
	[bflag:$0x3] =	sbarrier.arrive $0xFFFF;
	s2 =	simm.s32 @!p0 $0x1C01  }
0x277: {  	[timem:s3], [sflag:s2] =	dma.local @!p0 [hbm:s0], s1  }
0x278: {  	s0 =	simm.s32 @!p0 $0x1  }
0x279: {  	_ =	swait.ge @!p0 [sflag:s0], s1  }
0x27a: {  	s1 =	ssub.s32 @!p0 $0x0, s1;
	[sflag:s0] =	ssyncset.done @!p0 $0x0  }
0x27b: {  	[sflag:s0] =	ssyncadd.s32 @!p0 s1  }
0x27c: {  	[bflag:$0x3] =	sbarrier.arrive $0xFFFF  }
0x27d: {  	_ =	shalt  }

// kernel: sparse-core-data-format-call.cloned.1.call-start
scs
called_computation_lowered:
.L_overlay_start_0:
0x0: {  	s2 =	sld [smem:$0x3FD9]  }
0x1: {  	s3 =	sld [smem:$0x3FFE];
	_ =	sdelay $0x1  }
0x2: {  	s1 =	srdreg.scid  }
0x3: {  	s0 =	sand.u32 $0x1, s1  }
0x4: {  	s18 =	sshll.u32 s0, $0xA;
	s2 =	sadd.s32 s3, s2  }
0x5: {  	s2 =	sadd.s32 s2, s18  }
0x6: {  	[smem:$0x3FC7] =	sst s2  }
0x7: {  	_ = 	snop  }
0x8: {  	s2 =	sld [smem:$0x3FC9];
	(tm) =	ssettm $0x1  }
0x9: {  	s19 =	sld [smem:$0x3FFB];
	_ =	sdelay $0x3  }
0xa: {  	_ =	strace s19  }
0xb: {  	s3 =	sld [smem:$0x3FFC];
	_ =	sdelay $0x3  }
0xc: {  	_ =	strace s3  }
0xd: {  	s3 =	sld [smem:$0x3FFD];
	_ =	sdelay $0x3  }
0xe: {  	_ =	strace s3  }
0xf: {  	_ =	strace $0x8FFFFFFF  }
0x10: {  	s20 =	sld [smem:$0x3FDB];
	_ =	sdelay $0x1  }
0x11: {  	s4 =	simm.s32 $_scs_section_size  }
0x12: {  	s5 =	simm.s32 $_size__tile_overlayer_lowered;
	s6 =	simm.s32 $_tile_overlayer_lowered  }
0x13: {  	s23 =	simm.s32 $0x1BFF;
	s22 =	sshll.u32 s6, $0x1;
	s3 =	sadd.s32 s4, s20  }
0x14: {  	s7 =	simm.s32 $0x0;
	s21 =	sshll.u32 s5, $0x1;
	s5 =	sadd.s32 s22, s3  }
0x15: {  	[timem:s7], [sflag:s23] =	dma.local [hbm:s5], s21  }
0x16: {  	_ =	swait.ge [sflag:s23], s21  }
0x17: {  	s4 =	ssub.s32 $0x0, s21;
	[sflag:s23] =	ssyncset.done $0x0  }
0x18: {  	[sflag:s23] =	ssyncadd.s32 s4;
	_ =	sdelay $0x1  }
0x19: {  	s24 =	simm.s32 $0x1B8B  }
0x1a: {  	_ =	swait.ge [sflag:s24], $0x1  }
0x1b: {  	[sflag:s24] =	ssyncset.done $0x0  }
0x1c: {  	s26 =	simm.s32 $0x1B8E;
	s25 =	sld [smem:$0x3FFE];
	[sflag:s24] =	ssyncadd.s32 $0xFFFFFFFF  }
0x1d: {  	s27 =	simm.s32 $execute0_lowered;
	[smem:$0x3FD2] =	sst s26  }
0x1e: {  	s5 =	sshll.u32 s27, $0x1;
	_ =	strace $0x80000046;
	[dreg:$0x1] =	wrdreg $0xFFFFFFFF  }
0x1f: {  	s28 =	simm.s32 $_size_execute0_lowered;
	s3 =	sadd.s32 s3, s5;
	[dreg:$0x0] =	wrdreg $0x0  }
0x20: {  	s5 =	sshll.u32 s28, $0x1;
	[dreg:$0x2] =	wrdreg s3  }
0x21: {  	[dreg:$0x3] =	wrdreg s5  }
0x22: {  	[dreg:$0x4] =	wrdreg $0xC0  }
0x23: {  	_ =	task [dreg:s7], $0x5FFFF  }
0x24: {  	[dreg:$0x1] =	wrdreg $0xFFFFFFFF  }
0x25: {  	[dreg:$0x0] =	wrdreg $0x60  }
0x26: {  	[dreg:$0x2] =	wrdreg s2  }
0x27: {  	[dreg:$0x3] =	wrdreg s25  }
0x28: {  	[dreg:$0x4] =	wrdreg $0x9  }
0x29: {  	_ =	task.clear_ibuf [dreg:s7], $0x5FFFF;
	_ =	strace $0x90000046  }
0x2a: {  	s29 =	simm.s32 $0x9;
	_ =	strace $0x80000048  }
0x2b: {  	_ =	swait.ge [sflag:s29], $0x1  }
0x2c: {  	[sflag:s29] =	ssyncadd.s32 $0xFFFFFFFF  }
0x2d: {  	_ =	strace $0x90000048  }
0x2e: {  	_ =	sfence  }
0x2f: {  	s30 =	sld [smem:$0x0];
	_ =	sdelay $0x2  }
0x30: {  	s31 =	sshll.u32 s1, $0xD;
	s1 =	sshrl.u32 s1, $0x2  }
0x31: {  	s3 =	sand.u32 $0x4000, s31;
	s1 =	sadd.s32 s1, s30  }
0x32: {  	s0 =	sor.u32 s3, s0;
	s1 =	sshll.u32 s1, $0x11  }
0x33: {  	s0 =	sor.u32 s1, s0  }
0x34: {  	s0 =	sadd.s32 $0x8F2B, s0  }
0x35: {  	[sflag:s0] =	ssyncadd.remote.s32 $0x1  }
0x36: {  	_ =	sfence.sel $0xFFFF  }
0x37: {  	[dreg:$0x0] =	wrdreg $0xFFFFFFFF;
	(pc) =	sbr.abs _section_cstart, $3  }
0x38: {  	[dreg:$0x1] =	wrdreg $0xFFFFFFFF  }
0x39: {  	_ =	task.clear_ibuf [dreg:s7], $0x2FFFF;
	_ =	strace $0x9FFFFFFF  }
0x3a: {  	(tm) =	ssettm $0x7FFFFFFF  }
0x3b: {  	_ =	shalt  }
tec
execute0_lowered:
.L_overlay_start_1:
0x0: {  	(tag) =	ssettag $0x1  }
0x1: {  	s0 =	srdreg.scid  }
0x2: {  	s5 =	stileid.u32;
	s2 =	rddreg [dreg:$0x0]  }
0x3: {  	s1 =	rddreg [dreg:$0x1];
	_ =	strace $0x80000047;
	s6 =	simm.s32 $0x1  }
0x4: {  	s7 =	simm.s32 $0x2;
	s16 =	simm.s32 $0x0;
	s9 =	simm.s32 $0x40000  }
0x5: {  	s10 =	simm.s32 $0x0;
	s17 =	simm.s32 $0x0;
	s0 =	sshll.u32 s0, $0x4  }
0x6: {  	s19 =	simm.s32 $0x0;
	s18 =	simm.s32 $0x0;
	s0 =	sor.u32 s5, s0  }
0x7: {  	s11 =	simm.s32 $0x0;
	s12 =	simm.s32 $0x0;
	s3 =	sand.u32 $0x18, s0  }
0x8: {  	s15 =	simm.s32 $0x0;
	s25 =	simm.s32 $0x0;
	s0 =	ssub.s32 $0x200, s3  }
.Ltmp0:
0x9: {  	s4 =	sadd.s32 $0x400, s1;
	s31 =	sand.u32 $0x18, s0;
	(pc) =	sbr.rel .LBB1_1-.Ltmp0, $4  }
0xa: {  	s1 =	simm.s32 $0x1;
	[sflag:s6] =	ssyncpa.u1 $0x0;
	p0 =	sne.s32 s31, $0x0  }
0xb: {  	s5 =	sand.u32 $0x7, s5;
	s0 =	sshrl.u32 s0, $0x5;
	s1 =	simm.s32 @!p0 $0x0  }
0xc: {  	[sflag:s7] =	ssyncpa.u1 $0x0;
	s14 =	smov.u32 s5;
	s0 =	sadd.s32 s1, s0  }
0xd: {  	s13 =	smov.u32 s3;
	s7 =	sshll.u32 s0, $0x1;
	s8 =	sshllo.u32 s0, $0x1  }
.LBB1_7:
0xe: {  	s0 =	sadd.s32 $0x100, s11  }
0xf: {  	s1 =	sadd.s32 $0x8, s12;
	s20 =	smov.u32 s12;
	p1 =	sgt.s32 s0, $0x1FF  }
0x10: {  	s20 =	smov.u32 @p1 s1  }
0x11: {  	s21 =	smov.u32 s13;
	s1 =	sadd.s32 $0x20, s13;
	p2 =	sgt.s32 s20, $0x7  }
0x12: {  	s21 =	smov.u32 @p2 s1  }
0x13: {  	s22 =	smov.u32 s14;
	s1 =	sadd.s32 $0x8, s14;
	p3 =	sgt.s32 s21, $0x1FF  }
0x14: {  	p0 =	slt.u32 s15, $0x2;
	s22 =	smov.u32 @p3 s1  }
0x15: {  	s16 =	smov.u32 s11;
	s0 =	simm.s32 @p1 $0x0;
	p1 =	sgt.s32 s22, $0x7  }
0x16: {  	s17 =	smov.u32 s12;
	s22 =	smov.u32 @p1 s5;
	p1 =	sne.s32 s15, s8  }
.Ltmp1:
0x17: {  	s19 =	smov.u32 s13;
	s18 =	smov.u32 s14;
	(pc) =	sbr.rel @!p1 .LBB1_8-.Ltmp1, $4  }
0x18: {  	s10 =	sadd.s32 $0x4000, s10;
	s11 =	smov.u32 s0;
	s1 =	simm.s32 @!p0 $0x2  }
0x19: {  	s20 =	simm.s32 @p2 $0x0;
	s21 =	smov.u32 @p3 s3;
	_ =	swait.ge @!p0 [sflag:s1], $0x4000  }
0x1a: {  	s12 =	smov.u32 s20;
	s13 =	smov.u32 s21;
	[sflag:s1] =	ssyncset.done @!p0 $0x0  }
0x1b: {  	s15 =	sadd.s32 $0x1, s15;
	[sflag:s1] =	ssyncadd.s32 @!p0 $0xFFFFC000;
	s14 =	smov.u32 s22  }
.LBB1_1:
0x1c: {  	p0 =	sge.u32 s15, s7  }
0x1d: {  	s31 =	sadd.s32 $0xFFFFFFFF, s15;
	s0 =	sxor.u32 @!p0 $0xFFFFFFFF, s15;
	s1 =	sshll.u32 @!p0 s11, $0x3  }
0x1e: {  	s20 =	sshll.u32 @!p0 s12, $0x7;
	s21 =	sand.u32 @!p0 $0x78, s11;
	s22 =	sshll.u32 @!p0 s14, $0x12  }
0x1f: {  	s23 =	sshll.u32 @!p0 s13, $0x9;
	s0 =	sshll.u32 @!p0 s0, $0xE;
	s20 =	sand.u32 @!p0 $0x380, s20  }
0x20: {  	s1 =	sand.u32 @!p0 $0xC00, s1;
	s0 =	sand.u32 @!p0 $0x4000, s0;
	s20 =	sor.u32 @!p0 s21, s20  }
0x21: {  	s21 =	sand.u32 @!p0 $0x7, s11;
	s1 =	sor.u32 @!p0 s1, s20;
	s20 =	sadd.s32 @!p0 s2, s22  }
0x22: {  	s21 =	sshll.u32 @!p0 s21, $0x12;
	s1 =	sshrl.u32 @!p0 s1, $0x3;
	s20 =	sadd.s32 @!p0 s23, s20  }
0x23: {  	s1 =	sadd.s32 @!p0 s1, s20;
	s20 =	sor.u32 @!p0 $0x800, s21;
	s21 =	simm.s32 @!p0 $0x1000  }
0x24: {  	[tilespmem:s0], [sflag:$0x1] =	stream.strided.gather @!p0 [hbm4b:s1+s20], $0x4000, s21, s20, $0x38;
	[tilespmem:$0x10000] =	vst v63  }
0x25: {  	p0 =	sge.u32 s31, s7  }
.Ltmp2:
0x26: {  	_ = 	snop;
	(pc) =	sbr.rel @p0 .LBB1_7-.Ltmp2, $1  }
0x27: {  	_ =	sdelay $0x3  }
0x28: {  	s0 =	sshll.u32 s10, $0x2;
	_ =	swait.ge [sflag:s6], $0x4000;
	s1 =	sshll.u32 s15, $0xE  }
0x29: {  	p0 =	por $0x0, $0x0;
	s26 =	simm.s32 $0x0;
	s27 =	simm.s32 $0x0  }
0x2a: {  	s0 =	sand.u32 $0x10000, s0;
	[sflag:s6] =	ssyncset.done $0x0;
	s23 =	sand.u32 $0x4000, s1  }
0x2b: {  	s0 =	sshrl.u32 s0, $0x2;
	[sflag:s6] =	ssyncadd.s32 $0xFFFFC000;
	s20 =	sor.u32 $0x8000, s23  }
0x2c: {  	s21 =	sor.u32 $0x40, s0;
	s22 =	sor.u32 $0x8410, s0;
	s24 =	sadd.s32 $0x8400, s0  }
.LBB1_3:
0x2d: {  	v1 =	vld [tilespmem:s21+$0xFFFFFFD0]  }
0x2e: {  	v2 =	vld [tilespmem:s21+$0x430]  }
0x2f: {  	s0 =	sshll.u32 s27, $0xB;
	v4 =	vld [tilespmem:s21+$0xFFFFFFE0]  }
0x30: {  	v7 =	vld [tilespmem:s21+$0xFFFFFFF0];
	v0 =	vmov s0  }
0x31: {  	v8 =	vld [tilespmem:s21+$0x0]  }
0x32: {  	v9 =	vld [tilespmem:s21+$0x10];
	s0 =	sand.u32 $0x300, s25  }
0x33: {  	s1 =	sand.u32 $0x80, s25;
	v10 =	vld [tilespmem:s21+$0x20];
	s0 =	sadd.s32 s0, s23  }
0x34: {  	v11 =	vld [tilespmem:s21+$0x30];
	s0 =	sadd.s32 s1, s0;
	s1 =	simm.s32 $0x1;
	[tilespmem:s22+$0x60] =	vst v2  }
0x35: {  	s1 =	simm.s32 @!p0 $0x0;
	[tilespmem:s22+$0xFFFFFC00] =	vst v1;
	v3 =	vld.idx.msk [tilespmem:v0+s0+$0x400 ss:$0x1], $0xffff;
	s0 =	sshll.u32 s26, $0x2  }
0x36: {  	v6 =	vld [tilespmem:s21+$0x3D0];
	s1 =	sshll.u32 s1, $0x9;
	[tilespmem:s22+$0xFFFFFC10] =	vst v4;
	s0 =	sand.u32 $0xFFFFFC00, s0  }
0x37: {  	v5 =	vld [tilespmem:s21+$0x3E0];
	[tilespmem:s22+$0xFFFFFC20] =	vst v7;
	s0 =	sor.u32 s1, s0  }
0x38: {  	[tilespmem:s22+$0xFFFFFC30] =	vst v8;
	v4 =	vld [tilespmem:s21+$0x400];
	s0 =	sshrl.u32 s0, $0x2  }
0x39: {  	[tilespmem:s22+$0xFFFFFC40] =	vst v9;
	v1 =	vld [tilespmem:s21+$0x410];
	s28 =	sadd.s32 s0, s24  }
0x3a: {  	[tilespmem:s28+$0x0] =	vst v3;
	v3 =	vld [tilespmem:s21+$0x3F0]  }
0x3b: {  	s31 =	simm.s32 $0x100;
	[tilespmem:s22+$0xFFFFFC50] =	vst v10;
	v2 =	vld [tilespmem:s21+$0x420];
	s1 =	simm.s32 $0x80  }
0x3c: {  	s29 =	sadd.s32 $0x80, s21;
	s30 =	smov.u32 s22;
	v7 =	vld [tilespmem:s21+$0xFFFFFFC0];
	[tilespmem:s22+$0xFFFFFC60] =	vst v11;
	s0 =	sand.u32 $0x300, s1  }
.LBB1_4:
0x3d: {  	p1 =	sne.s32 s31, $0x380;
	v8 =	vld [tilespmem:s29+$0xFFFFFFD0];
	s1 =	sand.u32 $0x80, s1;
	s0 =	sadd.s32 s0, s23;
	[tilespmem:s30+$0x0] =	vst v6  }
0x3e: {  	s0 =	sadd.s32 s1, s0;
	v6 =	vld [tilespmem:s29+$0x430];
	[tilespmem:s30+$0x10] =	vst v5;
	s1 =	smov.u32 s31  }
0x3f: {  	v5 =	vld.idx.msk [tilespmem:v0+s0+$0x400 ss:$0x1], $0xffff;
	[tilespmem:s30+$0x20] =	vst v3  }
0x40: {  	v3 =	vld [tilespmem:s29+$0xFFFFFFE0];
	[tilespmem:s30+$0x30] =	vst v4  }
0x41: {  	v4 =	vld [tilespmem:s29+$0xFFFFFFF0];
	[tilespmem:s30+$0xFFFFFBF0] =	vst v7  }
0x42: {  	v7 =	vld [tilespmem:s29+$0x0];
	[tilespmem:s30+$0x40] =	vst v1  }
0x43: {  	v1 =	vld [tilespmem:s29+$0x10];
	[tilespmem:s30+$0x50] =	vst v2;
	s30 =	sadd.s32 $0x800, s30  }
0x44: {  	s28 =	sadd.s32 $0x800, s28;
	v2 =	vld [tilespmem:s29+$0x20];
	[tilespmem:s30+$0x60] =	vst v6  }
0x45: {  	v9 =	vld [tilespmem:s29+$0x30];
	[tilespmem:s28+$0x0] =	vst v5  }
0x46: {  	[tilespmem:s30+$0xFFFFFC00] =	vst v8;
	v6 =	vld [tilespmem:s29+$0x3D0]  }
0x47: {  	[tilespmem:s30+$0xFFFFFC10] =	vst v3;
	v5 =	vld [tilespmem:s29+$0x3E0]  }
.Ltmp3:
0x48: {  	[tilespmem:s30+$0xFFFFFC20] =	vst v4;
	v3 =	vld [tilespmem:s29+$0x3F0];
	(pc) =	sbr.rel @p1 .LBB1_4-.Ltmp3, $4  }
0x49: {  	[tilespmem:s30+$0xFFFFFC30] =	vst v7;
	v4 =	vld [tilespmem:s29+$0x400]  }
0x4a: {  	[tilespmem:s30+$0xFFFFFC40] =	vst v1;
	v1 =	vld [tilespmem:s29+$0x410]  }
0x4b: {  	[tilespmem:s30+$0xFFFFFC50] =	vst v2;
	v2 =	vld [tilespmem:s29+$0x420]  }
0x4c: {  	s31 =	sadd.s32 $0x80, s31;
	s0 =	sand.u32 $0x300, s1;
	v7 =	vld [tilespmem:s29+$0xFFFFFFC0];
	[tilespmem:s30+$0xFFFFFC60] =	vst v9;
	s29 =	sadd.s32 $0x80, s29  }
0x4d: {  	[tilespmem:s30+$0x0] =	vst v6  }
0x4e: {  	[tilespmem:s30+$0x10] =	vst v5  }
0x4f: {  	v49 =	vld [tilespmem:s29+$0x430];
	[tilespmem:s30+$0x20] =	vst v3  }
0x50: {  	v50 =	vld [tilespmem:s29+$0xFFFFFFD0];
	[tilespmem:s30+$0x30] =	vst v4  }
0x51: {  	v51 =	vld [tilespmem:s29+$0xFFFFFFE0];
	[tilespmem:s30+$0x40] =	vst v1  }
0x52: {  	v52 =	vld [tilespmem:s29+$0xFFFFFFF0];
	[tilespmem:s30+$0x50] =	vst v2  }
0x53: {  	v53 =	vld [tilespmem:s29+$0x0];
	[tilespmem:s30+$0xFFFFFBF0] =	vst v7;
	s30 =	sadd.s32 $0x800, s30  }
0x54: {  	v54 =	vld [tilespmem:s29+$0x10];
	[tilespmem:s30+$0x60] =	vst v49  }
0x55: {  	v55 =	vld [tilespmem:s29+$0x20];
	[tilespmem:s30+$0xFFFFFC00] =	vst v50  }
0x56: {  	v56 =	vld [tilespmem:s29+$0x30];
	[tilespmem:s30+$0xFFFFFC10] =	vst v51  }
0x57: {  	v57 =	vld [tilespmem:s29+$0x3D0];
	[tilespmem:s30+$0xFFFFFC20] =	vst v52  }
0x58: {  	v58 =	vld [tilespmem:s29+$0x3E0];
	[tilespmem:s30+$0xFFFFFC30] =	vst v53  }
0x59: {  	v59 =	vld [tilespmem:s29+$0x3F0];
	[tilespmem:s30+$0xFFFFFC40] =	vst v54  }
0x5a: {  	v60 =	vld [tilespmem:s29+$0x400];
	[tilespmem:s30+$0xFFFFFC50] =	vst v55  }
0x5b: {  	v61 =	vld [tilespmem:s29+$0xFFFFFFC0];
	[tilespmem:s30+$0xFFFFFC60] =	vst v56  }
0x5c: {  	s1 =	sand.u32 $0x80, s1;
	s0 =	sadd.s32 s0, s23;
	v62 =	vld [tilespmem:s29+$0x410];
	[tilespmem:s30+$0x0] =	vst v57  }
0x5d: {  	v63 =	vld [tilespmem:s29+$0x420];
	s27 =	sadd.s32 $0x1, s27;
	s0 =	sadd.s32 s1, s0;
	[tilespmem:s30+$0x10] =	vst v58  }
0x5e: {  	p1 =	sne.s32 s27, $0x8;
	v0 =	vld.idx.msk [tilespmem:v0+s0+$0x400 ss:$0x1], $0xffff;
	[tilespmem:s30+$0x20] =	vst v59  }
.Ltmp4:
0x5f: {  	[tilespmem:s30+$0x30] =	vst v60;
	(pc) =	sbr.rel @p1 .LBB1_3-.Ltmp4, $4  }
0x60: {  	[tilespmem:s30+$0xFFFFFBF0] =	vst v61  }
0x61: {  	[tilespmem:s30+$0x40] =	vst v62  }
0x62: {  	s31 =	sadd.s32 $0x800, s28;
	s21 =	sadd.s32 $0x800, s21;
	[tilespmem:s30+$0x50] =	vst v63  }
0x63: {  	s26 =	sadd.s32 $0x80, s26;
	p0 =	por !p0, !p0;
	s22 =	sadd.s32 $0x80, s22;
	[tilespmem:s31+$0x0] =	vst v0  }
0x64: {  	s0 =	sand.u32 $0x78, s16  }
0x65: {  	s1 =	sshll.u32 s19, $0x9;
	s21 =	sshll.u32 s16, $0x3;
	s28 =	sshll.u32 s19, $0x7  }
0x66: {  	s18 =	sshll.u32 s18, $0x12;
	s17 =	sshll.u32 s17, $0xF;
	s30 =	sand.u32 $0x7, s16  }
0x67: {  	s1 =	sand.u32 $0x3F000, s1;
	s21 =	sand.u32 $0x3FC00, s21;
	s29 =	sand.u32 $0x200, s28  }
0x68: {  	s19 =	sand.u32 $0x180, s28;
	s18 =	sadd.s32 s4, s18;
	s1 =	sadd.s32 s1, s21  }
.Ltmp5:
0x69: {  	s0 =	sor.u32 s19, s0;
	s1 =	sor.u32 s29, s1;
	(pc) =	sbr.rel .LBB1_7-.Ltmp5, $4  }
0x6a: {  	s17 =	sadd.s32 s17, s18;
	s0 =	sshrl.u32 s0, $0x3;
	s1 =	sshrl.u32 s1, $0x3  }
0x6b: {  	s16 =	sshll.u32 s30, $0x12;
	s0 =	sadd.s32 s0, s17;
	s1 =	sand.u32 $0x7FC0, s1  }
0x6c: {  	s31 =	sor.u32 $0x800, s16;
	s0 =	sadd.s32 s1, s0  }
0x6d: {  	[hbm4b:s0+s31] =	stream.strided.scatter [tilespmem:s20], [sflag:$0x2], $0x4000, s9, s31, $0x38;
	[tilespmem:$0x10000] =	vst v63  }
.LBB1_8:
0x6e: {  	_ =	sfence.sel $0x180000  }
0x6f: {  	s0 =	simm.s32 $0x1;
	[bflag:$0x0] =	sbarrier.arrive $0xFFFF  }
0x70: {  	s30 =	simm.s32 $0x2;
	[sflag:s0] =	ssyncpa.u1 $0x1  }
0x71: {  	[sflag:s30] =	ssyncpa.u1 $0x1  }
0x72: {  	_ =	strace $0x90000047  }
0x73: {  	s31 =	stileid.u32;
	[bflag:$0x2] =	sbarrier.arrive $0xFFFF  }
0x74: {  	p0 =	sne.s32 s31, $0x0;
	s0 =	rddreg [dreg:$0x2]  }
0x75: {  	s0 =	sadd.s32 @!p0 $0x100000, s0  }
0x76: {  	[sflag:s0] =	ssyncadd.tile.s32 @!p0 $0x1;
	_ =	shalt  }
.Lfunc_end1:
_tile_overlayer_lowered:
.L_overlay_start_2:
0x77: {  	(tag) =	ssettag $0x2  }
0x78: {  	s0 =	rddreg [dreg:$0x0];
	s2 =	stileid.u32  }
0x79: {  	s1 =	rddreg [dreg:$0x1];
	p0 =	sne.s32 s2, $0x0  }
0x7a: {  	s3 =	rddreg [dreg:$0x2];
	[bflag:$0x3] =	sbarrier.arrive $0xFFFF;
	s2 =	simm.s32 @!p0 $0x1C01  }
0x7b: {  	[timem:s3], [sflag:s2] =	dma.local @!p0 [hbm:s0], s1  }
0x7c: {  	s0 =	simm.s32 @!p0 $0x1  }
0x7d: {  	_ =	swait.ge @!p0 [sflag:s0], s1  }
0x7e: {  	s1 =	ssub.s32 @!p0 $0x0, s1;
	[sflag:s0] =	ssyncset.done @!p0 $0x0  }
0x7f: {  	[sflag:s0] =	ssyncadd.s32 @!p0 s1  }
0x80: {  	[bflag:$0x3] =	sbarrier.arrive $0xFFFF  }
0x81: {  	_ =	shalt  }

</sc_bundles>
